<compile_context>
chip_gen: v7x
topology: tpu7x:2x2x1
jax: 0.10.2.dev20260603
libtpu: 0.0.44.dev20260713+nightly
codegen_flags: <defaults>
</compile_context>

<pallas_src>
import functools
import math

import jax
import jax.numpy as jnp
import numpy as np
from jax import lax
from jax.experimental import pallas as pl
from jax.experimental.pallas import tpu as pltpu
from jax.experimental.pallas import tpu_sc as plsc

_SQRT3 = math.sqrt(3.0)
_SH_NORM = math.sqrt(5.0 / (4.0 * math.pi))

_NC = 2
_NS = 16
_LANE = 128
_CHUNK_ROWS = 8
_CHUNK_E = _CHUNK_ROWS * _LANE


def _change_mat_np():
    s2 = 2 ** (-0.5)
    s3 = 3 ** (-0.5)
    s6 = 6 ** (-0.5)
    return np.array([
        [s3, 0, 0, 0, s3, 0, 0, 0, s3],
        [0, 0, 0, 0, 0, s2, 0, -s2, 0],
        [0, 0, -s2, 0, 0, 0, s2, 0, 0],
        [0, s2, 0, -s2, 0, 0, 0, 0, 0],
        [0, 0, 0.5 ** 0.5, 0, 0, 0, 0.5 ** 0.5, 0, 0],
        [0, s2, 0, s2, 0, 0, 0, 0, 0],
        [-s6, 0, 0, 0, 2 * s6, 0, 0, 0, -s6],
        [0, 0, 0, 0, 0, s2, 0, s2, 0],
        [-s2, 0, 0, 0, 0, 0, 0, 0, s2],
    ], dtype=np.float32)


def _edge_body(x_ref, vt_ref, ws1_ref, bs1_ref, w2_ref, wi1_ref, bi1_ref,
               b2_ref, o0, o1, o2, o3, o4, o5, *, e_total, off):
    x = x_ref[...]
    h1 = jnp.dot(x, ws1_ref[...], preferred_element_type=jnp.float32) + bs1_ref[...]
    h1 = h1 * (1.0 / (1.0 + jnp.exp(-h1)))
    h1 = h1.astype(jnp.bfloat16).astype(jnp.float32)
    es = jnp.sum(h1 * w2_ref[0:1, :], axis=1, keepdims=True) + b2_ref[0:1, 0:1]
    h2 = jnp.dot(x, wi1_ref[...], preferred_element_type=jnp.float32) + bi1_ref[...]
    h2 = h2 * (1.0 / (1.0 + jnp.exp(-h2)))
    h2 = h2.astype(jnp.bfloat16).astype(jnp.float32)
    ei = jnp.sum(h2 * w2_ref[1:2, :], axis=1, keepdims=True) + b2_ref[0:1, 1:2]
    esei_t = jnp.concatenate([es, ei], axis=1).T

    vt = vt_ref[...]
    blk_n = vt.shape[1]
    base = (pl.program_id(0) + off) * blk_n
    lanes = lax.broadcasted_iota(jnp.int32, (1, blk_n), 1)
    valid_b = (lanes + base) < e_total
    vx, vy, vz = vt[0:1, :], vt[1:2, :], vt[2:3, :]
    r = jnp.sqrt(vx * vx + vy * vy + vz * vz)
    rinv = 1.0 / jnp.maximum(r, 1e-12)
    ux, uy, uz = vx * rinv, vy * rinv, vz * rinv
    eis = esei_t[1:2, :] * _SH_NORM
    blk = vt.shape[1]
    zero = jnp.zeros_like(eis)

    def put(o_ref, v):
        o_ref[...] = jnp.where(valid_b, v, zero).reshape(blk)

    put(o0, esei_t[0:1, :])
    put(o1, (_SQRT3 * ux * uz) * eis)
    put(o2, (_SQRT3 * ux * uy) * eis)
    put(o3, (uy * uy - 0.5 * (ux * ux + uz * uz)) * eis)
    put(o4, (_SQRT3 * uy * uz) * eis)
    put(o5, (_SQRT3 / 2.0) * (uz * uz - ux * ux) * eis)


def _scatter_body(c0, c1, c2, c3, c4, c5, idx_hbm, zeros_hbm,
                  out_hbm, idx_v, colv, vals_v, acc, sem, *,
                  n_pad, rows_per_worker, part_e0, e_total):
    c = lax.axis_index("c")
    s = lax.axis_index("s")
    stripe = n_pad // _NS
    pltpu.sync_copy(zeros_hbm.at[pl.ds(s * stripe, stripe)],
                    acc.at[pl.ds(s * stripe, stripe)])
    iota16 = lax.iota(jnp.int32, 16)
    zeros16 = jnp.zeros((16,), jnp.float32)

    def fill(g, carry):
        rows = g * 16 + iota16
        plsc.store_scatter(vals_v, [rows, jnp.full((16,), 7, jnp.int32)], zeros16)
        return carry

    lax.fori_loop(0, _CHUNK_E // 16, fill, 0)
    plsc.subcore_barrier()
    wid = c * _NS + s
    base = wid * rows_per_worker
    nchunks = rows_per_worker // _CHUNK_ROWS

    def chunk(i, carry):
        row = base + i * _CHUNK_ROWS
        e0 = row * _LANE
        cps0 = [pltpu.async_copy(idx_hbm.at[pl.ds(row, _CHUNK_ROWS)], idx_v, sem)]
        for k, col in enumerate((c0, c1, c2, c3, c4, c5)):
            cps0.append(pltpu.async_copy(col.at[pl.ds(e0, _CHUNK_E)],
                                         colv.at[k], sem))
        for cp in cps0:
            cp.wait()

        def assemble(g, carry2):
            rows = g * 16 + iota16
            for k in range(6):
                x = colv[k, pl.ds(g * 16, 16)]
                plsc.store_scatter(vals_v, [rows, jnp.full((16,), k, jnp.int32)], x)
            ge = (part_e0 + e0) + g * 16 + iota16
            cnt16 = jnp.where(ge < e_total, 1.0, 0.0).astype(jnp.float32)
            plsc.store_scatter(vals_v, [rows, jnp.full((16,), 6, jnp.int32)], cnt16)
            return carry2

        lax.fori_loop(0, _CHUNK_E // 16, assemble, 0)
        cps = [pltpu.async_copy(vals_v.at[pl.ds(j * _LANE, _LANE)],
                                acc.at[idx_v.at[j]], sem, add=True)
               for j in range(_CHUNK_ROWS)]
        for cp in cps:
            cp.wait()
        return carry

    lax.fori_loop(0, nchunks, chunk, 0)
    plsc.subcore_barrier()
    pltpu.sync_copy(acc.at[pl.ds(s * stripe, stripe)],
                    out_hbm.at[c, pl.ds(s * stripe, stripe)])


def _scfin_body(p0, p1, p2, bi_hbm, out_hbm, sums_v, stg, bi_v, gacc,
                stg_all, gsh, sem, *, n_pad):
    c = lax.axis_index("c")
    s = lax.axis_index("s")
    npw = n_pad // (_NC * _NS)
    wid = c * _NS + s
    base_w = wid * npw * 8
    nw = npw * 8

    cps = [pltpu.async_copy(p0.at[pl.ds(base_w, nw)], sums_v, sem)]
    for j, (p, cc) in enumerate(((p0, 1), (p1, 0), (p1, 1), (p2, 0), (p2, 1))):
        cps.append(pltpu.async_copy(p.at[pl.ds(cc * n_pad * 8 + base_w, nw)],
                                    stg.at[j], sem))
    cps.append(pltpu.async_copy(bi_hbm.at[pl.ds(wid * npw, npw)], bi_v, sem))
    for cp in cps:
        cp.wait()

    def addloop(t, carry):
        sl = pl.ds(t * 16, 16)
        v = ((stg[0, sl] + stg[1, sl]) + (stg[2, sl] + stg[3, sl])) + stg[4, sl]
        plsc.addupdate(sums_v.at[sl], v)
        return carry

    lax.fori_loop(0, nw // 16, addloop, 0)

    iota16 = lax.iota(jnp.int32, 16)
    zrow = jnp.zeros((16,), jnp.float32)

    def z(r, carry):
        gacc[r, :] = zrow
        return carry

    lax.fori_loop(0, 34, z, 0)

    half = (iota16 >= 8).astype(jnp.int32)
    colk = iota16 & 7
    col_data = colk + 8 * half
    cnt_mask = colk == 0
    ones16 = jnp.ones((16,), jnp.float32)
    zeros16i = jnp.zeros((16,), jnp.int32)

    def group(g, carry):
        nloc = g * 2 + half
        base8 = nloc * 8
        v = plsc.load_gather(sums_v, [base8 + colk])
        cnt = plsc.load_gather(sums_v, [base8 + 6])
        nv = v / jnp.maximum(cnt, 1.0)
        bi16 = plsc.load_gather(bi_v, [nloc])
        plsc.addupdate_scatter(gacc, [bi16, col_data], nv)
        plsc.addupdate_scatter(gacc, [bi16 + 17, half], ones16, mask=cnt_mask)
        return carry

    lax.fori_loop(0, npw // 2, group, 0)

    pltpu.sync_copy(gacc, gsh.at[s])
    plsc.subcore_barrier()

    @pl.when(s == 0)
    def _():
        pltpu.sync_copy(gsh, stg_all)
        for t in range(1, _NS):
            def red(r, carry):
                plsc.addupdate(gacc.at[r], stg_all[t, r, :])
                return carry
            lax.fori_loop(0, 34, red, 0)
        pltpu.sync_copy(gacc, out_hbm.at[c])


def _finish_body(g_ref, cm_ref, out_ref, *, b):
    ga = g_ref[0] + g_ref[1]
    data = ga[0:b, 0:8] + ga[0:b, 8:16]
    nb = ga[17:17 + b, 0:1] + ga[17:17 + b, 1:2]
    gm = data[:, 0:6] / jnp.maximum(nb, 1.0)
    flat = jnp.concatenate(
        [gm[:, 0:1], jnp.zeros((b, 3), jnp.float32), gm[:, 1:6]], axis=1)
    out_ref[...] = jnp.dot(flat, cm_ref[...], preferred_element_type=jnp.float32)


def kernel(x_edge, edge_vec, idx_t, batch_idx, batch_size,
           Ws1, bs1, Ws2, bs2, Wi1, bi1, Wi2, bi2):
    E, D = x_edge.shape
    N = batch_idx.shape[0]
    B = 16

    blk = 16384
    nreal = (E + blk - 1) // blk - 1
    e_pad = ((E + _NC * _NS * _CHUNK_E - 1)
             // (_NC * _NS * _CHUNK_E)) * (_NC * _NS * _CHUNK_E)
    nblk = e_pad // blk
    super_rows = e_pad // _LANE
    n_pad = ((N + _NS * 16 - 1) // (_NS * 16)) * (_NS * 16)

    w2 = jnp.concatenate([Ws2.reshape(1, D), Wi2.reshape(1, D)], axis=0)
    w2 = w2.astype(jnp.bfloat16).astype(jnp.float32)
    b2 = jnp.concatenate([bs2.reshape(1, 1), bi2.reshape(1, 1)], axis=1)

    parts = [(0, super_rows // 2), (super_rows // 2, super_rows * 2 // 5),
             (super_rows * 9 // 10, super_rows // 10)]

    vt = edge_vec.T
    bs1r, bi1r = bs1.reshape(1, D), bi1.reshape(1, D)

    def stage1(off, nblk_part):
        col_ty = jax.ShapeDtypeStruct((nblk_part * blk,), jnp.float32)
        return pl.pallas_call(
            functools.partial(_edge_body, e_total=E, off=off),
            grid=(nblk_part,),
            in_specs=[
                pl.BlockSpec((blk, D), lambda i: (jnp.minimum(i + off, nreal), 0)),
                pl.BlockSpec((3, blk), lambda i: (0, jnp.minimum(i + off, nreal))),
                pl.BlockSpec((D, D), lambda i: (0, 0)),
                pl.BlockSpec((1, D), lambda i: (0, 0)),
                pl.BlockSpec((2, D), lambda i: (0, 0)),
                pl.BlockSpec((D, D), lambda i: (0, 0)),
                pl.BlockSpec((1, D), lambda i: (0, 0)),
                pl.BlockSpec((1, 2), lambda i: (0, 0)),
            ],
            out_specs=[pl.BlockSpec((blk,), lambda i: (i,))] * 6,
            out_shape=[col_ty] * 6,
        )(x_edge, vt, Ws1, bs1r, w2, Wi1, bi1r, b2)

    pad_n = e_pad - E
    idx_pad = jnp.concatenate(
        [idx_t, (jnp.arange(pad_n, dtype=jnp.int32) % N)])
    idx2 = idx_pad.reshape(super_rows, _LANE)
    zeros_acc = jnp.zeros((n_pad, 8), jnp.float32)

    mesh = plsc.VectorSubcoreMesh(core_axis_name="c", subcore_axis_name="s")

    def make_scatter(row0, nrows):
        return pl.kernel(
            functools.partial(_scatter_body, n_pad=n_pad,
                              rows_per_worker=nrows // (_NC * _NS),
                              part_e0=row0 * _LANE, e_total=E),
            out_type=jax.ShapeDtypeStruct((_NC, n_pad, 8), jnp.float32),
            mesh=mesh,
            compiler_params=pltpu.CompilerParams(use_tc_tiling_on_sc=False,
                                                 needs_layout_passes=False),
            scratch_types=[
                pltpu.VMEM((_CHUNK_ROWS, _LANE), jnp.int32),
                pltpu.VMEM((6, _CHUNK_E), jnp.float32),
                pltpu.VMEM((_CHUNK_E, 8), jnp.float32),
                pltpu.VMEM_SHARED((n_pad, 8), jnp.float32),
                pltpu.SemaphoreType.DMA,
            ],
        )

    ps = []
    for row0, nrows in parts:
        cols = stage1(row0 * _LANE // blk, nrows * _LANE // blk)
        ps.append(make_scatter(row0, nrows)(
            *cols, idx2[row0:row0 + nrows], zeros_acc))

    bi_pad = jnp.concatenate(
        [batch_idx, jnp.full((n_pad - N,), B, jnp.int32)])
    npw = n_pad // (_NC * _NS)
    scfin = pl.kernel(
        functools.partial(_scfin_body, n_pad=n_pad),
        out_type=jax.ShapeDtypeStruct((_NC, 34, 16), jnp.float32),
        mesh=mesh,
        compiler_params=pltpu.CompilerParams(use_tc_tiling_on_sc=False,
                                             needs_layout_passes=False),
        scratch_types=[
            pltpu.VMEM((npw * 8,), jnp.float32),
            pltpu.VMEM((5, npw * 8), jnp.float32),
            pltpu.VMEM((npw,), jnp.int32),
            pltpu.VMEM((34, 16), jnp.float32),
            pltpu.VMEM((_NS, 34, 16), jnp.float32),
            pltpu.VMEM_SHARED((_NS, 34, 16), jnp.float32),
            pltpu.SemaphoreType.DMA,
        ],
    )
    gpart = scfin(ps[0].reshape(-1), ps[1].reshape(-1), ps[2].reshape(-1),
                  bi_pad)

    cm = jnp.asarray(_change_mat_np())
    stress = pl.pallas_call(
        functools.partial(_finish_body, b=B),
        out_shape=jax.ShapeDtypeStruct((B, 9), jnp.float32),
    )(gpart, cm)
    return stress.reshape(B, 3, 3)

# --- scband reference (transcript-rebuilt; emitter-appended) ---
"""Pipeline reference for scband-rank2-decomposition-edge-block-7808250544508 (READ-ONLY COPY).

The authoritative reference and input builder live on the scoring server;
editing this copy changes nothing except your own understanding.
"""

import jax, jax.numpy as jnp
import numpy as np
import math

E = 320000
N = 10000
D = 128
B = 16


def _change_mat():
    s2 = 2 ** (-0.5)
    s3 = 3 ** (-0.5)
    s6 = 6 ** (-0.5)
    M = np.array([
        [s3, 0, 0, 0, s3, 0, 0, 0, s3],
        [0, 0, 0, 0, 0, s2, 0, -s2, 0],
        [0, 0, -s2, 0, 0, 0, s2, 0, 0],
        [0, s2, 0, -s2, 0, 0, 0, 0, 0],
        [0, 0, 0.5 ** 0.5, 0, 0, 0, 0.5 ** 0.5, 0, 0],
        [0, s2, 0, s2, 0, 0, 0, 0, 0],
        [-s6, 0, 0, 0, 2 * s6, 0, 0, 0, -s6],
        [0, 0, 0, 0, 0, s2, 0, s2, 0],
        [-s2, 0, 0, 0, 0, 0, 0, 0, s2],
    ], dtype=np.float32)
    return jnp.asarray(M.T)  # register_buffer stores transpose


def _sh2(vec):
    # e3nn o3.spherical_harmonics(2, vec, normalize=True), normalization='integral'
    r = jnp.linalg.norm(vec, axis=-1, keepdims=True)
    u = vec / jnp.maximum(r, 1e-12)
    x, y, z = u[:, 0], u[:, 1], u[:, 2]
    sh0 = math.sqrt(3.0) * x * z
    sh1 = math.sqrt(3.0) * x * y
    sh2 = y ** 2 - 0.5 * (x ** 2 + z ** 2)
    sh3 = math.sqrt(3.0) * y * z
    sh4 = (math.sqrt(3.0) / 2.0) * (z ** 2 - x ** 2)
    sh = jnp.stack([sh0, sh1, sh2, sh3, sh4], axis=-1)
    return sh * math.sqrt(5.0 / (4.0 * math.pi))


def _seg_mean(data, ids, num_segments):
    sums = jax.ops.segment_sum(data, ids, num_segments=num_segments)
    cnt = jax.ops.segment_sum(jnp.ones((data.shape[0],), dtype=data.dtype), ids, num_segments=num_segments)
    cnt = jnp.maximum(cnt, 1.0)
    return sums / cnt.reshape((num_segments,) + (1,) * (data.ndim - 1))


def setup_inputs(seed: int = 0) -> dict:
    key = jax.random.key(seed)
    ks = jax.random.split(key, 12)
    x_edge = jax.random.normal(ks[0], (E, D), dtype=jnp.float32)
    edge_vec = jax.random.normal(ks[1], (E, 3), dtype=jnp.float32)
    idx_t = jax.random.randint(ks[2], (E,), 0, N, dtype=jnp.int32)
    batch_idx = jnp.sort(jax.random.randint(ks[3], (N,), 0, B, dtype=jnp.int32))
    s = 1.0 / math.sqrt(D)
    Ws1 = jax.random.normal(ks[4], (D, D), dtype=jnp.float32) * s
    bs1 = jax.random.normal(ks[5], (D,), dtype=jnp.float32) * s
    Ws2 = jax.random.normal(ks[6], (D, 1), dtype=jnp.float32) * s
    bs2 = jax.random.normal(ks[7], (1,), dtype=jnp.float32) * s
    Wi1 = jax.random.normal(ks[8], (D, D), dtype=jnp.float32) * s
    bi1 = jax.random.normal(ks[9], (D,), dtype=jnp.float32) * s
    Wi2 = jax.random.normal(ks[10], (D, 1), dtype=jnp.float32) * s
    bi2 = jax.random.normal(ks[11], (1,), dtype=jnp.float32) * s
    return {"x_edge": x_edge, "edge_vec": edge_vec, "idx_t": idx_t, "batch_idx": batch_idx,
            "batch_size": B, "Ws1": Ws1, "bs1": bs1, "Ws2": Ws2, "bs2": bs2,
            "Wi1": Wi1, "bi1": bi1, "Wi2": Wi2, "bi2": bi2}


def reference(x_edge, edge_vec, idx_t, batch_idx, batch_size, Ws1, bs1, Ws2, bs2, Wi1, bi1, Wi2, bi2):
    num_nodes = batch_idx.shape[0]
    num_graphs = B
    sphere_irrep2 = jax.lax.stop_gradient(_sh2(edge_vec))  # [E,5], .detach() in torch
    # edge_level=True branch
    edge_scalar = jax.nn.silu(x_edge @ Ws1 + bs1) @ Ws2 + bs2   # [E,1]
    edge_irrep2 = jax.nn.silu(x_edge @ Wi1 + bi1) @ Wi2 + bi2   # [E,1]
    edge_irrep2 = sphere_irrep2[:, :, None] * edge_irrep2[:, None, :]  # [E,5,1]
    node_scalar = _seg_mean(edge_scalar, idx_t, num_nodes)      # [N,1]
    node_irrep2 = _seg_mean(edge_irrep2, idx_t, num_nodes)      # [N,5,1]
    # extensive=False -> mean over graphs
    irrep2 = _seg_mean(node_irrep2.reshape(-1, 5), batch_idx, num_graphs)  # [B,5]
    scalar = _seg_mean(node_scalar.reshape(-1), batch_idx, num_graphs)     # [B]
    scalar = scalar + (jnp.asarray(batch_size) * 0).astype(scalar.dtype)
    vector = jnp.zeros((num_graphs, 3), dtype=scalar.dtype)
    flatten_irreps = jnp.concatenate([scalar.reshape(-1, 1), vector, irrep2], axis=1)  # [B,9]
    change_mat = _change_mat()
    stress = jnp.einsum('ab,cb->ca', change_mat, flatten_irreps)  # [B,9]
    return stress.reshape(num_graphs, 3, 3)

if __name__ == "__main__":
    import jax
    _d = setup_inputs()
    print(jax.jit(kernel)(*tuple(_d.values())))

</pallas_src>

<mosaic_0001>
#map = affine_map<(d0, d1) -> (0)>
#map1 = affine_map<(d0, d1) -> (0, 0)>
#map2 = affine_map<(d0, d1) -> (0, 0, 0)>
module attributes {stable_mosaic.version = 14 : i64} {
  func.func @_scatter_body(%arg0: i32, %arg1: i32, %arg2: memref<163840xf32, #tpu.memory_space<hbm>>, %arg3: memref<163840xf32, #tpu.memory_space<hbm>>, %arg4: memref<163840xf32, #tpu.memory_space<hbm>>, %arg5: memref<163840xf32, #tpu.memory_space<hbm>>, %arg6: memref<163840xf32, #tpu.memory_space<hbm>>, %arg7: memref<163840xf32, #tpu.memory_space<hbm>>, %arg8: memref<1280x128xi32, #tpu.memory_space<hbm>>, %arg9: memref<10240x8xf32, #tpu.memory_space<hbm>>, %arg10: memref<2x10240x8xf32, #tpu.memory_space<hbm>>, %arg11: memref<8x128xi32, #tpu.memory_space<vmem>>, %arg12: memref<6x1024xf32, #tpu.memory_space<vmem>>, %arg13: memref<1024x8xf32, #tpu.memory_space<vmem>>, %arg14: memref<10240x8xf32, #tpu.memory_space<vmem_shared>>, %arg15: memref<!tpu.dma_semaphore, #tpu.memory_space<semaphore_mem>>) attributes {dimension_semantics = [#tpu.dimension_semantics<core_parallel>, #tpu.dimension_semantics<subcore_parallel>], iteration_bounds = array<i64: 2, 16>, scalar_prefetch = 0 : i64, scratch_operands = 5 : i64, tpu.core_type = #tpu.core_type<sc_vector_subcore>, window_params = [{transform_indices = #map}, {transform_indices = #map}, {transform_indices = #map}, {transform_indices = #map}, {transform_indices = #map}, {transform_indices = #map}, {transform_indices = #map1}, {transform_indices = #map1}, {transform_indices = #map2}]} {
    %mul3A = arith.constant 640 : i32
    %mul3A_0 = arith.muli %arg1, %mul3A : i32
    %mul3A_1 = arith.constant 640 : i32
    %mul3A_2 = arith.muli %arg1, %mul3A_1 : i32
    "tpu.region"() ({
      %run_scoped3A = tpu.sem_alloc : memref<!tpu.dma_semaphore, #tpu.memory_space<semaphore_mem>>
      %dma_start3A = arith.constant 0 : i32
      %dma_start3A_24 = tpu.memref_slice %arg14[%mul3A_2, %dma_start3A] : memref<10240x8xf32, #tpu.memory_space<vmem_shared>> -> memref<640x8xf32, #tpu.memory_space<vmem_shared>>
      %dma_start3A_25 = arith.constant 0 : i32
      %dma_start3A_26 = tpu.memref_slice %arg9[%mul3A_0, %dma_start3A_25] : memref<10240x8xf32, #tpu.memory_space<hbm>> -> memref<640x8xf32, #tpu.memory_space<hbm>>
      tpu.enqueue_dma source(%dma_start3A_26 : memref<640x8xf32, #tpu.memory_space<hbm>>) target(%dma_start3A_24 : memref<640x8xf32, #tpu.memory_space<vmem_shared>>) target_semaphore(%run_scoped3A : memref<!tpu.dma_semaphore, #tpu.memory_space<semaphore_mem>>)
      %dma_wait3A = arith.constant 0 : i32
      %dma_wait3A_27 = tpu.memref_slice %arg14[%mul3A_2, %dma_wait3A] : memref<10240x8xf32, #tpu.memory_space<vmem_shared>> -> memref<640x8xf32, #tpu.memory_space<vmem_shared>>
      %dma_wait3A_28 = arith.constant 0 : i32
      %dma_wait3A_29 = tpu.memref_slice %arg9[%mul3A_0, %dma_wait3A_28] : memref<10240x8xf32, #tpu.memory_space<hbm>> -> memref<640x8xf32, #tpu.memory_space<hbm>>
      tpu.wait_dma2 semaphore(%run_scoped3A : memref<!tpu.dma_semaphore, #tpu.memory_space<semaphore_mem>>) src(%dma_wait3A_29 : memref<640x8xf32, #tpu.memory_space<hbm>>) dst(%dma_wait3A_27 : memref<640x8xf32, #tpu.memory_space<vmem_shared>>)
      tpu.yield
    }) : () -> ()
    %iota3A = tpu.iota {dimensions = array<i32: 0>} : vector<16xi32>
    %broadcast_in_dim3A = arith.constant 0.000000e+00 : f32
    %broadcast_in_dim3A_3 = vector.broadcast %broadcast_in_dim3A : f32 to vector<16xf32>
    %scan3A = arith.constant 0 : i32
    %scan3A_4 = arith.constant 0 : i32
    %scan3A_5 = arith.constant 64 : i32
    %scan3A_6 = arith.addi %scan3A_4, %scan3A_5 : i32
    %scan3A_7 = arith.constant 1 : i32
    scf.for %scan3A_24 = %scan3A_4 to %scan3A_6 step %scan3A_7  : i32 {
      %mul3A_25 = arith.constant 16 : i32
      %mul3A_26 = arith.muli %scan3A_24, %mul3A_25 : i32
      %add3A_27 = vector.broadcast %mul3A_26 : i32 to vector<16xi32>
      %add3A_28 = arith.addi %add3A_27, %iota3A : vector<16xi32>
      %broadcast_in_dim3A_29 = arith.constant 7 : i32
      %broadcast_in_dim3A_30 = vector.broadcast %broadcast_in_dim3A_29 : i32 to vector<16xi32>
      tpu.vector_store_idx %arg13[%add3A_28, %broadcast_in_dim3A_30], %broadcast_in_dim3A_3 : memref<1024x8xf32, #tpu.memory_space<vmem>>[vector<16xi32>, vector<16xi32>], vector<16xf32>,
    }
    %scan3A_8 = arith.constant 64 : i32
    %barrier3A = arith.constant 0 : index
    tpu.barrier barrier_id(%barrier3A)
    %mul3A_9 = arith.constant 16 : i32
    %mul3A_10 = arith.muli %arg0, %mul3A_9 : i32
    %add3A = arith.addi %mul3A_10, %arg1 : i32
    %mul3A_11 = arith.constant 40 : i32
    %mul3A_12 = arith.muli %add3A, %mul3A_11 : i32
    %scan3A_13 = arith.constant 0 : i32
    %scan3A_14 = arith.constant 0 : i32
    %scan3A_15 = arith.constant 5 : i32
    %scan3A_16 = arith.addi %scan3A_14, %scan3A_15 : i32
    %scan3A_17 = arith.constant 1 : i32
    scf.for %scan3A_24 = %scan3A_14 to %scan3A_16 step %scan3A_17  : i32 {
      %mul3A_25 = arith.constant 8 : i32
      %mul3A_26 = arith.muli %scan3A_24, %mul3A_25 : i32
      %add3A_27 = arith.addi %mul3A_12, %mul3A_26 : i32
      %mul3A_28 = arith.constant 128 : i32
      %mul3A_29 = arith.muli %add3A_27, %mul3A_28 : i32
      %dma_start3A = arith.constant 0 : i32
      %dma_start3A_30 = tpu.memref_slice %arg8[%add3A_27, %dma_start3A] : memref<1280x128xi32, #tpu.memory_space<hbm>> -> memref<8x128xi32, #tpu.memory_space<hbm>>
      %dma_start3A_31 = arith.constant 0 : i32
      %dma_start3A_32 = tpu.memref_slice %arg8[%add3A_27, %dma_start3A_31] : memref<1280x128xi32, #tpu.memory_space<hbm>> -> memref<8x128xi32, #tpu.memory_space<hbm>>
      tpu.enqueue_dma source(%dma_start3A_32 : memref<8x128xi32, #tpu.memory_space<hbm>>) target(%arg11 : memref<8x128xi32, #tpu.memory_space<vmem>>) target_semaphore(%arg15 : memref<!tpu.dma_semaphore, #tpu.memory_space<semaphore_mem>>)
      %dma_start3A_33 = arith.constant 0 : i32
      %dma_start3A_34 = arith.constant 0 : i32
      %dma_start3A_35 = tpu.memref_slice %arg12[%dma_start3A_33, %dma_start3A_34] : memref<6x1024xf32, #tpu.memory_space<vmem>> -> memref<1x1024xf32, #tpu.memory_space<vmem>>
      %dma_start3A_36 = tpu.memref_squeeze %dma_start3A_35 : memref<1x1024xf32, #tpu.memory_space<vmem>> -> memref<1024xf32, #tpu.memory_space<vmem>>
      %dma_start3A_37 = tpu.memref_slice %arg2[%mul3A_29] : memref<163840xf32, #tpu.memory_space<hbm>> -> memref<1024xf32, #tpu.memory_space<hbm>>
      %dma_start3A_38 = arith.constant 0 : i32
      %dma_start3A_39 = tpu.memref_slice %arg12[%dma_start3A_33, %dma_start3A_38] : memref<6x1024xf32, #tpu.memory_space<vmem>> -> memref<1x1024xf32, #tpu.memory_space<vmem>>
      %dma_start3A_40 = tpu.memref_squeeze %dma_start3A_39 : memref<1x1024xf32, #tpu.memory_space<vmem>> -> memref<1024xf32, #tpu.memory_space<vmem>>
      %dma_start3A_41 = tpu.memref_slice %arg2[%mul3A_29] : memref<163840xf32, #tpu.memory_space<hbm>> -> memref<1024xf32, #tpu.memory_space<hbm>>
      tpu.enqueue_dma source(%dma_start3A_41 : memref<1024xf32, #tpu.memory_space<hbm>>) target(%dma_start3A_40 : memref<1024xf32, #tpu.memory_space<vmem>>) target_semaphore(%arg15 : memref<!tpu.dma_semaphore, #tpu.memory_space<semaphore_mem>>)
      %dma_start3A_42 = arith.constant 1 : i32
      %dma_start3A_43 = arith.constant 0 : i32
      %dma_start3A_44 = tpu.memref_slice %arg12[%dma_start3A_42, %dma_start3A_43] : memref<6x1024xf32, #tpu.memory_space<vmem>> -> memref<1x1024xf32, #tpu.memory_space<vmem>>
      %dma_start3A_45 = tpu.memref_squeeze %dma_start3A_44 : memref<1x1024xf32, #tpu.memory_space<vmem>> -> memref<1024xf32, #tpu.memory_space<vmem>>
      %dma_start3A_46 = tpu.memref_slice %arg3[%mul3A_29] : memref<163840xf32, #tpu.memory_space<hbm>> -> memref<1024xf32, #tpu.memory_space<hbm>>
      %dma_start3A_47 = arith.constant 0 : i32
      %dma_start3A_48 = tpu.memref_slice %arg12[%dma_start3A_42, %dma_start3A_47] : memref<6x1024xf32, #tpu.memory_space<vmem>> -> memref<1x1024xf32, #tpu.memory_space<vmem>>
      %dma_start3A_49 = tpu.memref_squeeze %dma_start3A_48 : memref<1x1024xf32, #tpu.memory_space<vmem>> -> memref<1024xf32, #tpu.memory_space<vmem>>
      %dma_start3A_50 = tpu.memref_slice %arg3[%mul3A_29] : memref<163840xf32, #tpu.memory_space<hbm>> -> memref<1024xf32, #tpu.memory_space<hbm>>
      tpu.enqueue_dma source(%dma_start3A_50 : memref<1024xf32, #tpu.memory_space<hbm>>) target(%dma_start3A_49 : memref<1024xf32, #tpu.memory_space<vmem>>) target_semaphore(%arg15 : memref<!tpu.dma_semaphore, #tpu.memory_space<semaphore_mem>>)
      %dma_start3A_51 = arith.constant 2 : i32
      %dma_start3A_52 = arith.constant 0 : i32
      %dma_start3A_53 = tpu.memref_slice %arg12[%dma_start3A_51, %dma_start3A_52] : memref<6x1024xf32, #tpu.memory_space<vmem>> -> memref<1x1024xf32, #tpu.memory_space<vmem>>
      %dma_start3A_54 = tpu.memref_squeeze %dma_start3A_53 : memref<1x1024xf32, #tpu.memory_space<vmem>> -> memref<1024xf32, #tpu.memory_space<vmem>>
      %dma_start3A_55 = tpu.memref_slice %arg4[%mul3A_29] : memref<163840xf32, #tpu.memory_space<hbm>> -> memref<1024xf32, #tpu.memory_space<hbm>>
      %dma_start3A_56 = arith.constant 0 : i32
      %dma_start3A_57 = tpu.memref_slice %arg12[%dma_start3A_51, %dma_start3A_56] : memref<6x1024xf32, #tpu.memory_space<vmem>> -> memref<1x1024xf32, #tpu.memory_space<vmem>>
      %dma_start3A_58 = tpu.memref_squeeze %dma_start3A_57 : memref<1x1024xf32, #tpu.memory_space<vmem>> -> memref<1024xf32, #tpu.memory_space<vmem>>
      %dma_start3A_59 = tpu.memref_slice %arg4[%mul3A_29] : memref<163840xf32, #tpu.memory_space<hbm>> -> memref<1024xf32, #tpu.memory_space<hbm>>
      tpu.enqueue_dma source(%dma_start3A_59 : memref<1024xf32, #tpu.memory_space<hbm>>) target(%dma_start3A_58 : memref<1024xf32, #tpu.memory_space<vmem>>) target_semaphore(%arg15 : memref<!tpu.dma_semaphore, #tpu.memory_space<semaphore_mem>>)
      %dma_start3A_60 = arith.constant 3 : i32
      %dma_start3A_61 = arith.constant 0 : i32
      %dma_start3A_62 = tpu.memref_slice %arg12[%dma_start3A_60, %dma_start3A_61] : memref<6x1024xf32, #tpu.memory_space<vmem>> -> memref<1x1024xf32, #tpu.memory_space<vmem>>
      %dma_start3A_63 = tpu.memref_squeeze %dma_start3A_62 : memref<1x1024xf32, #tpu.memory_space<vmem>> -> memref<1024xf32, #tpu.memory_space<vmem>>
      %dma_start3A_64 = tpu.memref_slice %arg5[%mul3A_29] : memref<163840xf32, #tpu.memory_space<hbm>> -> memref<1024xf32, #tpu.memory_space<hbm>>
      %dma_start3A_65 = arith.constant 0 : i32
      %dma_start3A_66 = tpu.memref_slice %arg12[%dma_start3A_60, %dma_start3A_65] : memref<6x1024xf32, #tpu.memory_space<vmem>> -> memref<1x1024xf32, #tpu.memory_space<vmem>>
      %dma_start3A_67 = tpu.memref_squeeze %dma_start3A_66 : memref<1x1024xf32, #tpu.memory_space<vmem>> -> memref<1024xf32, #tpu.memory_space<vmem>>
      %dma_start3A_68 = tpu.memref_slice %arg5[%mul3A_29] : memref<163840xf32, #tpu.memory_space<hbm>> -> memref<1024xf32, #tpu.memory_space<hbm>>
      tpu.enqueue_dma source(%dma_start3A_68 : memref<1024xf32, #tpu.memory_space<hbm>>) target(%dma_start3A_67 : memref<1024xf32, #tpu.memory_space<vmem>>) target_semaphore(%arg15 : memref<!tpu.dma_semaphore, #tpu.memory_space<semaphore_mem>>)
      %dma_start3A_69 = arith.constant 4 : i32
      %dma_start3A_70 = arith.constant 0 : i32
      %dma_start3A_71 = tpu.memref_slice %arg12[%dma_start3A_69, %dma_start3A_70] : memref<6x1024xf32, #tpu.memory_space<vmem>> -> memref<1x1024xf32, #tpu.memory_space<vmem>>
      %dma_start3A_72 = tpu.memref_squeeze %dma_start3A_71 : memref<1x1024xf32, #tpu.memory_space<vmem>> -> memref<1024xf32, #tpu.memory_space<vmem>>
      %dma_start3A_73 = tpu.memref_slice %arg6[%mul3A_29] : memref<163840xf32, #tpu.memory_space<hbm>> -> memref<1024xf32, #tpu.memory_space<hbm>>
      %dma_start3A_74 = arith.constant 0 : i32
      %dma_start3A_75 = tpu.memref_slice %arg12[%dma_start3A_69, %dma_start3A_74] : memref<6x1024xf32, #tpu.memory_space<vmem>> -> memref<1x1024xf32, #tpu.memory_space<vmem>>
      %dma_start3A_76 = tpu.memref_squeeze %dma_start3A_75 : memref<1x1024xf32, #tpu.memory_space<vmem>> -> memref<1024xf32, #tpu.memory_space<vmem>>
      %dma_start3A_77 = tpu.memref_slice %arg6[%mul3A_29] : memref<163840xf32, #tpu.memory_space<hbm>> -> memref<1024xf32, #tpu.memory_space<hbm>>
      tpu.enqueue_dma source(%dma_start3A_77 : memref<1024xf32, #tpu.memory_space<hbm>>) target(%dma_start3A_76 : memref<1024xf32, #tpu.memory_space<vmem>>) target_semaphore(%arg15 : memref<!tpu.dma_semaphore, #tpu.memory_space<semaphore_mem>>)
      %dma_start3A_78 = arith.constant 5 : i32
      %dma_start3A_79 = arith.constant 0 : i32
      %dma_start3A_80 = tpu.memref_slice %arg12[%dma_start3A_78, %dma_start3A_79] : memref<6x1024xf32, #tpu.memory_space<vmem>> -> memref<1x1024xf32, #tpu.memory_space<vmem>>
      %dma_start3A_81 = tpu.memref_squeeze %dma_start3A_80 : memref<1x1024xf32, #tpu.memory_space<vmem>> -> memref<1024xf32, #tpu.memory_space<vmem>>
      %dma_start3A_82 = tpu.memref_slice %arg7[%mul3A_29] : memref<163840xf32, #tpu.memory_space<hbm>> -> memref<1024xf32, #tpu.memory_space<hbm>>
      %dma_start3A_83 = arith.constant 0 : i32
      %dma_start3A_84 = tpu.memref_slice %arg12[%dma_start3A_78, %dma_start3A_83] : memref<6x1024xf32, #tpu.memory_space<vmem>> -> memref<1x1024xf32, #tpu.memory_space<vmem>>
      %dma_start3A_85 = tpu.memref_squeeze %dma_start3A_84 : memref<1x1024xf32, #tpu.memory_space<vmem>> -> memref<1024xf32, #tpu.memory_space<vmem>>
      %dma_start3A_86 = tpu.memref_slice %arg7[%mul3A_29] : memref<163840xf32, #tpu.memory_space<hbm>> -> memref<1024xf32, #tpu.memory_space<hbm>>
      tpu.enqueue_dma source(%dma_start3A_86 : memref<1024xf32, #tpu.memory_space<hbm>>) target(%dma_start3A_85 : memref<1024xf32, #tpu.memory_space<vmem>>) target_semaphore(%arg15 : memref<!tpu.dma_semaphore, #tpu.memory_space<semaphore_mem>>)
      %dma_wait3A = arith.constant 0 : i32
      %dma_wait3A_87 = tpu.memref_slice %arg8[%add3A_27, %dma_wait3A] : memref<1280x128xi32, #tpu.memory_space<hbm>> -> memref<8x128xi32, #tpu.memory_space<hbm>>
      %dma_wait3A_88 = arith.constant 0 : i32
      %dma_wait3A_89 = tpu.memref_slice %arg8[%add3A_27, %dma_wait3A_88] : memref<1280x128xi32, #tpu.memory_space<hbm>> -> memref<8x128xi32, #tpu.memory_space<hbm>>
      tpu.wait_dma2 semaphore(%arg15 : memref<!tpu.dma_semaphore, #tpu.memory_space<semaphore_mem>>) src(%dma_wait3A_89 : memref<8x128xi32, #tpu.memory_space<hbm>>) dst(%arg11 : memref<8x128xi32, #tpu.memory_space<vmem>>)
      %dma_wait3A_90 = arith.constant 0 : i32
      %dma_wait3A_91 = arith.constant 0 : i32
      %dma_wait3A_92 = tpu.memref_slice %arg12[%dma_wait3A_90, %dma_wait3A_91] : memref<6x1024xf32, #tpu.memory_space<vmem>> -> memref<1x1024xf32, #tpu.memory_space<vmem>>
      %dma_wait3A_93 = tpu.memref_squeeze %dma_wait3A_92 : memref<1x1024xf32, #tpu.memory_space<vmem>> -> memref<1024xf32, #tpu.memory_space<vmem>>
      %dma_wait3A_94 = tpu.memref_slice %arg2[%mul3A_29] : memref<163840xf32, #tpu.memory_space<hbm>> -> memref<1024xf32, #tpu.memory_space<hbm>>
      %dma_wait3A_95 = arith.constant 0 : i32
      %dma_wait3A_96 = tpu.memref_slice %arg12[%dma_wait3A_90, %dma_wait3A_95] : memref<6x1024xf32, #tpu.memory_space<vmem>> -> memref<1x1024xf32, #tpu.memory_space<vmem>>
      %dma_wait3A_97 = tpu.memref_squeeze %dma_wait3A_96 : memref<1x1024xf32, #tpu.memory_space<vmem>> -> memref<1024xf32, #tpu.memory_space<vmem>>
      %dma_wait3A_98 = tpu.memref_slice %arg2[%mul3A_29] : memref<163840xf32, #tpu.memory_space<hbm>> -> memref<1024xf32, #tpu.memory_space<hbm>>
      tpu.wait_dma2 semaphore(%arg15 : memref<!tpu.dma_semaphore, #tpu.memory_space<semaphore_mem>>) src(%dma_wait3A_98 : memref<1024xf32, #tpu.memory_space<hbm>>) dst(%dma_wait3A_97 : memref<1024xf32, #tpu.memory_space<vmem>>)
      %dma_wait3A_99 = arith.constant 1 : i32
      %dma_wait3A_100 = arith.constant 0 : i32
      %dma_wait3A_101 = tpu.memref_slice %arg12[%dma_wait3A_99, %dma_wait3A_100] : memref<6x1024xf32, #tpu.memory_space<vmem>> -> memref<1x1024xf32, #tpu.memory_space<vmem>>
      %dma_wait3A_102 = tpu.memref_squeeze %dma_wait3A_101 : memref<1x1024xf32, #tpu.memory_space<vmem>> -> memref<1024xf32, #tpu.memory_space<vmem>>
      %dma_wait3A_103 = tpu.memref_slice %arg3[%mul3A_29] : memref<163840xf32, #tpu.memory_space<hbm>> -> memref<1024xf32, #tpu.memory_space<hbm>>
      %dma_wait3A_104 = arith.constant 0 : i32
      %dma_wait3A_105 = tpu.memref_slice %arg12[%dma_wait3A_99, %dma_wait3A_104] : memref<6x1024xf32, #tpu.memory_space<vmem>> -> memref<1x1024xf32, #tpu.memory_space<vmem>>
      %dma_wait3A_106 = tpu.memref_squeeze %dma_wait3A_105 : memref<1x1024xf32, #tpu.memory_space<vmem>> -> memref<1024xf32, #tpu.memory_space<vmem>>
      %dma_wait3A_107 = tpu.memref_slice %arg3[%mul3A_29] : memref<163840xf32, #tpu.memory_space<hbm>> -> memref<1024xf32, #tpu.memory_space<hbm>>
      tpu.wait_dma2 semaphore(%arg15 : memref<!tpu.dma_semaphore, #tpu.memory_space<semaphore_mem>>) src(%dma_wait3A_107 : memref<1024xf32, #tpu.memory_space<hbm>>) dst(%dma_wait3A_106 : memref<1024xf32, #tpu.memory_space<vmem>>)
      %dma_wait3A_108 = arith.constant 2 : i32
      %dma_wait3A_109 = arith.constant 0 : i32
      %dma_wait3A_110 = tpu.memref_slice %arg12[%dma_wait3A_108, %dma_wait3A_109] : memref<6x1024xf32, #tpu.memory_space<vmem>> -> memref<1x1024xf32, #tpu.memory_space<vmem>>
      %dma_wait3A_111 = tpu.memref_squeeze %dma_wait3A_110 : memref<1x1024xf32, #tpu.memory_space<vmem>> -> memref<1024xf32, #tpu.memory_space<vmem>>
      %dma_wait3A_112 = tpu.memref_slice %arg4[%mul3A_29] : memref<163840xf32, #tpu.memory_space<hbm>> -> memref<1024xf32, #tpu.memory_space<hbm>>
      %dma_wait3A_113 = arith.constant 0 : i32
      %dma_wait3A_114 = tpu.memref_slice %arg12[%dma_wait3A_108, %dma_wait3A_113] : memref<6x1024xf32, #tpu.memory_space<vmem>> -> memref<1x1024xf32, #tpu.memory_space<vmem>>
      %dma_wait3A_115 = tpu.memref_squeeze %dma_wait3A_114 : memref<1x1024xf32, #tpu.memory_space<vmem>> -> memref<1024xf32, #tpu.memory_space<vmem>>
      %dma_wait3A_116 = tpu.memref_slice %arg4[%mul3A_29] : memref<163840xf32, #tpu.memory_space<hbm>> -> memref<1024xf32, #tpu.memory_space<hbm>>
      tpu.wait_dma2 semaphore(%arg15 : memref<!tpu.dma_semaphore, #tpu.memory_space<semaphore_mem>>) src(%dma_wait3A_116 : memref<1024xf32, #tpu.memory_space<hbm>>) dst(%dma_wait3A_115 : memref<1024xf32, #tpu.memory_space<vmem>>)
      %dma_wait3A_117 = arith.constant 3 : i32
      %dma_wait3A_118 = arith.constant 0 : i32
      %dma_wait3A_119 = tpu.memref_slice %arg12[%dma_wait3A_117, %dma_wait3A_118] : memref<6x1024xf32, #tpu.memory_space<vmem>> -> memref<1x1024xf32, #tpu.memory_space<vmem>>
      %dma_wait3A_120 = tpu.memref_squeeze %dma_wait3A_119 : memref<1x1024xf32, #tpu.memory_space<vmem>> -> memref<1024xf32, #tpu.memory_space<vmem>>
      %dma_wait3A_121 = tpu.memref_slice %arg5[%mul3A_29] : memref<163840xf32, #tpu.memory_space<hbm>> -> memref<1024xf32, #tpu.memory_space<hbm>>
      %dma_wait3A_122 = arith.constant 0 : i32
      %dma_wait3A_123 = tpu.memref_slice %arg12[%dma_wait3A_117, %dma_wait3A_122] : memref<6x1024xf32, #tpu.memory_space<vmem>> -> memref<1x1024xf32, #tpu.memory_space<vmem>>
      %dma_wait3A_124 = tpu.memref_squeeze %dma_wait3A_123 : memref<1x1024xf32, #tpu.memory_space<vmem>> -> memref<1024xf32, #tpu.memory_space<vmem>>
      %dma_wait3A_125 = tpu.memref_slice %arg5[%mul3A_29] : memref<163840xf32, #tpu.memory_space<hbm>> -> memref<1024xf32, #tpu.memory_space<hbm>>
      tpu.wait_dma2 semaphore(%arg15 : memref<!tpu.dma_semaphore, #tpu.memory_space<semaphore_mem>>) src(%dma_wait3A_125 : memref<1024xf32, #tpu.memory_space<hbm>>) dst(%dma_wait3A_124 : memref<1024xf32, #tpu.memory_space<vmem>>)
      %dma_wait3A_126 = arith.constant 4 : i32
      %dma_wait3A_127 = arith.constant 0 : i32
      %dma_wait3A_128 = tpu.memref_slice %arg12[%dma_wait3A_126, %dma_wait3A_127] : memref<6x1024xf32, #tpu.memory_space<vmem>> -> memref<1x1024xf32, #tpu.memory_space<vmem>>
      %dma_wait3A_129 = tpu.memref_squeeze %dma_wait3A_128 : memref<1x1024xf32, #tpu.memory_space<vmem>> -> memref<1024xf32, #tpu.memory_space<vmem>>
      %dma_wait3A_130 = tpu.memref_slice %arg6[%mul3A_29] : memref<163840xf32, #tpu.memory_space<hbm>> -> memref<1024xf32, #tpu.memory_space<hbm>>
      %dma_wait3A_131 = arith.constant 0 : i32
      %dma_wait3A_132 = tpu.memref_slice %arg12[%dma_wait3A_126, %dma_wait3A_131] : memref<6x1024xf32, #tpu.memory_space<vmem>> -> memref<1x1024xf32, #tpu.memory_space<vmem>>
      %dma_wait3A_133 = tpu.memref_squeeze %dma_wait3A_132 : memref<1x1024xf32, #tpu.memory_space<vmem>> -> memref<1024xf32, #tpu.memory_space<vmem>>
      %dma_wait3A_134 = tpu.memref_slice %arg6[%mul3A_29] : memref<163840xf32, #tpu.memory_space<hbm>> -> memref<1024xf32, #tpu.memory_space<hbm>>
      tpu.wait_dma2 semaphore(%arg15 : memref<!tpu.dma_semaphore, #tpu.memory_space<semaphore_mem>>) src(%dma_wait3A_134 : memref<1024xf32, #tpu.memory_space<hbm>>) dst(%dma_wait3A_133 : memref<1024xf32, #tpu.memory_space<vmem>>)
      %dma_wait3A_135 = arith.constant 5 : i32
      %dma_wait3A_136 = arith.constant 0 : i32
      %dma_wait3A_137 = tpu.memref_slice %arg12[%dma_wait3A_135, %dma_wait3A_136] : memref<6x1024xf32, #tpu.memory_space<vmem>> -> memref<1x1024xf32, #tpu.memory_space<vmem>>
      %dma_wait3A_138 = tpu.memref_squeeze %dma_wait3A_137 : memref<1x1024xf32, #tpu.memory_space<vmem>> -> memref<1024xf32, #tpu.memory_space<vmem>>
      %dma_wait3A_139 = tpu.memref_slice %arg7[%mul3A_29] : memref<163840xf32, #tpu.memory_space<hbm>> -> memref<1024xf32, #tpu.memory_space<hbm>>
      %dma_wait3A_140 = arith.constant 0 : i32
      %dma_wait3A_141 = tpu.memref_slice %arg12[%dma_wait3A_135, %dma_wait3A_140] : memref<6x1024xf32, #tpu.memory_space<vmem>> -> memref<1x1024xf32, #tpu.memory_space<vmem>>
      %dma_wait3A_142 = tpu.memref_squeeze %dma_wait3A_141 : memref<1x1024xf32, #tpu.memory_space<vmem>> -> memref<1024xf32, #tpu.memory_space<vmem>>
      %dma_wait3A_143 = tpu.memref_slice %arg7[%mul3A_29] : memref<163840xf32, #tpu.memory_space<hbm>> -> memref<1024xf32, #tpu.memory_space<hbm>>
      tpu.wait_dma2 semaphore(%arg15 : memref<!tpu.dma_semaphore, #tpu.memory_space<semaphore_mem>>) src(%dma_wait3A_143 : memref<1024xf32, #tpu.memory_space<hbm>>) dst(%dma_wait3A_142 : memref<1024xf32, #tpu.memory_space<vmem>>)
      %scan3A_144 = arith.constant 0 : i32
      %scan3A_145 = arith.constant 0 : i32
      %scan3A_146 = arith.constant 64 : i32
      %scan3A_147 = arith.addi %scan3A_145, %scan3A_146 : i32
      %scan3A_148 = arith.constant 1 : i32
      scf.for %scan3A_310 = %scan3A_145 to %scan3A_147 step %scan3A_148  : i32 {
        %mul3A_311 = arith.constant 16 : i32
        %mul3A_312 = arith.muli %scan3A_310, %mul3A_311 : i32
        %add3A_313 = vector.broadcast %mul3A_312 : i32 to vector<16xi32>
        %add3A_314 = arith.addi %add3A_313, %iota3A : vector<16xi32>
        %mul3A_315 = arith.constant 16 : i32
        %mul3A_316 = arith.muli %scan3A_310, %mul3A_315 : i32
        %get3A = arith.constant 0 : i32
        %get3A_317 = arith.index_cast %get3A : i32 to index
        %get3A_318 = arith.index_cast %mul3A_316 : i32 to index
        %get3A_319 = tpu.vector_load %arg12[%get3A_317, %get3A_318] {strides = array<i32>} : memref<6x1024xf32, #tpu.memory_space<vmem>>, vector<16xf32>,
        %broadcast_in_dim3A_320 = arith.constant 0 : i32
        %broadcast_in_dim3A_321 = vector.broadcast %broadcast_in_dim3A_320 : i32 to vector<16xi32>
        tpu.vector_store_idx %arg13[%add3A_314, %broadcast_in_dim3A_321], %get3A_319 : memref<1024x8xf32, #tpu.memory_space<vmem>>[vector<16xi32>, vector<16xi32>], vector<16xf32>,
        %mul3A_322 = arith.constant 16 : i32
        %mul3A_323 = arith.muli %scan3A_310, %mul3A_322 : i32
        %get3A_324 = arith.constant 1 : i32
        %get3A_325 = arith.index_cast %get3A_324 : i32 to index
        %get3A_326 = arith.index_cast %mul3A_323 : i32 to index
        %get3A_327 = tpu.vector_load %arg12[%get3A_325, %get3A_326] {strides = array<i32>} : memref<6x1024xf32, #tpu.memory_space<vmem>>, vector<16xf32>,
        %broadcast_in_dim3A_328 = arith.constant 1 : i32
        %broadcast_in_dim3A_329 = vector.broadcast %broadcast_in_dim3A_328 : i32 to vector<16xi32>
        tpu.vector_store_idx %arg13[%add3A_314, %broadcast_in_dim3A_329], %get3A_327 : memref<1024x8xf32, #tpu.memory_space<vmem>>[vector<16xi32>, vector<16xi32>], vector<16xf32>,
        %mul3A_330 = arith.constant 16 : i32
        %mul3A_331 = arith.muli %scan3A_310, %mul3A_330 : i32
        %get3A_332 = arith.constant 2 : i32
        %get3A_333 = arith.index_cast %get3A_332 : i32 to index
        %get3A_334 = arith.index_cast %mul3A_331 : i32 to index
        %get3A_335 = tpu.vector_load %arg12[%get3A_333, %get3A_334] {strides = array<i32>} : memref<6x1024xf32, #tpu.memory_space<vmem>>, vector<16xf32>,
        %broadcast_in_dim3A_336 = arith.constant 2 : i32
        %broadcast_in_dim3A_337 = vector.broadcast %broadcast_in_dim3A_336 : i32 to vector<16xi32>
        tpu.vector_store_idx %arg13[%add3A_314, %broadcast_in_dim3A_337], %get3A_335 : memref<1024x8xf32, #tpu.memory_space<vmem>>[vector<16xi32>, vector<16xi32>], vector<16xf32>,
        %mul3A_338 = arith.constant 16 : i32
        %mul3A_339 = arith.muli %scan3A_310, %mul3A_338 : i32
        %get3A_340 = arith.constant 3 : i32
        %get3A_341 = arith.index_cast %get3A_340 : i32 to index
        %get3A_342 = arith.index_cast %mul3A_339 : i32 to index
        %get3A_343 = tpu.vector_load %arg12[%get3A_341, %get3A_342] {strides = array<i32>} : memref<6x1024xf32, #tpu.memory_space<vmem>>, vector<16xf32>,
        %broadcast_in_dim3A_344 = arith.constant 3 : i32
        %broadcast_in_dim3A_345 = vector.broadcast %broadcast_in_dim3A_344 : i32 to vector<16xi32>
        tpu.vector_store_idx %arg13[%add3A_314, %broadcast_in_dim3A_345], %get3A_343 : memref<1024x8xf32, #tpu.memory_space<vmem>>[vector<16xi32>, vector<16xi32>], vector<16xf32>,
        %mul3A_346 = arith.constant 16 : i32
        %mul3A_347 = arith.muli %scan3A_310, %mul3A_346 : i32
        %get3A_348 = arith.constant 4 : i32
        %get3A_349 = arith.index_cast %get3A_348 : i32 to index
        %get3A_350 = arith.index_cast %mul3A_347 : i32 to index
        %get3A_351 = tpu.vector_load %arg12[%get3A_349, %get3A_350] {strides = array<i32>} : memref<6x1024xf32, #tpu.memory_space<vmem>>, vector<16xf32>,
        %broadcast_in_dim3A_352 = arith.constant 4 : i32
        %broadcast_in_dim3A_353 = vector.broadcast %broadcast_in_dim3A_352 : i32 to vector<16xi32>
        tpu.vector_store_idx %arg13[%add3A_314, %broadcast_in_dim3A_353], %get3A_351 : memref<1024x8xf32, #tpu.memory_space<vmem>>[vector<16xi32>, vector<16xi32>], vector<16xf32>,
        %mul3A_354 = arith.constant 16 : i32
        %mul3A_355 = arith.muli %scan3A_310, %mul3A_354 : i32
        %get3A_356 = arith.constant 5 : i32
        %get3A_357 = arith.index_cast %get3A_356 : i32 to index
        %get3A_358 = arith.index_cast %mul3A_355 : i32 to index
        %get3A_359 = tpu.vector_load %arg12[%get3A_357, %get3A_358] {strides = array<i32>} : memref<6x1024xf32, #tpu.memory_space<vmem>>, vector<16xf32>,
        %broadcast_in_dim3A_360 = arith.constant 5 : i32
        %broadcast_in_dim3A_361 = vector.broadcast %broadcast_in_dim3A_360 : i32 to vector<16xi32>
        tpu.vector_store_idx %arg13[%add3A_314, %broadcast_in_dim3A_361], %get3A_359 : memref<1024x8xf32, #tpu.memory_space<vmem>>[vector<16xi32>, vector<16xi32>], vector<16xf32>,
        %add3A_362 = arith.constant 0 : i32
        %add3A_363 = arith.addi %add3A_362, %mul3A_29 : i32
        %mul3A_364 = arith.constant 16 : i32
        %mul3A_365 = arith.muli %scan3A_310, %mul3A_364 : i32
        %add3A_366 = arith.addi %add3A_363, %mul3A_365 : i32
        %add3A_367 = vector.broadcast %add3A_366 : i32 to vector<16xi32>
        %add3A_368 = arith.addi %add3A_367, %iota3A : vector<16xi32>
        %lt3A = arith.constant 320000 : i32
        %lt3A_369 = vector.broadcast %lt3A : i32 to vector<16xi32>
        %lt3A_370 = arith.cmpi slt, %add3A_368, %lt3A_369 : vector<16xi32>
        %jit3A = arith.constant 1.000000e+00 : f32
        %jit3A_371 = arith.constant 0.000000e+00 : f32
        %broadcast_in_dim3A_372 = vector.broadcast %jit3A : f32 to vector<16xf32>
        %broadcast_in_dim3A_373 = vector.broadcast %jit3A_371 : f32 to vector<16xf32>
        %select_n3A = arith.select %lt3A_370, %broadcast_in_dim3A_372, %broadcast_in_dim3A_373 : vector<16xi1>, vector<16xf32>
        %broadcast_in_dim3A_374 = arith.constant 6 : i32
        %broadcast_in_dim3A_375 = vector.broadcast %broadcast_in_dim3A_374 : i32 to vector<16xi32>
        tpu.vector_store_idx %arg13[%add3A_314, %broadcast_in_dim3A_375], %select_n3A : memref<1024x8xf32, #tpu.memory_space<vmem>>[vector<16xi32>, vector<16xi32>], vector<16xf32>,
      }
      %scan3A_149 = arith.constant 64 : i32
      %dma_start3A_150 = arith.constant 0 : i32
      %dma_start3A_151 = arith.constant 0 : i32
      %dma_start3A_152 = arith.constant 0 : i32
      %dma_start3A_153 = tpu.memref_slice %arg13[%dma_start3A_151, %dma_start3A_152] : memref<1024x8xf32, #tpu.memory_space<vmem>> -> memref<128x8xf32, #tpu.memory_space<vmem>>
      %dma_start3A_154 = arith.constant 0 : i32
      %dma_start3A_155 = tpu.memref_slice %arg11[%dma_start3A_150, %dma_start3A_154] : memref<8x128xi32, #tpu.memory_space<vmem>> -> memref<1x128xi32, #tpu.memory_space<vmem>>
      %dma_start3A_156 = tpu.memref_squeeze %dma_start3A_155 : memref<1x128xi32, #tpu.memory_space<vmem>> -> memref<128xi32, #tpu.memory_space<vmem>>
      %dma_start3A_157 = arith.constant 0 : i32
      %dma_start3A_158 = arith.constant 0 : i32
      %dma_start3A_159 = tpu.memref_slice %arg14[%dma_start3A_157, %dma_start3A_158] : memref<10240x8xf32, #tpu.memory_space<vmem_shared>> -> memref<10240x8xf32, #tpu.memory_space<vmem_shared>>
      tpu.enqueue_indirect_dma source(%dma_start3A_153 : memref<128x8xf32, #tpu.memory_space<vmem>>) target(%dma_start3A_159 : memref<10240x8xf32, #tpu.memory_space<vmem_shared>>) offsets(%dma_start3A_156 : memref<128xi32, #tpu.memory_space<vmem>>) semaphore(%arg15 : memref<!tpu.dma_semaphore, #tpu.memory_space<semaphore_mem>>) {add = true}
      %dma_start3A_160 = arith.constant 1 : i32
      %dma_start3A_161 = arith.constant 128 : i32
      %dma_start3A_162 = arith.constant 0 : i32
      %dma_start3A_163 = tpu.memref_slice %arg13[%dma_start3A_161, %dma_start3A_162] : memref<1024x8xf32, #tpu.memory_space<vmem>> -> memref<128x8xf32, #tpu.memory_space<vmem>>
      %dma_start3A_164 = arith.constant 0 : i32
      %dma_start3A_165 = tpu.memref_slice %arg11[%dma_start3A_160, %dma_start3A_164] : memref<8x128xi32, #tpu.memory_space<vmem>> -> memref<1x128xi32, #tpu.memory_space<vmem>>
      %dma_start3A_166 = tpu.memref_squeeze %dma_start3A_165 : memref<1x128xi32, #tpu.memory_space<vmem>> -> memref<128xi32, #tpu.memory_space<vmem>>
      %dma_start3A_167 = arith.constant 0 : i32
      %dma_start3A_168 = arith.constant 0 : i32
      %dma_start3A_169 = tpu.memref_slice %arg14[%dma_start3A_167, %dma_start3A_168] : memref<10240x8xf32, #tpu.memory_space<vmem_shared>> -> memref<10240x8xf32, #tpu.memory_space<vmem_shared>>
      tpu.enqueue_indirect_dma source(%dma_start3A_163 : memref<128x8xf32, #tpu.memory_space<vmem>>) target(%dma_start3A_169 : memref<10240x8xf32, #tpu.memory_space<vmem_shared>>) offsets(%dma_start3A_166 : memref<128xi32, #tpu.memory_space<vmem>>) semaphore(%arg15 : memref<!tpu.dma_semaphore, #tpu.memory_space<semaphore_mem>>) {add = true}
      %dma_start3A_170 = arith.constant 2 : i32
      %dma_start3A_171 = arith.constant 256 : i32
      %dma_start3A_172 = arith.constant 0 : i32
      %dma_start3A_173 = tpu.memref_slice %arg13[%dma_start3A_171, %dma_start3A_172] : memref<1024x8xf32, #tpu.memory_space<vmem>> -> memref<128x8xf32, #tpu.memory_space<vmem>>
      %dma_start3A_174 = arith.constant 0 : i32
      %dma_start3A_175 = tpu.memref_slice %arg11[%dma_start3A_170, %dma_start3A_174] : memref<8x128xi32, #tpu.memory_space<vmem>> -> memref<1x128xi32, #tpu.memory_space<vmem>>
      %dma_start3A_176 = tpu.memref_squeeze %dma_start3A_175 : memref<1x128xi32, #tpu.memory_space<vmem>> -> memref<128xi32, #tpu.memory_space<vmem>>
      %dma_start3A_177 = arith.constant 0 : i32
      %dma_start3A_178 = arith.constant 0 : i32
      %dma_start3A_179 = tpu.memref_slice %arg14[%dma_start3A_177, %dma_start3A_178] : memref<10240x8xf32, #tpu.memory_space<vmem_shared>> -> memref<10240x8xf32, #tpu.memory_space<vmem_shared>>
      tpu.enqueue_indirect_dma source(%dma_start3A_173 : memref<128x8xf32, #tpu.memory_space<vmem>>) target(%dma_start3A_179 : memref<10240x8xf32, #tpu.memory_space<vmem_shared>>) offsets(%dma_start3A_176 : memref<128xi32, #tpu.memory_space<vmem>>) semaphore(%arg15 : memref<!tpu.dma_semaphore, #tpu.memory_space<semaphore_mem>>) {add = true}
      %dma_start3A_180 = arith.constant 3 : i32
      %dma_start3A_181 = arith.constant 384 : i32
      %dma_start3A_182 = arith.constant 0 : i32
      %dma_start3A_183 = tpu.memref_slice %arg13[%dma_start3A_181, %dma_start3A_182] : memref<1024x8xf32, #tpu.memory_space<vmem>> -> memref<128x8xf32, #tpu.memory_space<vmem>>
      %dma_start3A_184 = arith.constant 0 : i32
      %dma_start3A_185 = tpu.memref_slice %arg11[%dma_start3A_180, %dma_start3A_184] : memref<8x128xi32, #tpu.memory_space<vmem>> -> memref<1x128xi32, #tpu.memory_space<vmem>>
      %dma_start3A_186 = tpu.memref_squeeze %dma_start3A_185 : memref<1x128xi32, #tpu.memory_space<vmem>> -> memref<128xi32, #tpu.memory_space<vmem>>
      %dma_start3A_187 = arith.constant 0 : i32
      %dma_start3A_188 = arith.constant 0 : i32
      %dma_start3A_189 = tpu.memref_slice %arg14[%dma_start3A_187, %dma_start3A_188] : memref<10240x8xf32, #tpu.memory_space<vmem_shared>> -> memref<10240x8xf32, #tpu.memory_space<vmem_shared>>
      tpu.enqueue_indirect_dma source(%dma_start3A_183 : memref<128x8xf32, #tpu.memory_space<vmem>>) target(%dma_start3A_189 : memref<10240x8xf32, #tpu.memory_space<vmem_shared>>) offsets(%dma_start3A_186 : memref<128xi32, #tpu.memory_space<vmem>>) semaphore(%arg15 : memref<!tpu.dma_semaphore, #tpu.memory_space<semaphore_mem>>) {add = true}
      %dma_start3A_190 = arith.constant 4 : i32
      %dma_start3A_191 = arith.constant 512 : i32
      %dma_start3A_192 = arith.constant 0 : i32
      %dma_start3A_193 = tpu.memref_slice %arg13[%dma_start3A_191, %dma_start3A_192] : memref<1024x8xf32, #tpu.memory_space<vmem>> -> memref<128x8xf32, #tpu.memory_space<vmem>>
      %dma_start3A_194 = arith.constant 0 : i32
      %dma_start3A_195 = tpu.memref_slice %arg11[%dma_start3A_190, %dma_start3A_194] : memref<8x128xi32, #tpu.memory_space<vmem>> -> memref<1x128xi32, #tpu.memory_space<vmem>>
      %dma_start3A_196 = tpu.memref_squeeze %dma_start3A_195 : memref<1x128xi32, #tpu.memory_space<vmem>> -> memref<128xi32, #tpu.memory_space<vmem>>
      %dma_start3A_197 = arith.constant 0 : i32
      %dma_start3A_198 = arith.constant 0 : i32
      %dma_start3A_199 = tpu.memref_slice %arg14[%dma_start3A_197, %dma_start3A_198] : memref<10240x8xf32, #tpu.memory_space<vmem_shared>> -> memref<10240x8xf32, #tpu.memory_space<vmem_shared>>
      tpu.enqueue_indirect_dma source(%dma_start3A_193 : memref<128x8xf32, #tpu.memory_space<vmem>>) target(%dma_start3A_199 : memref<10240x8xf32, #tpu.memory_space<vmem_shared>>) offsets(%dma_start3A_196 : memref<128xi32, #tpu.memory_space<vmem>>) semaphore(%arg15 : memref<!tpu.dma_semaphore, #tpu.memory_space<semaphore_mem>>) {add = true}
      %dma_start3A_200 = arith.constant 5 : i32
      %dma_start3A_201 = arith.constant 640 : i32
      %dma_start3A_202 = arith.constant 0 : i32
      %dma_start3A_203 = tpu.memref_slice %arg13[%dma_start3A_201, %dma_start3A_202] : memref<1024x8xf32, #tpu.memory_space<vmem>> -> memref<128x8xf32, #tpu.memory_space<vmem>>
      %dma_start3A_204 = arith.constant 0 : i32
      %dma_start3A_205 = tpu.memref_slice %arg11[%dma_start3A_200, %dma_start3A_204] : memref<8x128xi32, #tpu.memory_space<vmem>> -> memref<1x128xi32, #tpu.memory_space<vmem>>
      %dma_start3A_206 = tpu.memref_squeeze %dma_start3A_205 : memref<1x128xi32, #tpu.memory_space<vmem>> -> memref<128xi32, #tpu.memory_space<vmem>>
      %dma_start3A_207 = arith.constant 0 : i32
      %dma_start3A_208 = arith.constant 0 : i32
      %dma_start3A_209 = tpu.memref_slice %arg14[%dma_start3A_207, %dma_start3A_208] : memref<10240x8xf32, #tpu.memory_space<vmem_shared>> -> memref<10240x8xf32, #tpu.memory_space<vmem_shared>>
      tpu.enqueue_indirect_dma source(%dma_start3A_203 : memref<128x8xf32, #tpu.memory_space<vmem>>) target(%dma_start3A_209 : memref<10240x8xf32, #tpu.memory_space<vmem_shared>>) offsets(%dma_start3A_206 : memref<128xi32, #tpu.memory_space<vmem>>) semaphore(%arg15 : memref<!tpu.dma_semaphore, #tpu.memory_space<semaphore_mem>>) {add = true}
      %dma_start3A_210 = arith.constant 6 : i32
      %dma_start3A_211 = arith.constant 768 : i32
      %dma_start3A_212 = arith.constant 0 : i32
      %dma_start3A_213 = tpu.memref_slice %arg13[%dma_start3A_211, %dma_start3A_212] : memref<1024x8xf32, #tpu.memory_space<vmem>> -> memref<128x8xf32, #tpu.memory_space<vmem>>
      %dma_start3A_214 = arith.constant 0 : i32
      %dma_start3A_215 = tpu.memref_slice %arg11[%dma_start3A_210, %dma_start3A_214] : memref<8x128xi32, #tpu.memory_space<vmem>> -> memref<1x128xi32, #tpu.memory_space<vmem>>
      %dma_start3A_216 = tpu.memref_squeeze %dma_start3A_215 : memref<1x128xi32, #tpu.memory_space<vmem>> -> memref<128xi32, #tpu.memory_space<vmem>>
      %dma_start3A_217 = arith.constant 0 : i32
      %dma_start3A_218 = arith.constant 0 : i32
      %dma_start3A_219 = tpu.memref_slice %arg14[%dma_start3A_217, %dma_start3A_218] : memref<10240x8xf32, #tpu.memory_space<vmem_shared>> -> memref<10240x8xf32, #tpu.memory_space<vmem_shared>>
      tpu.enqueue_indirect_dma source(%dma_start3A_213 : memref<128x8xf32, #tpu.memory_space<vmem>>) target(%dma_start3A_219 : memref<10240x8xf32, #tpu.memory_space<vmem_shared>>) offsets(%dma_start3A_216 : memref<128xi32, #tpu.memory_space<vmem>>) semaphore(%arg15 : memref<!tpu.dma_semaphore, #tpu.memory_space<semaphore_mem>>) {add = true}
      %dma_start3A_220 = arith.constant 7 : i32
      %dma_start3A_221 = arith.constant 896 : i32
      %dma_start3A_222 = arith.constant 0 : i32
      %dma_start3A_223 = tpu.memref_slice %arg13[%dma_start3A_221, %dma_start3A_222] : memref<1024x8xf32, #tpu.memory_space<vmem>> -> memref<128x8xf32, #tpu.memory_space<vmem>>
      %dma_start3A_224 = arith.constant 0 : i32
      %dma_start3A_225 = tpu.memref_slice %arg11[%dma_start3A_220, %dma_start3A_224] : memref<8x128xi32, #tpu.memory_space<vmem>> -> memref<1x128xi32, #tpu.memory_space<vmem>>
      %dma_start3A_226 = tpu.memref_squeeze %dma_start3A_225 : memref<1x128xi32, #tpu.memory_space<vmem>> -> memref<128xi32, #tpu.memory_space<vmem>>
      %dma_start3A_227 = arith.constant 0 : i32
      %dma_start3A_228 = arith.constant 0 : i32
      %dma_start3A_229 = tpu.memref_slice %arg14[%dma_start3A_227, %dma_start3A_228] : memref<10240x8xf32, #tpu.memory_space<vmem_shared>> -> memref<10240x8xf32, #tpu.memory_space<vmem_shared>>
      tpu.enqueue_indirect_dma source(%dma_start3A_223 : memref<128x8xf32, #tpu.memory_space<vmem>>) target(%dma_start3A_229 : memref<10240x8xf32, #tpu.memory_space<vmem_shared>>) offsets(%dma_start3A_226 : memref<128xi32, #tpu.memory_space<vmem>>) semaphore(%arg15 : memref<!tpu.dma_semaphore, #tpu.memory_space<semaphore_mem>>) {add = true}
      %dma_wait3A_230 = arith.constant 0 : i32
      %dma_wait3A_231 = arith.constant 0 : i32
      %dma_wait3A_232 = arith.constant 0 : i32
      %dma_wait3A_233 = tpu.memref_slice %arg13[%dma_wait3A_231, %dma_wait3A_232] : memref<1024x8xf32, #tpu.memory_space<vmem>> -> memref<128x8xf32, #tpu.memory_space<vmem>>
      %dma_wait3A_234 = arith.constant 0 : i32
      %dma_wait3A_235 = tpu.memref_slice %arg11[%dma_wait3A_230, %dma_wait3A_234] : memref<8x128xi32, #tpu.memory_space<vmem>> -> memref<1x128xi32, #tpu.memory_space<vmem>>
      %dma_wait3A_236 = tpu.memref_squeeze %dma_wait3A_235 : memref<1x128xi32, #tpu.memory_space<vmem>> -> memref<128xi32, #tpu.memory_space<vmem>>
      %dma_wait3A_237 = arith.constant 0 : i32
      %dma_wait3A_238 = arith.constant 0 : i32
      %dma_wait3A_239 = tpu.memref_slice %arg14[%dma_wait3A_237, %dma_wait3A_238] : memref<10240x8xf32, #tpu.memory_space<vmem_shared>> -> memref<10240x8xf32, #tpu.memory_space<vmem_shared>>
      tpu.wait_indirect_dma semaphore(%arg15 : memref<!tpu.dma_semaphore, #tpu.memory_space<semaphore_mem>>) src(%dma_wait3A_233 : memref<128x8xf32, #tpu.memory_space<vmem>>) dst(%dma_wait3A_239 : memref<10240x8xf32, #tpu.memory_space<vmem_shared>>)
      %dma_wait3A_240 = arith.constant 1 : i32
      %dma_wait3A_241 = arith.constant 128 : i32
      %dma_wait3A_242 = arith.constant 0 : i32
      %dma_wait3A_243 = tpu.memref_slice %arg13[%dma_wait3A_241, %dma_wait3A_242] : memref<1024x8xf32, #tpu.memory_space<vmem>> -> memref<128x8xf32, #tpu.memory_space<vmem>>
      %dma_wait3A_244 = arith.constant 0 : i32
      %dma_wait3A_245 = tpu.memref_slice %arg11[%dma_wait3A_240, %dma_wait3A_244] : memref<8x128xi32, #tpu.memory_space<vmem>> -> memref<1x128xi32, #tpu.memory_space<vmem>>
      %dma_wait3A_246 = tpu.memref_squeeze %dma_wait3A_245 : memref<1x128xi32, #tpu.memory_space<vmem>> -> memref<128xi32, #tpu.memory_space<vmem>>
      %dma_wait3A_247 = arith.constant 0 : i32
      %dma_wait3A_248 = arith.constant 0 : i32
      %dma_wait3A_249 = tpu.memref_slice %arg14[%dma_wait3A_247, %dma_wait3A_248] : memref<10240x8xf32, #tpu.memory_space<vmem_shared>> -> memref<10240x8xf32, #tpu.memory_space<vmem_shared>>
      tpu.wait_indirect_dma semaphore(%arg15 : memref<!tpu.dma_semaphore, #tpu.memory_space<semaphore_mem>>) src(%dma_wait3A_243 : memref<128x8xf32, #tpu.memory_space<vmem>>) dst(%dma_wait3A_249 : memref<10240x8xf32, #tpu.memory_space<vmem_shared>>)
      %dma_wait3A_250 = arith.constant 2 : i32
      %dma_wait3A_251 = arith.constant 256 : i32
      %dma_wait3A_252 = arith.constant 0 : i32
      %dma_wait3A_253 = tpu.memref_slice %arg13[%dma_wait3A_251, %dma_wait3A_252] : memref<1024x8xf32, #tpu.memory_space<vmem>> -> memref<128x8xf32, #tpu.memory_space<vmem>>
      %dma_wait3A_254 = arith.constant 0 : i32
      %dma_wait3A_255 = tpu.memref_slice %arg11[%dma_wait3A_250, %dma_wait3A_254] : memref<8x128xi32, #tpu.memory_space<vmem>> -> memref<1x128xi32, #tpu.memory_space<vmem>>
      %dma_wait3A_256 = tpu.memref_squeeze %dma_wait3A_255 : memref<1x128xi32, #tpu.memory_space<vmem>> -> memref<128xi32, #tpu.memory_space<vmem>>
      %dma_wait3A_257 = arith.constant 0 : i32
      %dma_wait3A_258 = arith.constant 0 : i32
      %dma_wait3A_259 = tpu.memref_slice %arg14[%dma_wait3A_257, %dma_wait3A_258] : memref<10240x8xf32, #tpu.memory_space<vmem_shared>> -> memref<10240x8xf32, #tpu.memory_space<vmem_shared>>
      tpu.wait_indirect_dma semaphore(%arg15 : memref<!tpu.dma_semaphore, #tpu.memory_space<semaphore_mem>>) src(%dma_wait3A_253 : memref<128x8xf32, #tpu.memory_space<vmem>>) dst(%dma_wait3A_259 : memref<10240x8xf32, #tpu.memory_space<vmem_shared>>)
      %dma_wait3A_260 = arith.constant 3 : i32
      %dma_wait3A_261 = arith.constant 384 : i32
      %dma_wait3A_262 = arith.constant 0 : i32
      %dma_wait3A_263 = tpu.memref_slice %arg13[%dma_wait3A_261, %dma_wait3A_262] : memref<1024x8xf32, #tpu.memory_space<vmem>> -> memref<128x8xf32, #tpu.memory_space<vmem>>
      %dma_wait3A_264 = arith.constant 0 : i32
      %dma_wait3A_265 = tpu.memref_slice %arg11[%dma_wait3A_260, %dma_wait3A_264] : memref<8x128xi32, #tpu.memory_space<vmem>> -> memref<1x128xi32, #tpu.memory_space<vmem>>
      %dma_wait3A_266 = tpu.memref_squeeze %dma_wait3A_265 : memref<1x128xi32, #tpu.memory_space<vmem>> -> memref<128xi32, #tpu.memory_space<vmem>>
      %dma_wait3A_267 = arith.constant 0 : i32
      %dma_wait3A_268 = arith.constant 0 : i32
      %dma_wait3A_269 = tpu.memref_slice %arg14[%dma_wait3A_267, %dma_wait3A_268] : memref<10240x8xf32, #tpu.memory_space<vmem_shared>> -> memref<10240x8xf32, #tpu.memory_space<vmem_shared>>
      tpu.wait_indirect_dma semaphore(%arg15 : memref<!tpu.dma_semaphore, #tpu.memory_space<semaphore_mem>>) src(%dma_wait3A_263 : memref<128x8xf32, #tpu.memory_space<vmem>>) dst(%dma_wait3A_269 : memref<10240x8xf32, #tpu.memory_space<vmem_shared>>)
      %dma_wait3A_270 = arith.constant 4 : i32
      %dma_wait3A_271 = arith.constant 512 : i32
      %dma_wait3A_272 = arith.constant 0 : i32
      %dma_wait3A_273 = tpu.memref_slice %arg13[%dma_wait3A_271, %dma_wait3A_272] : memref<1024x8xf32, #tpu.memory_space<vmem>> -> memref<128x8xf32, #tpu.memory_space<vmem>>
      %dma_wait3A_274 = arith.constant 0 : i32
      %dma_wait3A_275 = tpu.memref_slice %arg11[%dma_wait3A_270, %dma_wait3A_274] : memref<8x128xi32, #tpu.memory_space<vmem>> -> memref<1x128xi32, #tpu.memory_space<vmem>>
      %dma_wait3A_276 = tpu.memref_squeeze %dma_wait3A_275 : memref<1x128xi32, #tpu.memory_space<vmem>> -> memref<128xi32, #tpu.memory_space<vmem>>
      %dma_wait3A_277 = arith.constant 0 : i32
      %dma_wait3A_278 = arith.constant 0 : i32
      %dma_wait3A_279 = tpu.memref_slice %arg14[%dma_wait3A_277, %dma_wait3A_278] : memref<10240x8xf32, #tpu.memory_space<vmem_shared>> -> memref<10240x8xf32, #tpu.memory_space<vmem_shared>>
      tpu.wait_indirect_dma semaphore(%arg15 : memref<!tpu.dma_semaphore, #tpu.memory_space<semaphore_mem>>) src(%dma_wait3A_273 : memref<128x8xf32, #tpu.memory_space<vmem>>) dst(%dma_wait3A_279 : memref<10240x8xf32, #tpu.memory_space<vmem_shared>>)
      %dma_wait3A_280 = arith.constant 5 : i32
      %dma_wait3A_281 = arith.constant 640 : i32
      %dma_wait3A_282 = arith.constant 0 : i32
      %dma_wait3A_283 = tpu.memref_slice %arg13[%dma_wait3A_281, %dma_wait3A_282] : memref<1024x8xf32, #tpu.memory_space<vmem>> -> memref<128x8xf32, #tpu.memory_space<vmem>>
      %dma_wait3A_284 = arith.constant 0 : i32
      %dma_wait3A_285 = tpu.memref_slice %arg11[%dma_wait3A_280, %dma_wait3A_284] : memref<8x128xi32, #tpu.memory_space<vmem>> -> memref<1x128xi32, #tpu.memory_space<vmem>>
      %dma_wait3A_286 = tpu.memref_squeeze %dma_wait3A_285 : memref<1x128xi32, #tpu.memory_space<vmem>> -> memref<128xi32, #tpu.memory_space<vmem>>
      %dma_wait3A_287 = arith.constant 0 : i32
      %dma_wait3A_288 = arith.constant 0 : i32
      %dma_wait3A_289 = tpu.memref_slice %arg14[%dma_wait3A_287, %dma_wait3A_288] : memref<10240x8xf32, #tpu.memory_space<vmem_shared>> -> memref<10240x8xf32, #tpu.memory_space<vmem_shared>>
      tpu.wait_indirect_dma semaphore(%arg15 : memref<!tpu.dma_semaphore, #tpu.memory_space<semaphore_mem>>) src(%dma_wait3A_283 : memref<128x8xf32, #tpu.memory_space<vmem>>) dst(%dma_wait3A_289 : memref<10240x8xf32, #tpu.memory_space<vmem_shared>>)
      %dma_wait3A_290 = arith.constant 6 : i32
      %dma_wait3A_291 = arith.constant 768 : i32
      %dma_wait3A_292 = arith.constant 0 : i32
      %dma_wait3A_293 = tpu.memref_slice %arg13[%dma_wait3A_291, %dma_wait3A_292] : memref<1024x8xf32, #tpu.memory_space<vmem>> -> memref<128x8xf32, #tpu.memory_space<vmem>>
      %dma_wait3A_294 = arith.constant 0 : i32
      %dma_wait3A_295 = tpu.memref_slice %arg11[%dma_wait3A_290, %dma_wait3A_294] : memref<8x128xi32, #tpu.memory_space<vmem>> -> memref<1x128xi32, #tpu.memory_space<vmem>>
      %dma_wait3A_296 = tpu.memref_squeeze %dma_wait3A_295 : memref<1x128xi32, #tpu.memory_space<vmem>> -> memref<128xi32, #tpu.memory_space<vmem>>
      %dma_wait3A_297 = arith.constant 0 : i32
      %dma_wait3A_298 = arith.constant 0 : i32
      %dma_wait3A_299 = tpu.memref_slice %arg14[%dma_wait3A_297, %dma_wait3A_298] : memref<10240x8xf32, #tpu.memory_space<vmem_shared>> -> memref<10240x8xf32, #tpu.memory_space<vmem_shared>>
      tpu.wait_indirect_dma semaphore(%arg15 : memref<!tpu.dma_semaphore, #tpu.memory_space<semaphore_mem>>) src(%dma_wait3A_293 : memref<128x8xf32, #tpu.memory_space<vmem>>) dst(%dma_wait3A_299 : memref<10240x8xf32, #tpu.memory_space<vmem_shared>>)
      %dma_wait3A_300 = arith.constant 7 : i32
      %dma_wait3A_301 = arith.constant 896 : i32
      %dma_wait3A_302 = arith.constant 0 : i32
      %dma_wait3A_303 = tpu.memref_slice %arg13[%dma_wait3A_301, %dma_wait3A_302] : memref<1024x8xf32, #tpu.memory_space<vmem>> -> memref<128x8xf32, #tpu.memory_space<vmem>>
      %dma_wait3A_304 = arith.constant 0 : i32
      %dma_wait3A_305 = tpu.memref_slice %arg11[%dma_wait3A_300, %dma_wait3A_304] : memref<8x128xi32, #tpu.memory_space<vmem>> -> memref<1x128xi32, #tpu.memory_space<vmem>>
      %dma_wait3A_306 = tpu.memref_squeeze %dma_wait3A_305 : memref<1x128xi32, #tpu.memory_space<vmem>> -> memref<128xi32, #tpu.memory_space<vmem>>
      %dma_wait3A_307 = arith.constant 0 : i32
      %dma_wait3A_308 = arith.constant 0 : i32
      %dma_wait3A_309 = tpu.memref_slice %arg14[%dma_wait3A_307, %dma_wait3A_308] : memref<10240x8xf32, #tpu.memory_space<vmem_shared>> -> memref<10240x8xf32, #tpu.memory_space<vmem_shared>>
      tpu.wait_indirect_dma semaphore(%arg15 : memref<!tpu.dma_semaphore, #tpu.memory_space<semaphore_mem>>) src(%dma_wait3A_303 : memref<128x8xf32, #tpu.memory_space<vmem>>) dst(%dma_wait3A_309 : memref<10240x8xf32, #tpu.memory_space<vmem_shared>>)
    }
    %scan3A_18 = arith.constant 5 : i32
    %barrier3A_19 = arith.constant 0 : index
    tpu.barrier barrier_id(%barrier3A_19)
    %mul3A_20 = arith.constant 640 : i32
    %mul3A_21 = arith.muli %arg1, %mul3A_20 : i32
    %mul3A_22 = arith.constant 640 : i32
    %mul3A_23 = arith.muli %arg1, %mul3A_22 : i32
    "tpu.region"() ({
      %run_scoped3A = tpu.sem_alloc : memref<!tpu.dma_semaphore, #tpu.memory_space<semaphore_mem>>
      %dma_start3A = arith.constant 0 : i32
      %dma_start3A_24 = tpu.memref_slice %arg10[%arg0, %mul3A_23, %dma_start3A] : memref<2x10240x8xf32, #tpu.memory_space<hbm>> -> memref<1x640x8xf32, #tpu.memory_space<hbm>>
      %dma_start3A_25 = tpu.memref_squeeze %dma_start3A_24 : memref<1x640x8xf32, #tpu.memory_space<hbm>> -> memref<640x8xf32, #tpu.memory_space<hbm>>
      %dma_start3A_26 = arith.constant 0 : i32
      %dma_start3A_27 = tpu.memref_slice %arg14[%mul3A_21, %dma_start3A_26] : memref<10240x8xf32, #tpu.memory_space<vmem_shared>> -> memref<640x8xf32, #tpu.memory_space<vmem_shared>>
      tpu.enqueue_dma source(%dma_start3A_27 : memref<640x8xf32, #tpu.memory_space<vmem_shared>>) target(%dma_start3A_25 : memref<640x8xf32, #tpu.memory_space<hbm>>) target_semaphore(%run_scoped3A : memref<!tpu.dma_semaphore, #tpu.memory_space<semaphore_mem>>)
      %dma_wait3A = arith.constant 0 : i32
      %dma_wait3A_28 = tpu.memref_slice %arg10[%arg0, %mul3A_23, %dma_wait3A] : memref<2x10240x8xf32, #tpu.memory_space<hbm>> -> memref<1x640x8xf32, #tpu.memory_space<hbm>>
      %dma_wait3A_29 = tpu.memref_squeeze %dma_wait3A_28 : memref<1x640x8xf32, #tpu.memory_space<hbm>> -> memref<640x8xf32, #tpu.memory_space<hbm>>
      %dma_wait3A_30 = arith.constant 0 : i32
      %dma_wait3A_31 = tpu.memref_slice %arg14[%mul3A_21, %dma_wait3A_30] : memref<10240x8xf32, #tpu.memory_space<vmem_shared>> -> memref<640x8xf32, #tpu.memory_space<vmem_shared>>
      tpu.wait_dma2 semaphore(%run_scoped3A : memref<!tpu.dma_semaphore, #tpu.memory_space<semaphore_mem>>) src(%dma_wait3A_31 : memref<640x8xf32, #tpu.memory_space<vmem_shared>>) dst(%dma_wait3A_29 : memref<640x8xf32, #tpu.memory_space<hbm>>)
      tpu.yield
    }) : () -> ()
    return
  }
}

#map = affine_map<(d0, d1) -> (0)>
#map1 = affine_map<(d0, d1) -> (0, 0)>
#map2 = affine_map<(d0, d1) -> (0, 0, 0)>
module attributes {stable_mosaic.version = 14 : i64} {
  func.func @_scatter_body(%arg0: i32, %arg1: i32, %arg2: memref<32768xf32, #tpu.memory_space<hbm>>, %arg3: memref<32768xf32, #tpu.memory_space<hbm>>, %arg4: memref<32768xf32, #tpu.memory_space<hbm>>, %arg5: memref<32768xf32, #tpu.memory_space<hbm>>, %arg6: memref<32768xf32, #tpu.memory_space<hbm>>, %arg7: memref<32768xf32, #tpu.memory_space<hbm>>, %arg8: memref<256x128xi32, #tpu.memory_space<hbm>>, %arg9: memref<10240x8xf32, #tpu.memory_space<hbm>>, %arg10: memref<2x10240x8xf32, #tpu.memory_space<hbm>>, %arg11: memref<8x128xi32, #tpu.memory_space<vmem>>, %arg12: memref<6x1024xf32, #tpu.memory_space<vmem>>, %arg13: memref<1024x8xf32, #tpu.memory_space<vmem>>, %arg14: memref<10240x8xf32, #tpu.memory_space<vmem_shared>>, %arg15: memref<!tpu.dma_semaphore, #tpu.memory_space<semaphore_mem>>) attributes {dimension_semantics = [#tpu.dimension_semantics<core_parallel>, #tpu.dimension_semantics<subcore_parallel>], iteration_bounds = array<i64: 2, 16>, scalar_prefetch = 0 : i64, scratch_operands = 5 : i64, tpu.core_type = #tpu.core_type<sc_vector_subcore>, window_params = [{transform_indices = #map}, {transform_indices = #map}, {transform_indices = #map}, {transform_indices = #map}, {transform_indices = #map}, {transform_indices = #map}, {transform_indices = #map1}, {transform_indices = #map1}, {transform_indices = #map2}]} {
    %mul3A = arith.constant 640 : i32
    %mul3A_0 = arith.muli %arg1, %mul3A : i32
    %mul3A_1 = arith.constant 640 : i32
    %mul3A_2 = arith.muli %arg1, %mul3A_1 : i32
    "tpu.region"() ({
      %run_scoped3A = tpu.sem_alloc : memref<!tpu.dma_semaphore, #tpu.memory_space<semaphore_mem>>
      %dma_start3A_306 = arith.constant 0 : i32
      %dma_start3A_307 = tpu.memref_slice %arg14[%mul3A_2, %dma_start3A_306] : memref<10240x8xf32, #tpu.memory_space<vmem_shared>> -> memref<640x8xf32, #tpu.memory_space<vmem_shared>>
      %dma_start3A_308 = arith.constant 0 : i32
      %dma_start3A_309 = tpu.memref_slice %arg9[%mul3A_0, %dma_start3A_308] : memref<10240x8xf32, #tpu.memory_space<hbm>> -> memref<640x8xf32, #tpu.memory_space<hbm>>
      tpu.enqueue_dma source(%dma_start3A_309 : memref<640x8xf32, #tpu.memory_space<hbm>>) target(%dma_start3A_307 : memref<640x8xf32, #tpu.memory_space<vmem_shared>>) target_semaphore(%run_scoped3A : memref<!tpu.dma_semaphore, #tpu.memory_space<semaphore_mem>>)
      %dma_wait3A_310 = arith.constant 0 : i32
      %dma_wait3A_311 = tpu.memref_slice %arg14[%mul3A_2, %dma_wait3A_310] : memref<10240x8xf32, #tpu.memory_space<vmem_shared>> -> memref<640x8xf32, #tpu.memory_space<vmem_shared>>
      %dma_wait3A_312 = arith.constant 0 : i32
      %dma_wait3A_313 = tpu.memref_slice %arg9[%mul3A_0, %dma_wait3A_312] : memref<10240x8xf32, #tpu.memory_space<hbm>> -> memref<640x8xf32, #tpu.memory_space<hbm>>
      tpu.wait_dma2 semaphore(%run_scoped3A : memref<!tpu.dma_semaphore, #tpu.memory_space<semaphore_mem>>) src(%dma_wait3A_313 : memref<640x8xf32, #tpu.memory_space<hbm>>) dst(%dma_wait3A_311 : memref<640x8xf32, #tpu.memory_space<vmem_shared>>)
      tpu.yield
    }) : () -> ()
    %iota3A = tpu.iota {dimensions = array<i32: 0>} : vector<16xi32>
    %broadcast_in_dim3A = arith.constant 0.000000e+00 : f32
    %broadcast_in_dim3A_3 = vector.broadcast %broadcast_in_dim3A : f32 to vector<16xf32>
    %scan3A = arith.constant 0 : i32
    %scan3A_4 = arith.constant 0 : i32
    %scan3A_5 = arith.constant 64 : i32
    %scan3A_6 = arith.addi %scan3A_4, %scan3A_5 : i32
    %scan3A_7 = arith.constant 1 : i32
    scf.for %scan3A_306 = %scan3A_4 to %scan3A_6 step %scan3A_7  : i32 {
      %mul3A_307 = arith.constant 16 : i32
      %mul3A_308 = arith.muli %scan3A_306, %mul3A_307 : i32
      %add3A_309 = vector.broadcast %mul3A_308 : i32 to vector<16xi32>
      %add3A_310 = arith.addi %add3A_309, %iota3A : vector<16xi32>
      %broadcast_in_dim3A_311 = arith.constant 7 : i32
      %broadcast_in_dim3A_312 = vector.broadcast %broadcast_in_dim3A_311 : i32 to vector<16xi32>
      tpu.vector_store_idx %arg13[%add3A_310, %broadcast_in_dim3A_312], %broadcast_in_dim3A_3 : memref<1024x8xf32, #tpu.memory_space<vmem>>[vector<16xi32>, vector<16xi32>], vector<16xf32>,
    }
    %scan3A_8 = arith.constant 64 : i32
    %barrier3A = arith.constant 0 : index
    tpu.barrier barrier_id(%barrier3A)
    %mul3A_9 = arith.constant 16 : i32
    %mul3A_10 = arith.muli %arg0, %mul3A_9 : i32
    %add3A = arith.addi %mul3A_10, %arg1 : i32
    %mul3A_11 = arith.constant 8 : i32
    %mul3A_12 = arith.muli %add3A, %mul3A_11 : i32
    %scan3A_13 = arith.constant 0 : i32
    %scan3A_14 = arith.constant 0 : i32
    %mul3A_15 = arith.constant 8 : i32
    %mul3A_16 = arith.muli %scan3A_14, %mul3A_15 : i32
    %add3A_17 = arith.addi %mul3A_12, %mul3A_16 : i32
    %mul3A_18 = arith.constant 128 : i32
    %mul3A_19 = arith.muli %add3A_17, %mul3A_18 : i32
    %dma_start3A = arith.constant 0 : i32
    %dma_start3A_20 = tpu.memref_slice %arg8[%add3A_17, %dma_start3A] : memref<256x128xi32, #tpu.memory_space<hbm>> -> memref<8x128xi32, #tpu.memory_space<hbm>>
    %dma_start3A_21 = arith.constant 0 : i32
    %dma_start3A_22 = tpu.memref_slice %arg8[%add3A_17, %dma_start3A_21] : memref<256x128xi32, #tpu.memory_space<hbm>> -> memref<8x128xi32, #tpu.memory_space<hbm>>
    tpu.enqueue_dma source(%dma_start3A_22 : memref<8x128xi32, #tpu.memory_space<hbm>>) target(%arg11 : memref<8x128xi32, #tpu.memory_space<vmem>>) target_semaphore(%arg15 : memref<!tpu.dma_semaphore, #tpu.memory_space<semaphore_mem>>)
    %dma_start3A_23 = arith.constant 0 : i32
    %dma_start3A_24 = arith.constant 0 : i32
    %dma_start3A_25 = tpu.memref_slice %arg12[%dma_start3A_23, %dma_start3A_24] : memref<6x1024xf32, #tpu.memory_space<vmem>> -> memref<1x1024xf32, #tpu.memory_space<vmem>>
    %dma_start3A_26 = tpu.memref_squeeze %dma_start3A_25 : memref<1x1024xf32, #tpu.memory_space<vmem>> -> memref<1024xf32, #tpu.memory_space<vmem>>
    %dma_start3A_27 = tpu.memref_slice %arg2[%mul3A_19] : memref<32768xf32, #tpu.memory_space<hbm>> -> memref<1024xf32, #tpu.memory_space<hbm>>
    %dma_start3A_28 = arith.constant 0 : i32
    %dma_start3A_29 = tpu.memref_slice %arg12[%dma_start3A_23, %dma_start3A_28] : memref<6x1024xf32, #tpu.memory_space<vmem>> -> memref<1x1024xf32, #tpu.memory_space<vmem>>
    %dma_start3A_30 = tpu.memref_squeeze %dma_start3A_29 : memref<1x1024xf32, #tpu.memory_space<vmem>> -> memref<1024xf32, #tpu.memory_space<vmem>>
    %dma_start3A_31 = tpu.memref_slice %arg2[%mul3A_19] : memref<32768xf32, #tpu.memory_space<hbm>> -> memref<1024xf32, #tpu.memory_space<hbm>>
    tpu.enqueue_dma source(%dma_start3A_31 : memref<1024xf32, #tpu.memory_space<hbm>>) target(%dma_start3A_30 : memref<1024xf32, #tpu.memory_space<vmem>>) target_semaphore(%arg15 : memref<!tpu.dma_semaphore, #tpu.memory_space<semaphore_mem>>)
    %dma_start3A_32 = arith.constant 1 : i32
    %dma_start3A_33 = arith.constant 0 : i32
    %dma_start3A_34 = tpu.memref_slice %arg12[%dma_start3A_32, %dma_start3A_33] : memref<6x1024xf32, #tpu.memory_space<vmem>> -> memref<1x1024xf32, #tpu.memory_space<vmem>>
    %dma_start3A_35 = tpu.memref_squeeze %dma_start3A_34 : memref<1x1024xf32, #tpu.memory_space<vmem>> -> memref<1024xf32, #tpu.memory_space<vmem>>
    %dma_start3A_36 = tpu.memref_slice %arg3[%mul3A_19] : memref<32768xf32, #tpu.memory_space<hbm>> -> memref<1024xf32, #tpu.memory_space<hbm>>
    %dma_start3A_37 = arith.constant 0 : i32
    %dma_start3A_38 = tpu.memref_slice %arg12[%dma_start3A_32, %dma_start3A_37] : memref<6x1024xf32, #tpu.memory_space<vmem>> -> memref<1x1024xf32, #tpu.memory_space<vmem>>
    %dma_start3A_39 = tpu.memref_squeeze %dma_start3A_38 : memref<1x1024xf32, #tpu.memory_space<vmem>> -> memref<1024xf32, #tpu.memory_space<vmem>>
    %dma_start3A_40 = tpu.memref_slice %arg3[%mul3A_19] : memref<32768xf32, #tpu.memory_space<hbm>> -> memref<1024xf32, #tpu.memory_space<hbm>>
    tpu.enqueue_dma source(%dma_start3A_40 : memref<1024xf32, #tpu.memory_space<hbm>>) target(%dma_start3A_39 : memref<1024xf32, #tpu.memory_space<vmem>>) target_semaphore(%arg15 : memref<!tpu.dma_semaphore, #tpu.memory_space<semaphore_mem>>)
    %dma_start3A_41 = arith.constant 2 : i32
    %dma_start3A_42 = arith.constant 0 : i32
    %dma_start3A_43 = tpu.memref_slice %arg12[%dma_start3A_41, %dma_start3A_42] : memref<6x1024xf32, #tpu.memory_space<vmem>> -> memref<1x1024xf32, #tpu.memory_space<vmem>>
    %dma_start3A_44 = tpu.memref_squeeze %dma_start3A_43 : memref<1x1024xf32, #tpu.memory_space<vmem>> -> memref<1024xf32, #tpu.memory_space<vmem>>
    %dma_start3A_45 = tpu.memref_slice %arg4[%mul3A_19] : memref<32768xf32, #tpu.memory_space<hbm>> -> memref<1024xf32, #tpu.memory_space<hbm>>
    %dma_start3A_46 = arith.constant 0 : i32
    %dma_start3A_47 = tpu.memref_slice %arg12[%dma_start3A_41, %dma_start3A_46] : memref<6x1024xf32, #tpu.memory_space<vmem>> -> memref<1x1024xf32, #tpu.memory_space<vmem>>
    %dma_start3A_48 = tpu.memref_squeeze %dma_start3A_47 : memref<1x1024xf32, #tpu.memory_space<vmem>> -> memref<1024xf32, #tpu.memory_space<vmem>>
    %dma_start3A_49 = tpu.memref_slice %arg4[%mul3A_19] : memref<32768xf32, #tpu.memory_space<hbm>> -> memref<1024xf32, #tpu.memory_space<hbm>>
    tpu.enqueue_dma source(%dma_start3A_49 : memref<1024xf32, #tpu.memory_space<hbm>>) target(%dma_start3A_48 : memref<1024xf32, #tpu.memory_space<vmem>>) target_semaphore(%arg15 : memref<!tpu.dma_semaphore, #tpu.memory_space<semaphore_mem>>)
    %dma_start3A_50 = arith.constant 3 : i32
    %dma_start3A_51 = arith.constant 0 : i32
    %dma_start3A_52 = tpu.memref_slice %arg12[%dma_start3A_50, %dma_start3A_51] : memref<6x1024xf32, #tpu.memory_space<vmem>> -> memref<1x1024xf32, #tpu.memory_space<vmem>>
    %dma_start3A_53 = tpu.memref_squeeze %dma_start3A_52 : memref<1x1024xf32, #tpu.memory_space<vmem>> -> memref<1024xf32, #tpu.memory_space<vmem>>
    %dma_start3A_54 = tpu.memref_slice %arg5[%mul3A_19] : memref<32768xf32, #tpu.memory_space<hbm>> -> memref<1024xf32, #tpu.memory_space<hbm>>
    %dma_start3A_55 = arith.constant 0 : i32
    %dma_start3A_56 = tpu.memref_slice %arg12[%dma_start3A_50, %dma_start3A_55] : memref<6x1024xf32, #tpu.memory_space<vmem>> -> memref<1x1024xf32, #tpu.memory_space<vmem>>
    %dma_start3A_57 = tpu.memref_squeeze %dma_start3A_56 : memref<1x1024xf32, #tpu.memory_space<vmem>> -> memref<1024xf32, #tpu.memory_space<vmem>>
    %dma_start3A_58 = tpu.memref_slice %arg5[%mul3A_19] : memref<32768xf32, #tpu.memory_space<hbm>> -> memref<1024xf32, #tpu.memory_space<hbm>>
    tpu.enqueue_dma source(%dma_start3A_58 : memref<1024xf32, #tpu.memory_space<hbm>>) target(%dma_start3A_57 : memref<1024xf32, #tpu.memory_space<vmem>>) target_semaphore(%arg15 : memref<!tpu.dma_semaphore, #tpu.memory_space<semaphore_mem>>)
    %dma_start3A_59 = arith.constant 4 : i32
    %dma_start3A_60 = arith.constant 0 : i32
    %dma_start3A_61 = tpu.memref_slice %arg12[%dma_start3A_59, %dma_start3A_60] : memref<6x1024xf32, #tpu.memory_space<vmem>> -> memref<1x1024xf32, #tpu.memory_space<vmem>>
    %dma_start3A_62 = tpu.memref_squeeze %dma_start3A_61 : memref<1x1024xf32, #tpu.memory_space<vmem>> -> memref<1024xf32, #tpu.memory_space<vmem>>
    %dma_start3A_63 = tpu.memref_slice %arg6[%mul3A_19] : memref<32768xf32, #tpu.memory_space<hbm>> -> memref<1024xf32, #tpu.memory_space<hbm>>
    %dma_start3A_64 = arith.constant 0 : i32
    %dma_start3A_65 = tpu.memref_slice %arg12[%dma_start3A_59, %dma_start3A_64] : memref<6x1024xf32, #tpu.memory_space<vmem>> -> memref<1x1024xf32, #tpu.memory_space<vmem>>
    %dma_start3A_66 = tpu.memref_squeeze %dma_start3A_65 : memref<1x1024xf32, #tpu.memory_space<vmem>> -> memref<1024xf32, #tpu.memory_space<vmem>>
    %dma_start3A_67 = tpu.memref_slice %arg6[%mul3A_19] : memref<32768xf32, #tpu.memory_space<hbm>> -> memref<1024xf32, #tpu.memory_space<hbm>>
    tpu.enqueue_dma source(%dma_start3A_67 : memref<1024xf32, #tpu.memory_space<hbm>>) target(%dma_start3A_66 : memref<1024xf32, #tpu.memory_space<vmem>>) target_semaphore(%arg15 : memref<!tpu.dma_semaphore, #tpu.memory_space<semaphore_mem>>)
    %dma_start3A_68 = arith.constant 5 : i32
    %dma_start3A_69 = arith.constant 0 : i32
    %dma_start3A_70 = tpu.memref_slice %arg12[%dma_start3A_68, %dma_start3A_69] : memref<6x1024xf32, #tpu.memory_space<vmem>> -> memref<1x1024xf32, #tpu.memory_space<vmem>>
    %dma_start3A_71 = tpu.memref_squeeze %dma_start3A_70 : memref<1x1024xf32, #tpu.memory_space<vmem>> -> memref<1024xf32, #tpu.memory_space<vmem>>
    %dma_start3A_72 = tpu.memref_slice %arg7[%mul3A_19] : memref<32768xf32, #tpu.memory_space<hbm>> -> memref<1024xf32, #tpu.memory_space<hbm>>
    %dma_start3A_73 = arith.constant 0 : i32
    %dma_start3A_74 = tpu.memref_slice %arg12[%dma_start3A_68, %dma_start3A_73] : memref<6x1024xf32, #tpu.memory_space<vmem>> -> memref<1x1024xf32, #tpu.memory_space<vmem>>
    %dma_start3A_75 = tpu.memref_squeeze %dma_start3A_74 : memref<1x1024xf32, #tpu.memory_space<vmem>> -> memref<1024xf32, #tpu.memory_space<vmem>>
    %dma_start3A_76 = tpu.memref_slice %arg7[%mul3A_19] : memref<32768xf32, #tpu.memory_space<hbm>> -> memref<1024xf32, #tpu.memory_space<hbm>>
    tpu.enqueue_dma source(%dma_start3A_76 : memref<1024xf32, #tpu.memory_space<hbm>>) target(%dma_start3A_75 : memref<1024xf32, #tpu.memory_space<vmem>>) target_semaphore(%arg15 : memref<!tpu.dma_semaphore, #tpu.memory_space<semaphore_mem>>)
    %dma_wait3A = arith.constant 0 : i32
    %dma_wait3A_77 = tpu.memref_slice %arg8[%add3A_17, %dma_wait3A] : memref<256x128xi32, #tpu.memory_space<hbm>> -> memref<8x128xi32, #tpu.memory_space<hbm>>
    %dma_wait3A_78 = arith.constant 0 : i32
    %dma_wait3A_79 = tpu.memref_slice %arg8[%add3A_17, %dma_wait3A_78] : memref<256x128xi32, #tpu.memory_space<hbm>> -> memref<8x128xi32, #tpu.memory_space<hbm>>
    tpu.wait_dma2 semaphore(%arg15 : memref<!tpu.dma_semaphore, #tpu.memory_space<semaphore_mem>>) src(%dma_wait3A_79 : memref<8x128xi32, #tpu.memory_space<hbm>>) dst(%arg11 : memref<8x128xi32, #tpu.memory_space<vmem>>)
    %dma_wait3A_80 = arith.constant 0 : i32
    %dma_wait3A_81 = arith.constant 0 : i32
    %dma_wait3A_82 = tpu.memref_slice %arg12[%dma_wait3A_80, %dma_wait3A_81] : memref<6x1024xf32, #tpu.memory_space<vmem>> -> memref<1x1024xf32, #tpu.memory_space<vmem>>
    %dma_wait3A_83 = tpu.memref_squeeze %dma_wait3A_82 : memref<1x1024xf32, #tpu.memory_space<vmem>> -> memref<1024xf32, #tpu.memory_space<vmem>>
    %dma_wait3A_84 = tpu.memref_slice %arg2[%mul3A_19] : memref<32768xf32, #tpu.memory_space<hbm>> -> memref<1024xf32, #tpu.memory_space<hbm>>
    %dma_wait3A_85 = arith.constant 0 : i32
    %dma_wait3A_86 = tpu.memref_slice %arg12[%dma_wait3A_80, %dma_wait3A_85] : memref<6x1024xf32, #tpu.memory_space<vmem>> -> memref<1x1024xf32, #tpu.memory_space<vmem>>
    %dma_wait3A_87 = tpu.memref_squeeze %dma_wait3A_86 : memref<1x1024xf32, #tpu.memory_space<vmem>> -> memref<1024xf32, #tpu.memory_space<vmem>>
    %dma_wait3A_88 = tpu.memref_slice %arg2[%mul3A_19] : memref<32768xf32, #tpu.memory_space<hbm>> -> memref<1024xf32, #tpu.memory_space<hbm>>
    tpu.wait_dma2 semaphore(%arg15 : memref<!tpu.dma_semaphore, #tpu.memory_space<semaphore_mem>>) src(%dma_wait3A_88 : memref<1024xf32, #tpu.memory_space<hbm>>) dst(%dma_wait3A_87 : memref<1024xf32, #tpu.memory_space<vmem>>)
    %dma_wait3A_89 = arith.constant 1 : i32
    %dma_wait3A_90 = arith.constant 0 : i32
    %dma_wait3A_91 = tpu.memref_slice %arg12[%dma_wait3A_89, %dma_wait3A_90] : memref<6x1024xf32, #tpu.memory_space<vmem>> -> memref<1x1024xf32, #tpu.memory_space<vmem>>
    %dma_wait3A_92 = tpu.memref_squeeze %dma_wait3A_91 : memref<1x1024xf32, #tpu.memory_space<vmem>> -> memref<1024xf32, #tpu.memory_space<vmem>>
    %dma_wait3A_93 = tpu.memref_slice %arg3[%mul3A_19] : memref<32768xf32, #tpu.memory_space<hbm>> -> memref<1024xf32, #tpu.memory_space<hbm>>
    %dma_wait3A_94 = arith.constant 0 : i32
    %dma_wait3A_95 = tpu.memref_slice %arg12[%dma_wait3A_89, %dma_wait3A_94] : memref<6x1024xf32, #tpu.memory_space<vmem>> -> memref<1x1024xf32, #tpu.memory_space<vmem>>
    %dma_wait3A_96 = tpu.memref_squeeze %dma_wait3A_95 : memref<1x1024xf32, #tpu.memory_space<vmem>> -> memref<1024xf32, #tpu.memory_space<vmem>>
    %dma_wait3A_97 = tpu.memref_slice %arg3[%mul3A_19] : memref<32768xf32, #tpu.memory_space<hbm>> -> memref<1024xf32, #tpu.memory_space<hbm>>
    tpu.wait_dma2 semaphore(%arg15 : memref<!tpu.dma_semaphore, #tpu.memory_space<semaphore_mem>>) src(%dma_wait3A_97 : memref<1024xf32, #tpu.memory_space<hbm>>) dst(%dma_wait3A_96 : memref<1024xf32, #tpu.memory_space<vmem>>)
    %dma_wait3A_98 = arith.constant 2 : i32
    %dma_wait3A_99 = arith.constant 0 : i32
    %dma_wait3A_100 = tpu.memref_slice %arg12[%dma_wait3A_98, %dma_wait3A_99] : memref<6x1024xf32, #tpu.memory_space<vmem>> -> memref<1x1024xf32, #tpu.memory_space<vmem>>
    %dma_wait3A_101 = tpu.memref_squeeze %dma_wait3A_100 : memref<1x1024xf32, #tpu.memory_space<vmem>> -> memref<1024xf32, #tpu.memory_space<vmem>>
    %dma_wait3A_102 = tpu.memref_slice %arg4[%mul3A_19] : memref<32768xf32, #tpu.memory_space<hbm>> -> memref<1024xf32, #tpu.memory_space<hbm>>
    %dma_wait3A_103 = arith.constant 0 : i32
    %dma_wait3A_104 = tpu.memref_slice %arg12[%dma_wait3A_98, %dma_wait3A_103] : memref<6x1024xf32, #tpu.memory_space<vmem>> -> memref<1x1024xf32, #tpu.memory_space<vmem>>
    %dma_wait3A_105 = tpu.memref_squeeze %dma_wait3A_104 : memref<1x1024xf32, #tpu.memory_space<vmem>> -> memref<1024xf32, #tpu.memory_space<vmem>>
    %dma_wait3A_106 = tpu.memref_slice %arg4[%mul3A_19] : memref<32768xf32, #tpu.memory_space<hbm>> -> memref<1024xf32, #tpu.memory_space<hbm>>
    tpu.wait_dma2 semaphore(%arg15 : memref<!tpu.dma_semaphore, #tpu.memory_space<semaphore_mem>>) src(%dma_wait3A_106 : memref<1024xf32, #tpu.memory_space<hbm>>) dst(%dma_wait3A_105 : memref<1024xf32, #tpu.memory_space<vmem>>)
    %dma_wait3A_107 = arith.constant 3 : i32
    %dma_wait3A_108 = arith.constant 0 : i32
    %dma_wait3A_109 = tpu.memref_slice %arg12[%dma_wait3A_107, %dma_wait3A_108] : memref<6x1024xf32, #tpu.memory_space<vmem>> -> memref<1x1024xf32, #tpu.memory_space<vmem>>
    %dma_wait3A_110 = tpu.memref_squeeze %dma_wait3A_109 : memref<1x1024xf32, #tpu.memory_space<vmem>> -> memref<1024xf32, #tpu.memory_space<vmem>>
    %dma_wait3A_111 = tpu.memref_slice %arg5[%mul3A_19] : memref<32768xf32, #tpu.memory_space<hbm>> -> memref<1024xf32, #tpu.memory_space<hbm>>
    %dma_wait3A_112 = arith.constant 0 : i32
    %dma_wait3A_113 = tpu.memref_slice %arg12[%dma_wait3A_107, %dma_wait3A_112] : memref<6x1024xf32, #tpu.memory_space<vmem>> -> memref<1x1024xf32, #tpu.memory_space<vmem>>
    %dma_wait3A_114 = tpu.memref_squeeze %dma_wait3A_113 : memref<1x1024xf32, #tpu.memory_space<vmem>> -> memref<1024xf32, #tpu.memory_space<vmem>>
    %dma_wait3A_115 = tpu.memref_slice %arg5[%mul3A_19] : memref<32768xf32, #tpu.memory_space<hbm>> -> memref<1024xf32, #tpu.memory_space<hbm>>
    tpu.wait_dma2 semaphore(%arg15 : memref<!tpu.dma_semaphore, #tpu.memory_space<semaphore_mem>>) src(%dma_wait3A_115 : memref<1024xf32, #tpu.memory_space<hbm>>) dst(%dma_wait3A_114 : memref<1024xf32, #tpu.memory_space<vmem>>)
    %dma_wait3A_116 = arith.constant 4 : i32
    %dma_wait3A_117 = arith.constant 0 : i32
    %dma_wait3A_118 = tpu.memref_slice %arg12[%dma_wait3A_116, %dma_wait3A_117] : memref<6x1024xf32, #tpu.memory_space<vmem>> -> memref<1x1024xf32, #tpu.memory_space<vmem>>
    %dma_wait3A_119 = tpu.memref_squeeze %dma_wait3A_118 : memref<1x1024xf32, #tpu.memory_space<vmem>> -> memref<1024xf32, #tpu.memory_space<vmem>>
    %dma_wait3A_120 = tpu.memref_slice %arg6[%mul3A_19] : memref<32768xf32, #tpu.memory_space<hbm>> -> memref<1024xf32, #tpu.memory_space<hbm>>
    %dma_wait3A_121 = arith.constant 0 : i32
    %dma_wait3A_122 = tpu.memref_slice %arg12[%dma_wait3A_116, %dma_wait3A_121] : memref<6x1024xf32, #tpu.memory_space<vmem>> -> memref<1x1024xf32, #tpu.memory_space<vmem>>
    %dma_wait3A_123 = tpu.memref_squeeze %dma_wait3A_122 : memref<1x1024xf32, #tpu.memory_space<vmem>> -> memref<1024xf32, #tpu.memory_space<vmem>>
    %dma_wait3A_124 = tpu.memref_slice %arg6[%mul3A_19] : memref<32768xf32, #tpu.memory_space<hbm>> -> memref<1024xf32, #tpu.memory_space<hbm>>
    tpu.wait_dma2 semaphore(%arg15 : memref<!tpu.dma_semaphore, #tpu.memory_space<semaphore_mem>>) src(%dma_wait3A_124 : memref<1024xf32, #tpu.memory_space<hbm>>) dst(%dma_wait3A_123 : memref<1024xf32, #tpu.memory_space<vmem>>)
    %dma_wait3A_125 = arith.constant 5 : i32
    %dma_wait3A_126 = arith.constant 0 : i32
    %dma_wait3A_127 = tpu.memref_slice %arg12[%dma_wait3A_125, %dma_wait3A_126] : memref<6x1024xf32, #tpu.memory_space<vmem>> -> memref<1x1024xf32, #tpu.memory_space<vmem>>
    %dma_wait3A_128 = tpu.memref_squeeze %dma_wait3A_127 : memref<1x1024xf32, #tpu.memory_space<vmem>> -> memref<1024xf32, #tpu.memory_space<vmem>>
    %dma_wait3A_129 = tpu.memref_slice %arg7[%mul3A_19] : memref<32768xf32, #tpu.memory_space<hbm>> -> memref<1024xf32, #tpu.memory_space<hbm>>
    %dma_wait3A_130 = arith.constant 0 : i32
    %dma_wait3A_131 = tpu.memref_slice %arg12[%dma_wait3A_125, %dma_wait3A_130] : memref<6x1024xf32, #tpu.memory_space<vmem>> -> memref<1x1024xf32, #tpu.memory_space<vmem>>
    %dma_wait3A_132 = tpu.memref_squeeze %dma_wait3A_131 : memref<1x1024xf32, #tpu.memory_space<vmem>> -> memref<1024xf32, #tpu.memory_space<vmem>>
    %dma_wait3A_133 = tpu.memref_slice %arg7[%mul3A_19] : memref<32768xf32, #tpu.memory_space<hbm>> -> memref<1024xf32, #tpu.memory_space<hbm>>
    tpu.wait_dma2 semaphore(%arg15 : memref<!tpu.dma_semaphore, #tpu.memory_space<semaphore_mem>>) src(%dma_wait3A_133 : memref<1024xf32, #tpu.memory_space<hbm>>) dst(%dma_wait3A_132 : memref<1024xf32, #tpu.memory_space<vmem>>)
    %scan3A_134 = arith.constant 0 : i32
    %scan3A_135 = arith.constant 0 : i32
    %scan3A_136 = arith.constant 64 : i32
    %scan3A_137 = arith.addi %scan3A_135, %scan3A_136 : i32
    %scan3A_138 = arith.constant 1 : i32
    scf.for %scan3A_306 = %scan3A_135 to %scan3A_137 step %scan3A_138  : i32 {
      %mul3A_307 = arith.constant 16 : i32
      %mul3A_308 = arith.muli %scan3A_306, %mul3A_307 : i32
      %add3A_309 = vector.broadcast %mul3A_308 : i32 to vector<16xi32>
      %add3A_310 = arith.addi %add3A_309, %iota3A : vector<16xi32>
      %mul3A_311 = arith.constant 16 : i32
      %mul3A_312 = arith.muli %scan3A_306, %mul3A_311 : i32
      %get3A = arith.constant 0 : i32
      %get3A_313 = arith.index_cast %get3A : i32 to index
      %get3A_314 = arith.index_cast %mul3A_312 : i32 to index
      %get3A_315 = tpu.vector_load %arg12[%get3A_313, %get3A_314] {strides = array<i32>} : memref<6x1024xf32, #tpu.memory_space<vmem>>, vector<16xf32>,
      %broadcast_in_dim3A_316 = arith.constant 0 : i32
      %broadcast_in_dim3A_317 = vector.broadcast %broadcast_in_dim3A_316 : i32 to vector<16xi32>
      tpu.vector_store_idx %arg13[%add3A_310, %broadcast_in_dim3A_317], %get3A_315 : memref<1024x8xf32, #tpu.memory_space<vmem>>[vector<16xi32>, vector<16xi32>], vector<16xf32>,
      %mul3A_318 = arith.constant 16 : i32
      %mul3A_319 = arith.muli %scan3A_306, %mul3A_318 : i32
      %get3A_320 = arith.constant 1 : i32
      %get3A_321 = arith.index_cast %get3A_320 : i32 to index
      %get3A_322 = arith.index_cast %mul3A_319 : i32 to index
      %get3A_323 = tpu.vector_load %arg12[%get3A_321, %get3A_322] {strides = array<i32>} : memref<6x1024xf32, #tpu.memory_space<vmem>>, vector<16xf32>,
      %broadcast_in_dim3A_324 = arith.constant 1 : i32
      %broadcast_in_dim3A_325 = vector.broadcast %broadcast_in_dim3A_324 : i32 to vector<16xi32>
      tpu.vector_store_idx %arg13[%add3A_310, %broadcast_in_dim3A_325], %get3A_323 : memref<1024x8xf32, #tpu.memory_space<vmem>>[vector<16xi32>, vector<16xi32>], vector<16xf32>,
      %mul3A_326 = arith.constant 16 : i32
      %mul3A_327 = arith.muli %scan3A_306, %mul3A_326 : i32
      %get3A_328 = arith.constant 2 : i32
      %get3A_329 = arith.index_cast %get3A_328 : i32 to index
      %get3A_330 = arith.index_cast %mul3A_327 : i32 to index
      %get3A_331 = tpu.vector_load %arg12[%get3A_329, %get3A_330] {strides = array<i32>} : memref<6x1024xf32, #tpu.memory_space<vmem>>, vector<16xf32>,
      %broadcast_in_dim3A_332 = arith.constant 2 : i32
      %broadcast_in_dim3A_333 = vector.broadcast %broadcast_in_dim3A_332 : i32 to vector<16xi32>
      tpu.vector_store_idx %arg13[%add3A_310, %broadcast_in_dim3A_333], %get3A_331 : memref<1024x8xf32, #tpu.memory_space<vmem>>[vector<16xi32>, vector<16xi32>], vector<16xf32>,
      %mul3A_334 = arith.constant 16 : i32
      %mul3A_335 = arith.muli %scan3A_306, %mul3A_334 : i32
      %get3A_336 = arith.constant 3 : i32
      %get3A_337 = arith.index_cast %get3A_336 : i32 to index
      %get3A_338 = arith.index_cast %mul3A_335 : i32 to index
      %get3A_339 = tpu.vector_load %arg12[%get3A_337, %get3A_338] {strides = array<i32>} : memref<6x1024xf32, #tpu.memory_space<vmem>>, vector<16xf32>,
      %broadcast_in_dim3A_340 = arith.constant 3 : i32
      %broadcast_in_dim3A_341 = vector.broadcast %broadcast_in_dim3A_340 : i32 to vector<16xi32>
      tpu.vector_store_idx %arg13[%add3A_310, %broadcast_in_dim3A_341], %get3A_339 : memref<1024x8xf32, #tpu.memory_space<vmem>>[vector<16xi32>, vector<16xi32>], vector<16xf32>,
      %mul3A_342 = arith.constant 16 : i32
      %mul3A_343 = arith.muli %scan3A_306, %mul3A_342 : i32
      %get3A_344 = arith.constant 4 : i32
      %get3A_345 = arith.index_cast %get3A_344 : i32 to index
      %get3A_346 = arith.index_cast %mul3A_343 : i32 to index
      %get3A_347 = tpu.vector_load %arg12[%get3A_345, %get3A_346] {strides = array<i32>} : memref<6x1024xf32, #tpu.memory_space<vmem>>, vector<16xf32>,
      %broadcast_in_dim3A_348 = arith.constant 4 : i32
      %broadcast_in_dim3A_349 = vector.broadcast %broadcast_in_dim3A_348 : i32 to vector<16xi32>
      tpu.vector_store_idx %arg13[%add3A_310, %broadcast_in_dim3A_349], %get3A_347 : memref<1024x8xf32, #tpu.memory_space<vmem>>[vector<16xi32>, vector<16xi32>], vector<16xf32>,
      %mul3A_350 = arith.constant 16 : i32
      %mul3A_351 = arith.muli %scan3A_306, %mul3A_350 : i32
      %get3A_352 = arith.constant 5 : i32
      %get3A_353 = arith.index_cast %get3A_352 : i32 to index
      %get3A_354 = arith.index_cast %mul3A_351 : i32 to index
      %get3A_355 = tpu.vector_load %arg12[%get3A_353, %get3A_354] {strides = array<i32>} : memref<6x1024xf32, #tpu.memory_space<vmem>>, vector<16xf32>,
      %broadcast_in_dim3A_356 = arith.constant 5 : i32
      %broadcast_in_dim3A_357 = vector.broadcast %broadcast_in_dim3A_356 : i32 to vector<16xi32>
      tpu.vector_store_idx %arg13[%add3A_310, %broadcast_in_dim3A_357], %get3A_355 : memref<1024x8xf32, #tpu.memory_space<vmem>>[vector<16xi32>, vector<16xi32>], vector<16xf32>,
      %add3A_358 = arith.constant 294912 : i32
      %add3A_359 = arith.addi %add3A_358, %mul3A_19 : i32
      %mul3A_360 = arith.constant 16 : i32
      %mul3A_361 = arith.muli %scan3A_306, %mul3A_360 : i32
      %add3A_362 = arith.addi %add3A_359, %mul3A_361 : i32
      %add3A_363 = vector.broadcast %add3A_362 : i32 to vector<16xi32>
      %add3A_364 = arith.addi %add3A_363, %iota3A : vector<16xi32>
      %lt3A = arith.constant 320000 : i32
      %lt3A_365 = vector.broadcast %lt3A : i32 to vector<16xi32>
      %lt3A_366 = arith.cmpi slt, %add3A_364, %lt3A_365 : vector<16xi32>
      %jit3A = arith.constant 1.000000e+00 : f32
      %jit3A_367 = arith.constant 0.000000e+00 : f32
      %broadcast_in_dim3A_368 = vector.broadcast %jit3A : f32 to vector<16xf32>
      %broadcast_in_dim3A_369 = vector.broadcast %jit3A_367 : f32 to vector<16xf32>
      %select_n3A = arith.select %lt3A_366, %broadcast_in_dim3A_368, %broadcast_in_dim3A_369 : vector<16xi1>, vector<16xf32>
      %broadcast_in_dim3A_370 = arith.constant 6 : i32
      %broadcast_in_dim3A_371 = vector.broadcast %broadcast_in_dim3A_370 : i32 to vector<16xi32>
      tpu.vector_store_idx %arg13[%add3A_310, %broadcast_in_dim3A_371], %select_n3A : memref<1024x8xf32, #tpu.memory_space<vmem>>[vector<16xi32>, vector<16xi32>], vector<16xf32>,
    }
    %scan3A_139 = arith.constant 64 : i32
    %dma_start3A_140 = arith.constant 0 : i32
    %dma_start3A_141 = arith.constant 0 : i32
    %dma_start3A_142 = arith.constant 0 : i32
    %dma_start3A_143 = tpu.memref_slice %arg13[%dma_start3A_141, %dma_start3A_142] : memref<1024x8xf32, #tpu.memory_space<vmem>> -> memref<128x8xf32, #tpu.memory_space<vmem>>
    %dma_start3A_144 = arith.constant 0 : i32
    %dma_start3A_145 = tpu.memref_slice %arg11[%dma_start3A_140, %dma_start3A_144] : memref<8x128xi32, #tpu.memory_space<vmem>> -> memref<1x128xi32, #tpu.memory_space<vmem>>
    %dma_start3A_146 = tpu.memref_squeeze %dma_start3A_145 : memref<1x128xi32, #tpu.memory_space<vmem>> -> memref<128xi32, #tpu.memory_space<vmem>>
    %dma_start3A_147 = arith.constant 0 : i32
    %dma_start3A_148 = arith.constant 0 : i32
    %dma_start3A_149 = tpu.memref_slice %arg14[%dma_start3A_147, %dma_start3A_148] : memref<10240x8xf32, #tpu.memory_space<vmem_shared>> -> memref<10240x8xf32, #tpu.memory_space<vmem_shared>>
    tpu.enqueue_indirect_dma source(%dma_start3A_143 : memref<128x8xf32, #tpu.memory_space<vmem>>) target(%dma_start3A_149 : memref<10240x8xf32, #tpu.memory_space<vmem_shared>>) offsets(%dma_start3A_146 : memref<128xi32, #tpu.memory_space<vmem>>) semaphore(%arg15 : memref<!tpu.dma_semaphore, #tpu.memory_space<semaphore_mem>>) {add = true}
    %dma_start3A_150 = arith.constant 1 : i32
    %dma_start3A_151 = arith.constant 128 : i32
    %dma_start3A_152 = arith.constant 0 : i32
    %dma_start3A_153 = tpu.memref_slice %arg13[%dma_start3A_151, %dma_start3A_152] : memref<1024x8xf32, #tpu.memory_space<vmem>> -> memref<128x8xf32, #tpu.memory_space<vmem>>
    %dma_start3A_154 = arith.constant 0 : i32
    %dma_start3A_155 = tpu.memref_slice %arg11[%dma_start3A_150, %dma_start3A_154] : memref<8x128xi32, #tpu.memory_space<vmem>> -> memref<1x128xi32, #tpu.memory_space<vmem>>
    %dma_start3A_156 = tpu.memref_squeeze %dma_start3A_155 : memref<1x128xi32, #tpu.memory_space<vmem>> -> memref<128xi32, #tpu.memory_space<vmem>>
    %dma_start3A_157 = arith.constant 0 : i32
    %dma_start3A_158 = arith.constant 0 : i32
    %dma_start3A_159 = tpu.memref_slice %arg14[%dma_start3A_157, %dma_start3A_158] : memref<10240x8xf32, #tpu.memory_space<vmem_shared>> -> memref<10240x8xf32, #tpu.memory_space<vmem_shared>>
    tpu.enqueue_indirect_dma source(%dma_start3A_153 : memref<128x8xf32, #tpu.memory_space<vmem>>) target(%dma_start3A_159 : memref<10240x8xf32, #tpu.memory_space<vmem_shared>>) offsets(%dma_start3A_156 : memref<128xi32, #tpu.memory_space<vmem>>) semaphore(%arg15 : memref<!tpu.dma_semaphore, #tpu.memory_space<semaphore_mem>>) {add = true}
    %dma_start3A_160 = arith.constant 2 : i32
    %dma_start3A_161 = arith.constant 256 : i32
    %dma_start3A_162 = arith.constant 0 : i32
    %dma_start3A_163 = tpu.memref_slice %arg13[%dma_start3A_161, %dma_start3A_162] : memref<1024x8xf32, #tpu.memory_space<vmem>> -> memref<128x8xf32, #tpu.memory_space<vmem>>
    %dma_start3A_164 = arith.constant 0 : i32
    %dma_start3A_165 = tpu.memref_slice %arg11[%dma_start3A_160, %dma_start3A_164] : memref<8x128xi32, #tpu.memory_space<vmem>> -> memref<1x128xi32, #tpu.memory_space<vmem>>
    %dma_start3A_166 = tpu.memref_squeeze %dma_start3A_165 : memref<1x128xi32, #tpu.memory_space<vmem>> -> memref<128xi32, #tpu.memory_space<vmem>>
    %dma_start3A_167 = arith.constant 0 : i32
    %dma_start3A_168 = arith.constant 0 : i32
    %dma_start3A_169 = tpu.memref_slice %arg14[%dma_start3A_167, %dma_start3A_168] : memref<10240x8xf32, #tpu.memory_space<vmem_shared>> -> memref<10240x8xf32, #tpu.memory_space<vmem_shared>>
    tpu.enqueue_indirect_dma source(%dma_start3A_163 : memref<128x8xf32, #tpu.memory_space<vmem>>) target(%dma_start3A_169 : memref<10240x8xf32, #tpu.memory_space<vmem_shared>>) offsets(%dma_start3A_166 : memref<128xi32, #tpu.memory_space<vmem>>) semaphore(%arg15 : memref<!tpu.dma_semaphore, #tpu.memory_space<semaphore_mem>>) {add = true}
    %dma_start3A_170 = arith.constant 3 : i32
    %dma_start3A_171 = arith.constant 384 : i32
    %dma_start3A_172 = arith.constant 0 : i32
    %dma_start3A_173 = tpu.memref_slice %arg13[%dma_start3A_171, %dma_start3A_172] : memref<1024x8xf32, #tpu.memory_space<vmem>> -> memref<128x8xf32, #tpu.memory_space<vmem>>
    %dma_start3A_174 = arith.constant 0 : i32
    %dma_start3A_175 = tpu.memref_slice %arg11[%dma_start3A_170, %dma_start3A_174] : memref<8x128xi32, #tpu.memory_space<vmem>> -> memref<1x128xi32, #tpu.memory_space<vmem>>
    %dma_start3A_176 = tpu.memref_squeeze %dma_start3A_175 : memref<1x128xi32, #tpu.memory_space<vmem>> -> memref<128xi32, #tpu.memory_space<vmem>>
    %dma_start3A_177 = arith.constant 0 : i32
    %dma_start3A_178 = arith.constant 0 : i32
    %dma_start3A_179 = tpu.memref_slice %arg14[%dma_start3A_177, %dma_start3A_178] : memref<10240x8xf32, #tpu.memory_space<vmem_shared>> -> memref<10240x8xf32, #tpu.memory_space<vmem_shared>>
    tpu.enqueue_indirect_dma source(%dma_start3A_173 : memref<128x8xf32, #tpu.memory_space<vmem>>) target(%dma_start3A_179 : memref<10240x8xf32, #tpu.memory_space<vmem_shared>>) offsets(%dma_start3A_176 : memref<128xi32, #tpu.memory_space<vmem>>) semaphore(%arg15 : memref<!tpu.dma_semaphore, #tpu.memory_space<semaphore_mem>>) {add = true}
    %dma_start3A_180 = arith.constant 4 : i32
    %dma_start3A_181 = arith.constant 512 : i32
    %dma_start3A_182 = arith.constant 0 : i32
    %dma_start3A_183 = tpu.memref_slice %arg13[%dma_start3A_181, %dma_start3A_182] : memref<1024x8xf32, #tpu.memory_space<vmem>> -> memref<128x8xf32, #tpu.memory_space<vmem>>
    %dma_start3A_184 = arith.constant 0 : i32
    %dma_start3A_185 = tpu.memref_slice %arg11[%dma_start3A_180, %dma_start3A_184] : memref<8x128xi32, #tpu.memory_space<vmem>> -> memref<1x128xi32, #tpu.memory_space<vmem>>
    %dma_start3A_186 = tpu.memref_squeeze %dma_start3A_185 : memref<1x128xi32, #tpu.memory_space<vmem>> -> memref<128xi32, #tpu.memory_space<vmem>>
    %dma_start3A_187 = arith.constant 0 : i32
    %dma_start3A_188 = arith.constant 0 : i32
    %dma_start3A_189 = tpu.memref_slice %arg14[%dma_start3A_187, %dma_start3A_188] : memref<10240x8xf32, #tpu.memory_space<vmem_shared>> -> memref<10240x8xf32, #tpu.memory_space<vmem_shared>>
    tpu.enqueue_indirect_dma source(%dma_start3A_183 : memref<128x8xf32, #tpu.memory_space<vmem>>) target(%dma_start3A_189 : memref<10240x8xf32, #tpu.memory_space<vmem_shared>>) offsets(%dma_start3A_186 : memref<128xi32, #tpu.memory_space<vmem>>) semaphore(%arg15 : memref<!tpu.dma_semaphore, #tpu.memory_space<semaphore_mem>>) {add = true}
    %dma_start3A_190 = arith.constant 5 : i32
    %dma_start3A_191 = arith.constant 640 : i32
    %dma_start3A_192 = arith.constant 0 : i32
    %dma_start3A_193 = tpu.memref_slice %arg13[%dma_start3A_191, %dma_start3A_192] : memref<1024x8xf32, #tpu.memory_space<vmem>> -> memref<128x8xf32, #tpu.memory_space<vmem>>
    %dma_start3A_194 = arith.constant 0 : i32
    %dma_start3A_195 = tpu.memref_slice %arg11[%dma_start3A_190, %dma_start3A_194] : memref<8x128xi32, #tpu.memory_space<vmem>> -> memref<1x128xi32, #tpu.memory_space<vmem>>
    %dma_start3A_196 = tpu.memref_squeeze %dma_start3A_195 : memref<1x128xi32, #tpu.memory_space<vmem>> -> memref<128xi32, #tpu.memory_space<vmem>>
    %dma_start3A_197 = arith.constant 0 : i32
    %dma_start3A_198 = arith.constant 0 : i32
    %dma_start3A_199 = tpu.memref_slice %arg14[%dma_start3A_197, %dma_start3A_198] : memref<10240x8xf32, #tpu.memory_space<vmem_shared>> -> memref<10240x8xf32, #tpu.memory_space<vmem_shared>>
    tpu.enqueue_indirect_dma source(%dma_start3A_193 : memref<128x8xf32, #tpu.memory_space<vmem>>) target(%dma_start3A_199 : memref<10240x8xf32, #tpu.memory_space<vmem_shared>>) offsets(%dma_start3A_196 : memref<128xi32, #tpu.memory_space<vmem>>) semaphore(%arg15 : memref<!tpu.dma_semaphore, #tpu.memory_space<semaphore_mem>>) {add = true}
    %dma_start3A_200 = arith.constant 6 : i32
    %dma_start3A_201 = arith.constant 768 : i32
    %dma_start3A_202 = arith.constant 0 : i32
    %dma_start3A_203 = tpu.memref_slice %arg13[%dma_start3A_201, %dma_start3A_202] : memref<1024x8xf32, #tpu.memory_space<vmem>> -> memref<128x8xf32, #tpu.memory_space<vmem>>
    %dma_start3A_204 = arith.constant 0 : i32
    %dma_start3A_205 = tpu.memref_slice %arg11[%dma_start3A_200, %dma_start3A_204] : memref<8x128xi32, #tpu.memory_space<vmem>> -> memref<1x128xi32, #tpu.memory_space<vmem>>
    %dma_start3A_206 = tpu.memref_squeeze %dma_start3A_205 : memref<1x128xi32, #tpu.memory_space<vmem>> -> memref<128xi32, #tpu.memory_space<vmem>>
    %dma_start3A_207 = arith.constant 0 : i32
    %dma_start3A_208 = arith.constant 0 : i32
    %dma_start3A_209 = tpu.memref_slice %arg14[%dma_start3A_207, %dma_start3A_208] : memref<10240x8xf32, #tpu.memory_space<vmem_shared>> -> memref<10240x8xf32, #tpu.memory_space<vmem_shared>>
    tpu.enqueue_indirect_dma source(%dma_start3A_203 : memref<128x8xf32, #tpu.memory_space<vmem>>) target(%dma_start3A_209 : memref<10240x8xf32, #tpu.memory_space<vmem_shared>>) offsets(%dma_start3A_206 : memref<128xi32, #tpu.memory_space<vmem>>) semaphore(%arg15 : memref<!tpu.dma_semaphore, #tpu.memory_space<semaphore_mem>>) {add = true}
    %dma_start3A_210 = arith.constant 7 : i32
    %dma_start3A_211 = arith.constant 896 : i32
    %dma_start3A_212 = arith.constant 0 : i32
    %dma_start3A_213 = tpu.memref_slice %arg13[%dma_start3A_211, %dma_start3A_212] : memref<1024x8xf32, #tpu.memory_space<vmem>> -> memref<128x8xf32, #tpu.memory_space<vmem>>
    %dma_start3A_214 = arith.constant 0 : i32
    %dma_start3A_215 = tpu.memref_slice %arg11[%dma_start3A_210, %dma_start3A_214] : memref<8x128xi32, #tpu.memory_space<vmem>> -> memref<1x128xi32, #tpu.memory_space<vmem>>
    %dma_start3A_216 = tpu.memref_squeeze %dma_start3A_215 : memref<1x128xi32, #tpu.memory_space<vmem>> -> memref<128xi32, #tpu.memory_space<vmem>>
    %dma_start3A_217 = arith.constant 0 : i32
    %dma_start3A_218 = arith.constant 0 : i32
    %dma_start3A_219 = tpu.memref_slice %arg14[%dma_start3A_217, %dma_start3A_218] : memref<10240x8xf32, #tpu.memory_space<vmem_shared>> -> memref<10240x8xf32, #tpu.memory_space<vmem_shared>>
    tpu.enqueue_indirect_dma source(%dma_start3A_213 : memref<128x8xf32, #tpu.memory_space<vmem>>) target(%dma_start3A_219 : memref<10240x8xf32, #tpu.memory_space<vmem_shared>>) offsets(%dma_start3A_216 : memref<128xi32, #tpu.memory_space<vmem>>) semaphore(%arg15 : memref<!tpu.dma_semaphore, #tpu.memory_space<semaphore_mem>>) {add = true}
    %dma_wait3A_220 = arith.constant 0 : i32
    %dma_wait3A_221 = arith.constant 0 : i32
    %dma_wait3A_222 = arith.constant 0 : i32
    %dma_wait3A_223 = tpu.memref_slice %arg13[%dma_wait3A_221, %dma_wait3A_222] : memref<1024x8xf32, #tpu.memory_space<vmem>> -> memref<128x8xf32, #tpu.memory_space<vmem>>
    %dma_wait3A_224 = arith.constant 0 : i32
    %dma_wait3A_225 = tpu.memref_slice %arg11[%dma_wait3A_220, %dma_wait3A_224] : memref<8x128xi32, #tpu.memory_space<vmem>> -> memref<1x128xi32, #tpu.memory_space<vmem>>
    %dma_wait3A_226 = tpu.memref_squeeze %dma_wait3A_225 : memref<1x128xi32, #tpu.memory_space<vmem>> -> memref<128xi32, #tpu.memory_space<vmem>>
    %dma_wait3A_227 = arith.constant 0 : i32
    %dma_wait3A_228 = arith.constant 0 : i32
    %dma_wait3A_229 = tpu.memref_slice %arg14[%dma_wait3A_227, %dma_wait3A_228] : memref<10240x8xf32, #tpu.memory_space<vmem_shared>> -> memref<10240x8xf32, #tpu.memory_space<vmem_shared>>
    tpu.wait_indirect_dma semaphore(%arg15 : memref<!tpu.dma_semaphore, #tpu.memory_space<semaphore_mem>>) src(%dma_wait3A_223 : memref<128x8xf32, #tpu.memory_space<vmem>>) dst(%dma_wait3A_229 : memref<10240x8xf32, #tpu.memory_space<vmem_shared>>)
    %dma_wait3A_230 = arith.constant 1 : i32
    %dma_wait3A_231 = arith.constant 128 : i32
    %dma_wait3A_232 = arith.constant 0 : i32
    %dma_wait3A_233 = tpu.memref_slice %arg13[%dma_wait3A_231, %dma_wait3A_232] : memref<1024x8xf32, #tpu.memory_space<vmem>> -> memref<128x8xf32, #tpu.memory_space<vmem>>
    %dma_wait3A_234 = arith.constant 0 : i32
    %dma_wait3A_235 = tpu.memref_slice %arg11[%dma_wait3A_230, %dma_wait3A_234] : memref<8x128xi32, #tpu.memory_space<vmem>> -> memref<1x128xi32, #tpu.memory_space<vmem>>
    %dma_wait3A_236 = tpu.memref_squeeze %dma_wait3A_235 : memref<1x128xi32, #tpu.memory_space<vmem>> -> memref<128xi32, #tpu.memory_space<vmem>>
    %dma_wait3A_237 = arith.constant 0 : i32
    %dma_wait3A_238 = arith.constant 0 : i32
    %dma_wait3A_239 = tpu.memref_slice %arg14[%dma_wait3A_237, %dma_wait3A_238] : memref<10240x8xf32, #tpu.memory_space<vmem_shared>> -> memref<10240x8xf32, #tpu.memory_space<vmem_shared>>
    tpu.wait_indirect_dma semaphore(%arg15 : memref<!tpu.dma_semaphore, #tpu.memory_space<semaphore_mem>>) src(%dma_wait3A_233 : memref<128x8xf32, #tpu.memory_space<vmem>>) dst(%dma_wait3A_239 : memref<10240x8xf32, #tpu.memory_space<vmem_shared>>)
    %dma_wait3A_240 = arith.constant 2 : i32
    %dma_wait3A_241 = arith.constant 256 : i32
    %dma_wait3A_242 = arith.constant 0 : i32
    %dma_wait3A_243 = tpu.memref_slice %arg13[%dma_wait3A_241, %dma_wait3A_242] : memref<1024x8xf32, #tpu.memory_space<vmem>> -> memref<128x8xf32, #tpu.memory_space<vmem>>
    %dma_wait3A_244 = arith.constant 0 : i32
    %dma_wait3A_245 = tpu.memref_slice %arg11[%dma_wait3A_240, %dma_wait3A_244] : memref<8x128xi32, #tpu.memory_space<vmem>> -> memref<1x128xi32, #tpu.memory_space<vmem>>
    %dma_wait3A_246 = tpu.memref_squeeze %dma_wait3A_245 : memref<1x128xi32, #tpu.memory_space<vmem>> -> memref<128xi32, #tpu.memory_space<vmem>>
    %dma_wait3A_247 = arith.constant 0 : i32
    %dma_wait3A_248 = arith.constant 0 : i32
    %dma_wait3A_249 = tpu.memref_slice %arg14[%dma_wait3A_247, %dma_wait3A_248] : memref<10240x8xf32, #tpu.memory_space<vmem_shared>> -> memref<10240x8xf32, #tpu.memory_space<vmem_shared>>
    tpu.wait_indirect_dma semaphore(%arg15 : memref<!tpu.dma_semaphore, #tpu.memory_space<semaphore_mem>>) src(%dma_wait3A_243 : memref<128x8xf32, #tpu.memory_space<vmem>>) dst(%dma_wait3A_249 : memref<10240x8xf32, #tpu.memory_space<vmem_shared>>)
    %dma_wait3A_250 = arith.constant 3 : i32
    %dma_wait3A_251 = arith.constant 384 : i32
    %dma_wait3A_252 = arith.constant 0 : i32
    %dma_wait3A_253 = tpu.memref_slice %arg13[%dma_wait3A_251, %dma_wait3A_252] : memref<1024x8xf32, #tpu.memory_space<vmem>> -> memref<128x8xf32, #tpu.memory_space<vmem>>
    %dma_wait3A_254 = arith.constant 0 : i32
    %dma_wait3A_255 = tpu.memref_slice %arg11[%dma_wait3A_250, %dma_wait3A_254] : memref<8x128xi32, #tpu.memory_space<vmem>> -> memref<1x128xi32, #tpu.memory_space<vmem>>
    %dma_wait3A_256 = tpu.memref_squeeze %dma_wait3A_255 : memref<1x128xi32, #tpu.memory_space<vmem>> -> memref<128xi32, #tpu.memory_space<vmem>>
    %dma_wait3A_257 = arith.constant 0 : i32
    %dma_wait3A_258 = arith.constant 0 : i32
    %dma_wait3A_259 = tpu.memref_slice %arg14[%dma_wait3A_257, %dma_wait3A_258] : memref<10240x8xf32, #tpu.memory_space<vmem_shared>> -> memref<10240x8xf32, #tpu.memory_space<vmem_shared>>
    tpu.wait_indirect_dma semaphore(%arg15 : memref<!tpu.dma_semaphore, #tpu.memory_space<semaphore_mem>>) src(%dma_wait3A_253 : memref<128x8xf32, #tpu.memory_space<vmem>>) dst(%dma_wait3A_259 : memref<10240x8xf32, #tpu.memory_space<vmem_shared>>)
    %dma_wait3A_260 = arith.constant 4 : i32
    %dma_wait3A_261 = arith.constant 512 : i32
    %dma_wait3A_262 = arith.constant 0 : i32
    %dma_wait3A_263 = tpu.memref_slice %arg13[%dma_wait3A_261, %dma_wait3A_262] : memref<1024x8xf32, #tpu.memory_space<vmem>> -> memref<128x8xf32, #tpu.memory_space<vmem>>
    %dma_wait3A_264 = arith.constant 0 : i32
    %dma_wait3A_265 = tpu.memref_slice %arg11[%dma_wait3A_260, %dma_wait3A_264] : memref<8x128xi32, #tpu.memory_space<vmem>> -> memref<1x128xi32, #tpu.memory_space<vmem>>
    %dma_wait3A_266 = tpu.memref_squeeze %dma_wait3A_265 : memref<1x128xi32, #tpu.memory_space<vmem>> -> memref<128xi32, #tpu.memory_space<vmem>>
    %dma_wait3A_267 = arith.constant 0 : i32
    %dma_wait3A_268 = arith.constant 0 : i32
    %dma_wait3A_269 = tpu.memref_slice %arg14[%dma_wait3A_267, %dma_wait3A_268] : memref<10240x8xf32, #tpu.memory_space<vmem_shared>> -> memref<10240x8xf32, #tpu.memory_space<vmem_shared>>
    tpu.wait_indirect_dma semaphore(%arg15 : memref<!tpu.dma_semaphore, #tpu.memory_space<semaphore_mem>>) src(%dma_wait3A_263 : memref<128x8xf32, #tpu.memory_space<vmem>>) dst(%dma_wait3A_269 : memref<10240x8xf32, #tpu.memory_space<vmem_shared>>)
    %dma_wait3A_270 = arith.constant 5 : i32
    %dma_wait3A_271 = arith.constant 640 : i32
    %dma_wait3A_272 = arith.constant 0 : i32
    %dma_wait3A_273 = tpu.memref_slice %arg13[%dma_wait3A_271, %dma_wait3A_272] : memref<1024x8xf32, #tpu.memory_space<vmem>> -> memref<128x8xf32, #tpu.memory_space<vmem>>
    %dma_wait3A_274 = arith.constant 0 : i32
    %dma_wait3A_275 = tpu.memref_slice %arg11[%dma_wait3A_270, %dma_wait3A_274] : memref<8x128xi32, #tpu.memory_space<vmem>> -> memref<1x128xi32, #tpu.memory_space<vmem>>
    %dma_wait3A_276 = tpu.memref_squeeze %dma_wait3A_275 : memref<1x128xi32, #tpu.memory_space<vmem>> -> memref<128xi32, #tpu.memory_space<vmem>>
    %dma_wait3A_277 = arith.constant 0 : i32
    %dma_wait3A_278 = arith.constant 0 : i32
    %dma_wait3A_279 = tpu.memref_slice %arg14[%dma_wait3A_277, %dma_wait3A_278] : memref<10240x8xf32, #tpu.memory_space<vmem_shared>> -> memref<10240x8xf32, #tpu.memory_space<vmem_shared>>
    tpu.wait_indirect_dma semaphore(%arg15 : memref<!tpu.dma_semaphore, #tpu.memory_space<semaphore_mem>>) src(%dma_wait3A_273 : memref<128x8xf32, #tpu.memory_space<vmem>>) dst(%dma_wait3A_279 : memref<10240x8xf32, #tpu.memory_space<vmem_shared>>)
    %dma_wait3A_280 = arith.constant 6 : i32
    %dma_wait3A_281 = arith.constant 768 : i32
    %dma_wait3A_282 = arith.constant 0 : i32
    %dma_wait3A_283 = tpu.memref_slice %arg13[%dma_wait3A_281, %dma_wait3A_282] : memref<1024x8xf32, #tpu.memory_space<vmem>> -> memref<128x8xf32, #tpu.memory_space<vmem>>
    %dma_wait3A_284 = arith.constant 0 : i32
    %dma_wait3A_285 = tpu.memref_slice %arg11[%dma_wait3A_280, %dma_wait3A_284] : memref<8x128xi32, #tpu.memory_space<vmem>> -> memref<1x128xi32, #tpu.memory_space<vmem>>
    %dma_wait3A_286 = tpu.memref_squeeze %dma_wait3A_285 : memref<1x128xi32, #tpu.memory_space<vmem>> -> memref<128xi32, #tpu.memory_space<vmem>>
    %dma_wait3A_287 = arith.constant 0 : i32
    %dma_wait3A_288 = arith.constant 0 : i32
    %dma_wait3A_289 = tpu.memref_slice %arg14[%dma_wait3A_287, %dma_wait3A_288] : memref<10240x8xf32, #tpu.memory_space<vmem_shared>> -> memref<10240x8xf32, #tpu.memory_space<vmem_shared>>
    tpu.wait_indirect_dma semaphore(%arg15 : memref<!tpu.dma_semaphore, #tpu.memory_space<semaphore_mem>>) src(%dma_wait3A_283 : memref<128x8xf32, #tpu.memory_space<vmem>>) dst(%dma_wait3A_289 : memref<10240x8xf32, #tpu.memory_space<vmem_shared>>)
    %dma_wait3A_290 = arith.constant 7 : i32
    %dma_wait3A_291 = arith.constant 896 : i32
    %dma_wait3A_292 = arith.constant 0 : i32
    %dma_wait3A_293 = tpu.memref_slice %arg13[%dma_wait3A_291, %dma_wait3A_292] : memref<1024x8xf32, #tpu.memory_space<vmem>> -> memref<128x8xf32, #tpu.memory_space<vmem>>
    %dma_wait3A_294 = arith.constant 0 : i32
    %dma_wait3A_295 = tpu.memref_slice %arg11[%dma_wait3A_290, %dma_wait3A_294] : memref<8x128xi32, #tpu.memory_space<vmem>> -> memref<1x128xi32, #tpu.memory_space<vmem>>
    %dma_wait3A_296 = tpu.memref_squeeze %dma_wait3A_295 : memref<1x128xi32, #tpu.memory_space<vmem>> -> memref<128xi32, #tpu.memory_space<vmem>>
    %dma_wait3A_297 = arith.constant 0 : i32
    %dma_wait3A_298 = arith.constant 0 : i32
    %dma_wait3A_299 = tpu.memref_slice %arg14[%dma_wait3A_297, %dma_wait3A_298] : memref<10240x8xf32, #tpu.memory_space<vmem_shared>> -> memref<10240x8xf32, #tpu.memory_space<vmem_shared>>
    tpu.wait_indirect_dma semaphore(%arg15 : memref<!tpu.dma_semaphore, #tpu.memory_space<semaphore_mem>>) src(%dma_wait3A_293 : memref<128x8xf32, #tpu.memory_space<vmem>>) dst(%dma_wait3A_299 : memref<10240x8xf32, #tpu.memory_space<vmem_shared>>)
    %scan3A_300 = arith.constant 1 : i32
    %barrier3A_301 = arith.constant 0 : index
    tpu.barrier barrier_id(%barrier3A_301)
    %mul3A_302 = arith.constant 640 : i32
    %mul3A_303 = arith.muli %arg1, %mul3A_302 : i32
    %mul3A_304 = arith.constant 640 : i32
    %mul3A_305 = arith.muli %arg1, %mul3A_304 : i32
    "tpu.region"() ({
      %run_scoped3A = tpu.sem_alloc : memref<!tpu.dma_semaphore, #tpu.memory_space<semaphore_mem>>
      %dma_start3A_306 = arith.constant 0 : i32
      %dma_start3A_307 = tpu.memref_slice %arg10[%arg0, %mul3A_305, %dma_start3A_306] : memref<2x10240x8xf32, #tpu.memory_space<hbm>> -> memref<1x640x8xf32, #tpu.memory_space<hbm>>
      %dma_start3A_308 = tpu.memref_squeeze %dma_start3A_307 : memref<1x640x8xf32, #tpu.memory_space<hbm>> -> memref<640x8xf32, #tpu.memory_space<hbm>>
      %dma_start3A_309 = arith.constant 0 : i32
      %dma_start3A_310 = tpu.memref_slice %arg14[%mul3A_303, %dma_start3A_309] : memref<10240x8xf32, #tpu.memory_space<vmem_shared>> -> memref<640x8xf32, #tpu.memory_space<vmem_shared>>
      tpu.enqueue_dma source(%dma_start3A_310 : memref<640x8xf32, #tpu.memory_space<vmem_shared>>) target(%dma_start3A_308 : memref<640x8xf32, #tpu.memory_space<hbm>>) target_semaphore(%run_scoped3A : memref<!tpu.dma_semaphore, #tpu.memory_space<semaphore_mem>>)
      %dma_wait3A_311 = arith.constant 0 : i32
      %dma_wait3A_312 = tpu.memref_slice %arg10[%arg0, %mul3A_305, %dma_wait3A_311] : memref<2x10240x8xf32, #tpu.memory_space<hbm>> -> memref<1x640x8xf32, #tpu.memory_space<hbm>>
      %dma_wait3A_313 = tpu.memref_squeeze %dma_wait3A_312 : memref<1x640x8xf32, #tpu.memory_space<hbm>> -> memref<640x8xf32, #tpu.memory_space<hbm>>
      %dma_wait3A_314 = arith.constant 0 : i32
      %dma_wait3A_315 = tpu.memref_slice %arg14[%mul3A_303, %dma_wait3A_314] : memref<10240x8xf32, #tpu.memory_space<vmem_shared>> -> memref<640x8xf32, #tpu.memory_space<vmem_shared>>
      tpu.wait_dma2 semaphore(%run_scoped3A : memref<!tpu.dma_semaphore, #tpu.memory_space<semaphore_mem>>) src(%dma_wait3A_315 : memref<640x8xf32, #tpu.memory_space<vmem_shared>>) dst(%dma_wait3A_313 : memref<640x8xf32, #tpu.memory_space<hbm>>)
      tpu.yield
    }) : () -> ()
    return
  }
}

#map = affine_map<(d0, d1) -> (0)>
#map1 = affine_map<(d0, d1) -> (0, 0, 0)>
module attributes {stable_mosaic.version = 14 : i64} {
  func.func @_scfin_body(%arg0: i32, %arg1: i32, %arg2: memref<163840xf32, #tpu.memory_space<hbm>>, %arg3: memref<163840xf32, #tpu.memory_space<hbm>>, %arg4: memref<163840xf32, #tpu.memory_space<hbm>>, %arg5: memref<10240xi32, #tpu.memory_space<hbm>>, %arg6: memref<2x34x16xf32, #tpu.memory_space<hbm>>, %arg7: memref<2560xf32, #tpu.memory_space<vmem>>, %arg8: memref<5x2560xf32, #tpu.memory_space<vmem>>, %arg9: memref<320xi32, #tpu.memory_space<vmem>>, %arg10: memref<34x16xf32, #tpu.memory_space<vmem>>, %arg11: memref<16x34x16xf32, #tpu.memory_space<vmem>>, %arg12: memref<16x34x16xf32, #tpu.memory_space<vmem_shared>>, %arg13: memref<!tpu.dma_semaphore, #tpu.memory_space<semaphore_mem>>) attributes {dimension_semantics = [#tpu.dimension_semantics<core_parallel>, #tpu.dimension_semantics<subcore_parallel>], iteration_bounds = array<i64: 2, 16>, scalar_prefetch = 0 : i64, scratch_operands = 7 : i64, tpu.core_type = #tpu.core_type<sc_vector_subcore>, window_params = [{transform_indices = #map}, {transform_indices = #map}, {transform_indices = #map}, {transform_indices = #map}, {transform_indices = #map1}]} {
    %mul3A = arith.constant 16 : i32
    %mul3A_0 = arith.muli %arg0, %mul3A : i32
    %add3A = arith.addi %mul3A_0, %arg1 : i32
    %mul3A_1 = arith.constant 320 : i32
    %mul3A_2 = arith.muli %add3A, %mul3A_1 : i32
    %mul3A_3 = arith.constant 8 : i32
    %mul3A_4 = arith.muli %mul3A_2, %mul3A_3 : i32
    %dma_start3A = tpu.memref_slice %arg2[%mul3A_4] : memref<163840xf32, #tpu.memory_space<hbm>> -> memref<2560xf32, #tpu.memory_space<hbm>>
    %dma_start3A_5 = tpu.memref_slice %arg2[%mul3A_4] : memref<163840xf32, #tpu.memory_space<hbm>> -> memref<2560xf32, #tpu.memory_space<hbm>>
    tpu.enqueue_dma source(%dma_start3A_5 : memref<2560xf32, #tpu.memory_space<hbm>>) target(%arg7 : memref<2560xf32, #tpu.memory_space<vmem>>) target_semaphore(%arg13 : memref<!tpu.dma_semaphore, #tpu.memory_space<semaphore_mem>>)
    %add3A_6 = arith.constant 81920 : i32
    %add3A_7 = arith.addi %add3A_6, %mul3A_4 : i32
    %dma_start3A_8 = arith.constant 0 : i32
    %dma_start3A_9 = arith.constant 0 : i32
    %dma_start3A_10 = tpu.memref_slice %arg8[%dma_start3A_8, %dma_start3A_9] : memref<5x2560xf32, #tpu.memory_space<vmem>> -> memref<1x2560xf32, #tpu.memory_space<vmem>>
    %dma_start3A_11 = tpu.memref_squeeze %dma_start3A_10 : memref<1x2560xf32, #tpu.memory_space<vmem>> -> memref<2560xf32, #tpu.memory_space<vmem>>
    %dma_start3A_12 = tpu.memref_slice %arg2[%add3A_7] : memref<163840xf32, #tpu.memory_space<hbm>> -> memref<2560xf32, #tpu.memory_space<hbm>>
    %dma_start3A_13 = arith.constant 0 : i32
    %dma_start3A_14 = tpu.memref_slice %arg8[%dma_start3A_8, %dma_start3A_13] : memref<5x2560xf32, #tpu.memory_space<vmem>> -> memref<1x2560xf32, #tpu.memory_space<vmem>>
    %dma_start3A_15 = tpu.memref_squeeze %dma_start3A_14 : memref<1x2560xf32, #tpu.memory_space<vmem>> -> memref<2560xf32, #tpu.memory_space<vmem>>
    %dma_start3A_16 = tpu.memref_slice %arg2[%add3A_7] : memref<163840xf32, #tpu.memory_space<hbm>> -> memref<2560xf32, #tpu.memory_space<hbm>>
    tpu.enqueue_dma source(%dma_start3A_16 : memref<2560xf32, #tpu.memory_space<hbm>>) target(%dma_start3A_15 : memref<2560xf32, #tpu.memory_space<vmem>>) target_semaphore(%arg13 : memref<!tpu.dma_semaphore, #tpu.memory_space<semaphore_mem>>)
    %add3A_17 = arith.constant 0 : i32
    %add3A_18 = arith.addi %add3A_17, %mul3A_4 : i32
    %dma_start3A_19 = arith.constant 1 : i32
    %dma_start3A_20 = arith.constant 0 : i32
    %dma_start3A_21 = tpu.memref_slice %arg8[%dma_start3A_19, %dma_start3A_20] : memref<5x2560xf32, #tpu.memory_space<vmem>> -> memref<1x2560xf32, #tpu.memory_space<vmem>>
    %dma_start3A_22 = tpu.memref_squeeze %dma_start3A_21 : memref<1x2560xf32, #tpu.memory_space<vmem>> -> memref<2560xf32, #tpu.memory_space<vmem>>
    %dma_start3A_23 = tpu.memref_slice %arg3[%add3A_18] : memref<163840xf32, #tpu.memory_space<hbm>> -> memref<2560xf32, #tpu.memory_space<hbm>>
    %dma_start3A_24 = arith.constant 0 : i32
    %dma_start3A_25 = tpu.memref_slice %arg8[%dma_start3A_19, %dma_start3A_24] : memref<5x2560xf32, #tpu.memory_space<vmem>> -> memref<1x2560xf32, #tpu.memory_space<vmem>>
    %dma_start3A_26 = tpu.memref_squeeze %dma_start3A_25 : memref<1x2560xf32, #tpu.memory_space<vmem>> -> memref<2560xf32, #tpu.memory_space<vmem>>
    %dma_start3A_27 = tpu.memref_slice %arg3[%add3A_18] : memref<163840xf32, #tpu.memory_space<hbm>> -> memref<2560xf32, #tpu.memory_space<hbm>>
    tpu.enqueue_dma source(%dma_start3A_27 : memref<2560xf32, #tpu.memory_space<hbm>>) target(%dma_start3A_26 : memref<2560xf32, #tpu.memory_space<vmem>>) target_semaphore(%arg13 : memref<!tpu.dma_semaphore, #tpu.memory_space<semaphore_mem>>)
    %add3A_28 = arith.constant 81920 : i32
    %add3A_29 = arith.addi %add3A_28, %mul3A_4 : i32
    %dma_start3A_30 = arith.constant 2 : i32
    %dma_start3A_31 = arith.constant 0 : i32
    %dma_start3A_32 = tpu.memref_slice %arg8[%dma_start3A_30, %dma_start3A_31] : memref<5x2560xf32, #tpu.memory_space<vmem>> -> memref<1x2560xf32, #tpu.memory_space<vmem>>
    %dma_start3A_33 = tpu.memref_squeeze %dma_start3A_32 : memref<1x2560xf32, #tpu.memory_space<vmem>> -> memref<2560xf32, #tpu.memory_space<vmem>>
    %dma_start3A_34 = tpu.memref_slice %arg3[%add3A_29] : memref<163840xf32, #tpu.memory_space<hbm>> -> memref<2560xf32, #tpu.memory_space<hbm>>
    %dma_start3A_35 = arith.constant 0 : i32
    %dma_start3A_36 = tpu.memref_slice %arg8[%dma_start3A_30, %dma_start3A_35] : memref<5x2560xf32, #tpu.memory_space<vmem>> -> memref<1x2560xf32, #tpu.memory_space<vmem>>
    %dma_start3A_37 = tpu.memref_squeeze %dma_start3A_36 : memref<1x2560xf32, #tpu.memory_space<vmem>> -> memref<2560xf32, #tpu.memory_space<vmem>>
    %dma_start3A_38 = tpu.memref_slice %arg3[%add3A_29] : memref<163840xf32, #tpu.memory_space<hbm>> -> memref<2560xf32, #tpu.memory_space<hbm>>
    tpu.enqueue_dma source(%dma_start3A_38 : memref<2560xf32, #tpu.memory_space<hbm>>) target(%dma_start3A_37 : memref<2560xf32, #tpu.memory_space<vmem>>) target_semaphore(%arg13 : memref<!tpu.dma_semaphore, #tpu.memory_space<semaphore_mem>>)
    %add3A_39 = arith.constant 0 : i32
    %add3A_40 = arith.addi %add3A_39, %mul3A_4 : i32
    %dma_start3A_41 = arith.constant 3 : i32
    %dma_start3A_42 = arith.constant 0 : i32
    %dma_start3A_43 = tpu.memref_slice %arg8[%dma_start3A_41, %dma_start3A_42] : memref<5x2560xf32, #tpu.memory_space<vmem>> -> memref<1x2560xf32, #tpu.memory_space<vmem>>
    %dma_start3A_44 = tpu.memref_squeeze %dma_start3A_43 : memref<1x2560xf32, #tpu.memory_space<vmem>> -> memref<2560xf32, #tpu.memory_space<vmem>>
    %dma_start3A_45 = tpu.memref_slice %arg4[%add3A_40] : memref<163840xf32, #tpu.memory_space<hbm>> -> memref<2560xf32, #tpu.memory_space<hbm>>
    %dma_start3A_46 = arith.constant 0 : i32
    %dma_start3A_47 = tpu.memref_slice %arg8[%dma_start3A_41, %dma_start3A_46] : memref<5x2560xf32, #tpu.memory_space<vmem>> -> memref<1x2560xf32, #tpu.memory_space<vmem>>
    %dma_start3A_48 = tpu.memref_squeeze %dma_start3A_47 : memref<1x2560xf32, #tpu.memory_space<vmem>> -> memref<2560xf32, #tpu.memory_space<vmem>>
    %dma_start3A_49 = tpu.memref_slice %arg4[%add3A_40] : memref<163840xf32, #tpu.memory_space<hbm>> -> memref<2560xf32, #tpu.memory_space<hbm>>
    tpu.enqueue_dma source(%dma_start3A_49 : memref<2560xf32, #tpu.memory_space<hbm>>) target(%dma_start3A_48 : memref<2560xf32, #tpu.memory_space<vmem>>) target_semaphore(%arg13 : memref<!tpu.dma_semaphore, #tpu.memory_space<semaphore_mem>>)
    %add3A_50 = arith.constant 81920 : i32
    %add3A_51 = arith.addi %add3A_50, %mul3A_4 : i32
    %dma_start3A_52 = arith.constant 4 : i32
    %dma_start3A_53 = arith.constant 0 : i32
    %dma_start3A_54 = tpu.memref_slice %arg8[%dma_start3A_52, %dma_start3A_53] : memref<5x2560xf32, #tpu.memory_space<vmem>> -> memref<1x2560xf32, #tpu.memory_space<vmem>>
    %dma_start3A_55 = tpu.memref_squeeze %dma_start3A_54 : memref<1x2560xf32, #tpu.memory_space<vmem>> -> memref<2560xf32, #tpu.memory_space<vmem>>
    %dma_start3A_56 = tpu.memref_slice %arg4[%add3A_51] : memref<163840xf32, #tpu.memory_space<hbm>> -> memref<2560xf32, #tpu.memory_space<hbm>>
    %dma_start3A_57 = arith.constant 0 : i32
    %dma_start3A_58 = tpu.memref_slice %arg8[%dma_start3A_52, %dma_start3A_57] : memref<5x2560xf32, #tpu.memory_space<vmem>> -> memref<1x2560xf32, #tpu.memory_space<vmem>>
    %dma_start3A_59 = tpu.memref_squeeze %dma_start3A_58 : memref<1x2560xf32, #tpu.memory_space<vmem>> -> memref<2560xf32, #tpu.memory_space<vmem>>
    %dma_start3A_60 = tpu.memref_slice %arg4[%add3A_51] : memref<163840xf32, #tpu.memory_space<hbm>> -> memref<2560xf32, #tpu.memory_space<hbm>>
    tpu.enqueue_dma source(%dma_start3A_60 : memref<2560xf32, #tpu.memory_space<hbm>>) target(%dma_start3A_59 : memref<2560xf32, #tpu.memory_space<vmem>>) target_semaphore(%arg13 : memref<!tpu.dma_semaphore, #tpu.memory_space<semaphore_mem>>)
    %mul3A_61 = arith.constant 320 : i32
    %mul3A_62 = arith.muli %add3A, %mul3A_61 : i32
    %dma_start3A_63 = tpu.memref_slice %arg5[%mul3A_62] : memref<10240xi32, #tpu.memory_space<hbm>> -> memref<320xi32, #tpu.memory_space<hbm>>
    %dma_start3A_64 = tpu.memref_slice %arg5[%mul3A_62] : memref<10240xi32, #tpu.memory_space<hbm>> -> memref<320xi32, #tpu.memory_space<hbm>>
    tpu.enqueue_dma source(%dma_start3A_64 : memref<320xi32, #tpu.memory_space<hbm>>) target(%arg9 : memref<320xi32, #tpu.memory_space<vmem>>) target_semaphore(%arg13 : memref<!tpu.dma_semaphore, #tpu.memory_space<semaphore_mem>>)
    %dma_wait3A = tpu.memref_slice %arg2[%mul3A_4] : memref<163840xf32, #tpu.memory_space<hbm>> -> memref<2560xf32, #tpu.memory_space<hbm>>
    %dma_wait3A_65 = tpu.memref_slice %arg2[%mul3A_4] : memref<163840xf32, #tpu.memory_space<hbm>> -> memref<2560xf32, #tpu.memory_space<hbm>>
    tpu.wait_dma2 semaphore(%arg13 : memref<!tpu.dma_semaphore, #tpu.memory_space<semaphore_mem>>) src(%dma_wait3A_65 : memref<2560xf32, #tpu.memory_space<hbm>>) dst(%arg7 : memref<2560xf32, #tpu.memory_space<vmem>>)
    %dma_wait3A_66 = arith.constant 0 : i32
    %dma_wait3A_67 = arith.constant 0 : i32
    %dma_wait3A_68 = tpu.memref_slice %arg8[%dma_wait3A_66, %dma_wait3A_67] : memref<5x2560xf32, #tpu.memory_space<vmem>> -> memref<1x2560xf32, #tpu.memory_space<vmem>>
    %dma_wait3A_69 = tpu.memref_squeeze %dma_wait3A_68 : memref<1x2560xf32, #tpu.memory_space<vmem>> -> memref<2560xf32, #tpu.memory_space<vmem>>
    %dma_wait3A_70 = tpu.memref_slice %arg2[%add3A_7] : memref<163840xf32, #tpu.memory_space<hbm>> -> memref<2560xf32, #tpu.memory_space<hbm>>
    %dma_wait3A_71 = arith.constant 0 : i32
    %dma_wait3A_72 = tpu.memref_slice %arg8[%dma_wait3A_66, %dma_wait3A_71] : memref<5x2560xf32, #tpu.memory_space<vmem>> -> memref<1x2560xf32, #tpu.memory_space<vmem>>
    %dma_wait3A_73 = tpu.memref_squeeze %dma_wait3A_72 : memref<1x2560xf32, #tpu.memory_space<vmem>> -> memref<2560xf32, #tpu.memory_space<vmem>>
    %dma_wait3A_74 = tpu.memref_slice %arg2[%add3A_7] : memref<163840xf32, #tpu.memory_space<hbm>> -> memref<2560xf32, #tpu.memory_space<hbm>>
    tpu.wait_dma2 semaphore(%arg13 : memref<!tpu.dma_semaphore, #tpu.memory_space<semaphore_mem>>) src(%dma_wait3A_74 : memref<2560xf32, #tpu.memory_space<hbm>>) dst(%dma_wait3A_73 : memref<2560xf32, #tpu.memory_space<vmem>>)
    %dma_wait3A_75 = arith.constant 1 : i32
    %dma_wait3A_76 = arith.constant 0 : i32
    %dma_wait3A_77 = tpu.memref_slice %arg8[%dma_wait3A_75, %dma_wait3A_76] : memref<5x2560xf32, #tpu.memory_space<vmem>> -> memref<1x2560xf32, #tpu.memory_space<vmem>>
    %dma_wait3A_78 = tpu.memref_squeeze %dma_wait3A_77 : memref<1x2560xf32, #tpu.memory_space<vmem>> -> memref<2560xf32, #tpu.memory_space<vmem>>
    %dma_wait3A_79 = tpu.memref_slice %arg3[%add3A_18] : memref<163840xf32, #tpu.memory_space<hbm>> -> memref<2560xf32, #tpu.memory_space<hbm>>
    %dma_wait3A_80 = arith.constant 0 : i32
    %dma_wait3A_81 = tpu.memref_slice %arg8[%dma_wait3A_75, %dma_wait3A_80] : memref<5x2560xf32, #tpu.memory_space<vmem>> -> memref<1x2560xf32, #tpu.memory_space<vmem>>
    %dma_wait3A_82 = tpu.memref_squeeze %dma_wait3A_81 : memref<1x2560xf32, #tpu.memory_space<vmem>> -> memref<2560xf32, #tpu.memory_space<vmem>>
    %dma_wait3A_83 = tpu.memref_slice %arg3[%add3A_18] : memref<163840xf32, #tpu.memory_space<hbm>> -> memref<2560xf32, #tpu.memory_space<hbm>>
    tpu.wait_dma2 semaphore(%arg13 : memref<!tpu.dma_semaphore, #tpu.memory_space<semaphore_mem>>) src(%dma_wait3A_83 : memref<2560xf32, #tpu.memory_space<hbm>>) dst(%dma_wait3A_82 : memref<2560xf32, #tpu.memory_space<vmem>>)
    %dma_wait3A_84 = arith.constant 2 : i32
    %dma_wait3A_85 = arith.constant 0 : i32
    %dma_wait3A_86 = tpu.memref_slice %arg8[%dma_wait3A_84, %dma_wait3A_85] : memref<5x2560xf32, #tpu.memory_space<vmem>> -> memref<1x2560xf32, #tpu.memory_space<vmem>>
    %dma_wait3A_87 = tpu.memref_squeeze %dma_wait3A_86 : memref<1x2560xf32, #tpu.memory_space<vmem>> -> memref<2560xf32, #tpu.memory_space<vmem>>
    %dma_wait3A_88 = tpu.memref_slice %arg3[%add3A_29] : memref<163840xf32, #tpu.memory_space<hbm>> -> memref<2560xf32, #tpu.memory_space<hbm>>
    %dma_wait3A_89 = arith.constant 0 : i32
    %dma_wait3A_90 = tpu.memref_slice %arg8[%dma_wait3A_84, %dma_wait3A_89] : memref<5x2560xf32, #tpu.memory_space<vmem>> -> memref<1x2560xf32, #tpu.memory_space<vmem>>
    %dma_wait3A_91 = tpu.memref_squeeze %dma_wait3A_90 : memref<1x2560xf32, #tpu.memory_space<vmem>> -> memref<2560xf32, #tpu.memory_space<vmem>>
    %dma_wait3A_92 = tpu.memref_slice %arg3[%add3A_29] : memref<163840xf32, #tpu.memory_space<hbm>> -> memref<2560xf32, #tpu.memory_space<hbm>>
    tpu.wait_dma2 semaphore(%arg13 : memref<!tpu.dma_semaphore, #tpu.memory_space<semaphore_mem>>) src(%dma_wait3A_92 : memref<2560xf32, #tpu.memory_space<hbm>>) dst(%dma_wait3A_91 : memref<2560xf32, #tpu.memory_space<vmem>>)
    %dma_wait3A_93 = arith.constant 3 : i32
    %dma_wait3A_94 = arith.constant 0 : i32
    %dma_wait3A_95 = tpu.memref_slice %arg8[%dma_wait3A_93, %dma_wait3A_94] : memref<5x2560xf32, #tpu.memory_space<vmem>> -> memref<1x2560xf32, #tpu.memory_space<vmem>>
    %dma_wait3A_96 = tpu.memref_squeeze %dma_wait3A_95 : memref<1x2560xf32, #tpu.memory_space<vmem>> -> memref<2560xf32, #tpu.memory_space<vmem>>
    %dma_wait3A_97 = tpu.memref_slice %arg4[%add3A_40] : memref<163840xf32, #tpu.memory_space<hbm>> -> memref<2560xf32, #tpu.memory_space<hbm>>
    %dma_wait3A_98 = arith.constant 0 : i32
    %dma_wait3A_99 = tpu.memref_slice %arg8[%dma_wait3A_93, %dma_wait3A_98] : memref<5x2560xf32, #tpu.memory_space<vmem>> -> memref<1x2560xf32, #tpu.memory_space<vmem>>
    %dma_wait3A_100 = tpu.memref_squeeze %dma_wait3A_99 : memref<1x2560xf32, #tpu.memory_space<vmem>> -> memref<2560xf32, #tpu.memory_space<vmem>>
    %dma_wait3A_101 = tpu.memref_slice %arg4[%add3A_40] : memref<163840xf32, #tpu.memory_space<hbm>> -> memref<2560xf32, #tpu.memory_space<hbm>>
    tpu.wait_dma2 semaphore(%arg13 : memref<!tpu.dma_semaphore, #tpu.memory_space<semaphore_mem>>) src(%dma_wait3A_101 : memref<2560xf32, #tpu.memory_space<hbm>>) dst(%dma_wait3A_100 : memref<2560xf32, #tpu.memory_space<vmem>>)
    %dma_wait3A_102 = arith.constant 4 : i32
    %dma_wait3A_103 = arith.constant 0 : i32
    %dma_wait3A_104 = tpu.memref_slice %arg8[%dma_wait3A_102, %dma_wait3A_103] : memref<5x2560xf32, #tpu.memory_space<vmem>> -> memref<1x2560xf32, #tpu.memory_space<vmem>>
    %dma_wait3A_105 = tpu.memref_squeeze %dma_wait3A_104 : memref<1x2560xf32, #tpu.memory_space<vmem>> -> memref<2560xf32, #tpu.memory_space<vmem>>
    %dma_wait3A_106 = tpu.memref_slice %arg4[%add3A_51] : memref<163840xf32, #tpu.memory_space<hbm>> -> memref<2560xf32, #tpu.memory_space<hbm>>
    %dma_wait3A_107 = arith.constant 0 : i32
    %dma_wait3A_108 = tpu.memref_slice %arg8[%dma_wait3A_102, %dma_wait3A_107] : memref<5x2560xf32, #tpu.memory_space<vmem>> -> memref<1x2560xf32, #tpu.memory_space<vmem>>
    %dma_wait3A_109 = tpu.memref_squeeze %dma_wait3A_108 : memref<1x2560xf32, #tpu.memory_space<vmem>> -> memref<2560xf32, #tpu.memory_space<vmem>>
    %dma_wait3A_110 = tpu.memref_slice %arg4[%add3A_51] : memref<163840xf32, #tpu.memory_space<hbm>> -> memref<2560xf32, #tpu.memory_space<hbm>>
    tpu.wait_dma2 semaphore(%arg13 : memref<!tpu.dma_semaphore, #tpu.memory_space<semaphore_mem>>) src(%dma_wait3A_110 : memref<2560xf32, #tpu.memory_space<hbm>>) dst(%dma_wait3A_109 : memref<2560xf32, #tpu.memory_space<vmem>>)
    %dma_wait3A_111 = tpu.memref_slice %arg5[%mul3A_62] : memref<10240xi32, #tpu.memory_space<hbm>> -> memref<320xi32, #tpu.memory_space<hbm>>
    %dma_wait3A_112 = tpu.memref_slice %arg5[%mul3A_62] : memref<10240xi32, #tpu.memory_space<hbm>> -> memref<320xi32, #tpu.memory_space<hbm>>
    tpu.wait_dma2 semaphore(%arg13 : memref<!tpu.dma_semaphore, #tpu.memory_space<semaphore_mem>>) src(%dma_wait3A_112 : memref<320xi32, #tpu.memory_space<hbm>>) dst(%arg9 : memref<320xi32, #tpu.memory_space<vmem>>)
    %scan3A = arith.constant 0 : i32
    %scan3A_113 = arith.constant 0 : i32
    %scan3A_114 = arith.constant 160 : i32
    %scan3A_115 = arith.addi %scan3A_113, %scan3A_114 : i32
    %scan3A_116 = arith.constant 1 : i32
    scf.for %scan3A_149 = %scan3A_113 to %scan3A_115 step %scan3A_116  : i32 {
      %mul3A_150 = arith.constant 16 : i32
      %mul3A_151 = arith.muli %scan3A_149, %mul3A_150 : i32
      %get3A = arith.constant 0 : i32
      %get3A_152 = arith.index_cast %get3A : i32 to index
      %get3A_153 = arith.index_cast %mul3A_151 : i32 to index
      %get3A_154 = tpu.vector_load %arg8[%get3A_152, %get3A_153] {strides = array<i32>} : memref<5x2560xf32, #tpu.memory_space<vmem>>, vector<16xf32>,
      %get3A_155 = arith.constant 1 : i32
      %get3A_156 = arith.index_cast %get3A_155 : i32 to index
      %get3A_157 = arith.index_cast %mul3A_151 : i32 to index
      %get3A_158 = tpu.vector_load %arg8[%get3A_156, %get3A_157] {strides = array<i32>} : memref<5x2560xf32, #tpu.memory_space<vmem>>, vector<16xf32>,
      %add3A_159 = arith.addf %get3A_154, %get3A_158 : vector<16xf32>
      %get3A_160 = arith.constant 2 : i32
      %get3A_161 = arith.index_cast %get3A_160 : i32 to index
      %get3A_162 = arith.index_cast %mul3A_151 : i32 to index
      %get3A_163 = tpu.vector_load %arg8[%get3A_161, %get3A_162] {strides = array<i32>} : memref<5x2560xf32, #tpu.memory_space<vmem>>, vector<16xf32>,
      %get3A_164 = arith.constant 3 : i32
      %get3A_165 = arith.index_cast %get3A_164 : i32 to index
      %get3A_166 = arith.index_cast %mul3A_151 : i32 to index
      %get3A_167 = tpu.vector_load %arg8[%get3A_165, %get3A_166] {strides = array<i32>} : memref<5x2560xf32, #tpu.memory_space<vmem>>, vector<16xf32>,
      %add3A_168 = arith.addf %get3A_163, %get3A_167 : vector<16xf32>
      %add3A_169 = arith.addf %add3A_159, %add3A_168 : vector<16xf32>
      %get3A_170 = arith.constant 4 : i32
      %get3A_171 = arith.index_cast %get3A_170 : i32 to index
      %get3A_172 = arith.index_cast %mul3A_151 : i32 to index
      %get3A_173 = tpu.vector_load %arg8[%get3A_171, %get3A_172] {strides = array<i32>} : memref<5x2560xf32, #tpu.memory_space<vmem>>, vector<16xf32>,
      %add3A_174 = arith.addf %add3A_169, %get3A_173 : vector<16xf32>
      %swap3A = arith.index_cast %mul3A_151 : i32 to index
      %swap3A_175 = tpu.vector_load %arg7[%swap3A] {strides = array<i32>} : memref<2560xf32, #tpu.memory_space<vmem>>, vector<16xf32>,
      tpu.vector_store %arg7[%swap3A], %add3A_174 {add = true, strides = array<i32>} : memref<2560xf32, #tpu.memory_space<vmem>>, vector<16xf32>,
    }
    %scan3A_117 = arith.constant 160 : i32
    %iota3A = tpu.iota {dimensions = array<i32: 0>} : vector<16xi32>
    %broadcast_in_dim3A = arith.constant 0.000000e+00 : f32
    %broadcast_in_dim3A_118 = vector.broadcast %broadcast_in_dim3A : f32 to vector<16xf32>
    %scan3A_119 = arith.constant 0 : i32
    %scan3A_120 = arith.constant 0 : i32
    %scan3A_121 = arith.constant 34 : i32
    %scan3A_122 = arith.addi %scan3A_120, %scan3A_121 : i32
    %scan3A_123 = arith.constant 1 : i32
    scf.for %scan3A_149 = %scan3A_120 to %scan3A_122 step %scan3A_123  : i32 {
      %swap3A = arith.index_cast %scan3A_149 : i32 to index
      %swap3A_150 = arith.constant 0 : index
      %swap3A_151 = tpu.vector_load %arg10[%swap3A, %swap3A_150] {strides = array<i32>} : memref<34x16xf32, #tpu.memory_space<vmem>>, vector<16xf32>,
      tpu.vector_store %arg10[%swap3A, %swap3A_150], %broadcast_in_dim3A_118 {strides = array<i32>} : memref<34x16xf32, #tpu.memory_space<vmem>>, vector<16xf32>,
    }
    %scan3A_124 = arith.constant 34 : i32
    %ge3A = arith.constant 8 : i32
    %ge3A_125 = vector.broadcast %ge3A : i32 to vector<16xi32>
    %ge3A_126 = arith.cmpi sge, %iota3A, %ge3A_125 : vector<16xi32>
    %convert_element_type3A = arith.extui %ge3A_126 : vector<16xi1> to vector<16xi32>
    %and3A = arith.constant 7 : i32
    %and3A_127 = vector.broadcast %and3A : i32 to vector<16xi32>
    %and3A_128 = arith.andi %iota3A, %and3A_127 : vector<16xi32>
    %mul3A_129 = arith.constant 8 : i32
    %mul3A_130 = vector.broadcast %mul3A_129 : i32 to vector<16xi32>
    %mul3A_131 = arith.muli %mul3A_130, %convert_element_type3A : vector<16xi32>
    %add3A_132 = arith.addi %and3A_128, %mul3A_131 : vector<16xi32>
    %eq3A = arith.constant 0 : i32
    %eq3A_133 = vector.broadcast %eq3A : i32 to vector<16xi32>
    %eq3A_134 = arith.cmpi eq, %and3A_128, %eq3A_133 : vector<16xi32>
    %broadcast_in_dim3A_135 = arith.constant 1.000000e+00 : f32
    %broadcast_in_dim3A_136 = vector.broadcast %broadcast_in_dim3A_135 : f32 to vector<16xf32>
    %broadcast_in_dim3A_137 = arith.constant 0 : i32
    %broadcast_in_dim3A_138 = vector.broadcast %broadcast_in_dim3A_137 : i32 to vector<16xi32>
    %scan3A_139 = arith.constant 0 : i32
    %scan3A_140 = arith.constant 0 : i32
    %scan3A_141 = arith.constant 160 : i32
    %scan3A_142 = arith.addi %scan3A_140, %scan3A_141 : i32
    %scan3A_143 = arith.constant 1 : i32
    scf.for %scan3A_149 = %scan3A_140 to %scan3A_142 step %scan3A_143  : i32 {
      %mul3A_150 = arith.constant 2 : i32
      %mul3A_151 = arith.muli %scan3A_149, %mul3A_150 : i32
      %add3A_152 = vector.broadcast %mul3A_151 : i32 to vector<16xi32>
      %add3A_153 = arith.addi %add3A_152, %convert_element_type3A : vector<16xi32>
      %mul3A_154 = arith.constant 8 : i32
      %mul3A_155 = vector.broadcast %mul3A_154 : i32 to vector<16xi32>
      %mul3A_156 = arith.muli %add3A_153, %mul3A_155 : vector<16xi32>
      %add3A_157 = arith.addi %mul3A_156, %and3A_128 : vector<16xi32>
      %gather3A = tpu.vector_load_idx %arg7[%add3A_157] : memref<2560xf32, #tpu.memory_space<vmem>>[vector<16xi32>], vector<16xf32>,
      %add3A_158 = arith.constant 6 : i32
      %add3A_159 = vector.broadcast %add3A_158 : i32 to vector<16xi32>
      %add3A_160 = arith.addi %mul3A_156, %add3A_159 : vector<16xi32>
      %gather3A_161 = tpu.vector_load_idx %arg7[%add3A_160] : memref<2560xf32, #tpu.memory_space<vmem>>[vector<16xi32>], vector<16xf32>,
      %max3A = arith.constant 1.000000e+00 : f32
      %max3A_162 = vector.broadcast %max3A : f32 to vector<16xf32>
      %max3A_163 = arith.maximumf %gather3A_161, %max3A_162 : vector<16xf32>
      %div3A = arith.divf %gather3A, %max3A_163 : vector<16xf32>
      %gather3A_164 = tpu.vector_load_idx %arg9[%add3A_153] : memref<320xi32, #tpu.memory_space<vmem>>[vector<16xi32>], vector<16xi32>,
      tpu.vector_store_idx %arg10[%gather3A_164, %add3A_132], %div3A {add = true} : memref<34x16xf32, #tpu.memory_space<vmem>>[vector<16xi32>, vector<16xi32>], vector<16xf32>,
      %add3A_165 = arith.constant 17 : i32
      %add3A_166 = vector.broadcast %add3A_165 : i32 to vector<16xi32>
      %add3A_167 = arith.addi %gather3A_164, %add3A_166 : vector<16xi32>
      tpu.vector_store_idx %arg10[%add3A_167, %convert_element_type3A], %broadcast_in_dim3A_136 masked %eq3A_134 {add = true} : memref<34x16xf32, #tpu.memory_space<vmem>>[vector<16xi32>, vector<16xi32>], vector<16xf32>, vector<16xi1>
    }
    %scan3A_144 = arith.constant 160 : i32
    "tpu.region"() ({
      %run_scoped3A = tpu.sem_alloc : memref<!tpu.dma_semaphore, #tpu.memory_space<semaphore_mem>>
      %dma_start3A_149 = arith.constant 0 : i32
      %dma_start3A_150 = arith.constant 0 : i32
      %dma_start3A_151 = tpu.memref_slice %arg12[%arg1, %dma_start3A_149, %dma_start3A_150] : memref<16x34x16xf32, #tpu.memory_space<vmem_shared>> -> memref<1x34x16xf32, #tpu.memory_space<vmem_shared>>
      %dma_start3A_152 = tpu.memref_squeeze %dma_start3A_151 : memref<1x34x16xf32, #tpu.memory_space<vmem_shared>> -> memref<34x16xf32, #tpu.memory_space<vmem_shared>>
      %dma_start3A_153 = arith.constant 0 : i32
      %dma_start3A_154 = arith.constant 0 : i32
      %dma_start3A_155 = tpu.memref_slice %arg12[%arg1, %dma_start3A_153, %dma_start3A_154] : memref<16x34x16xf32, #tpu.memory_space<vmem_shared>> -> memref<1x34x16xf32, #tpu.memory_space<vmem_shared>>
      %dma_start3A_156 = tpu.memref_squeeze %dma_start3A_155 : memref<1x34x16xf32, #tpu.memory_space<vmem_shared>> -> memref<34x16xf32, #tpu.memory_space<vmem_shared>>
      tpu.enqueue_dma source(%arg10 : memref<34x16xf32, #tpu.memory_space<vmem>>) target(%dma_start3A_156 : memref<34x16xf32, #tpu.memory_space<vmem_shared>>) target_semaphore(%run_scoped3A : memref<!tpu.dma_semaphore, #tpu.memory_space<semaphore_mem>>)
      %dma_wait3A_157 = arith.constant 0 : i32
      %dma_wait3A_158 = arith.constant 0 : i32
      %dma_wait3A_159 = tpu.memref_slice %arg12[%arg1, %dma_wait3A_157, %dma_wait3A_158] : memref<16x34x16xf32, #tpu.memory_space<vmem_shared>> -> memref<1x34x16xf32, #tpu.memory_space<vmem_shared>>
      %dma_wait3A_160 = tpu.memref_squeeze %dma_wait3A_159 : memref<1x34x16xf32, #tpu.memory_space<vmem_shared>> -> memref<34x16xf32, #tpu.memory_space<vmem_shared>>
      %dma_wait3A_161 = arith.constant 0 : i32
      %dma_wait3A_162 = arith.constant 0 : i32
      %dma_wait3A_163 = tpu.memref_slice %arg12[%arg1, %dma_wait3A_161, %dma_wait3A_162] : memref<16x34x16xf32, #tpu.memory_space<vmem_shared>> -> memref<1x34x16xf32, #tpu.memory_space<vmem_shared>>
      %dma_wait3A_164 = tpu.memref_squeeze %dma_wait3A_163 : memref<1x34x16xf32, #tpu.memory_space<vmem_shared>> -> memref<34x16xf32, #tpu.memory_space<vmem_shared>>
      tpu.wait_dma2 semaphore(%run_scoped3A : memref<!tpu.dma_semaphore, #tpu.memory_space<semaphore_mem>>) src(%arg10 : memref<34x16xf32, #tpu.memory_space<vmem>>) dst(%dma_wait3A_164 : memref<34x16xf32, #tpu.memory_space<vmem_shared>>)
      tpu.yield
    }) : () -> ()
    %barrier3A = arith.constant 0 : index
    tpu.barrier barrier_id(%barrier3A)
    %eq3A_145 = arith.constant 0 : i32
    %eq3A_146 = arith.cmpi eq, %arg1, %eq3A_145 : i32
    %convert_element_type3A_147 = arith.extui %eq3A_146 : i1 to i32
    %cond3A = arith.constant 0 : i32
    %cond3A_148 = arith.cmpi ne, %convert_element_type3A_147, %cond3A : i32
    scf.if %cond3A_148 {
      "tpu.region"() ({
        %run_scoped3A = tpu.sem_alloc : memref<!tpu.dma_semaphore, #tpu.memory_space<semaphore_mem>>
        tpu.enqueue_dma source(%arg12 : memref<16x34x16xf32, #tpu.memory_space<vmem_shared>>) target(%arg11 : memref<16x34x16xf32, #tpu.memory_space<vmem>>) target_semaphore(%run_scoped3A : memref<!tpu.dma_semaphore, #tpu.memory_space<semaphore_mem>>)
        tpu.wait_dma2 semaphore(%run_scoped3A : memref<!tpu.dma_semaphore, #tpu.memory_space<semaphore_mem>>) src(%arg12 : memref<16x34x16xf32, #tpu.memory_space<vmem_shared>>) dst(%arg11 : memref<16x34x16xf32, #tpu.memory_space<vmem>>)
        tpu.yield
      }) : () -> ()
      %scan3A_149 = arith.constant 0 : i32
      %scan3A_150 = arith.constant 0 : i32
      %scan3A_151 = arith.constant 34 : i32
      %scan3A_152 = arith.addi %scan3A_150, %scan3A_151 : i32
      %scan3A_153 = arith.constant 1 : i32
      scf.for %scan3A_239 = %scan3A_150 to %scan3A_152 step %scan3A_153  : i32 {
        %get3A = arith.constant 1 : i32
        %get3A_240 = arith.index_cast %get3A : i32 to index
        %get3A_241 = arith.index_cast %scan3A_239 : i32 to index
        %get3A_242 = arith.constant 0 : index
        %get3A_243 = tpu.vector_load %arg11[%get3A_240, %get3A_241, %get3A_242] {strides = array<i32>} : memref<16x34x16xf32, #tpu.memory_space<vmem>>, vector<16xf32>,
        %swap3A = arith.index_cast %scan3A_239 : i32 to index
        %swap3A_244 = arith.constant 0 : index
        %swap3A_245 = tpu.vector_load %arg10[%swap3A, %swap3A_244] {strides = array<i32>} : memref<34x16xf32, #tpu.memory_space<vmem>>, vector<16xf32>,
        tpu.vector_store %arg10[%swap3A, %swap3A_244], %get3A_243 {add = true, strides = array<i32>} : memref<34x16xf32, #tpu.memory_space<vmem>>, vector<16xf32>,
      }
      %scan3A_154 = arith.constant 34 : i32
      %scan3A_155 = arith.constant 0 : i32
      %scan3A_156 = arith.constant 0 : i32
      %scan3A_157 = arith.constant 34 : i32
      %scan3A_158 = arith.addi %scan3A_156, %scan3A_157 : i32
      %scan3A_159 = arith.constant 1 : i32
      scf.for %scan3A_239 = %scan3A_156 to %scan3A_158 step %scan3A_159  : i32 {
        %get3A = arith.constant 2 : i32
        %get3A_240 = arith.index_cast %get3A : i32 to index
        %get3A_241 = arith.index_cast %scan3A_239 : i32 to index
        %get3A_242 = arith.constant 0 : index
        %get3A_243 = tpu.vector_load %arg11[%get3A_240, %get3A_241, %get3A_242] {strides = array<i32>} : memref<16x34x16xf32, #tpu.memory_space<vmem>>, vector<16xf32>,
        %swap3A = arith.index_cast %scan3A_239 : i32 to index
        %swap3A_244 = arith.constant 0 : index
        %swap3A_245 = tpu.vector_load %arg10[%swap3A, %swap3A_244] {strides = array<i32>} : memref<34x16xf32, #tpu.memory_space<vmem>>, vector<16xf32>,
        tpu.vector_store %arg10[%swap3A, %swap3A_244], %get3A_243 {add = true, strides = array<i32>} : memref<34x16xf32, #tpu.memory_space<vmem>>, vector<16xf32>,
      }
      %scan3A_160 = arith.constant 34 : i32
      %scan3A_161 = arith.constant 0 : i32
      %scan3A_162 = arith.constant 0 : i32
      %scan3A_163 = arith.constant 34 : i32
      %scan3A_164 = arith.addi %scan3A_162, %scan3A_163 : i32
      %scan3A_165 = arith.constant 1 : i32
      scf.for %scan3A_239 = %scan3A_162 to %scan3A_164 step %scan3A_165  : i32 {
        %get3A = arith.constant 3 : i32
        %get3A_240 = arith.index_cast %get3A : i32 to index
        %get3A_241 = arith.index_cast %scan3A_239 : i32 to index
        %get3A_242 = arith.constant 0 : index
        %get3A_243 = tpu.vector_load %arg11[%get3A_240, %get3A_241, %get3A_242] {strides = array<i32>} : memref<16x34x16xf32, #tpu.memory_space<vmem>>, vector<16xf32>,
        %swap3A = arith.index_cast %scan3A_239 : i32 to index
        %swap3A_244 = arith.constant 0 : index
        %swap3A_245 = tpu.vector_load %arg10[%swap3A, %swap3A_244] {strides = array<i32>} : memref<34x16xf32, #tpu.memory_space<vmem>>, vector<16xf32>,
        tpu.vector_store %arg10[%swap3A, %swap3A_244], %get3A_243 {add = true, strides = array<i32>} : memref<34x16xf32, #tpu.memory_space<vmem>>, vector<16xf32>,
      }
      %scan3A_166 = arith.constant 34 : i32
      %scan3A_167 = arith.constant 0 : i32
      %scan3A_168 = arith.constant 0 : i32
      %scan3A_169 = arith.constant 34 : i32
      %scan3A_170 = arith.addi %scan3A_168, %scan3A_169 : i32
      %scan3A_171 = arith.constant 1 : i32
      scf.for %scan3A_239 = %scan3A_168 to %scan3A_170 step %scan3A_171  : i32 {
        %get3A = arith.constant 4 : i32
        %get3A_240 = arith.index_cast %get3A : i32 to index
        %get3A_241 = arith.index_cast %scan3A_239 : i32 to index
        %get3A_242 = arith.constant 0 : index
        %get3A_243 = tpu.vector_load %arg11[%get3A_240, %get3A_241, %get3A_242] {strides = array<i32>} : memref<16x34x16xf32, #tpu.memory_space<vmem>>, vector<16xf32>,
        %swap3A = arith.index_cast %scan3A_239 : i32 to index
        %swap3A_244 = arith.constant 0 : index
        %swap3A_245 = tpu.vector_load %arg10[%swap3A, %swap3A_244] {strides = array<i32>} : memref<34x16xf32, #tpu.memory_space<vmem>>, vector<16xf32>,
        tpu.vector_store %arg10[%swap3A, %swap3A_244], %get3A_243 {add = true, strides = array<i32>} : memref<34x16xf32, #tpu.memory_space<vmem>>, vector<16xf32>,
      }
      %scan3A_172 = arith.constant 34 : i32
      %scan3A_173 = arith.constant 0 : i32
      %scan3A_174 = arith.constant 0 : i32
      %scan3A_175 = arith.constant 34 : i32
      %scan3A_176 = arith.addi %scan3A_174, %scan3A_175 : i32
      %scan3A_177 = arith.constant 1 : i32
      scf.for %scan3A_239 = %scan3A_174 to %scan3A_176 step %scan3A_177  : i32 {
        %get3A = arith.constant 5 : i32
        %get3A_240 = arith.index_cast %get3A : i32 to index
        %get3A_241 = arith.index_cast %scan3A_239 : i32 to index
        %get3A_242 = arith.constant 0 : index
        %get3A_243 = tpu.vector_load %arg11[%get3A_240, %get3A_241, %get3A_242] {strides = array<i32>} : memref<16x34x16xf32, #tpu.memory_space<vmem>>, vector<16xf32>,
        %swap3A = arith.index_cast %scan3A_239 : i32 to index
        %swap3A_244 = arith.constant 0 : index
        %swap3A_245 = tpu.vector_load %arg10[%swap3A, %swap3A_244] {strides = array<i32>} : memref<34x16xf32, #tpu.memory_space<vmem>>, vector<16xf32>,
        tpu.vector_store %arg10[%swap3A, %swap3A_244], %get3A_243 {add = true, strides = array<i32>} : memref<34x16xf32, #tpu.memory_space<vmem>>, vector<16xf32>,
      }
      %scan3A_178 = arith.constant 34 : i32
      %scan3A_179 = arith.constant 0 : i32
      %scan3A_180 = arith.constant 0 : i32
      %scan3A_181 = arith.constant 34 : i32
      %scan3A_182 = arith.addi %scan3A_180, %scan3A_181 : i32
      %scan3A_183 = arith.constant 1 : i32
      scf.for %scan3A_239 = %scan3A_180 to %scan3A_182 step %scan3A_183  : i32 {
        %get3A = arith.constant 6 : i32
        %get3A_240 = arith.index_cast %get3A : i32 to index
        %get3A_241 = arith.index_cast %scan3A_239 : i32 to index
        %get3A_242 = arith.constant 0 : index
        %get3A_243 = tpu.vector_load %arg11[%get3A_240, %get3A_241, %get3A_242] {strides = array<i32>} : memref<16x34x16xf32, #tpu.memory_space<vmem>>, vector<16xf32>,
        %swap3A = arith.index_cast %scan3A_239 : i32 to index
        %swap3A_244 = arith.constant 0 : index
        %swap3A_245 = tpu.vector_load %arg10[%swap3A, %swap3A_244] {strides = array<i32>} : memref<34x16xf32, #tpu.memory_space<vmem>>, vector<16xf32>,
        tpu.vector_store %arg10[%swap3A, %swap3A_244], %get3A_243 {add = true, strides = array<i32>} : memref<34x16xf32, #tpu.memory_space<vmem>>, vector<16xf32>,
      }
      %scan3A_184 = arith.constant 34 : i32
      %scan3A_185 = arith.constant 0 : i32
      %scan3A_186 = arith.constant 0 : i32
      %scan3A_187 = arith.constant 34 : i32
      %scan3A_188 = arith.addi %scan3A_186, %scan3A_187 : i32
      %scan3A_189 = arith.constant 1 : i32
      scf.for %scan3A_239 = %scan3A_186 to %scan3A_188 step %scan3A_189  : i32 {
        %get3A = arith.constant 7 : i32
        %get3A_240 = arith.index_cast %get3A : i32 to index
        %get3A_241 = arith.index_cast %scan3A_239 : i32 to index
        %get3A_242 = arith.constant 0 : index
        %get3A_243 = tpu.vector_load %arg11[%get3A_240, %get3A_241, %get3A_242] {strides = array<i32>} : memref<16x34x16xf32, #tpu.memory_space<vmem>>, vector<16xf32>,
        %swap3A = arith.index_cast %scan3A_239 : i32 to index
        %swap3A_244 = arith.constant 0 : index
        %swap3A_245 = tpu.vector_load %arg10[%swap3A, %swap3A_244] {strides = array<i32>} : memref<34x16xf32, #tpu.memory_space<vmem>>, vector<16xf32>,
        tpu.vector_store %arg10[%swap3A, %swap3A_244], %get3A_243 {add = true, strides = array<i32>} : memref<34x16xf32, #tpu.memory_space<vmem>>, vector<16xf32>,
      }
      %scan3A_190 = arith.constant 34 : i32
      %scan3A_191 = arith.constant 0 : i32
      %scan3A_192 = arith.constant 0 : i32
      %scan3A_193 = arith.constant 34 : i32
      %scan3A_194 = arith.addi %scan3A_192, %scan3A_193 : i32
      %scan3A_195 = arith.constant 1 : i32
      scf.for %scan3A_239 = %scan3A_192 to %scan3A_194 step %scan3A_195  : i32 {
        %get3A = arith.constant 8 : i32
        %get3A_240 = arith.index_cast %get3A : i32 to index
        %get3A_241 = arith.index_cast %scan3A_239 : i32 to index
        %get3A_242 = arith.constant 0 : index
        %get3A_243 = tpu.vector_load %arg11[%get3A_240, %get3A_241, %get3A_242] {strides = array<i32>} : memref<16x34x16xf32, #tpu.memory_space<vmem>>, vector<16xf32>,
        %swap3A = arith.index_cast %scan3A_239 : i32 to index
        %swap3A_244 = arith.constant 0 : index
        %swap3A_245 = tpu.vector_load %arg10[%swap3A, %swap3A_244] {strides = array<i32>} : memref<34x16xf32, #tpu.memory_space<vmem>>, vector<16xf32>,
        tpu.vector_store %arg10[%swap3A, %swap3A_244], %get3A_243 {add = true, strides = array<i32>} : memref<34x16xf32, #tpu.memory_space<vmem>>, vector<16xf32>,
      }
      %scan3A_196 = arith.constant 34 : i32
      %scan3A_197 = arith.constant 0 : i32
      %scan3A_198 = arith.constant 0 : i32
      %scan3A_199 = arith.constant 34 : i32
      %scan3A_200 = arith.addi %scan3A_198, %scan3A_199 : i32
      %scan3A_201 = arith.constant 1 : i32
      scf.for %scan3A_239 = %scan3A_198 to %scan3A_200 step %scan3A_201  : i32 {
        %get3A = arith.constant 9 : i32
        %get3A_240 = arith.index_cast %get3A : i32 to index
        %get3A_241 = arith.index_cast %scan3A_239 : i32 to index
        %get3A_242 = arith.constant 0 : index
        %get3A_243 = tpu.vector_load %arg11[%get3A_240, %get3A_241, %get3A_242] {strides = array<i32>} : memref<16x34x16xf32, #tpu.memory_space<vmem>>, vector<16xf32>,
        %swap3A = arith.index_cast %scan3A_239 : i32 to index
        %swap3A_244 = arith.constant 0 : index
        %swap3A_245 = tpu.vector_load %arg10[%swap3A, %swap3A_244] {strides = array<i32>} : memref<34x16xf32, #tpu.memory_space<vmem>>, vector<16xf32>,
        tpu.vector_store %arg10[%swap3A, %swap3A_244], %get3A_243 {add = true, strides = array<i32>} : memref<34x16xf32, #tpu.memory_space<vmem>>, vector<16xf32>,
      }
      %scan3A_202 = arith.constant 34 : i32
      %scan3A_203 = arith.constant 0 : i32
      %scan3A_204 = arith.constant 0 : i32
      %scan3A_205 = arith.constant 34 : i32
      %scan3A_206 = arith.addi %scan3A_204, %scan3A_205 : i32
      %scan3A_207 = arith.constant 1 : i32
      scf.for %scan3A_239 = %scan3A_204 to %scan3A_206 step %scan3A_207  : i32 {
        %get3A = arith.constant 10 : i32
        %get3A_240 = arith.index_cast %get3A : i32 to index
        %get3A_241 = arith.index_cast %scan3A_239 : i32 to index
        %get3A_242 = arith.constant 0 : index
        %get3A_243 = tpu.vector_load %arg11[%get3A_240, %get3A_241, %get3A_242] {strides = array<i32>} : memref<16x34x16xf32, #tpu.memory_space<vmem>>, vector<16xf32>,
        %swap3A = arith.index_cast %scan3A_239 : i32 to index
        %swap3A_244 = arith.constant 0 : index
        %swap3A_245 = tpu.vector_load %arg10[%swap3A, %swap3A_244] {strides = array<i32>} : memref<34x16xf32, #tpu.memory_space<vmem>>, vector<16xf32>,
        tpu.vector_store %arg10[%swap3A, %swap3A_244], %get3A_243 {add = true, strides = array<i32>} : memref<34x16xf32, #tpu.memory_space<vmem>>, vector<16xf32>,
      }
      %scan3A_208 = arith.constant 34 : i32
      %scan3A_209 = arith.constant 0 : i32
      %scan3A_210 = arith.constant 0 : i32
      %scan3A_211 = arith.constant 34 : i32
      %scan3A_212 = arith.addi %scan3A_210, %scan3A_211 : i32
      %scan3A_213 = arith.constant 1 : i32
      scf.for %scan3A_239 = %scan3A_210 to %scan3A_212 step %scan3A_213  : i32 {
        %get3A = arith.constant 11 : i32
        %get3A_240 = arith.index_cast %get3A : i32 to index
        %get3A_241 = arith.index_cast %scan3A_239 : i32 to index
        %get3A_242 = arith.constant 0 : index
        %get3A_243 = tpu.vector_load %arg11[%get3A_240, %get3A_241, %get3A_242] {strides = array<i32>} : memref<16x34x16xf32, #tpu.memory_space<vmem>>, vector<16xf32>,
        %swap3A = arith.index_cast %scan3A_239 : i32 to index
        %swap3A_244 = arith.constant 0 : index
        %swap3A_245 = tpu.vector_load %arg10[%swap3A, %swap3A_244] {strides = array<i32>} : memref<34x16xf32, #tpu.memory_space<vmem>>, vector<16xf32>,
        tpu.vector_store %arg10[%swap3A, %swap3A_244], %get3A_243 {add = true, strides = array<i32>} : memref<34x16xf32, #tpu.memory_space<vmem>>, vector<16xf32>,
      }
      %scan3A_214 = arith.constant 34 : i32
      %scan3A_215 = arith.constant 0 : i32
      %scan3A_216 = arith.constant 0 : i32
      %scan3A_217 = arith.constant 34 : i32
      %scan3A_218 = arith.addi %scan3A_216, %scan3A_217 : i32
      %scan3A_219 = arith.constant 1 : i32
      scf.for %scan3A_239 = %scan3A_216 to %scan3A_218 step %scan3A_219  : i32 {
        %get3A = arith.constant 12 : i32
        %get3A_240 = arith.index_cast %get3A : i32 to index
        %get3A_241 = arith.index_cast %scan3A_239 : i32 to index
        %get3A_242 = arith.constant 0 : index
        %get3A_243 = tpu.vector_load %arg11[%get3A_240, %get3A_241, %get3A_242] {strides = array<i32>} : memref<16x34x16xf32, #tpu.memory_space<vmem>>, vector<16xf32>,
        %swap3A = arith.index_cast %scan3A_239 : i32 to index
        %swap3A_244 = arith.constant 0 : index
        %swap3A_245 = tpu.vector_load %arg10[%swap3A, %swap3A_244] {strides = array<i32>} : memref<34x16xf32, #tpu.memory_space<vmem>>, vector<16xf32>,
        tpu.vector_store %arg10[%swap3A, %swap3A_244], %get3A_243 {add = true, strides = array<i32>} : memref<34x16xf32, #tpu.memory_space<vmem>>, vector<16xf32>,
      }
      %scan3A_220 = arith.constant 34 : i32
      %scan3A_221 = arith.constant 0 : i32
      %scan3A_222 = arith.constant 0 : i32
      %scan3A_223 = arith.constant 34 : i32
      %scan3A_224 = arith.addi %scan3A_222, %scan3A_223 : i32
      %scan3A_225 = arith.constant 1 : i32
      scf.for %scan3A_239 = %scan3A_222 to %scan3A_224 step %scan3A_225  : i32 {
        %get3A = arith.constant 13 : i32
        %get3A_240 = arith.index_cast %get3A : i32 to index
        %get3A_241 = arith.index_cast %scan3A_239 : i32 to index
        %get3A_242 = arith.constant 0 : index
        %get3A_243 = tpu.vector_load %arg11[%get3A_240, %get3A_241, %get3A_242] {strides = array<i32>} : memref<16x34x16xf32, #tpu.memory_space<vmem>>, vector<16xf32>,
        %swap3A = arith.index_cast %scan3A_239 : i32 to index
        %swap3A_244 = arith.constant 0 : index
        %swap3A_245 = tpu.vector_load %arg10[%swap3A, %swap3A_244] {strides = array<i32>} : memref<34x16xf32, #tpu.memory_space<vmem>>, vector<16xf32>,
        tpu.vector_store %arg10[%swap3A, %swap3A_244], %get3A_243 {add = true, strides = array<i32>} : memref<34x16xf32, #tpu.memory_space<vmem>>, vector<16xf32>,
      }
      %scan3A_226 = arith.constant 34 : i32
      %scan3A_227 = arith.constant 0 : i32
      %scan3A_228 = arith.constant 0 : i32
      %scan3A_229 = arith.constant 34 : i32
      %scan3A_230 = arith.addi %scan3A_228, %scan3A_229 : i32
      %scan3A_231 = arith.constant 1 : i32
      scf.for %scan3A_239 = %scan3A_228 to %scan3A_230 step %scan3A_231  : i32 {
        %get3A = arith.constant 14 : i32
        %get3A_240 = arith.index_cast %get3A : i32 to index
        %get3A_241 = arith.index_cast %scan3A_239 : i32 to index
        %get3A_242 = arith.constant 0 : index
        %get3A_243 = tpu.vector_load %arg11[%get3A_240, %get3A_241, %get3A_242] {strides = array<i32>} : memref<16x34x16xf32, #tpu.memory_space<vmem>>, vector<16xf32>,
        %swap3A = arith.index_cast %scan3A_239 : i32 to index
        %swap3A_244 = arith.constant 0 : index
        %swap3A_245 = tpu.vector_load %arg10[%swap3A, %swap3A_244] {strides = array<i32>} : memref<34x16xf32, #tpu.memory_space<vmem>>, vector<16xf32>,
        tpu.vector_store %arg10[%swap3A, %swap3A_244], %get3A_243 {add = true, strides = array<i32>} : memref<34x16xf32, #tpu.memory_space<vmem>>, vector<16xf32>,
      }
      %scan3A_232 = arith.constant 34 : i32
      %scan3A_233 = arith.constant 0 : i32
      %scan3A_234 = arith.constant 0 : i32
      %scan3A_235 = arith.constant 34 : i32
      %scan3A_236 = arith.addi %scan3A_234, %scan3A_235 : i32
      %scan3A_237 = arith.constant 1 : i32
      scf.for %scan3A_239 = %scan3A_234 to %scan3A_236 step %scan3A_237  : i32 {
        %get3A = arith.constant 15 : i32
        %get3A_240 = arith.index_cast %get3A : i32 to index
        %get3A_241 = arith.index_cast %scan3A_239 : i32 to index
        %get3A_242 = arith.constant 0 : index
        %get3A_243 = tpu.vector_load %arg11[%get3A_240, %get3A_241, %get3A_242] {strides = array<i32>} : memref<16x34x16xf32, #tpu.memory_space<vmem>>, vector<16xf32>,
        %swap3A = arith.index_cast %scan3A_239 : i32 to index
        %swap3A_244 = arith.constant 0 : index
        %swap3A_245 = tpu.vector_load %arg10[%swap3A, %swap3A_244] {strides = array<i32>} : memref<34x16xf32, #tpu.memory_space<vmem>>, vector<16xf32>,
        tpu.vector_store %arg10[%swap3A, %swap3A_244], %get3A_243 {add = true, strides = array<i32>} : memref<34x16xf32, #tpu.memory_space<vmem>>, vector<16xf32>,
      }
      %scan3A_238 = arith.constant 34 : i32
      "tpu.region"() ({
        %run_scoped3A = tpu.sem_alloc : memref<!tpu.dma_semaphore, #tpu.memory_space<semaphore_mem>>
        %dma_start3A_239 = arith.constant 0 : i32
        %dma_start3A_240 = arith.constant 0 : i32
        %dma_start3A_241 = tpu.memref_slice %arg6[%arg0, %dma_start3A_239, %dma_start3A_240] : memref<2x34x16xf32, #tpu.memory_space<hbm>> -> memref<1x34x16xf32, #tpu.memory_space<hbm>>
        %dma_start3A_242 = tpu.memref_squeeze %dma_start3A_241 : memref<1x34x16xf32, #tpu.memory_space<hbm>> -> memref<34x16xf32, #tpu.memory_space<hbm>>
        %dma_start3A_243 = arith.constant 0 : i32
        %dma_start3A_244 = arith.constant 0 : i32
        %dma_start3A_245 = tpu.memref_slice %arg6[%arg0, %dma_start3A_243, %dma_start3A_244] : memref<2x34x16xf32, #tpu.memory_space<hbm>> -> memref<1x34x16xf32, #tpu.memory_space<hbm>>
        %dma_start3A_246 = tpu.memref_squeeze %dma_start3A_245 : memref<1x34x16xf32, #tpu.memory_space<hbm>> -> memref<34x16xf32, #tpu.memory_space<hbm>>
        tpu.enqueue_dma source(%arg10 : memref<34x16xf32, #tpu.memory_space<vmem>>) target(%dma_start3A_246 : memref<34x16xf32, #tpu.memory_space<hbm>>) target_semaphore(%run_scoped3A : memref<!tpu.dma_semaphore, #tpu.memory_space<semaphore_mem>>)
        %dma_wait3A_247 = arith.constant 0 : i32
        %dma_wait3A_248 = arith.constant 0 : i32
        %dma_wait3A_249 = tpu.memref_slice %arg6[%arg0, %dma_wait3A_247, %dma_wait3A_248] : memref<2x34x16xf32, #tpu.memory_space<hbm>> -> memref<1x34x16xf32, #tpu.memory_space<hbm>>
        %dma_wait3A_250 = tpu.memref_squeeze %dma_wait3A_249 : memref<1x34x16xf32, #tpu.memory_space<hbm>> -> memref<34x16xf32, #tpu.memory_space<hbm>>
        %dma_wait3A_251 = arith.constant 0 : i32
        %dma_wait3A_252 = arith.constant 0 : i32
        %dma_wait3A_253 = tpu.memref_slice %arg6[%arg0, %dma_wait3A_251, %dma_wait3A_252] : memref<2x34x16xf32, #tpu.memory_space<hbm>> -> memref<1x34x16xf32, #tpu.memory_space<hbm>>
        %dma_wait3A_254 = tpu.memref_squeeze %dma_wait3A_253 : memref<1x34x16xf32, #tpu.memory_space<hbm>> -> memref<34x16xf32, #tpu.memory_space<hbm>>
        tpu.wait_dma2 semaphore(%run_scoped3A : memref<!tpu.dma_semaphore, #tpu.memory_space<semaphore_mem>>) src(%arg10 : memref<34x16xf32, #tpu.memory_space<vmem>>) dst(%dma_wait3A_254 : memref<34x16xf32, #tpu.memory_space<hbm>>)
        tpu.yield
      }) : () -> ()
    } else {
    }
    return
  }
}

#map = affine_map<(d0, d1) -> (0)>
#map1 = affine_map<(d0, d1) -> (0, 0)>
#map2 = affine_map<(d0, d1) -> (0, 0, 0)>
module attributes {stable_mosaic.version = 14 : i64} {
  func.func @_scatter_body(%arg0: i32, %arg1: i32, %arg2: memref<131072xf32, #tpu.memory_space<hbm>>, %arg3: memref<131072xf32, #tpu.memory_space<hbm>>, %arg4: memref<131072xf32, #tpu.memory_space<hbm>>, %arg5: memref<131072xf32, #tpu.memory_space<hbm>>, %arg6: memref<131072xf32, #tpu.memory_space<hbm>>, %arg7: memref<131072xf32, #tpu.memory_space<hbm>>, %arg8: memref<1024x128xi32, #tpu.memory_space<hbm>>, %arg9: memref<10240x8xf32, #tpu.memory_space<hbm>>, %arg10: memref<2x10240x8xf32, #tpu.memory_space<hbm>>, %arg11: memref<8x128xi32, #tpu.memory_space<vmem>>, %arg12: memref<6x1024xf32, #tpu.memory_space<vmem>>, %arg13: memref<1024x8xf32, #tpu.memory_space<vmem>>, %arg14: memref<10240x8xf32, #tpu.memory_space<vmem_shared>>, %arg15: memref<!tpu.dma_semaphore, #tpu.memory_space<semaphore_mem>>) attributes {dimension_semantics = [#tpu.dimension_semantics<core_parallel>, #tpu.dimension_semantics<subcore_parallel>], iteration_bounds = array<i64: 2, 16>, scalar_prefetch = 0 : i64, scratch_operands = 5 : i64, tpu.core_type = #tpu.core_type<sc_vector_subcore>, window_params = [{transform_indices = #map}, {transform_indices = #map}, {transform_indices = #map}, {transform_indices = #map}, {transform_indices = #map}, {transform_indices = #map}, {transform_indices = #map1}, {transform_indices = #map1}, {transform_indices = #map2}]} {
    %mul3A = arith.constant 640 : i32
    %mul3A_0 = arith.muli %arg1, %mul3A : i32
    %mul3A_1 = arith.constant 640 : i32
    %mul3A_2 = arith.muli %arg1, %mul3A_1 : i32
    "tpu.region"() ({
      %run_scoped3A = tpu.sem_alloc : memref<!tpu.dma_semaphore, #tpu.memory_space<semaphore_mem>>
      %dma_start3A = arith.constant 0 : i32
      %dma_start3A_24 = tpu.memref_slice %arg14[%mul3A_2, %dma_start3A] : memref<10240x8xf32, #tpu.memory_space<vmem_shared>> -> memref<640x8xf32, #tpu.memory_space<vmem_shared>>
      %dma_start3A_25 = arith.constant 0 : i32
      %dma_start3A_26 = tpu.memref_slice %arg9[%mul3A_0, %dma_start3A_25] : memref<10240x8xf32, #tpu.memory_space<hbm>> -> memref<640x8xf32, #tpu.memory_space<hbm>>
      tpu.enqueue_dma source(%dma_start3A_26 : memref<640x8xf32, #tpu.memory_space<hbm>>) target(%dma_start3A_24 : memref<640x8xf32, #tpu.memory_space<vmem_shared>>) target_semaphore(%run_scoped3A : memref<!tpu.dma_semaphore, #tpu.memory_space<semaphore_mem>>)
      %dma_wait3A = arith.constant 0 : i32
      %dma_wait3A_27 = tpu.memref_slice %arg14[%mul3A_2, %dma_wait3A] : memref<10240x8xf32, #tpu.memory_space<vmem_shared>> -> memref<640x8xf32, #tpu.memory_space<vmem_shared>>
      %dma_wait3A_28 = arith.constant 0 : i32
      %dma_wait3A_29 = tpu.memref_slice %arg9[%mul3A_0, %dma_wait3A_28] : memref<10240x8xf32, #tpu.memory_space<hbm>> -> memref<640x8xf32, #tpu.memory_space<hbm>>
      tpu.wait_dma2 semaphore(%run_scoped3A : memref<!tpu.dma_semaphore, #tpu.memory_space<semaphore_mem>>) src(%dma_wait3A_29 : memref<640x8xf32, #tpu.memory_space<hbm>>) dst(%dma_wait3A_27 : memref<640x8xf32, #tpu.memory_space<vmem_shared>>)
      tpu.yield
    }) : () -> ()
    %iota3A = tpu.iota {dimensions = array<i32: 0>} : vector<16xi32>
    %broadcast_in_dim3A = arith.constant 0.000000e+00 : f32
    %broadcast_in_dim3A_3 = vector.broadcast %broadcast_in_dim3A : f32 to vector<16xf32>
    %scan3A = arith.constant 0 : i32
    %scan3A_4 = arith.constant 0 : i32
    %scan3A_5 = arith.constant 64 : i32
    %scan3A_6 = arith.addi %scan3A_4, %scan3A_5 : i32
    %scan3A_7 = arith.constant 1 : i32
    scf.for %scan3A_24 = %scan3A_4 to %scan3A_6 step %scan3A_7  : i32 {
      %mul3A_25 = arith.constant 16 : i32
      %mul3A_26 = arith.muli %scan3A_24, %mul3A_25 : i32
      %add3A_27 = vector.broadcast %mul3A_26 : i32 to vector<16xi32>
      %add3A_28 = arith.addi %add3A_27, %iota3A : vector<16xi32>
      %broadcast_in_dim3A_29 = arith.constant 7 : i32
      %broadcast_in_dim3A_30 = vector.broadcast %broadcast_in_dim3A_29 : i32 to vector<16xi32>
      tpu.vector_store_idx %arg13[%add3A_28, %broadcast_in_dim3A_30], %broadcast_in_dim3A_3 : memref<1024x8xf32, #tpu.memory_space<vmem>>[vector<16xi32>, vector<16xi32>], vector<16xf32>,
    }
    %scan3A_8 = arith.constant 64 : i32
    %barrier3A = arith.constant 0 : index
    tpu.barrier barrier_id(%barrier3A)
    %mul3A_9 = arith.constant 16 : i32
    %mul3A_10 = arith.muli %arg0, %mul3A_9 : i32
    %add3A = arith.addi %mul3A_10, %arg1 : i32
    %mul3A_11 = arith.constant 32 : i32
    %mul3A_12 = arith.muli %add3A, %mul3A_11 : i32
    %scan3A_13 = arith.constant 0 : i32
    %scan3A_14 = arith.constant 0 : i32
    %scan3A_15 = arith.constant 4 : i32
    %scan3A_16 = arith.addi %scan3A_14, %scan3A_15 : i32
    %scan3A_17 = arith.constant 1 : i32
    scf.for %scan3A_24 = %scan3A_14 to %scan3A_16 step %scan3A_17  : i32 {
      %mul3A_25 = arith.constant 8 : i32
      %mul3A_26 = arith.muli %scan3A_24, %mul3A_25 : i32
      %add3A_27 = arith.addi %mul3A_12, %mul3A_26 : i32
      %mul3A_28 = arith.constant 128 : i32
      %mul3A_29 = arith.muli %add3A_27, %mul3A_28 : i32
      %dma_start3A = arith.constant 0 : i32
      %dma_start3A_30 = tpu.memref_slice %arg8[%add3A_27, %dma_start3A] : memref<1024x128xi32, #tpu.memory_space<hbm>> -> memref<8x128xi32, #tpu.memory_space<hbm>>
      %dma_start3A_31 = arith.constant 0 : i32
      %dma_start3A_32 = tpu.memref_slice %arg8[%add3A_27, %dma_start3A_31] : memref<1024x128xi32, #tpu.memory_space<hbm>> -> memref<8x128xi32, #tpu.memory_space<hbm>>
      tpu.enqueue_dma source(%dma_start3A_32 : memref<8x128xi32, #tpu.memory_space<hbm>>) target(%arg11 : memref<8x128xi32, #tpu.memory_space<vmem>>) target_semaphore(%arg15 : memref<!tpu.dma_semaphore, #tpu.memory_space<semaphore_mem>>)
      %dma_start3A_33 = arith.constant 0 : i32
      %dma_start3A_34 = arith.constant 0 : i32
      %dma_start3A_35 = tpu.memref_slice %arg12[%dma_start3A_33, %dma_start3A_34] : memref<6x1024xf32, #tpu.memory_space<vmem>> -> memref<1x1024xf32, #tpu.memory_space<vmem>>
      %dma_start3A_36 = tpu.memref_squeeze %dma_start3A_35 : memref<1x1024xf32, #tpu.memory_space<vmem>> -> memref<1024xf32, #tpu.memory_space<vmem>>
      %dma_start3A_37 = tpu.memref_slice %arg2[%mul3A_29] : memref<131072xf32, #tpu.memory_space<hbm>> -> memref<1024xf32, #tpu.memory_space<hbm>>
      %dma_start3A_38 = arith.constant 0 : i32
      %dma_start3A_39 = tpu.memref_slice %arg12[%dma_start3A_33, %dma_start3A_38] : memref<6x1024xf32, #tpu.memory_space<vmem>> -> memref<1x1024xf32, #tpu.memory_space<vmem>>
      %dma_start3A_40 = tpu.memref_squeeze %dma_start3A_39 : memref<1x1024xf32, #tpu.memory_space<vmem>> -> memref<1024xf32, #tpu.memory_space<vmem>>
      %dma_start3A_41 = tpu.memref_slice %arg2[%mul3A_29] : memref<131072xf32, #tpu.memory_space<hbm>> -> memref<1024xf32, #tpu.memory_space<hbm>>
      tpu.enqueue_dma source(%dma_start3A_41 : memref<1024xf32, #tpu.memory_space<hbm>>) target(%dma_start3A_40 : memref<1024xf32, #tpu.memory_space<vmem>>) target_semaphore(%arg15 : memref<!tpu.dma_semaphore, #tpu.memory_space<semaphore_mem>>)
      %dma_start3A_42 = arith.constant 1 : i32
      %dma_start3A_43 = arith.constant 0 : i32
      %dma_start3A_44 = tpu.memref_slice %arg12[%dma_start3A_42, %dma_start3A_43] : memref<6x1024xf32, #tpu.memory_space<vmem>> -> memref<1x1024xf32, #tpu.memory_space<vmem>>
      %dma_start3A_45 = tpu.memref_squeeze %dma_start3A_44 : memref<1x1024xf32, #tpu.memory_space<vmem>> -> memref<1024xf32, #tpu.memory_space<vmem>>
      %dma_start3A_46 = tpu.memref_slice %arg3[%mul3A_29] : memref<131072xf32, #tpu.memory_space<hbm>> -> memref<1024xf32, #tpu.memory_space<hbm>>
      %dma_start3A_47 = arith.constant 0 : i32
      %dma_start3A_48 = tpu.memref_slice %arg12[%dma_start3A_42, %dma_start3A_47] : memref<6x1024xf32, #tpu.memory_space<vmem>> -> memref<1x1024xf32, #tpu.memory_space<vmem>>
      %dma_start3A_49 = tpu.memref_squeeze %dma_start3A_48 : memref<1x1024xf32, #tpu.memory_space<vmem>> -> memref<1024xf32, #tpu.memory_space<vmem>>
      %dma_start3A_50 = tpu.memref_slice %arg3[%mul3A_29] : memref<131072xf32, #tpu.memory_space<hbm>> -> memref<1024xf32, #tpu.memory_space<hbm>>
      tpu.enqueue_dma source(%dma_start3A_50 : memref<1024xf32, #tpu.memory_space<hbm>>) target(%dma_start3A_49 : memref<1024xf32, #tpu.memory_space<vmem>>) target_semaphore(%arg15 : memref<!tpu.dma_semaphore, #tpu.memory_space<semaphore_mem>>)
      %dma_start3A_51 = arith.constant 2 : i32
      %dma_start3A_52 = arith.constant 0 : i32
      %dma_start3A_53 = tpu.memref_slice %arg12[%dma_start3A_51, %dma_start3A_52] : memref<6x1024xf32, #tpu.memory_space<vmem>> -> memref<1x1024xf32, #tpu.memory_space<vmem>>
      %dma_start3A_54 = tpu.memref_squeeze %dma_start3A_53 : memref<1x1024xf32, #tpu.memory_space<vmem>> -> memref<1024xf32, #tpu.memory_space<vmem>>
      %dma_start3A_55 = tpu.memref_slice %arg4[%mul3A_29] : memref<131072xf32, #tpu.memory_space<hbm>> -> memref<1024xf32, #tpu.memory_space<hbm>>
      %dma_start3A_56 = arith.constant 0 : i32
      %dma_start3A_57 = tpu.memref_slice %arg12[%dma_start3A_51, %dma_start3A_56] : memref<6x1024xf32, #tpu.memory_space<vmem>> -> memref<1x1024xf32, #tpu.memory_space<vmem>>
      %dma_start3A_58 = tpu.memref_squeeze %dma_start3A_57 : memref<1x1024xf32, #tpu.memory_space<vmem>> -> memref<1024xf32, #tpu.memory_space<vmem>>
      %dma_start3A_59 = tpu.memref_slice %arg4[%mul3A_29] : memref<131072xf32, #tpu.memory_space<hbm>> -> memref<1024xf32, #tpu.memory_space<hbm>>
      tpu.enqueue_dma source(%dma_start3A_59 : memref<1024xf32, #tpu.memory_space<hbm>>) target(%dma_start3A_58 : memref<1024xf32, #tpu.memory_space<vmem>>) target_semaphore(%arg15 : memref<!tpu.dma_semaphore, #tpu.memory_space<semaphore_mem>>)
      %dma_start3A_60 = arith.constant 3 : i32
      %dma_start3A_61 = arith.constant 0 : i32
      %dma_start3A_62 = tpu.memref_slice %arg12[%dma_start3A_60, %dma_start3A_61] : memref<6x1024xf32, #tpu.memory_space<vmem>> -> memref<1x1024xf32, #tpu.memory_space<vmem>>
      %dma_start3A_63 = tpu.memref_squeeze %dma_start3A_62 : memref<1x1024xf32, #tpu.memory_space<vmem>> -> memref<1024xf32, #tpu.memory_space<vmem>>
      %dma_start3A_64 = tpu.memref_slice %arg5[%mul3A_29] : memref<131072xf32, #tpu.memory_space<hbm>> -> memref<1024xf32, #tpu.memory_space<hbm>>
      %dma_start3A_65 = arith.constant 0 : i32
      %dma_start3A_66 = tpu.memref_slice %arg12[%dma_start3A_60, %dma_start3A_65] : memref<6x1024xf32, #tpu.memory_space<vmem>> -> memref<1x1024xf32, #tpu.memory_space<vmem>>
      %dma_start3A_67 = tpu.memref_squeeze %dma_start3A_66 : memref<1x1024xf32, #tpu.memory_space<vmem>> -> memref<1024xf32, #tpu.memory_space<vmem>>
      %dma_start3A_68 = tpu.memref_slice %arg5[%mul3A_29] : memref<131072xf32, #tpu.memory_space<hbm>> -> memref<1024xf32, #tpu.memory_space<hbm>>
      tpu.enqueue_dma source(%dma_start3A_68 : memref<1024xf32, #tpu.memory_space<hbm>>) target(%dma_start3A_67 : memref<1024xf32, #tpu.memory_space<vmem>>) target_semaphore(%arg15 : memref<!tpu.dma_semaphore, #tpu.memory_space<semaphore_mem>>)
      %dma_start3A_69 = arith.constant 4 : i32
      %dma_start3A_70 = arith.constant 0 : i32
      %dma_start3A_71 = tpu.memref_slice %arg12[%dma_start3A_69, %dma_start3A_70] : memref<6x1024xf32, #tpu.memory_space<vmem>> -> memref<1x1024xf32, #tpu.memory_space<vmem>>
      %dma_start3A_72 = tpu.memref_squeeze %dma_start3A_71 : memref<1x1024xf32, #tpu.memory_space<vmem>> -> memref<1024xf32, #tpu.memory_space<vmem>>
      %dma_start3A_73 = tpu.memref_slice %arg6[%mul3A_29] : memref<131072xf32, #tpu.memory_space<hbm>> -> memref<1024xf32, #tpu.memory_space<hbm>>
      %dma_start3A_74 = arith.constant 0 : i32
      %dma_start3A_75 = tpu.memref_slice %arg12[%dma_start3A_69, %dma_start3A_74] : memref<6x1024xf32, #tpu.memory_space<vmem>> -> memref<1x1024xf32, #tpu.memory_space<vmem>>
      %dma_start3A_76 = tpu.memref_squeeze %dma_start3A_75 : memref<1x1024xf32, #tpu.memory_space<vmem>> -> memref<1024xf32, #tpu.memory_space<vmem>>
      %dma_start3A_77 = tpu.memref_slice %arg6[%mul3A_29] : memref<131072xf32, #tpu.memory_space<hbm>> -> memref<1024xf32, #tpu.memory_space<hbm>>
      tpu.enqueue_dma source(%dma_start3A_77 : memref<1024xf32, #tpu.memory_space<hbm>>) target(%dma_start3A_76 : memref<1024xf32, #tpu.memory_space<vmem>>) target_semaphore(%arg15 : memref<!tpu.dma_semaphore, #tpu.memory_space<semaphore_mem>>)
      %dma_start3A_78 = arith.constant 5 : i32
      %dma_start3A_79 = arith.constant 0 : i32
      %dma_start3A_80 = tpu.memref_slice %arg12[%dma_start3A_78, %dma_start3A_79] : memref<6x1024xf32, #tpu.memory_space<vmem>> -> memref<1x1024xf32, #tpu.memory_space<vmem>>
      %dma_start3A_81 = tpu.memref_squeeze %dma_start3A_80 : memref<1x1024xf32, #tpu.memory_space<vmem>> -> memref<1024xf32, #tpu.memory_space<vmem>>
      %dma_start3A_82 = tpu.memref_slice %arg7[%mul3A_29] : memref<131072xf32, #tpu.memory_space<hbm>> -> memref<1024xf32, #tpu.memory_space<hbm>>
      %dma_start3A_83 = arith.constant 0 : i32
      %dma_start3A_84 = tpu.memref_slice %arg12[%dma_start3A_78, %dma_start3A_83] : memref<6x1024xf32, #tpu.memory_space<vmem>> -> memref<1x1024xf32, #tpu.memory_space<vmem>>
      %dma_start3A_85 = tpu.memref_squeeze %dma_start3A_84 : memref<1x1024xf32, #tpu.memory_space<vmem>> -> memref<1024xf32, #tpu.memory_space<vmem>>
      %dma_start3A_86 = tpu.memref_slice %arg7[%mul3A_29] : memref<131072xf32, #tpu.memory_space<hbm>> -> memref<1024xf32, #tpu.memory_space<hbm>>
      tpu.enqueue_dma source(%dma_start3A_86 : memref<1024xf32, #tpu.memory_space<hbm>>) target(%dma_start3A_85 : memref<1024xf32, #tpu.memory_space<vmem>>) target_semaphore(%arg15 : memref<!tpu.dma_semaphore, #tpu.memory_space<semaphore_mem>>)
      %dma_wait3A = arith.constant 0 : i32
      %dma_wait3A_87 = tpu.memref_slice %arg8[%add3A_27, %dma_wait3A] : memref<1024x128xi32, #tpu.memory_space<hbm>> -> memref<8x128xi32, #tpu.memory_space<hbm>>
      %dma_wait3A_88 = arith.constant 0 : i32
      %dma_wait3A_89 = tpu.memref_slice %arg8[%add3A_27, %dma_wait3A_88] : memref<1024x128xi32, #tpu.memory_space<hbm>> -> memref<8x128xi32, #tpu.memory_space<hbm>>
      tpu.wait_dma2 semaphore(%arg15 : memref<!tpu.dma_semaphore, #tpu.memory_space<semaphore_mem>>) src(%dma_wait3A_89 : memref<8x128xi32, #tpu.memory_space<hbm>>) dst(%arg11 : memref<8x128xi32, #tpu.memory_space<vmem>>)
      %dma_wait3A_90 = arith.constant 0 : i32
      %dma_wait3A_91 = arith.constant 0 : i32
      %dma_wait3A_92 = tpu.memref_slice %arg12[%dma_wait3A_90, %dma_wait3A_91] : memref<6x1024xf32, #tpu.memory_space<vmem>> -> memref<1x1024xf32, #tpu.memory_space<vmem>>
      %dma_wait3A_93 = tpu.memref_squeeze %dma_wait3A_92 : memref<1x1024xf32, #tpu.memory_space<vmem>> -> memref<1024xf32, #tpu.memory_space<vmem>>
      %dma_wait3A_94 = tpu.memref_slice %arg2[%mul3A_29] : memref<131072xf32, #tpu.memory_space<hbm>> -> memref<1024xf32, #tpu.memory_space<hbm>>
      %dma_wait3A_95 = arith.constant 0 : i32
      %dma_wait3A_96 = tpu.memref_slice %arg12[%dma_wait3A_90, %dma_wait3A_95] : memref<6x1024xf32, #tpu.memory_space<vmem>> -> memref<1x1024xf32, #tpu.memory_space<vmem>>
      %dma_wait3A_97 = tpu.memref_squeeze %dma_wait3A_96 : memref<1x1024xf32, #tpu.memory_space<vmem>> -> memref<1024xf32, #tpu.memory_space<vmem>>
      %dma_wait3A_98 = tpu.memref_slice %arg2[%mul3A_29] : memref<131072xf32, #tpu.memory_space<hbm>> -> memref<1024xf32, #tpu.memory_space<hbm>>
      tpu.wait_dma2 semaphore(%arg15 : memref<!tpu.dma_semaphore, #tpu.memory_space<semaphore_mem>>) src(%dma_wait3A_98 : memref<1024xf32, #tpu.memory_space<hbm>>) dst(%dma_wait3A_97 : memref<1024xf32, #tpu.memory_space<vmem>>)
      %dma_wait3A_99 = arith.constant 1 : i32
      %dma_wait3A_100 = arith.constant 0 : i32
      %dma_wait3A_101 = tpu.memref_slice %arg12[%dma_wait3A_99, %dma_wait3A_100] : memref<6x1024xf32, #tpu.memory_space<vmem>> -> memref<1x1024xf32, #tpu.memory_space<vmem>>
      %dma_wait3A_102 = tpu.memref_squeeze %dma_wait3A_101 : memref<1x1024xf32, #tpu.memory_space<vmem>> -> memref<1024xf32, #tpu.memory_space<vmem>>
      %dma_wait3A_103 = tpu.memref_slice %arg3[%mul3A_29] : memref<131072xf32, #tpu.memory_space<hbm>> -> memref<1024xf32, #tpu.memory_space<hbm>>
      %dma_wait3A_104 = arith.constant 0 : i32
      %dma_wait3A_105 = tpu.memref_slice %arg12[%dma_wait3A_99, %dma_wait3A_104] : memref<6x1024xf32, #tpu.memory_space<vmem>> -> memref<1x1024xf32, #tpu.memory_space<vmem>>
      %dma_wait3A_106 = tpu.memref_squeeze %dma_wait3A_105 : memref<1x1024xf32, #tpu.memory_space<vmem>> -> memref<1024xf32, #tpu.memory_space<vmem>>
      %dma_wait3A_107 = tpu.memref_slice %arg3[%mul3A_29] : memref<131072xf32, #tpu.memory_space<hbm>> -> memref<1024xf32, #tpu.memory_space<hbm>>
      tpu.wait_dma2 semaphore(%arg15 : memref<!tpu.dma_semaphore, #tpu.memory_space<semaphore_mem>>) src(%dma_wait3A_107 : memref<1024xf32, #tpu.memory_space<hbm>>) dst(%dma_wait3A_106 : memref<1024xf32, #tpu.memory_space<vmem>>)
      %dma_wait3A_108 = arith.constant 2 : i32
      %dma_wait3A_109 = arith.constant 0 : i32
      %dma_wait3A_110 = tpu.memref_slice %arg12[%dma_wait3A_108, %dma_wait3A_109] : memref<6x1024xf32, #tpu.memory_space<vmem>> -> memref<1x1024xf32, #tpu.memory_space<vmem>>
      %dma_wait3A_111 = tpu.memref_squeeze %dma_wait3A_110 : memref<1x1024xf32, #tpu.memory_space<vmem>> -> memref<1024xf32, #tpu.memory_space<vmem>>
      %dma_wait3A_112 = tpu.memref_slice %arg4[%mul3A_29] : memref<131072xf32, #tpu.memory_space<hbm>> -> memref<1024xf32, #tpu.memory_space<hbm>>
      %dma_wait3A_113 = arith.constant 0 : i32
      %dma_wait3A_114 = tpu.memref_slice %arg12[%dma_wait3A_108, %dma_wait3A_113] : memref<6x1024xf32, #tpu.memory_space<vmem>> -> memref<1x1024xf32, #tpu.memory_space<vmem>>
      %dma_wait3A_115 = tpu.memref_squeeze %dma_wait3A_114 : memref<1x1024xf32, #tpu.memory_space<vmem>> -> memref<1024xf32, #tpu.memory_space<vmem>>
      %dma_wait3A_116 = tpu.memref_slice %arg4[%mul3A_29] : memref<131072xf32, #tpu.memory_space<hbm>> -> memref<1024xf32, #tpu.memory_space<hbm>>
      tpu.wait_dma2 semaphore(%arg15 : memref<!tpu.dma_semaphore, #tpu.memory_space<semaphore_mem>>) src(%dma_wait3A_116 : memref<1024xf32, #tpu.memory_space<hbm>>) dst(%dma_wait3A_115 : memref<1024xf32, #tpu.memory_space<vmem>>)
      %dma_wait3A_117 = arith.constant 3 : i32
      %dma_wait3A_118 = arith.constant 0 : i32
      %dma_wait3A_119 = tpu.memref_slice %arg12[%dma_wait3A_117, %dma_wait3A_118] : memref<6x1024xf32, #tpu.memory_space<vmem>> -> memref<1x1024xf32, #tpu.memory_space<vmem>>
      %dma_wait3A_120 = tpu.memref_squeeze %dma_wait3A_119 : memref<1x1024xf32, #tpu.memory_space<vmem>> -> memref<1024xf32, #tpu.memory_space<vmem>>
      %dma_wait3A_121 = tpu.memref_slice %arg5[%mul3A_29] : memref<131072xf32, #tpu.memory_space<hbm>> -> memref<1024xf32, #tpu.memory_space<hbm>>
      %dma_wait3A_122 = arith.constant 0 : i32
      %dma_wait3A_123 = tpu.memref_slice %arg12[%dma_wait3A_117, %dma_wait3A_122] : memref<6x1024xf32, #tpu.memory_space<vmem>> -> memref<1x1024xf32, #tpu.memory_space<vmem>>
      %dma_wait3A_124 = tpu.memref_squeeze %dma_wait3A_123 : memref<1x1024xf32, #tpu.memory_space<vmem>> -> memref<1024xf32, #tpu.memory_space<vmem>>
      %dma_wait3A_125 = tpu.memref_slice %arg5[%mul3A_29] : memref<131072xf32, #tpu.memory_space<hbm>> -> memref<1024xf32, #tpu.memory_space<hbm>>
      tpu.wait_dma2 semaphore(%arg15 : memref<!tpu.dma_semaphore, #tpu.memory_space<semaphore_mem>>) src(%dma_wait3A_125 : memref<1024xf32, #tpu.memory_space<hbm>>) dst(%dma_wait3A_124 : memref<1024xf32, #tpu.memory_space<vmem>>)
      %dma_wait3A_126 = arith.constant 4 : i32
      %dma_wait3A_127 = arith.constant 0 : i32
      %dma_wait3A_128 = tpu.memref_slice %arg12[%dma_wait3A_126, %dma_wait3A_127] : memref<6x1024xf32, #tpu.memory_space<vmem>> -> memref<1x1024xf32, #tpu.memory_space<vmem>>
      %dma_wait3A_129 = tpu.memref_squeeze %dma_wait3A_128 : memref<1x1024xf32, #tpu.memory_space<vmem>> -> memref<1024xf32, #tpu.memory_space<vmem>>
      %dma_wait3A_130 = tpu.memref_slice %arg6[%mul3A_29] : memref<131072xf32, #tpu.memory_space<hbm>> -> memref<1024xf32, #tpu.memory_space<hbm>>
      %dma_wait3A_131 = arith.constant 0 : i32
      %dma_wait3A_132 = tpu.memref_slice %arg12[%dma_wait3A_126, %dma_wait3A_131] : memref<6x1024xf32, #tpu.memory_space<vmem>> -> memref<1x1024xf32, #tpu.memory_space<vmem>>
      %dma_wait3A_133 = tpu.memref_squeeze %dma_wait3A_132 : memref<1x1024xf32, #tpu.memory_space<vmem>> -> memref<1024xf32, #tpu.memory_space<vmem>>
      %dma_wait3A_134 = tpu.memref_slice %arg6[%mul3A_29] : memref<131072xf32, #tpu.memory_space<hbm>> -> memref<1024xf32, #tpu.memory_space<hbm>>
      tpu.wait_dma2 semaphore(%arg15 : memref<!tpu.dma_semaphore, #tpu.memory_space<semaphore_mem>>) src(%dma_wait3A_134 : memref<1024xf32, #tpu.memory_space<hbm>>) dst(%dma_wait3A_133 : memref<1024xf32, #tpu.memory_space<vmem>>)
      %dma_wait3A_135 = arith.constant 5 : i32
      %dma_wait3A_136 = arith.constant 0 : i32
      %dma_wait3A_137 = tpu.memref_slice %arg12[%dma_wait3A_135, %dma_wait3A_136] : memref<6x1024xf32, #tpu.memory_space<vmem>> -> memref<1x1024xf32, #tpu.memory_space<vmem>>
      %dma_wait3A_138 = tpu.memref_squeeze %dma_wait3A_137 : memref<1x1024xf32, #tpu.memory_space<vmem>> -> memref<1024xf32, #tpu.memory_space<vmem>>
      %dma_wait3A_139 = tpu.memref_slice %arg7[%mul3A_29] : memref<131072xf32, #tpu.memory_space<hbm>> -> memref<1024xf32, #tpu.memory_space<hbm>>
      %dma_wait3A_140 = arith.constant 0 : i32
      %dma_wait3A_141 = tpu.memref_slice %arg12[%dma_wait3A_135, %dma_wait3A_140] : memref<6x1024xf32, #tpu.memory_space<vmem>> -> memref<1x1024xf32, #tpu.memory_space<vmem>>
      %dma_wait3A_142 = tpu.memref_squeeze %dma_wait3A_141 : memref<1x1024xf32, #tpu.memory_space<vmem>> -> memref<1024xf32, #tpu.memory_space<vmem>>
      %dma_wait3A_143 = tpu.memref_slice %arg7[%mul3A_29] : memref<131072xf32, #tpu.memory_space<hbm>> -> memref<1024xf32, #tpu.memory_space<hbm>>
      tpu.wait_dma2 semaphore(%arg15 : memref<!tpu.dma_semaphore, #tpu.memory_space<semaphore_mem>>) src(%dma_wait3A_143 : memref<1024xf32, #tpu.memory_space<hbm>>) dst(%dma_wait3A_142 : memref<1024xf32, #tpu.memory_space<vmem>>)
      %scan3A_144 = arith.constant 0 : i32
      %scan3A_145 = arith.constant 0 : i32
      %scan3A_146 = arith.constant 64 : i32
      %scan3A_147 = arith.addi %scan3A_145, %scan3A_146 : i32
      %scan3A_148 = arith.constant 1 : i32
      scf.for %scan3A_310 = %scan3A_145 to %scan3A_147 step %scan3A_148  : i32 {
        %mul3A_311 = arith.constant 16 : i32
        %mul3A_312 = arith.muli %scan3A_310, %mul3A_311 : i32
        %add3A_313 = vector.broadcast %mul3A_312 : i32 to vector<16xi32>
        %add3A_314 = arith.addi %add3A_313, %iota3A : vector<16xi32>
        %mul3A_315 = arith.constant 16 : i32
        %mul3A_316 = arith.muli %scan3A_310, %mul3A_315 : i32
        %get3A = arith.constant 0 : i32
        %get3A_317 = arith.index_cast %get3A : i32 to index
        %get3A_318 = arith.index_cast %mul3A_316 : i32 to index
        %get3A_319 = tpu.vector_load %arg12[%get3A_317, %get3A_318] {strides = array<i32>} : memref<6x1024xf32, #tpu.memory_space<vmem>>, vector<16xf32>,
        %broadcast_in_dim3A_320 = arith.constant 0 : i32
        %broadcast_in_dim3A_321 = vector.broadcast %broadcast_in_dim3A_320 : i32 to vector<16xi32>
        tpu.vector_store_idx %arg13[%add3A_314, %broadcast_in_dim3A_321], %get3A_319 : memref<1024x8xf32, #tpu.memory_space<vmem>>[vector<16xi32>, vector<16xi32>], vector<16xf32>,
        %mul3A_322 = arith.constant 16 : i32
        %mul3A_323 = arith.muli %scan3A_310, %mul3A_322 : i32
        %get3A_324 = arith.constant 1 : i32
        %get3A_325 = arith.index_cast %get3A_324 : i32 to index
        %get3A_326 = arith.index_cast %mul3A_323 : i32 to index
        %get3A_327 = tpu.vector_load %arg12[%get3A_325, %get3A_326] {strides = array<i32>} : memref<6x1024xf32, #tpu.memory_space<vmem>>, vector<16xf32>,
        %broadcast_in_dim3A_328 = arith.constant 1 : i32
        %broadcast_in_dim3A_329 = vector.broadcast %broadcast_in_dim3A_328 : i32 to vector<16xi32>
        tpu.vector_store_idx %arg13[%add3A_314, %broadcast_in_dim3A_329], %get3A_327 : memref<1024x8xf32, #tpu.memory_space<vmem>>[vector<16xi32>, vector<16xi32>], vector<16xf32>,
        %mul3A_330 = arith.constant 16 : i32
        %mul3A_331 = arith.muli %scan3A_310, %mul3A_330 : i32
        %get3A_332 = arith.constant 2 : i32
        %get3A_333 = arith.index_cast %get3A_332 : i32 to index
        %get3A_334 = arith.index_cast %mul3A_331 : i32 to index
        %get3A_335 = tpu.vector_load %arg12[%get3A_333, %get3A_334] {strides = array<i32>} : memref<6x1024xf32, #tpu.memory_space<vmem>>, vector<16xf32>,
        %broadcast_in_dim3A_336 = arith.constant 2 : i32
        %broadcast_in_dim3A_337 = vector.broadcast %broadcast_in_dim3A_336 : i32 to vector<16xi32>
        tpu.vector_store_idx %arg13[%add3A_314, %broadcast_in_dim3A_337], %get3A_335 : memref<1024x8xf32, #tpu.memory_space<vmem>>[vector<16xi32>, vector<16xi32>], vector<16xf32>,
        %mul3A_338 = arith.constant 16 : i32
        %mul3A_339 = arith.muli %scan3A_310, %mul3A_338 : i32
        %get3A_340 = arith.constant 3 : i32
        %get3A_341 = arith.index_cast %get3A_340 : i32 to index
        %get3A_342 = arith.index_cast %mul3A_339 : i32 to index
        %get3A_343 = tpu.vector_load %arg12[%get3A_341, %get3A_342] {strides = array<i32>} : memref<6x1024xf32, #tpu.memory_space<vmem>>, vector<16xf32>,
        %broadcast_in_dim3A_344 = arith.constant 3 : i32
        %broadcast_in_dim3A_345 = vector.broadcast %broadcast_in_dim3A_344 : i32 to vector<16xi32>
        tpu.vector_store_idx %arg13[%add3A_314, %broadcast_in_dim3A_345], %get3A_343 : memref<1024x8xf32, #tpu.memory_space<vmem>>[vector<16xi32>, vector<16xi32>], vector<16xf32>,
        %mul3A_346 = arith.constant 16 : i32
        %mul3A_347 = arith.muli %scan3A_310, %mul3A_346 : i32
        %get3A_348 = arith.constant 4 : i32
        %get3A_349 = arith.index_cast %get3A_348 : i32 to index
        %get3A_350 = arith.index_cast %mul3A_347 : i32 to index
        %get3A_351 = tpu.vector_load %arg12[%get3A_349, %get3A_350] {strides = array<i32>} : memref<6x1024xf32, #tpu.memory_space<vmem>>, vector<16xf32>,
        %broadcast_in_dim3A_352 = arith.constant 4 : i32
        %broadcast_in_dim3A_353 = vector.broadcast %broadcast_in_dim3A_352 : i32 to vector<16xi32>
        tpu.vector_store_idx %arg13[%add3A_314, %broadcast_in_dim3A_353], %get3A_351 : memref<1024x8xf32, #tpu.memory_space<vmem>>[vector<16xi32>, vector<16xi32>], vector<16xf32>,
        %mul3A_354 = arith.constant 16 : i32
        %mul3A_355 = arith.muli %scan3A_310, %mul3A_354 : i32
        %get3A_356 = arith.constant 5 : i32
        %get3A_357 = arith.index_cast %get3A_356 : i32 to index
        %get3A_358 = arith.index_cast %mul3A_355 : i32 to index
        %get3A_359 = tpu.vector_load %arg12[%get3A_357, %get3A_358] {strides = array<i32>} : memref<6x1024xf32, #tpu.memory_space<vmem>>, vector<16xf32>,
        %broadcast_in_dim3A_360 = arith.constant 5 : i32
        %broadcast_in_dim3A_361 = vector.broadcast %broadcast_in_dim3A_360 : i32 to vector<16xi32>
        tpu.vector_store_idx %arg13[%add3A_314, %broadcast_in_dim3A_361], %get3A_359 : memref<1024x8xf32, #tpu.memory_space<vmem>>[vector<16xi32>, vector<16xi32>], vector<16xf32>,
        %add3A_362 = arith.constant 163840 : i32
        %add3A_363 = arith.addi %add3A_362, %mul3A_29 : i32
        %mul3A_364 = arith.constant 16 : i32
        %mul3A_365 = arith.muli %scan3A_310, %mul3A_364 : i32
        %add3A_366 = arith.addi %add3A_363, %mul3A_365 : i32
        %add3A_367 = vector.broadcast %add3A_366 : i32 to vector<16xi32>
        %add3A_368 = arith.addi %add3A_367, %iota3A : vector<16xi32>
        %lt3A = arith.constant 320000 : i32
        %lt3A_369 = vector.broadcast %lt3A : i32 to vector<16xi32>
        %lt3A_370 = arith.cmpi slt, %add3A_368, %lt3A_369 : vector<16xi32>
        %jit3A = arith.constant 1.000000e+00 : f32
        %jit3A_371 = arith.constant 0.000000e+00 : f32
        %broadcast_in_dim3A_372 = vector.broadcast %jit3A : f32 to vector<16xf32>
        %broadcast_in_dim3A_373 = vector.broadcast %jit3A_371 : f32 to vector<16xf32>
        %select_n3A = arith.select %lt3A_370, %broadcast_in_dim3A_372, %broadcast_in_dim3A_373 : vector<16xi1>, vector<16xf32>
        %broadcast_in_dim3A_374 = arith.constant 6 : i32
        %broadcast_in_dim3A_375 = vector.broadcast %broadcast_in_dim3A_374 : i32 to vector<16xi32>
        tpu.vector_store_idx %arg13[%add3A_314, %broadcast_in_dim3A_375], %select_n3A : memref<1024x8xf32, #tpu.memory_space<vmem>>[vector<16xi32>, vector<16xi32>], vector<16xf32>,
      }
      %scan3A_149 = arith.constant 64 : i32
      %dma_start3A_150 = arith.constant 0 : i32
      %dma_start3A_151 = arith.constant 0 : i32
      %dma_start3A_152 = arith.constant 0 : i32
      %dma_start3A_153 = tpu.memref_slice %arg13[%dma_start3A_151, %dma_start3A_152] : memref<1024x8xf32, #tpu.memory_space<vmem>> -> memref<128x8xf32, #tpu.memory_space<vmem>>
      %dma_start3A_154 = arith.constant 0 : i32
      %dma_start3A_155 = tpu.memref_slice %arg11[%dma_start3A_150, %dma_start3A_154] : memref<8x128xi32, #tpu.memory_space<vmem>> -> memref<1x128xi32, #tpu.memory_space<vmem>>
      %dma_start3A_156 = tpu.memref_squeeze %dma_start3A_155 : memref<1x128xi32, #tpu.memory_space<vmem>> -> memref<128xi32, #tpu.memory_space<vmem>>
      %dma_start3A_157 = arith.constant 0 : i32
      %dma_start3A_158 = arith.constant 0 : i32
      %dma_start3A_159 = tpu.memref_slice %arg14[%dma_start3A_157, %dma_start3A_158] : memref<10240x8xf32, #tpu.memory_space<vmem_shared>> -> memref<10240x8xf32, #tpu.memory_space<vmem_shared>>
      tpu.enqueue_indirect_dma source(%dma_start3A_153 : memref<128x8xf32, #tpu.memory_space<vmem>>) target(%dma_start3A_159 : memref<10240x8xf32, #tpu.memory_space<vmem_shared>>) offsets(%dma_start3A_156 : memref<128xi32, #tpu.memory_space<vmem>>) semaphore(%arg15 : memref<!tpu.dma_semaphore, #tpu.memory_space<semaphore_mem>>) {add = true}
      %dma_start3A_160 = arith.constant 1 : i32
      %dma_start3A_161 = arith.constant 128 : i32
      %dma_start3A_162 = arith.constant 0 : i32
      %dma_start3A_163 = tpu.memref_slice %arg13[%dma_start3A_161, %dma_start3A_162] : memref<1024x8xf32, #tpu.memory_space<vmem>> -> memref<128x8xf32, #tpu.memory_space<vmem>>
      %dma_start3A_164 = arith.constant 0 : i32
      %dma_start3A_165 = tpu.memref_slice %arg11[%dma_start3A_160, %dma_start3A_164] : memref<8x128xi32, #tpu.memory_space<vmem>> -> memref<1x128xi32, #tpu.memory_space<vmem>>
      %dma_start3A_166 = tpu.memref_squeeze %dma_start3A_165 : memref<1x128xi32, #tpu.memory_space<vmem>> -> memref<128xi32, #tpu.memory_space<vmem>>
      %dma_start3A_167 = arith.constant 0 : i32
      %dma_start3A_168 = arith.constant 0 : i32
      %dma_start3A_169 = tpu.memref_slice %arg14[%dma_start3A_167, %dma_start3A_168] : memref<10240x8xf32, #tpu.memory_space<vmem_shared>> -> memref<10240x8xf32, #tpu.memory_space<vmem_shared>>
      tpu.enqueue_indirect_dma source(%dma_start3A_163 : memref<128x8xf32, #tpu.memory_space<vmem>>) target(%dma_start3A_169 : memref<10240x8xf32, #tpu.memory_space<vmem_shared>>) offsets(%dma_start3A_166 : memref<128xi32, #tpu.memory_space<vmem>>) semaphore(%arg15 : memref<!tpu.dma_semaphore, #tpu.memory_space<semaphore_mem>>) {add = true}
      %dma_start3A_170 = arith.constant 2 : i32
      %dma_start3A_171 = arith.constant 256 : i32
      %dma_start3A_172 = arith.constant 0 : i32
      %dma_start3A_173 = tpu.memref_slice %arg13[%dma_start3A_171, %dma_start3A_172] : memref<1024x8xf32, #tpu.memory_space<vmem>> -> memref<128x8xf32, #tpu.memory_space<vmem>>
      %dma_start3A_174 = arith.constant 0 : i32
      %dma_start3A_175 = tpu.memref_slice %arg11[%dma_start3A_170, %dma_start3A_174] : memref<8x128xi32, #tpu.memory_space<vmem>> -> memref<1x128xi32, #tpu.memory_space<vmem>>
      %dma_start3A_176 = tpu.memref_squeeze %dma_start3A_175 : memref<1x128xi32, #tpu.memory_space<vmem>> -> memref<128xi32, #tpu.memory_space<vmem>>
      %dma_start3A_177 = arith.constant 0 : i32
      %dma_start3A_178 = arith.constant 0 : i32
      %dma_start3A_179 = tpu.memref_slice %arg14[%dma_start3A_177, %dma_start3A_178] : memref<10240x8xf32, #tpu.memory_space<vmem_shared>> -> memref<10240x8xf32, #tpu.memory_space<vmem_shared>>
      tpu.enqueue_indirect_dma source(%dma_start3A_173 : memref<128x8xf32, #tpu.memory_space<vmem>>) target(%dma_start3A_179 : memref<10240x8xf32, #tpu.memory_space<vmem_shared>>) offsets(%dma_start3A_176 : memref<128xi32, #tpu.memory_space<vmem>>) semaphore(%arg15 : memref<!tpu.dma_semaphore, #tpu.memory_space<semaphore_mem>>) {add = true}
      %dma_start3A_180 = arith.constant 3 : i32
      %dma_start3A_181 = arith.constant 384 : i32
      %dma_start3A_182 = arith.constant 0 : i32
      %dma_start3A_183 = tpu.memref_slice %arg13[%dma_start3A_181, %dma_start3A_182] : memref<1024x8xf32, #tpu.memory_space<vmem>> -> memref<128x8xf32, #tpu.memory_space<vmem>>
      %dma_start3A_184 = arith.constant 0 : i32
      %dma_start3A_185 = tpu.memref_slice %arg11[%dma_start3A_180, %dma_start3A_184] : memref<8x128xi32, #tpu.memory_space<vmem>> -> memref<1x128xi32, #tpu.memory_space<vmem>>
      %dma_start3A_186 = tpu.memref_squeeze %dma_start3A_185 : memref<1x128xi32, #tpu.memory_space<vmem>> -> memref<128xi32, #tpu.memory_space<vmem>>
      %dma_start3A_187 = arith.constant 0 : i32
      %dma_start3A_188 = arith.constant 0 : i32
      %dma_start3A_189 = tpu.memref_slice %arg14[%dma_start3A_187, %dma_start3A_188] : memref<10240x8xf32, #tpu.memory_space<vmem_shared>> -> memref<10240x8xf32, #tpu.memory_space<vmem_shared>>
      tpu.enqueue_indirect_dma source(%dma_start3A_183 : memref<128x8xf32, #tpu.memory_space<vmem>>) target(%dma_start3A_189 : memref<10240x8xf32, #tpu.memory_space<vmem_shared>>) offsets(%dma_start3A_186 : memref<128xi32, #tpu.memory_space<vmem>>) semaphore(%arg15 : memref<!tpu.dma_semaphore, #tpu.memory_space<semaphore_mem>>) {add = true}
      %dma_start3A_190 = arith.constant 4 : i32
      %dma_start3A_191 = arith.constant 512 : i32
      %dma_start3A_192 = arith.constant 0 : i32
      %dma_start3A_193 = tpu.memref_slice %arg13[%dma_start3A_191, %dma_start3A_192] : memref<1024x8xf32, #tpu.memory_space<vmem>> -> memref<128x8xf32, #tpu.memory_space<vmem>>
      %dma_start3A_194 = arith.constant 0 : i32
      %dma_start3A_195 = tpu.memref_slice %arg11[%dma_start3A_190, %dma_start3A_194] : memref<8x128xi32, #tpu.memory_space<vmem>> -> memref<1x128xi32, #tpu.memory_space<vmem>>
      %dma_start3A_196 = tpu.memref_squeeze %dma_start3A_195 : memref<1x128xi32, #tpu.memory_space<vmem>> -> memref<128xi32, #tpu.memory_space<vmem>>
      %dma_start3A_197 = arith.constant 0 : i32
      %dma_start3A_198 = arith.constant 0 : i32
      %dma_start3A_199 = tpu.memref_slice %arg14[%dma_start3A_197, %dma_start3A_198] : memref<10240x8xf32, #tpu.memory_space<vmem_shared>> -> memref<10240x8xf32, #tpu.memory_space<vmem_shared>>
      tpu.enqueue_indirect_dma source(%dma_start3A_193 : memref<128x8xf32, #tpu.memory_space<vmem>>) target(%dma_start3A_199 : memref<10240x8xf32, #tpu.memory_space<vmem_shared>>) offsets(%dma_start3A_196 : memref<128xi32, #tpu.memory_space<vmem>>) semaphore(%arg15 : memref<!tpu.dma_semaphore, #tpu.memory_space<semaphore_mem>>) {add = true}
      %dma_start3A_200 = arith.constant 5 : i32
      %dma_start3A_201 = arith.constant 640 : i32
      %dma_start3A_202 = arith.constant 0 : i32
      %dma_start3A_203 = tpu.memref_slice %arg13[%dma_start3A_201, %dma_start3A_202] : memref<1024x8xf32, #tpu.memory_space<vmem>> -> memref<128x8xf32, #tpu.memory_space<vmem>>
      %dma_start3A_204 = arith.constant 0 : i32
      %dma_start3A_205 = tpu.memref_slice %arg11[%dma_start3A_200, %dma_start3A_204] : memref<8x128xi32, #tpu.memory_space<vmem>> -> memref<1x128xi32, #tpu.memory_space<vmem>>
      %dma_start3A_206 = tpu.memref_squeeze %dma_start3A_205 : memref<1x128xi32, #tpu.memory_space<vmem>> -> memref<128xi32, #tpu.memory_space<vmem>>
      %dma_start3A_207 = arith.constant 0 : i32
      %dma_start3A_208 = arith.constant 0 : i32
      %dma_start3A_209 = tpu.memref_slice %arg14[%dma_start3A_207, %dma_start3A_208] : memref<10240x8xf32, #tpu.memory_space<vmem_shared>> -> memref<10240x8xf32, #tpu.memory_space<vmem_shared>>
      tpu.enqueue_indirect_dma source(%dma_start3A_203 : memref<128x8xf32, #tpu.memory_space<vmem>>) target(%dma_start3A_209 : memref<10240x8xf32, #tpu.memory_space<vmem_shared>>) offsets(%dma_start3A_206 : memref<128xi32, #tpu.memory_space<vmem>>) semaphore(%arg15 : memref<!tpu.dma_semaphore, #tpu.memory_space<semaphore_mem>>) {add = true}
      %dma_start3A_210 = arith.constant 6 : i32
      %dma_start3A_211 = arith.constant 768 : i32
      %dma_start3A_212 = arith.constant 0 : i32
      %dma_start3A_213 = tpu.memref_slice %arg13[%dma_start3A_211, %dma_start3A_212] : memref<1024x8xf32, #tpu.memory_space<vmem>> -> memref<128x8xf32, #tpu.memory_space<vmem>>
      %dma_start3A_214 = arith.constant 0 : i32
      %dma_start3A_215 = tpu.memref_slice %arg11[%dma_start3A_210, %dma_start3A_214] : memref<8x128xi32, #tpu.memory_space<vmem>> -> memref<1x128xi32, #tpu.memory_space<vmem>>
      %dma_start3A_216 = tpu.memref_squeeze %dma_start3A_215 : memref<1x128xi32, #tpu.memory_space<vmem>> -> memref<128xi32, #tpu.memory_space<vmem>>
      %dma_start3A_217 = arith.constant 0 : i32
      %dma_start3A_218 = arith.constant 0 : i32
      %dma_start3A_219 = tpu.memref_slice %arg14[%dma_start3A_217, %dma_start3A_218] : memref<10240x8xf32, #tpu.memory_space<vmem_shared>> -> memref<10240x8xf32, #tpu.memory_space<vmem_shared>>
      tpu.enqueue_indirect_dma source(%dma_start3A_213 : memref<128x8xf32, #tpu.memory_space<vmem>>) target(%dma_start3A_219 : memref<10240x8xf32, #tpu.memory_space<vmem_shared>>) offsets(%dma_start3A_216 : memref<128xi32, #tpu.memory_space<vmem>>) semaphore(%arg15 : memref<!tpu.dma_semaphore, #tpu.memory_space<semaphore_mem>>) {add = true}
      %dma_start3A_220 = arith.constant 7 : i32
      %dma_start3A_221 = arith.constant 896 : i32
      %dma_start3A_222 = arith.constant 0 : i32
      %dma_start3A_223 = tpu.memref_slice %arg13[%dma_start3A_221, %dma_start3A_222] : memref<1024x8xf32, #tpu.memory_space<vmem>> -> memref<128x8xf32, #tpu.memory_space<vmem>>
      %dma_start3A_224 = arith.constant 0 : i32
      %dma_start3A_225 = tpu.memref_slice %arg11[%dma_start3A_220, %dma_start3A_224] : memref<8x128xi32, #tpu.memory_space<vmem>> -> memref<1x128xi32, #tpu.memory_space<vmem>>
      %dma_start3A_226 = tpu.memref_squeeze %dma_start3A_225 : memref<1x128xi32, #tpu.memory_space<vmem>> -> memref<128xi32, #tpu.memory_space<vmem>>
      %dma_start3A_227 = arith.constant 0 : i32
      %dma_start3A_228 = arith.constant 0 : i32
      %dma_start3A_229 = tpu.memref_slice %arg14[%dma_start3A_227, %dma_start3A_228] : memref<10240x8xf32, #tpu.memory_space<vmem_shared>> -> memref<10240x8xf32, #tpu.memory_space<vmem_shared>>
      tpu.enqueue_indirect_dma source(%dma_start3A_223 : memref<128x8xf32, #tpu.memory_space<vmem>>) target(%dma_start3A_229 : memref<10240x8xf32, #tpu.memory_space<vmem_shared>>) offsets(%dma_start3A_226 : memref<128xi32, #tpu.memory_space<vmem>>) semaphore(%arg15 : memref<!tpu.dma_semaphore, #tpu.memory_space<semaphore_mem>>) {add = true}
      %dma_wait3A_230 = arith.constant 0 : i32
      %dma_wait3A_231 = arith.constant 0 : i32
      %dma_wait3A_232 = arith.constant 0 : i32
      %dma_wait3A_233 = tpu.memref_slice %arg13[%dma_wait3A_231, %dma_wait3A_232] : memref<1024x8xf32, #tpu.memory_space<vmem>> -> memref<128x8xf32, #tpu.memory_space<vmem>>
      %dma_wait3A_234 = arith.constant 0 : i32
      %dma_wait3A_235 = tpu.memref_slice %arg11[%dma_wait3A_230, %dma_wait3A_234] : memref<8x128xi32, #tpu.memory_space<vmem>> -> memref<1x128xi32, #tpu.memory_space<vmem>>
      %dma_wait3A_236 = tpu.memref_squeeze %dma_wait3A_235 : memref<1x128xi32, #tpu.memory_space<vmem>> -> memref<128xi32, #tpu.memory_space<vmem>>
      %dma_wait3A_237 = arith.constant 0 : i32
      %dma_wait3A_238 = arith.constant 0 : i32
      %dma_wait3A_239 = tpu.memref_slice %arg14[%dma_wait3A_237, %dma_wait3A_238] : memref<10240x8xf32, #tpu.memory_space<vmem_shared>> -> memref<10240x8xf32, #tpu.memory_space<vmem_shared>>
      tpu.wait_indirect_dma semaphore(%arg15 : memref<!tpu.dma_semaphore, #tpu.memory_space<semaphore_mem>>) src(%dma_wait3A_233 : memref<128x8xf32, #tpu.memory_space<vmem>>) dst(%dma_wait3A_239 : memref<10240x8xf32, #tpu.memory_space<vmem_shared>>)
      %dma_wait3A_240 = arith.constant 1 : i32
      %dma_wait3A_241 = arith.constant 128 : i32
      %dma_wait3A_242 = arith.constant 0 : i32
      %dma_wait3A_243 = tpu.memref_slice %arg13[%dma_wait3A_241, %dma_wait3A_242] : memref<1024x8xf32, #tpu.memory_space<vmem>> -> memref<128x8xf32, #tpu.memory_space<vmem>>
      %dma_wait3A_244 = arith.constant 0 : i32
      %dma_wait3A_245 = tpu.memref_slice %arg11[%dma_wait3A_240, %dma_wait3A_244] : memref<8x128xi32, #tpu.memory_space<vmem>> -> memref<1x128xi32, #tpu.memory_space<vmem>>
      %dma_wait3A_246 = tpu.memref_squeeze %dma_wait3A_245 : memref<1x128xi32, #tpu.memory_space<vmem>> -> memref<128xi32, #tpu.memory_space<vmem>>
      %dma_wait3A_247 = arith.constant 0 : i32
      %dma_wait3A_248 = arith.constant 0 : i32
      %dma_wait3A_249 = tpu.memref_slice %arg14[%dma_wait3A_247, %dma_wait3A_248] : memref<10240x8xf32, #tpu.memory_space<vmem_shared>> -> memref<10240x8xf32, #tpu.memory_space<vmem_shared>>
      tpu.wait_indirect_dma semaphore(%arg15 : memref<!tpu.dma_semaphore, #tpu.memory_space<semaphore_mem>>) src(%dma_wait3A_243 : memref<128x8xf32, #tpu.memory_space<vmem>>) dst(%dma_wait3A_249 : memref<10240x8xf32, #tpu.memory_space<vmem_shared>>)
      %dma_wait3A_250 = arith.constant 2 : i32
      %dma_wait3A_251 = arith.constant 256 : i32
      %dma_wait3A_252 = arith.constant 0 : i32
      %dma_wait3A_253 = tpu.memref_slice %arg13[%dma_wait3A_251, %dma_wait3A_252] : memref<1024x8xf32, #tpu.memory_space<vmem>> -> memref<128x8xf32, #tpu.memory_space<vmem>>
      %dma_wait3A_254 = arith.constant 0 : i32
      %dma_wait3A_255 = tpu.memref_slice %arg11[%dma_wait3A_250, %dma_wait3A_254] : memref<8x128xi32, #tpu.memory_space<vmem>> -> memref<1x128xi32, #tpu.memory_space<vmem>>
      %dma_wait3A_256 = tpu.memref_squeeze %dma_wait3A_255 : memref<1x128xi32, #tpu.memory_space<vmem>> -> memref<128xi32, #tpu.memory_space<vmem>>
      %dma_wait3A_257 = arith.constant 0 : i32
      %dma_wait3A_258 = arith.constant 0 : i32
      %dma_wait3A_259 = tpu.memref_slice %arg14[%dma_wait3A_257, %dma_wait3A_258] : memref<10240x8xf32, #tpu.memory_space<vmem_shared>> -> memref<10240x8xf32, #tpu.memory_space<vmem_shared>>
      tpu.wait_indirect_dma semaphore(%arg15 : memref<!tpu.dma_semaphore, #tpu.memory_space<semaphore_mem>>) src(%dma_wait3A_253 : memref<128x8xf32, #tpu.memory_space<vmem>>) dst(%dma_wait3A_259 : memref<10240x8xf32, #tpu.memory_space<vmem_shared>>)
      %dma_wait3A_260 = arith.constant 3 : i32
      %dma_wait3A_261 = arith.constant 384 : i32
      %dma_wait3A_262 = arith.constant 0 : i32
      %dma_wait3A_263 = tpu.memref_slice %arg13[%dma_wait3A_261, %dma_wait3A_262] : memref<1024x8xf32, #tpu.memory_space<vmem>> -> memref<128x8xf32, #tpu.memory_space<vmem>>
      %dma_wait3A_264 = arith.constant 0 : i32
      %dma_wait3A_265 = tpu.memref_slice %arg11[%dma_wait3A_260, %dma_wait3A_264] : memref<8x128xi32, #tpu.memory_space<vmem>> -> memref<1x128xi32, #tpu.memory_space<vmem>>
      %dma_wait3A_266 = tpu.memref_squeeze %dma_wait3A_265 : memref<1x128xi32, #tpu.memory_space<vmem>> -> memref<128xi32, #tpu.memory_space<vmem>>
      %dma_wait3A_267 = arith.constant 0 : i32
      %dma_wait3A_268 = arith.constant 0 : i32
      %dma_wait3A_269 = tpu.memref_slice %arg14[%dma_wait3A_267, %dma_wait3A_268] : memref<10240x8xf32, #tpu.memory_space<vmem_shared>> -> memref<10240x8xf32, #tpu.memory_space<vmem_shared>>
      tpu.wait_indirect_dma semaphore(%arg15 : memref<!tpu.dma_semaphore, #tpu.memory_space<semaphore_mem>>) src(%dma_wait3A_263 : memref<128x8xf32, #tpu.memory_space<vmem>>) dst(%dma_wait3A_269 : memref<10240x8xf32, #tpu.memory_space<vmem_shared>>)
      %dma_wait3A_270 = arith.constant 4 : i32
      %dma_wait3A_271 = arith.constant 512 : i32
      %dma_wait3A_272 = arith.constant 0 : i32
      %dma_wait3A_273 = tpu.memref_slice %arg13[%dma_wait3A_271, %dma_wait3A_272] : memref<1024x8xf32, #tpu.memory_space<vmem>> -> memref<128x8xf32, #tpu.memory_space<vmem>>
      %dma_wait3A_274 = arith.constant 0 : i32
      %dma_wait3A_275 = tpu.memref_slice %arg11[%dma_wait3A_270, %dma_wait3A_274] : memref<8x128xi32, #tpu.memory_space<vmem>> -> memref<1x128xi32, #tpu.memory_space<vmem>>
      %dma_wait3A_276 = tpu.memref_squeeze %dma_wait3A_275 : memref<1x128xi32, #tpu.memory_space<vmem>> -> memref<128xi32, #tpu.memory_space<vmem>>
      %dma_wait3A_277 = arith.constant 0 : i32
      %dma_wait3A_278 = arith.constant 0 : i32
      %dma_wait3A_279 = tpu.memref_slice %arg14[%dma_wait3A_277, %dma_wait3A_278] : memref<10240x8xf32, #tpu.memory_space<vmem_shared>> -> memref<10240x8xf32, #tpu.memory_space<vmem_shared>>
      tpu.wait_indirect_dma semaphore(%arg15 : memref<!tpu.dma_semaphore, #tpu.memory_space<semaphore_mem>>) src(%dma_wait3A_273 : memref<128x8xf32, #tpu.memory_space<vmem>>) dst(%dma_wait3A_279 : memref<10240x8xf32, #tpu.memory_space<vmem_shared>>)
      %dma_wait3A_280 = arith.constant 5 : i32
      %dma_wait3A_281 = arith.constant 640 : i32
      %dma_wait3A_282 = arith.constant 0 : i32
      %dma_wait3A_283 = tpu.memref_slice %arg13[%dma_wait3A_281, %dma_wait3A_282] : memref<1024x8xf32, #tpu.memory_space<vmem>> -> memref<128x8xf32, #tpu.memory_space<vmem>>
      %dma_wait3A_284 = arith.constant 0 : i32
      %dma_wait3A_285 = tpu.memref_slice %arg11[%dma_wait3A_280, %dma_wait3A_284] : memref<8x128xi32, #tpu.memory_space<vmem>> -> memref<1x128xi32, #tpu.memory_space<vmem>>
      %dma_wait3A_286 = tpu.memref_squeeze %dma_wait3A_285 : memref<1x128xi32, #tpu.memory_space<vmem>> -> memref<128xi32, #tpu.memory_space<vmem>>
      %dma_wait3A_287 = arith.constant 0 : i32
      %dma_wait3A_288 = arith.constant 0 : i32
      %dma_wait3A_289 = tpu.memref_slice %arg14[%dma_wait3A_287, %dma_wait3A_288] : memref<10240x8xf32, #tpu.memory_space<vmem_shared>> -> memref<10240x8xf32, #tpu.memory_space<vmem_shared>>
      tpu.wait_indirect_dma semaphore(%arg15 : memref<!tpu.dma_semaphore, #tpu.memory_space<semaphore_mem>>) src(%dma_wait3A_283 : memref<128x8xf32, #tpu.memory_space<vmem>>) dst(%dma_wait3A_289 : memref<10240x8xf32, #tpu.memory_space<vmem_shared>>)
      %dma_wait3A_290 = arith.constant 6 : i32
      %dma_wait3A_291 = arith.constant 768 : i32
      %dma_wait3A_292 = arith.constant 0 : i32
      %dma_wait3A_293 = tpu.memref_slice %arg13[%dma_wait3A_291, %dma_wait3A_292] : memref<1024x8xf32, #tpu.memory_space<vmem>> -> memref<128x8xf32, #tpu.memory_space<vmem>>
      %dma_wait3A_294 = arith.constant 0 : i32
      %dma_wait3A_295 = tpu.memref_slice %arg11[%dma_wait3A_290, %dma_wait3A_294] : memref<8x128xi32, #tpu.memory_space<vmem>> -> memref<1x128xi32, #tpu.memory_space<vmem>>
      %dma_wait3A_296 = tpu.memref_squeeze %dma_wait3A_295 : memref<1x128xi32, #tpu.memory_space<vmem>> -> memref<128xi32, #tpu.memory_space<vmem>>
      %dma_wait3A_297 = arith.constant 0 : i32
      %dma_wait3A_298 = arith.constant 0 : i32
      %dma_wait3A_299 = tpu.memref_slice %arg14[%dma_wait3A_297, %dma_wait3A_298] : memref<10240x8xf32, #tpu.memory_space<vmem_shared>> -> memref<10240x8xf32, #tpu.memory_space<vmem_shared>>
      tpu.wait_indirect_dma semaphore(%arg15 : memref<!tpu.dma_semaphore, #tpu.memory_space<semaphore_mem>>) src(%dma_wait3A_293 : memref<128x8xf32, #tpu.memory_space<vmem>>) dst(%dma_wait3A_299 : memref<10240x8xf32, #tpu.memory_space<vmem_shared>>)
      %dma_wait3A_300 = arith.constant 7 : i32
      %dma_wait3A_301 = arith.constant 896 : i32
      %dma_wait3A_302 = arith.constant 0 : i32
      %dma_wait3A_303 = tpu.memref_slice %arg13[%dma_wait3A_301, %dma_wait3A_302] : memref<1024x8xf32, #tpu.memory_space<vmem>> -> memref<128x8xf32, #tpu.memory_space<vmem>>
      %dma_wait3A_304 = arith.constant 0 : i32
      %dma_wait3A_305 = tpu.memref_slice %arg11[%dma_wait3A_300, %dma_wait3A_304] : memref<8x128xi32, #tpu.memory_space<vmem>> -> memref<1x128xi32, #tpu.memory_space<vmem>>
      %dma_wait3A_306 = tpu.memref_squeeze %dma_wait3A_305 : memref<1x128xi32, #tpu.memory_space<vmem>> -> memref<128xi32, #tpu.memory_space<vmem>>
      %dma_wait3A_307 = arith.constant 0 : i32
      %dma_wait3A_308 = arith.constant 0 : i32
      %dma_wait3A_309 = tpu.memref_slice %arg14[%dma_wait3A_307, %dma_wait3A_308] : memref<10240x8xf32, #tpu.memory_space<vmem_shared>> -> memref<10240x8xf32, #tpu.memory_space<vmem_shared>>
      tpu.wait_indirect_dma semaphore(%arg15 : memref<!tpu.dma_semaphore, #tpu.memory_space<semaphore_mem>>) src(%dma_wait3A_303 : memref<128x8xf32, #tpu.memory_space<vmem>>) dst(%dma_wait3A_309 : memref<10240x8xf32, #tpu.memory_space<vmem_shared>>)
    }
    %scan3A_18 = arith.constant 4 : i32
    %barrier3A_19 = arith.constant 0 : index
    tpu.barrier barrier_id(%barrier3A_19)
    %mul3A_20 = arith.constant 640 : i32
    %mul3A_21 = arith.muli %arg1, %mul3A_20 : i32
    %mul3A_22 = arith.constant 640 : i32
    %mul3A_23 = arith.muli %arg1, %mul3A_22 : i32
    "tpu.region"() ({
      %run_scoped3A = tpu.sem_alloc : memref<!tpu.dma_semaphore, #tpu.memory_space<semaphore_mem>>
      %dma_start3A = arith.constant 0 : i32
      %dma_start3A_24 = tpu.memref_slice %arg10[%arg0, %mul3A_23, %dma_start3A] : memref<2x10240x8xf32, #tpu.memory_space<hbm>> -> memref<1x640x8xf32, #tpu.memory_space<hbm>>
      %dma_start3A_25 = tpu.memref_squeeze %dma_start3A_24 : memref<1x640x8xf32, #tpu.memory_space<hbm>> -> memref<640x8xf32, #tpu.memory_space<hbm>>
      %dma_start3A_26 = arith.constant 0 : i32
      %dma_start3A_27 = tpu.memref_slice %arg14[%mul3A_21, %dma_start3A_26] : memref<10240x8xf32, #tpu.memory_space<vmem_shared>> -> memref<640x8xf32, #tpu.memory_space<vmem_shared>>
      tpu.enqueue_dma source(%dma_start3A_27 : memref<640x8xf32, #tpu.memory_space<vmem_shared>>) target(%dma_start3A_25 : memref<640x8xf32, #tpu.memory_space<hbm>>) target_semaphore(%run_scoped3A : memref<!tpu.dma_semaphore, #tpu.memory_space<semaphore_mem>>)
      %dma_wait3A = arith.constant 0 : i32
      %dma_wait3A_28 = tpu.memref_slice %arg10[%arg0, %mul3A_23, %dma_wait3A] : memref<2x10240x8xf32, #tpu.memory_space<hbm>> -> memref<1x640x8xf32, #tpu.memory_space<hbm>>
      %dma_wait3A_29 = tpu.memref_squeeze %dma_wait3A_28 : memref<1x640x8xf32, #tpu.memory_space<hbm>> -> memref<640x8xf32, #tpu.memory_space<hbm>>
      %dma_wait3A_30 = arith.constant 0 : i32
      %dma_wait3A_31 = tpu.memref_slice %arg14[%mul3A_21, %dma_wait3A_30] : memref<10240x8xf32, #tpu.memory_space<vmem_shared>> -> memref<640x8xf32, #tpu.memory_space<vmem_shared>>
      tpu.wait_dma2 semaphore(%run_scoped3A : memref<!tpu.dma_semaphore, #tpu.memory_space<semaphore_mem>>) src(%dma_wait3A_31 : memref<640x8xf32, #tpu.memory_space<vmem_shared>>) dst(%dma_wait3A_29 : memref<640x8xf32, #tpu.memory_space<hbm>>)
      tpu.yield
    }) : () -> ()
    return
  }
}

module attributes {stable_mosaic.version = 14 : i64} {
  func.func @_edge_body(%arg0: i32, %arg1: memref<16384x128xf32, #tpu.memory_space<vmem>>, %arg2: memref<3x16384xf32, #tpu.memory_space<vmem>>, %arg3: memref<128x128xf32, #tpu.memory_space<vmem>>, %arg4: memref<1x128xf32, #tpu.memory_space<vmem>>, %arg5: memref<2x128xf32, #tpu.memory_space<vmem>>, %arg6: memref<128x128xf32, #tpu.memory_space<vmem>>, %arg7: memref<1x128xf32, #tpu.memory_space<vmem>>, %arg8: memref<1x2xf32, #tpu.memory_space<vmem>>, %arg9: memref<16384xf32, #tpu.memory_space<vmem>>, %arg10: memref<16384xf32, #tpu.memory_space<vmem>>, %arg11: memref<16384xf32, #tpu.memory_space<vmem>>, %arg12: memref<16384xf32, #tpu.memory_space<vmem>>, %arg13: memref<16384xf32, #tpu.memory_space<vmem>>, %arg14: memref<16384xf32, #tpu.memory_space<vmem>>) attributes {dimension_semantics = [#tpu.dimension_semantics<arbitrary>], iteration_bounds = array<i64: 10>, scalar_prefetch = 0 : i64, scratch_operands = 0 : i64, tpu.core_type = #tpu.core_type<tc>, window_params = [{transform_indices = @transform_0, window_bounds = array<i64: 16384, 128>}, {transform_indices = @transform_1, window_bounds = array<i64: 3, 16384>}, {pipeline_mode = #tpu.pipeline_mode<synchronous>, transform_indices = @transform_2, window_bounds = array<i64: 128, 128>}, {pipeline_mode = #tpu.pipeline_mode<synchronous>, transform_indices = @transform_3, window_bounds = array<i64: 1, 128>}, {pipeline_mode = #tpu.pipeline_mode<synchronous>, transform_indices = @transform_4, window_bounds = array<i64: 2, 128>}, {pipeline_mode = #tpu.pipeline_mode<synchronous>, transform_indices = @transform_5, window_bounds = array<i64: 128, 128>}, {pipeline_mode = #tpu.pipeline_mode<synchronous>, transform_indices = @transform_6, window_bounds = array<i64: 1, 128>}, {pipeline_mode = #tpu.pipeline_mode<synchronous>, transform_indices = @transform_7, window_bounds = array<i64: 1, 2>}, {transform_indices = @transform_8, window_bounds = array<i64: 16384>}, {transform_indices = @transform_9, window_bounds = array<i64: 16384>}, {transform_indices = @transform_10, window_bounds = array<i64: 16384>}, {transform_indices = @transform_11, window_bounds = array<i64: 16384>}, {transform_indices = @transform_12, window_bounds = array<i64: 16384>}, {transform_indices = @transform_13, window_bounds = array<i64: 16384>}]} {
    %get3A = arith.constant 0 : index
    %get3A_0 = arith.constant 0 : index
    %get3A_1 = vector.load %arg1[%get3A, %get3A_0] : memref<16384x128xf32, #tpu.memory_space<vmem>>, vector<16384x128xf32>
    %get3A_2 = arith.constant 0 : index
    %get3A_3 = arith.constant 0 : index
    %get3A_4 = vector.load %arg3[%get3A_2, %get3A_3] : memref<128x128xf32, #tpu.memory_space<vmem>>, vector<128x128xf32>
    %dot_general3A = arith.constant dense<0.000000e+00> : vector<16384x128xf32>
    %dot_general3A_5 = tpu.matmul %get3A_1, %get3A_4, %dot_general3A {dimension_numbers = #tpu.dot_dimension_numbers<[1], [0], [0], [1], [0, 0, 1, 1], [], []>, transpose_lhs_hint = false} : vector<16384x128xf32>, vector<128x128xf32>, vector<16384x128xf32> -> vector<16384x128xf32>
    %get3A_6 = arith.constant 0 : index
    %get3A_7 = arith.constant 0 : index
    %get3A_8 = vector.load %arg4[%get3A_6, %get3A_7] : memref<1x128xf32, #tpu.memory_space<vmem>>, vector<1x128xf32>
    %add3A = vector.broadcast %get3A_8 : vector<1x128xf32> to vector<16384x128xf32>
    %add3A_9 = arith.addf %dot_general3A_5, %add3A : vector<16384x128xf32>
    %neg3A = arith.constant 0.000000e+00 : f32
    %neg3A_10 = vector.broadcast %neg3A : f32 to vector<16384x128xf32>
    %neg3A_11 = arith.subf %neg3A_10, %add3A_9 : vector<16384x128xf32>
    %exp3A = math.exp %neg3A_11 : vector<16384x128xf32>
    %add3A_12 = arith.constant 1.000000e+00 : f32
    %add3A_13 = vector.broadcast %add3A_12 : f32 to vector<16384x128xf32>
    %add3A_14 = arith.addf %add3A_13, %exp3A : vector<16384x128xf32>
    %div3A = arith.constant 1.000000e+00 : f32
    %div3A_15 = vector.broadcast %div3A : f32 to vector<16384x128xf32>
    %div3A_16 = arith.divf %div3A_15, %add3A_14 : vector<16384x128xf32>
    %mul3A = arith.mulf %add3A_9, %div3A_16 : vector<16384x128xf32>
    %convert_element_type3A = arith.truncf %mul3A : vector<16384x128xf32> to vector<16384x128xbf16>
    %convert_element_type3A_17 = arith.extf %convert_element_type3A : vector<16384x128xbf16> to vector<16384x128xf32>
    %get3A_18 = arith.constant 0 : index
    %get3A_19 = arith.constant 0 : index
    %get3A_20 = vector.load %arg5[%get3A_18, %get3A_19] : memref<2x128xf32, #tpu.memory_space<vmem>>, vector<1x128xf32>
    %mul3A_21 = vector.broadcast %get3A_20 : vector<1x128xf32> to vector<16384x128xf32>
    %mul3A_22 = arith.mulf %convert_element_type3A_17, %mul3A_21 : vector<16384x128xf32>
    %reduce_sum3A = arith.constant dense<0.000000e+00> : vector<16384xf32>
    %reduce_sum3A_23 = vector.multi_reduction <add>, %mul3A_22, %reduce_sum3A [1] : vector<16384x128xf32> to vector<16384xf32>
    %broadcast_in_dim3A = vector.shape_cast %reduce_sum3A_23 : vector<16384xf32> to vector<16384x1xf32>
    %get3A_24 = arith.constant 0 : index
    %get3A_25 = arith.constant 0 : index
    %get3A_26 = vector.load %arg8[%get3A_24, %get3A_25] : memref<1x2xf32, #tpu.memory_space<vmem>>, vector<1x1xf32>
    %add3A_27 = vector.broadcast %get3A_26 : vector<1x1xf32> to vector<16384x1xf32>
    %add3A_28 = arith.addf %broadcast_in_dim3A, %add3A_27 : vector<16384x1xf32>
    %get3A_29 = arith.constant 0 : index
    %get3A_30 = arith.constant 0 : index
    %get3A_31 = vector.load %arg6[%get3A_29, %get3A_30] : memref<128x128xf32, #tpu.memory_space<vmem>>, vector<128x128xf32>
    %dot_general3A_32 = arith.constant dense<0.000000e+00> : vector<16384x128xf32>
    %dot_general3A_33 = tpu.matmul %get3A_1, %get3A_31, %dot_general3A_32 {dimension_numbers = #tpu.dot_dimension_numbers<[1], [0], [0], [1], [0, 0, 1, 1], [], []>, transpose_lhs_hint = false} : vector<16384x128xf32>, vector<128x128xf32>, vector<16384x128xf32> -> vector<16384x128xf32>
    %get3A_34 = arith.constant 0 : index
    %get3A_35 = arith.constant 0 : index
    %get3A_36 = vector.load %arg7[%get3A_34, %get3A_35] : memref<1x128xf32, #tpu.memory_space<vmem>>, vector<1x128xf32>
    %add3A_37 = vector.broadcast %get3A_36 : vector<1x128xf32> to vector<16384x128xf32>
    %add3A_38 = arith.addf %dot_general3A_33, %add3A_37 : vector<16384x128xf32>
    %neg3A_39 = arith.constant 0.000000e+00 : f32
    %neg3A_40 = vector.broadcast %neg3A_39 : f32 to vector<16384x128xf32>
    %neg3A_41 = arith.subf %neg3A_40, %add3A_38 : vector<16384x128xf32>
    %exp3A_42 = math.exp %neg3A_41 : vector<16384x128xf32>
    %add3A_43 = arith.constant 1.000000e+00 : f32
    %add3A_44 = vector.broadcast %add3A_43 : f32 to vector<16384x128xf32>
    %add3A_45 = arith.addf %add3A_44, %exp3A_42 : vector<16384x128xf32>
    %div3A_46 = arith.constant 1.000000e+00 : f32
    %div3A_47 = vector.broadcast %div3A_46 : f32 to vector<16384x128xf32>
    %div3A_48 = arith.divf %div3A_47, %add3A_45 : vector<16384x128xf32>
    %mul3A_49 = arith.mulf %add3A_38, %div3A_48 : vector<16384x128xf32>
    %convert_element_type3A_50 = arith.truncf %mul3A_49 : vector<16384x128xf32> to vector<16384x128xbf16>
    %convert_element_type3A_51 = arith.extf %convert_element_type3A_50 : vector<16384x128xbf16> to vector<16384x128xf32>
    %get3A_52 = arith.constant 1 : index
    %get3A_53 = arith.constant 0 : index
    %get3A_54 = vector.load %arg5[%get3A_52, %get3A_53] : memref<2x128xf32, #tpu.memory_space<vmem>>, vector<1x128xf32>
    %mul3A_55 = vector.broadcast %get3A_54 : vector<1x128xf32> to vector<16384x128xf32>
    %mul3A_56 = arith.mulf %convert_element_type3A_51, %mul3A_55 : vector<16384x128xf32>
    %reduce_sum3A_57 = arith.constant dense<0.000000e+00> : vector<16384xf32>
    %reduce_sum3A_58 = vector.multi_reduction <add>, %mul3A_56, %reduce_sum3A_57 [1] : vector<16384x128xf32> to vector<16384xf32>
    %broadcast_in_dim3A_59 = vector.shape_cast %reduce_sum3A_58 : vector<16384xf32> to vector<16384x1xf32>
    %get3A_60 = arith.constant 0 : index
    %get3A_61 = arith.constant 1 : index
    %get3A_62 = vector.load %arg8[%get3A_60, %get3A_61] : memref<1x2xf32, #tpu.memory_space<vmem>>, vector<1x1xf32>
    %add3A_63 = vector.broadcast %get3A_62 : vector<1x1xf32> to vector<16384x1xf32>
    %add3A_64 = arith.addf %broadcast_in_dim3A_59, %add3A_63 : vector<16384x1xf32>
    %concatenate3A = tpu.concatenate %add3A_28, %add3A_64 in 1 : vector<16384x1xf32>, vector<16384x1xf32> -> vector<16384x2xf32>
    %transpose3A = tpu.transpose %concatenate3A, [1, 0] : vector<16384x2xf32> -> vector<2x16384xf32>
    %get3A_65 = arith.constant 0 : index
    %get3A_66 = arith.constant 0 : index
    %get3A_67 = vector.load %arg2[%get3A_65, %get3A_66] : memref<3x16384xf32, #tpu.memory_space<vmem>>, vector<3x16384xf32>
    %add3A_68 = arith.constant 0 : i32
    %add3A_69 = arith.addi %arg0, %add3A_68 : i32
    %mul3A_70 = arith.constant 16384 : i32
    %mul3A_71 = arith.muli %add3A_69, %mul3A_70 : i32
    %iota3A = tpu.iota {dimensions = array<i32: 1>} : vector<1x16384xi32>
    %add3A_72 = vector.broadcast %mul3A_71 : i32 to vector<1x16384xi32>
    %add3A_73 = arith.addi %iota3A, %add3A_72 : vector<1x16384xi32>
    %lt3A = arith.constant 320000 : i32
    %lt3A_74 = vector.broadcast %lt3A : i32 to vector<1x16384xi32>
    %lt3A_75 = arith.cmpi slt, %add3A_73, %lt3A_74 : vector<1x16384xi32>
    %slice3A = vector.extract_strided_slice %get3A_67 {offsets = [0, 0], sizes = [1, 16384], strides = [1, 1]} : vector<3x16384xf32> to vector<1x16384xf32>
    %slice3A_76 = vector.extract_strided_slice %get3A_67 {offsets = [1, 0], sizes = [1, 16384], strides = [1, 1]} : vector<3x16384xf32> to vector<1x16384xf32>
    %slice3A_77 = vector.extract_strided_slice %get3A_67 {offsets = [2, 0], sizes = [1, 16384], strides = [1, 1]} : vector<3x16384xf32> to vector<1x16384xf32>
    %mul3A_78 = arith.mulf %slice3A, %slice3A : vector<1x16384xf32>
    %mul3A_79 = arith.mulf %slice3A_76, %slice3A_76 : vector<1x16384xf32>
    %add3A_80 = arith.addf %mul3A_78, %mul3A_79 : vector<1x16384xf32>
    %mul3A_81 = arith.mulf %slice3A_77, %slice3A_77 : vector<1x16384xf32>
    %add3A_82 = arith.addf %add3A_80, %mul3A_81 : vector<1x16384xf32>
    %sqrt3A = math.sqrt %add3A_82 : vector<1x16384xf32>
    %max3A = arith.constant 9.99999996E-13 : f32
    %max3A_83 = vector.broadcast %max3A : f32 to vector<1x16384xf32>
    %max3A_84 = arith.maximumf %sqrt3A, %max3A_83 : vector<1x16384xf32>
    %div3A_85 = arith.constant 1.000000e+00 : f32
    %div3A_86 = vector.broadcast %div3A_85 : f32 to vector<1x16384xf32>
    %div3A_87 = arith.divf %div3A_86, %max3A_84 : vector<1x16384xf32>
    %mul3A_88 = arith.mulf %slice3A, %div3A_87 : vector<1x16384xf32>
    %mul3A_89 = arith.mulf %slice3A_76, %div3A_87 : vector<1x16384xf32>
    %mul3A_90 = arith.mulf %slice3A_77, %div3A_87 : vector<1x16384xf32>
    %slice3A_91 = vector.extract_strided_slice %transpose3A {offsets = [1, 0], sizes = [1, 16384], strides = [1, 1]} : vector<2x16384xf32> to vector<1x16384xf32>
    %mul3A_92 = arith.constant 0.63078314 : f32
    %mul3A_93 = vector.broadcast %mul3A_92 : f32 to vector<1x16384xf32>
    %mul3A_94 = arith.mulf %slice3A_91, %mul3A_93 : vector<1x16384xf32>
    %broadcast_in_dim3A_95 = arith.constant 0.000000e+00 : f32
    %broadcast_in_dim3A_96 = vector.broadcast %broadcast_in_dim3A_95 : f32 to vector<1x16384xf32>
    %slice3A_97 = vector.extract_strided_slice %transpose3A {offsets = [0, 0], sizes = [1, 16384], strides = [1, 1]} : vector<2x16384xf32> to vector<1x16384xf32>
    %select_n3A = arith.select %lt3A_75, %slice3A_97, %broadcast_in_dim3A_96 : vector<1x16384xi1>, vector<1x16384xf32>
    %reshape3A = vector.shape_cast %select_n3A : vector<1x16384xf32> to vector<16384xf32>
    %swap3A = arith.constant 0 : index
    %swap3A_98 = vector.load %arg9[%swap3A] : memref<16384xf32, #tpu.memory_space<vmem>>, vector<16384xf32>
    tpu.vector_store %arg9[%swap3A], %reshape3A {strides = array<i32>} : memref<16384xf32, #tpu.memory_space<vmem>>, vector<16384xf32>,
    %mul3A_99 = arith.constant 1.73205078 : f32
    %mul3A_100 = vector.broadcast %mul3A_99 : f32 to vector<1x16384xf32>
    %mul3A_101 = arith.mulf %mul3A_100, %mul3A_88 : vector<1x16384xf32>
    %mul3A_102 = arith.mulf %mul3A_101, %mul3A_90 : vector<1x16384xf32>
    %mul3A_103 = arith.mulf %mul3A_102, %mul3A_94 : vector<1x16384xf32>
    %select_n3A_104 = arith.select %lt3A_75, %mul3A_103, %broadcast_in_dim3A_96 : vector<1x16384xi1>, vector<1x16384xf32>
    %reshape3A_105 = vector.shape_cast %select_n3A_104 : vector<1x16384xf32> to vector<16384xf32>
    %swap3A_106 = arith.constant 0 : index
    %swap3A_107 = vector.load %arg10[%swap3A_106] : memref<16384xf32, #tpu.memory_space<vmem>>, vector<16384xf32>
    tpu.vector_store %arg10[%swap3A_106], %reshape3A_105 {strides = array<i32>} : memref<16384xf32, #tpu.memory_space<vmem>>, vector<16384xf32>,
    %mul3A_108 = arith.constant 1.73205078 : f32
    %mul3A_109 = vector.broadcast %mul3A_108 : f32 to vector<1x16384xf32>
    %mul3A_110 = arith.mulf %mul3A_109, %mul3A_88 : vector<1x16384xf32>
    %mul3A_111 = arith.mulf %mul3A_110, %mul3A_89 : vector<1x16384xf32>
    %mul3A_112 = arith.mulf %mul3A_111, %mul3A_94 : vector<1x16384xf32>
    %select_n3A_113 = arith.select %lt3A_75, %mul3A_112, %broadcast_in_dim3A_96 : vector<1x16384xi1>, vector<1x16384xf32>
    %reshape3A_114 = vector.shape_cast %select_n3A_113 : vector<1x16384xf32> to vector<16384xf32>
    %swap3A_115 = arith.constant 0 : index
    %swap3A_116 = vector.load %arg11[%swap3A_115] : memref<16384xf32, #tpu.memory_space<vmem>>, vector<16384xf32>
    tpu.vector_store %arg11[%swap3A_115], %reshape3A_114 {strides = array<i32>} : memref<16384xf32, #tpu.memory_space<vmem>>, vector<16384xf32>,
    %mul3A_117 = arith.mulf %mul3A_89, %mul3A_89 : vector<1x16384xf32>
    %mul3A_118 = arith.mulf %mul3A_88, %mul3A_88 : vector<1x16384xf32>
    %mul3A_119 = arith.mulf %mul3A_90, %mul3A_90 : vector<1x16384xf32>
    %add3A_120 = arith.addf %mul3A_118, %mul3A_119 : vector<1x16384xf32>
    %mul3A_121 = arith.constant 5.000000e-01 : f32
    %mul3A_122 = vector.broadcast %mul3A_121 : f32 to vector<1x16384xf32>
    %mul3A_123 = arith.mulf %mul3A_122, %add3A_120 : vector<1x16384xf32>
    %sub3A = arith.subf %mul3A_117, %mul3A_123 : vector<1x16384xf32>
    %mul3A_124 = arith.mulf %sub3A, %mul3A_94 : vector<1x16384xf32>
    %select_n3A_125 = arith.select %lt3A_75, %mul3A_124, %broadcast_in_dim3A_96 : vector<1x16384xi1>, vector<1x16384xf32>
    %reshape3A_126 = vector.shape_cast %select_n3A_125 : vector<1x16384xf32> to vector<16384xf32>
    %swap3A_127 = arith.constant 0 : index
    %swap3A_128 = vector.load %arg12[%swap3A_127] : memref<16384xf32, #tpu.memory_space<vmem>>, vector<16384xf32>
    tpu.vector_store %arg12[%swap3A_127], %reshape3A_126 {strides = array<i32>} : memref<16384xf32, #tpu.memory_space<vmem>>, vector<16384xf32>,
    %mul3A_129 = arith.constant 1.73205078 : f32
    %mul3A_130 = vector.broadcast %mul3A_129 : f32 to vector<1x16384xf32>
    %mul3A_131 = arith.mulf %mul3A_130, %mul3A_89 : vector<1x16384xf32>
    %mul3A_132 = arith.mulf %mul3A_131, %mul3A_90 : vector<1x16384xf32>
    %mul3A_133 = arith.mulf %mul3A_132, %mul3A_94 : vector<1x16384xf32>
    %select_n3A_134 = arith.select %lt3A_75, %mul3A_133, %broadcast_in_dim3A_96 : vector<1x16384xi1>, vector<1x16384xf32>
    %reshape3A_135 = vector.shape_cast %select_n3A_134 : vector<1x16384xf32> to vector<16384xf32>
    %swap3A_136 = arith.constant 0 : index
    %swap3A_137 = vector.load %arg13[%swap3A_136] : memref<16384xf32, #tpu.memory_space<vmem>>, vector<16384xf32>
    tpu.vector_store %arg13[%swap3A_136], %reshape3A_135 {strides = array<i32>} : memref<16384xf32, #tpu.memory_space<vmem>>, vector<16384xf32>,
    %mul3A_138 = arith.mulf %mul3A_90, %mul3A_90 : vector<1x16384xf32>
    %mul3A_139 = arith.mulf %mul3A_88, %mul3A_88 : vector<1x16384xf32>
    %sub3A_140 = arith.subf %mul3A_138, %mul3A_139 : vector<1x16384xf32>
    %mul3A_141 = arith.constant 0.866025388 : f32
    %mul3A_142 = vector.broadcast %mul3A_141 : f32 to vector<1x16384xf32>
    %mul3A_143 = arith.mulf %mul3A_142, %sub3A_140 : vector<1x16384xf32>
    %mul3A_144 = arith.mulf %mul3A_143, %mul3A_94 : vector<1x16384xf32>
    %select_n3A_145 = arith.select %lt3A_75, %mul3A_144, %broadcast_in_dim3A_96 : vector<1x16384xi1>, vector<1x16384xf32>
    %reshape3A_146 = vector.shape_cast %select_n3A_145 : vector<1x16384xf32> to vector<16384xf32>
    %swap3A_147 = arith.constant 0 : index
    %swap3A_148 = vector.load %arg14[%swap3A_147] : memref<16384xf32, #tpu.memory_space<vmem>>, vector<16384xf32>
    tpu.vector_store %arg14[%swap3A_147], %reshape3A_146 {strides = array<i32>} : memref<16384xf32, #tpu.memory_space<vmem>>, vector<16384xf32>,
    return
  }
  func.func @transform_0(%arg0: i32) -> (i32, i32) {
    %add3A = arith.constant 0 : i32
    %add3A_0 = arith.addi %arg0, %add3A : i32
    %min3A = arith.constant 19 : i32
    %min3A_1 = arith.minsi %add3A_0, %min3A : i32
    %c0_i32 = arith.constant 0 : i32
    %c0_i32_2 = arith.constant 0 : i32
    return %min3A_1, %c0_i32 : i32, i32
  }
  func.func @transform_1(%arg0: i32) -> (i32, i32) {
    %add3A = arith.constant 0 : i32
    %add3A_0 = arith.addi %arg0, %add3A : i32
    %min3A = arith.constant 19 : i32
    %min3A_1 = arith.minsi %add3A_0, %min3A : i32
    %c0_i32 = arith.constant 0 : i32
    %c0_i32_2 = arith.constant 0 : i32
    return %c0_i32, %min3A_1 : i32, i32
  }
  func.func @transform_2(%arg0: i32) -> (i32, i32) {
    %c0_i32 = arith.constant 0 : i32
    %c0_i32_0 = arith.constant 0 : i32
    %c0_i32_1 = arith.constant 0 : i32
    return %c0_i32, %c0_i32_0 : i32, i32
  }
  func.func @transform_3(%arg0: i32) -> (i32, i32) {
    %c0_i32 = arith.constant 0 : i32
    %c0_i32_0 = arith.constant 0 : i32
    %c0_i32_1 = arith.constant 0 : i32
    return %c0_i32, %c0_i32_0 : i32, i32
  }
  func.func @transform_4(%arg0: i32) -> (i32, i32) {
    %c0_i32 = arith.constant 0 : i32
    %c0_i32_0 = arith.constant 0 : i32
    %c0_i32_1 = arith.constant 0 : i32
    return %c0_i32, %c0_i32_0 : i32, i32
  }
  func.func @transform_5(%arg0: i32) -> (i32, i32) {
    %c0_i32 = arith.constant 0 : i32
    %c0_i32_0 = arith.constant 0 : i32
    %c0_i32_1 = arith.constant 0 : i32
    return %c0_i32, %c0_i32_0 : i32, i32
  }
  func.func @transform_6(%arg0: i32) -> (i32, i32) {
    %c0_i32 = arith.constant 0 : i32
    %c0_i32_0 = arith.constant 0 : i32
    %c0_i32_1 = arith.constant 0 : i32
    return %c0_i32, %c0_i32_0 : i32, i32
  }
  func.func @transform_7(%arg0: i32) -> (i32, i32) {
    %c0_i32 = arith.constant 0 : i32
    %c0_i32_0 = arith.constant 0 : i32
    %c0_i32_1 = arith.constant 0 : i32
    return %c0_i32, %c0_i32_0 : i32, i32
  }
  func.func @transform_8(%arg0: i32) -> i32 {
    %c0_i32 = arith.constant 0 : i32
    return %arg0 : i32
  }
  func.func @transform_9(%arg0: i32) -> i32 {
    %c0_i32 = arith.constant 0 : i32
    return %arg0 : i32
  }
  func.func @transform_10(%arg0: i32) -> i32 {
    %c0_i32 = arith.constant 0 : i32
    return %arg0 : i32
  }
  func.func @transform_11(%arg0: i32) -> i32 {
    %c0_i32 = arith.constant 0 : i32
    return %arg0 : i32
  }
  func.func @transform_12(%arg0: i32) -> i32 {
    %c0_i32 = arith.constant 0 : i32
    return %arg0 : i32
  }
  func.func @transform_13(%arg0: i32) -> i32 {
    %c0_i32 = arith.constant 0 : i32
    return %arg0 : i32
  }
}

module attributes {stable_mosaic.version = 14 : i64} {
  func.func @_edge_body(%arg0: i32, %arg1: memref<16384x128xf32, #tpu.memory_space<vmem>>, %arg2: memref<3x16384xf32, #tpu.memory_space<vmem>>, %arg3: memref<128x128xf32, #tpu.memory_space<vmem>>, %arg4: memref<1x128xf32, #tpu.memory_space<vmem>>, %arg5: memref<2x128xf32, #tpu.memory_space<vmem>>, %arg6: memref<128x128xf32, #tpu.memory_space<vmem>>, %arg7: memref<1x128xf32, #tpu.memory_space<vmem>>, %arg8: memref<1x2xf32, #tpu.memory_space<vmem>>, %arg9: memref<16384xf32, #tpu.memory_space<vmem>>, %arg10: memref<16384xf32, #tpu.memory_space<vmem>>, %arg11: memref<16384xf32, #tpu.memory_space<vmem>>, %arg12: memref<16384xf32, #tpu.memory_space<vmem>>, %arg13: memref<16384xf32, #tpu.memory_space<vmem>>, %arg14: memref<16384xf32, #tpu.memory_space<vmem>>) attributes {dimension_semantics = [#tpu.dimension_semantics<arbitrary>], iteration_bounds = array<i64: 8>, scalar_prefetch = 0 : i64, scratch_operands = 0 : i64, tpu.core_type = #tpu.core_type<tc>, window_params = [{transform_indices = @transform_0, window_bounds = array<i64: 16384, 128>}, {transform_indices = @transform_1, window_bounds = array<i64: 3, 16384>}, {pipeline_mode = #tpu.pipeline_mode<synchronous>, transform_indices = @transform_2, window_bounds = array<i64: 128, 128>}, {pipeline_mode = #tpu.pipeline_mode<synchronous>, transform_indices = @transform_3, window_bounds = array<i64: 1, 128>}, {pipeline_mode = #tpu.pipeline_mode<synchronous>, transform_indices = @transform_4, window_bounds = array<i64: 2, 128>}, {pipeline_mode = #tpu.pipeline_mode<synchronous>, transform_indices = @transform_5, window_bounds = array<i64: 128, 128>}, {pipeline_mode = #tpu.pipeline_mode<synchronous>, transform_indices = @transform_6, window_bounds = array<i64: 1, 128>}, {pipeline_mode = #tpu.pipeline_mode<synchronous>, transform_indices = @transform_7, window_bounds = array<i64: 1, 2>}, {transform_indices = @transform_8, window_bounds = array<i64: 16384>}, {transform_indices = @transform_9, window_bounds = array<i64: 16384>}, {transform_indices = @transform_10, window_bounds = array<i64: 16384>}, {transform_indices = @transform_11, window_bounds = array<i64: 16384>}, {transform_indices = @transform_12, window_bounds = array<i64: 16384>}, {transform_indices = @transform_13, window_bounds = array<i64: 16384>}]} {
    %get3A = arith.constant 0 : index
    %get3A_0 = arith.constant 0 : index
    %get3A_1 = vector.load %arg1[%get3A, %get3A_0] : memref<16384x128xf32, #tpu.memory_space<vmem>>, vector<16384x128xf32>
    %get3A_2 = arith.constant 0 : index
    %get3A_3 = arith.constant 0 : index
    %get3A_4 = vector.load %arg3[%get3A_2, %get3A_3] : memref<128x128xf32, #tpu.memory_space<vmem>>, vector<128x128xf32>
    %dot_general3A = arith.constant dense<0.000000e+00> : vector<16384x128xf32>
    %dot_general3A_5 = tpu.matmul %get3A_1, %get3A_4, %dot_general3A {dimension_numbers = #tpu.dot_dimension_numbers<[1], [0], [0], [1], [0, 0, 1, 1], [], []>, transpose_lhs_hint = false} : vector<16384x128xf32>, vector<128x128xf32>, vector<16384x128xf32> -> vector<16384x128xf32>
    %get3A_6 = arith.constant 0 : index
    %get3A_7 = arith.constant 0 : index
    %get3A_8 = vector.load %arg4[%get3A_6, %get3A_7] : memref<1x128xf32, #tpu.memory_space<vmem>>, vector<1x128xf32>
    %add3A = vector.broadcast %get3A_8 : vector<1x128xf32> to vector<16384x128xf32>
    %add3A_9 = arith.addf %dot_general3A_5, %add3A : vector<16384x128xf32>
    %neg3A = arith.constant 0.000000e+00 : f32
    %neg3A_10 = vector.broadcast %neg3A : f32 to vector<16384x128xf32>
    %neg3A_11 = arith.subf %neg3A_10, %add3A_9 : vector<16384x128xf32>
    %exp3A = math.exp %neg3A_11 : vector<16384x128xf32>
    %add3A_12 = arith.constant 1.000000e+00 : f32
    %add3A_13 = vector.broadcast %add3A_12 : f32 to vector<16384x128xf32>
    %add3A_14 = arith.addf %add3A_13, %exp3A : vector<16384x128xf32>
    %div3A = arith.constant 1.000000e+00 : f32
    %div3A_15 = vector.broadcast %div3A : f32 to vector<16384x128xf32>
    %div3A_16 = arith.divf %div3A_15, %add3A_14 : vector<16384x128xf32>
    %mul3A = arith.mulf %add3A_9, %div3A_16 : vector<16384x128xf32>
    %convert_element_type3A = arith.truncf %mul3A : vector<16384x128xf32> to vector<16384x128xbf16>
    %convert_element_type3A_17 = arith.extf %convert_element_type3A : vector<16384x128xbf16> to vector<16384x128xf32>
    %get3A_18 = arith.constant 0 : index
    %get3A_19 = arith.constant 0 : index
    %get3A_20 = vector.load %arg5[%get3A_18, %get3A_19] : memref<2x128xf32, #tpu.memory_space<vmem>>, vector<1x128xf32>
    %mul3A_21 = vector.broadcast %get3A_20 : vector<1x128xf32> to vector<16384x128xf32>
    %mul3A_22 = arith.mulf %convert_element_type3A_17, %mul3A_21 : vector<16384x128xf32>
    %reduce_sum3A = arith.constant dense<0.000000e+00> : vector<16384xf32>
    %reduce_sum3A_23 = vector.multi_reduction <add>, %mul3A_22, %reduce_sum3A [1] : vector<16384x128xf32> to vector<16384xf32>
    %broadcast_in_dim3A = vector.shape_cast %reduce_sum3A_23 : vector<16384xf32> to vector<16384x1xf32>
    %get3A_24 = arith.constant 0 : index
    %get3A_25 = arith.constant 0 : index
    %get3A_26 = vector.load %arg8[%get3A_24, %get3A_25] : memref<1x2xf32, #tpu.memory_space<vmem>>, vector<1x1xf32>
    %add3A_27 = vector.broadcast %get3A_26 : vector<1x1xf32> to vector<16384x1xf32>
    %add3A_28 = arith.addf %broadcast_in_dim3A, %add3A_27 : vector<16384x1xf32>
    %get3A_29 = arith.constant 0 : index
    %get3A_30 = arith.constant 0 : index
    %get3A_31 = vector.load %arg6[%get3A_29, %get3A_30] : memref<128x128xf32, #tpu.memory_space<vmem>>, vector<128x128xf32>
    %dot_general3A_32 = arith.constant dense<0.000000e+00> : vector<16384x128xf32>
    %dot_general3A_33 = tpu.matmul %get3A_1, %get3A_31, %dot_general3A_32 {dimension_numbers = #tpu.dot_dimension_numbers<[1], [0], [0], [1], [0, 0, 1, 1], [], []>, transpose_lhs_hint = false} : vector<16384x128xf32>, vector<128x128xf32>, vector<16384x128xf32> -> vector<16384x128xf32>
    %get3A_34 = arith.constant 0 : index
    %get3A_35 = arith.constant 0 : index
    %get3A_36 = vector.load %arg7[%get3A_34, %get3A_35] : memref<1x128xf32, #tpu.memory_space<vmem>>, vector<1x128xf32>
    %add3A_37 = vector.broadcast %get3A_36 : vector<1x128xf32> to vector<16384x128xf32>
    %add3A_38 = arith.addf %dot_general3A_33, %add3A_37 : vector<16384x128xf32>
    %neg3A_39 = arith.constant 0.000000e+00 : f32
    %neg3A_40 = vector.broadcast %neg3A_39 : f32 to vector<16384x128xf32>
    %neg3A_41 = arith.subf %neg3A_40, %add3A_38 : vector<16384x128xf32>
    %exp3A_42 = math.exp %neg3A_41 : vector<16384x128xf32>
    %add3A_43 = arith.constant 1.000000e+00 : f32
    %add3A_44 = vector.broadcast %add3A_43 : f32 to vector<16384x128xf32>
    %add3A_45 = arith.addf %add3A_44, %exp3A_42 : vector<16384x128xf32>
    %div3A_46 = arith.constant 1.000000e+00 : f32
    %div3A_47 = vector.broadcast %div3A_46 : f32 to vector<16384x128xf32>
    %div3A_48 = arith.divf %div3A_47, %add3A_45 : vector<16384x128xf32>
    %mul3A_49 = arith.mulf %add3A_38, %div3A_48 : vector<16384x128xf32>
    %convert_element_type3A_50 = arith.truncf %mul3A_49 : vector<16384x128xf32> to vector<16384x128xbf16>
    %convert_element_type3A_51 = arith.extf %convert_element_type3A_50 : vector<16384x128xbf16> to vector<16384x128xf32>
    %get3A_52 = arith.constant 1 : index
    %get3A_53 = arith.constant 0 : index
    %get3A_54 = vector.load %arg5[%get3A_52, %get3A_53] : memref<2x128xf32, #tpu.memory_space<vmem>>, vector<1x128xf32>
    %mul3A_55 = vector.broadcast %get3A_54 : vector<1x128xf32> to vector<16384x128xf32>
    %mul3A_56 = arith.mulf %convert_element_type3A_51, %mul3A_55 : vector<16384x128xf32>
    %reduce_sum3A_57 = arith.constant dense<0.000000e+00> : vector<16384xf32>
    %reduce_sum3A_58 = vector.multi_reduction <add>, %mul3A_56, %reduce_sum3A_57 [1] : vector<16384x128xf32> to vector<16384xf32>
    %broadcast_in_dim3A_59 = vector.shape_cast %reduce_sum3A_58 : vector<16384xf32> to vector<16384x1xf32>
    %get3A_60 = arith.constant 0 : index
    %get3A_61 = arith.constant 1 : index
    %get3A_62 = vector.load %arg8[%get3A_60, %get3A_61] : memref<1x2xf32, #tpu.memory_space<vmem>>, vector<1x1xf32>
    %add3A_63 = vector.broadcast %get3A_62 : vector<1x1xf32> to vector<16384x1xf32>
    %add3A_64 = arith.addf %broadcast_in_dim3A_59, %add3A_63 : vector<16384x1xf32>
    %concatenate3A = tpu.concatenate %add3A_28, %add3A_64 in 1 : vector<16384x1xf32>, vector<16384x1xf32> -> vector<16384x2xf32>
    %transpose3A = tpu.transpose %concatenate3A, [1, 0] : vector<16384x2xf32> -> vector<2x16384xf32>
    %get3A_65 = arith.constant 0 : index
    %get3A_66 = arith.constant 0 : index
    %get3A_67 = vector.load %arg2[%get3A_65, %get3A_66] : memref<3x16384xf32, #tpu.memory_space<vmem>>, vector<3x16384xf32>
    %add3A_68 = arith.constant 10 : i32
    %add3A_69 = arith.addi %arg0, %add3A_68 : i32
    %mul3A_70 = arith.constant 16384 : i32
    %mul3A_71 = arith.muli %add3A_69, %mul3A_70 : i32
    %iota3A = tpu.iota {dimensions = array<i32: 1>} : vector<1x16384xi32>
    %add3A_72 = vector.broadcast %mul3A_71 : i32 to vector<1x16384xi32>
    %add3A_73 = arith.addi %iota3A, %add3A_72 : vector<1x16384xi32>
    %lt3A = arith.constant 320000 : i32
    %lt3A_74 = vector.broadcast %lt3A : i32 to vector<1x16384xi32>
    %lt3A_75 = arith.cmpi slt, %add3A_73, %lt3A_74 : vector<1x16384xi32>
    %slice3A = vector.extract_strided_slice %get3A_67 {offsets = [0, 0], sizes = [1, 16384], strides = [1, 1]} : vector<3x16384xf32> to vector<1x16384xf32>
    %slice3A_76 = vector.extract_strided_slice %get3A_67 {offsets = [1, 0], sizes = [1, 16384], strides = [1, 1]} : vector<3x16384xf32> to vector<1x16384xf32>
    %slice3A_77 = vector.extract_strided_slice %get3A_67 {offsets = [2, 0], sizes = [1, 16384], strides = [1, 1]} : vector<3x16384xf32> to vector<1x16384xf32>
    %mul3A_78 = arith.mulf %slice3A, %slice3A : vector<1x16384xf32>
    %mul3A_79 = arith.mulf %slice3A_76, %slice3A_76 : vector<1x16384xf32>
    %add3A_80 = arith.addf %mul3A_78, %mul3A_79 : vector<1x16384xf32>
    %mul3A_81 = arith.mulf %slice3A_77, %slice3A_77 : vector<1x16384xf32>
    %add3A_82 = arith.addf %add3A_80, %mul3A_81 : vector<1x16384xf32>
    %sqrt3A = math.sqrt %add3A_82 : vector<1x16384xf32>
    %max3A = arith.constant 9.99999996E-13 : f32
    %max3A_83 = vector.broadcast %max3A : f32 to vector<1x16384xf32>
    %max3A_84 = arith.maximumf %sqrt3A, %max3A_83 : vector<1x16384xf32>
    %div3A_85 = arith.constant 1.000000e+00 : f32
    %div3A_86 = vector.broadcast %div3A_85 : f32 to vector<1x16384xf32>
    %div3A_87 = arith.divf %div3A_86, %max3A_84 : vector<1x16384xf32>
    %mul3A_88 = arith.mulf %slice3A, %div3A_87 : vector<1x16384xf32>
    %mul3A_89 = arith.mulf %slice3A_76, %div3A_87 : vector<1x16384xf32>
    %mul3A_90 = arith.mulf %slice3A_77, %div3A_87 : vector<1x16384xf32>
    %slice3A_91 = vector.extract_strided_slice %transpose3A {offsets = [1, 0], sizes = [1, 16384], strides = [1, 1]} : vector<2x16384xf32> to vector<1x16384xf32>
    %mul3A_92 = arith.constant 0.63078314 : f32
    %mul3A_93 = vector.broadcast %mul3A_92 : f32 to vector<1x16384xf32>
    %mul3A_94 = arith.mulf %slice3A_91, %mul3A_93 : vector<1x16384xf32>
    %broadcast_in_dim3A_95 = arith.constant 0.000000e+00 : f32
    %broadcast_in_dim3A_96 = vector.broadcast %broadcast_in_dim3A_95 : f32 to vector<1x16384xf32>
    %slice3A_97 = vector.extract_strided_slice %transpose3A {offsets = [0, 0], sizes = [1, 16384], strides = [1, 1]} : vector<2x16384xf32> to vector<1x16384xf32>
    %select_n3A = arith.select %lt3A_75, %slice3A_97, %broadcast_in_dim3A_96 : vector<1x16384xi1>, vector<1x16384xf32>
    %reshape3A = vector.shape_cast %select_n3A : vector<1x16384xf32> to vector<16384xf32>
    %swap3A = arith.constant 0 : index
    %swap3A_98 = vector.load %arg9[%swap3A] : memref<16384xf32, #tpu.memory_space<vmem>>, vector<16384xf32>
    tpu.vector_store %arg9[%swap3A], %reshape3A {strides = array<i32>} : memref<16384xf32, #tpu.memory_space<vmem>>, vector<16384xf32>,
    %mul3A_99 = arith.constant 1.73205078 : f32
    %mul3A_100 = vector.broadcast %mul3A_99 : f32 to vector<1x16384xf32>
    %mul3A_101 = arith.mulf %mul3A_100, %mul3A_88 : vector<1x16384xf32>
    %mul3A_102 = arith.mulf %mul3A_101, %mul3A_90 : vector<1x16384xf32>
    %mul3A_103 = arith.mulf %mul3A_102, %mul3A_94 : vector<1x16384xf32>
    %select_n3A_104 = arith.select %lt3A_75, %mul3A_103, %broadcast_in_dim3A_96 : vector<1x16384xi1>, vector<1x16384xf32>
    %reshape3A_105 = vector.shape_cast %select_n3A_104 : vector<1x16384xf32> to vector<16384xf32>
    %swap3A_106 = arith.constant 0 : index
    %swap3A_107 = vector.load %arg10[%swap3A_106] : memref<16384xf32, #tpu.memory_space<vmem>>, vector<16384xf32>
    tpu.vector_store %arg10[%swap3A_106], %reshape3A_105 {strides = array<i32>} : memref<16384xf32, #tpu.memory_space<vmem>>, vector<16384xf32>,
    %mul3A_108 = arith.constant 1.73205078 : f32
    %mul3A_109 = vector.broadcast %mul3A_108 : f32 to vector<1x16384xf32>
    %mul3A_110 = arith.mulf %mul3A_109, %mul3A_88 : vector<1x16384xf32>
    %mul3A_111 = arith.mulf %mul3A_110, %mul3A_89 : vector<1x16384xf32>
    %mul3A_112 = arith.mulf %mul3A_111, %mul3A_94 : vector<1x16384xf32>
    %select_n3A_113 = arith.select %lt3A_75, %mul3A_112, %broadcast_in_dim3A_96 : vector<1x16384xi1>, vector<1x16384xf32>
    %reshape3A_114 = vector.shape_cast %select_n3A_113 : vector<1x16384xf32> to vector<16384xf32>
    %swap3A_115 = arith.constant 0 : index
    %swap3A_116 = vector.load %arg11[%swap3A_115] : memref<16384xf32, #tpu.memory_space<vmem>>, vector<16384xf32>
    tpu.vector_store %arg11[%swap3A_115], %reshape3A_114 {strides = array<i32>} : memref<16384xf32, #tpu.memory_space<vmem>>, vector<16384xf32>,
    %mul3A_117 = arith.mulf %mul3A_89, %mul3A_89 : vector<1x16384xf32>
    %mul3A_118 = arith.mulf %mul3A_88, %mul3A_88 : vector<1x16384xf32>
    %mul3A_119 = arith.mulf %mul3A_90, %mul3A_90 : vector<1x16384xf32>
    %add3A_120 = arith.addf %mul3A_118, %mul3A_119 : vector<1x16384xf32>
    %mul3A_121 = arith.constant 5.000000e-01 : f32
    %mul3A_122 = vector.broadcast %mul3A_121 : f32 to vector<1x16384xf32>
    %mul3A_123 = arith.mulf %mul3A_122, %add3A_120 : vector<1x16384xf32>
    %sub3A = arith.subf %mul3A_117, %mul3A_123 : vector<1x16384xf32>
    %mul3A_124 = arith.mulf %sub3A, %mul3A_94 : vector<1x16384xf32>
    %select_n3A_125 = arith.select %lt3A_75, %mul3A_124, %broadcast_in_dim3A_96 : vector<1x16384xi1>, vector<1x16384xf32>
    %reshape3A_126 = vector.shape_cast %select_n3A_125 : vector<1x16384xf32> to vector<16384xf32>
    %swap3A_127 = arith.constant 0 : index
    %swap3A_128 = vector.load %arg12[%swap3A_127] : memref<16384xf32, #tpu.memory_space<vmem>>, vector<16384xf32>
    tpu.vector_store %arg12[%swap3A_127], %reshape3A_126 {strides = array<i32>} : memref<16384xf32, #tpu.memory_space<vmem>>, vector<16384xf32>,
    %mul3A_129 = arith.constant 1.73205078 : f32
    %mul3A_130 = vector.broadcast %mul3A_129 : f32 to vector<1x16384xf32>
    %mul3A_131 = arith.mulf %mul3A_130, %mul3A_89 : vector<1x16384xf32>
    %mul3A_132 = arith.mulf %mul3A_131, %mul3A_90 : vector<1x16384xf32>
    %mul3A_133 = arith.mulf %mul3A_132, %mul3A_94 : vector<1x16384xf32>
    %select_n3A_134 = arith.select %lt3A_75, %mul3A_133, %broadcast_in_dim3A_96 : vector<1x16384xi1>, vector<1x16384xf32>
    %reshape3A_135 = vector.shape_cast %select_n3A_134 : vector<1x16384xf32> to vector<16384xf32>
    %swap3A_136 = arith.constant 0 : index
    %swap3A_137 = vector.load %arg13[%swap3A_136] : memref<16384xf32, #tpu.memory_space<vmem>>, vector<16384xf32>
    tpu.vector_store %arg13[%swap3A_136], %reshape3A_135 {strides = array<i32>} : memref<16384xf32, #tpu.memory_space<vmem>>, vector<16384xf32>,
    %mul3A_138 = arith.mulf %mul3A_90, %mul3A_90 : vector<1x16384xf32>
    %mul3A_139 = arith.mulf %mul3A_88, %mul3A_88 : vector<1x16384xf32>
    %sub3A_140 = arith.subf %mul3A_138, %mul3A_139 : vector<1x16384xf32>
    %mul3A_141 = arith.constant 0.866025388 : f32
    %mul3A_142 = vector.broadcast %mul3A_141 : f32 to vector<1x16384xf32>
    %mul3A_143 = arith.mulf %mul3A_142, %sub3A_140 : vector<1x16384xf32>
    %mul3A_144 = arith.mulf %mul3A_143, %mul3A_94 : vector<1x16384xf32>
    %select_n3A_145 = arith.select %lt3A_75, %mul3A_144, %broadcast_in_dim3A_96 : vector<1x16384xi1>, vector<1x16384xf32>
    %reshape3A_146 = vector.shape_cast %select_n3A_145 : vector<1x16384xf32> to vector<16384xf32>
    %swap3A_147 = arith.constant 0 : index
    %swap3A_148 = vector.load %arg14[%swap3A_147] : memref<16384xf32, #tpu.memory_space<vmem>>, vector<16384xf32>
    tpu.vector_store %arg14[%swap3A_147], %reshape3A_146 {strides = array<i32>} : memref<16384xf32, #tpu.memory_space<vmem>>, vector<16384xf32>,
    return
  }
  func.func @transform_0(%arg0: i32) -> (i32, i32) {
    %add3A = arith.constant 10 : i32
    %add3A_0 = arith.addi %arg0, %add3A : i32
    %min3A = arith.constant 19 : i32
    %min3A_1 = arith.minsi %add3A_0, %min3A : i32
    %c0_i32 = arith.constant 0 : i32
    %c0_i32_2 = arith.constant 0 : i32
    return %min3A_1, %c0_i32 : i32, i32
  }
  func.func @transform_1(%arg0: i32) -> (i32, i32) {
    %add3A = arith.constant 10 : i32
    %add3A_0 = arith.addi %arg0, %add3A : i32
    %min3A = arith.constant 19 : i32
    %min3A_1 = arith.minsi %add3A_0, %min3A : i32
    %c0_i32 = arith.constant 0 : i32
    %c0_i32_2 = arith.constant 0 : i32
    return %c0_i32, %min3A_1 : i32, i32
  }
  func.func @transform_2(%arg0: i32) -> (i32, i32) {
    %c0_i32 = arith.constant 0 : i32
    %c0_i32_0 = arith.constant 0 : i32
    %c0_i32_1 = arith.constant 0 : i32
    return %c0_i32, %c0_i32_0 : i32, i32
  }
  func.func @transform_3(%arg0: i32) -> (i32, i32) {
    %c0_i32 = arith.constant 0 : i32
    %c0_i32_0 = arith.constant 0 : i32
    %c0_i32_1 = arith.constant 0 : i32
    return %c0_i32, %c0_i32_0 : i32, i32
  }
  func.func @transform_4(%arg0: i32) -> (i32, i32) {
    %c0_i32 = arith.constant 0 : i32
    %c0_i32_0 = arith.constant 0 : i32
    %c0_i32_1 = arith.constant 0 : i32
    return %c0_i32, %c0_i32_0 : i32, i32
  }
  func.func @transform_5(%arg0: i32) -> (i32, i32) {
    %c0_i32 = arith.constant 0 : i32
    %c0_i32_0 = arith.constant 0 : i32
    %c0_i32_1 = arith.constant 0 : i32
    return %c0_i32, %c0_i32_0 : i32, i32
  }
  func.func @transform_6(%arg0: i32) -> (i32, i32) {
    %c0_i32 = arith.constant 0 : i32
    %c0_i32_0 = arith.constant 0 : i32
    %c0_i32_1 = arith.constant 0 : i32
    return %c0_i32, %c0_i32_0 : i32, i32
  }
  func.func @transform_7(%arg0: i32) -> (i32, i32) {
    %c0_i32 = arith.constant 0 : i32
    %c0_i32_0 = arith.constant 0 : i32
    %c0_i32_1 = arith.constant 0 : i32
    return %c0_i32, %c0_i32_0 : i32, i32
  }
  func.func @transform_8(%arg0: i32) -> i32 {
    %c0_i32 = arith.constant 0 : i32
    return %arg0 : i32
  }
  func.func @transform_9(%arg0: i32) -> i32 {
    %c0_i32 = arith.constant 0 : i32
    return %arg0 : i32
  }
  func.func @transform_10(%arg0: i32) -> i32 {
    %c0_i32 = arith.constant 0 : i32
    return %arg0 : i32
  }
  func.func @transform_11(%arg0: i32) -> i32 {
    %c0_i32 = arith.constant 0 : i32
    return %arg0 : i32
  }
  func.func @transform_12(%arg0: i32) -> i32 {
    %c0_i32 = arith.constant 0 : i32
    return %arg0 : i32
  }
  func.func @transform_13(%arg0: i32) -> i32 {
    %c0_i32 = arith.constant 0 : i32
    return %arg0 : i32
  }
}

module attributes {stable_mosaic.version = 14 : i64} {
  func.func @_edge_body(%arg0: i32, %arg1: memref<16384x128xf32, #tpu.memory_space<vmem>>, %arg2: memref<3x16384xf32, #tpu.memory_space<vmem>>, %arg3: memref<128x128xf32, #tpu.memory_space<vmem>>, %arg4: memref<1x128xf32, #tpu.memory_space<vmem>>, %arg5: memref<2x128xf32, #tpu.memory_space<vmem>>, %arg6: memref<128x128xf32, #tpu.memory_space<vmem>>, %arg7: memref<1x128xf32, #tpu.memory_space<vmem>>, %arg8: memref<1x2xf32, #tpu.memory_space<vmem>>, %arg9: memref<16384xf32, #tpu.memory_space<vmem>>, %arg10: memref<16384xf32, #tpu.memory_space<vmem>>, %arg11: memref<16384xf32, #tpu.memory_space<vmem>>, %arg12: memref<16384xf32, #tpu.memory_space<vmem>>, %arg13: memref<16384xf32, #tpu.memory_space<vmem>>, %arg14: memref<16384xf32, #tpu.memory_space<vmem>>) attributes {dimension_semantics = [#tpu.dimension_semantics<arbitrary>], iteration_bounds = array<i64: 2>, scalar_prefetch = 0 : i64, scratch_operands = 0 : i64, tpu.core_type = #tpu.core_type<tc>, window_params = [{transform_indices = @transform_0, window_bounds = array<i64: 16384, 128>}, {transform_indices = @transform_1, window_bounds = array<i64: 3, 16384>}, {pipeline_mode = #tpu.pipeline_mode<synchronous>, transform_indices = @transform_2, window_bounds = array<i64: 128, 128>}, {pipeline_mode = #tpu.pipeline_mode<synchronous>, transform_indices = @transform_3, window_bounds = array<i64: 1, 128>}, {pipeline_mode = #tpu.pipeline_mode<synchronous>, transform_indices = @transform_4, window_bounds = array<i64: 2, 128>}, {pipeline_mode = #tpu.pipeline_mode<synchronous>, transform_indices = @transform_5, window_bounds = array<i64: 128, 128>}, {pipeline_mode = #tpu.pipeline_mode<synchronous>, transform_indices = @transform_6, window_bounds = array<i64: 1, 128>}, {pipeline_mode = #tpu.pipeline_mode<synchronous>, transform_indices = @transform_7, window_bounds = array<i64: 1, 2>}, {transform_indices = @transform_8, window_bounds = array<i64: 16384>}, {transform_indices = @transform_9, window_bounds = array<i64: 16384>}, {transform_indices = @transform_10, window_bounds = array<i64: 16384>}, {transform_indices = @transform_11, window_bounds = array<i64: 16384>}, {transform_indices = @transform_12, window_bounds = array<i64: 16384>}, {transform_indices = @transform_13, window_bounds = array<i64: 16384>}]} {
    %get3A = arith.constant 0 : index
    %get3A_0 = arith.constant 0 : index
    %get3A_1 = vector.load %arg1[%get3A, %get3A_0] : memref<16384x128xf32, #tpu.memory_space<vmem>>, vector<16384x128xf32>
    %get3A_2 = arith.constant 0 : index
    %get3A_3 = arith.constant 0 : index
    %get3A_4 = vector.load %arg3[%get3A_2, %get3A_3] : memref<128x128xf32, #tpu.memory_space<vmem>>, vector<128x128xf32>
    %dot_general3A = arith.constant dense<0.000000e+00> : vector<16384x128xf32>
    %dot_general3A_5 = tpu.matmul %get3A_1, %get3A_4, %dot_general3A {dimension_numbers = #tpu.dot_dimension_numbers<[1], [0], [0], [1], [0, 0, 1, 1], [], []>, transpose_lhs_hint = false} : vector<16384x128xf32>, vector<128x128xf32>, vector<16384x128xf32> -> vector<16384x128xf32>
    %get3A_6 = arith.constant 0 : index
    %get3A_7 = arith.constant 0 : index
    %get3A_8 = vector.load %arg4[%get3A_6, %get3A_7] : memref<1x128xf32, #tpu.memory_space<vmem>>, vector<1x128xf32>
    %add3A = vector.broadcast %get3A_8 : vector<1x128xf32> to vector<16384x128xf32>
    %add3A_9 = arith.addf %dot_general3A_5, %add3A : vector<16384x128xf32>
    %neg3A = arith.constant 0.000000e+00 : f32
    %neg3A_10 = vector.broadcast %neg3A : f32 to vector<16384x128xf32>
    %neg3A_11 = arith.subf %neg3A_10, %add3A_9 : vector<16384x128xf32>
    %exp3A = math.exp %neg3A_11 : vector<16384x128xf32>
    %add3A_12 = arith.constant 1.000000e+00 : f32
    %add3A_13 = vector.broadcast %add3A_12 : f32 to vector<16384x128xf32>
    %add3A_14 = arith.addf %add3A_13, %exp3A : vector<16384x128xf32>
    %div3A = arith.constant 1.000000e+00 : f32
    %div3A_15 = vector.broadcast %div3A : f32 to vector<16384x128xf32>
    %div3A_16 = arith.divf %div3A_15, %add3A_14 : vector<16384x128xf32>
    %mul3A = arith.mulf %add3A_9, %div3A_16 : vector<16384x128xf32>
    %convert_element_type3A = arith.truncf %mul3A : vector<16384x128xf32> to vector<16384x128xbf16>
    %convert_element_type3A_17 = arith.extf %convert_element_type3A : vector<16384x128xbf16> to vector<16384x128xf32>
    %get3A_18 = arith.constant 0 : index
    %get3A_19 = arith.constant 0 : index
    %get3A_20 = vector.load %arg5[%get3A_18, %get3A_19] : memref<2x128xf32, #tpu.memory_space<vmem>>, vector<1x128xf32>
    %mul3A_21 = vector.broadcast %get3A_20 : vector<1x128xf32> to vector<16384x128xf32>
    %mul3A_22 = arith.mulf %convert_element_type3A_17, %mul3A_21 : vector<16384x128xf32>
    %reduce_sum3A = arith.constant dense<0.000000e+00> : vector<16384xf32>
    %reduce_sum3A_23 = vector.multi_reduction <add>, %mul3A_22, %reduce_sum3A [1] : vector<16384x128xf32> to vector<16384xf32>
    %broadcast_in_dim3A = vector.shape_cast %reduce_sum3A_23 : vector<16384xf32> to vector<16384x1xf32>
    %get3A_24 = arith.constant 0 : index
    %get3A_25 = arith.constant 0 : index
    %get3A_26 = vector.load %arg8[%get3A_24, %get3A_25] : memref<1x2xf32, #tpu.memory_space<vmem>>, vector<1x1xf32>
    %add3A_27 = vector.broadcast %get3A_26 : vector<1x1xf32> to vector<16384x1xf32>
    %add3A_28 = arith.addf %broadcast_in_dim3A, %add3A_27 : vector<16384x1xf32>
    %get3A_29 = arith.constant 0 : index
    %get3A_30 = arith.constant 0 : index
    %get3A_31 = vector.load %arg6[%get3A_29, %get3A_30] : memref<128x128xf32, #tpu.memory_space<vmem>>, vector<128x128xf32>
    %dot_general3A_32 = arith.constant dense<0.000000e+00> : vector<16384x128xf32>
    %dot_general3A_33 = tpu.matmul %get3A_1, %get3A_31, %dot_general3A_32 {dimension_numbers = #tpu.dot_dimension_numbers<[1], [0], [0], [1], [0, 0, 1, 1], [], []>, transpose_lhs_hint = false} : vector<16384x128xf32>, vector<128x128xf32>, vector<16384x128xf32> -> vector<16384x128xf32>
    %get3A_34 = arith.constant 0 : index
    %get3A_35 = arith.constant 0 : index
    %get3A_36 = vector.load %arg7[%get3A_34, %get3A_35] : memref<1x128xf32, #tpu.memory_space<vmem>>, vector<1x128xf32>
    %add3A_37 = vector.broadcast %get3A_36 : vector<1x128xf32> to vector<16384x128xf32>
    %add3A_38 = arith.addf %dot_general3A_33, %add3A_37 : vector<16384x128xf32>
    %neg3A_39 = arith.constant 0.000000e+00 : f32
    %neg3A_40 = vector.broadcast %neg3A_39 : f32 to vector<16384x128xf32>
    %neg3A_41 = arith.subf %neg3A_40, %add3A_38 : vector<16384x128xf32>
    %exp3A_42 = math.exp %neg3A_41 : vector<16384x128xf32>
    %add3A_43 = arith.constant 1.000000e+00 : f32
    %add3A_44 = vector.broadcast %add3A_43 : f32 to vector<16384x128xf32>
    %add3A_45 = arith.addf %add3A_44, %exp3A_42 : vector<16384x128xf32>
    %div3A_46 = arith.constant 1.000000e+00 : f32
    %div3A_47 = vector.broadcast %div3A_46 : f32 to vector<16384x128xf32>
    %div3A_48 = arith.divf %div3A_47, %add3A_45 : vector<16384x128xf32>
    %mul3A_49 = arith.mulf %add3A_38, %div3A_48 : vector<16384x128xf32>
    %convert_element_type3A_50 = arith.truncf %mul3A_49 : vector<16384x128xf32> to vector<16384x128xbf16>
    %convert_element_type3A_51 = arith.extf %convert_element_type3A_50 : vector<16384x128xbf16> to vector<16384x128xf32>
    %get3A_52 = arith.constant 1 : index
    %get3A_53 = arith.constant 0 : index
    %get3A_54 = vector.load %arg5[%get3A_52, %get3A_53] : memref<2x128xf32, #tpu.memory_space<vmem>>, vector<1x128xf32>
    %mul3A_55 = vector.broadcast %get3A_54 : vector<1x128xf32> to vector<16384x128xf32>
    %mul3A_56 = arith.mulf %convert_element_type3A_51, %mul3A_55 : vector<16384x128xf32>
    %reduce_sum3A_57 = arith.constant dense<0.000000e+00> : vector<16384xf32>
    %reduce_sum3A_58 = vector.multi_reduction <add>, %mul3A_56, %reduce_sum3A_57 [1] : vector<16384x128xf32> to vector<16384xf32>
    %broadcast_in_dim3A_59 = vector.shape_cast %reduce_sum3A_58 : vector<16384xf32> to vector<16384x1xf32>
    %get3A_60 = arith.constant 0 : index
    %get3A_61 = arith.constant 1 : index
    %get3A_62 = vector.load %arg8[%get3A_60, %get3A_61] : memref<1x2xf32, #tpu.memory_space<vmem>>, vector<1x1xf32>
    %add3A_63 = vector.broadcast %get3A_62 : vector<1x1xf32> to vector<16384x1xf32>
    %add3A_64 = arith.addf %broadcast_in_dim3A_59, %add3A_63 : vector<16384x1xf32>
    %concatenate3A = tpu.concatenate %add3A_28, %add3A_64 in 1 : vector<16384x1xf32>, vector<16384x1xf32> -> vector<16384x2xf32>
    %transpose3A = tpu.transpose %concatenate3A, [1, 0] : vector<16384x2xf32> -> vector<2x16384xf32>
    %get3A_65 = arith.constant 0 : index
    %get3A_66 = arith.constant 0 : index
    %get3A_67 = vector.load %arg2[%get3A_65, %get3A_66] : memref<3x16384xf32, #tpu.memory_space<vmem>>, vector<3x16384xf32>
    %add3A_68 = arith.constant 18 : i32
    %add3A_69 = arith.addi %arg0, %add3A_68 : i32
    %mul3A_70 = arith.constant 16384 : i32
    %mul3A_71 = arith.muli %add3A_69, %mul3A_70 : i32
    %iota3A = tpu.iota {dimensions = array<i32: 1>} : vector<1x16384xi32>
    %add3A_72 = vector.broadcast %mul3A_71 : i32 to vector<1x16384xi32>
    %add3A_73 = arith.addi %iota3A, %add3A_72 : vector<1x16384xi32>
    %lt3A = arith.constant 320000 : i32
    %lt3A_74 = vector.broadcast %lt3A : i32 to vector<1x16384xi32>
    %lt3A_75 = arith.cmpi slt, %add3A_73, %lt3A_74 : vector<1x16384xi32>
    %slice3A = vector.extract_strided_slice %get3A_67 {offsets = [0, 0], sizes = [1, 16384], strides = [1, 1]} : vector<3x16384xf32> to vector<1x16384xf32>
    %slice3A_76 = vector.extract_strided_slice %get3A_67 {offsets = [1, 0], sizes = [1, 16384], strides = [1, 1]} : vector<3x16384xf32> to vector<1x16384xf32>
    %slice3A_77 = vector.extract_strided_slice %get3A_67 {offsets = [2, 0], sizes = [1, 16384], strides = [1, 1]} : vector<3x16384xf32> to vector<1x16384xf32>
    %mul3A_78 = arith.mulf %slice3A, %slice3A : vector<1x16384xf32>
    %mul3A_79 = arith.mulf %slice3A_76, %slice3A_76 : vector<1x16384xf32>
    %add3A_80 = arith.addf %mul3A_78, %mul3A_79 : vector<1x16384xf32>
    %mul3A_81 = arith.mulf %slice3A_77, %slice3A_77 : vector<1x16384xf32>
    %add3A_82 = arith.addf %add3A_80, %mul3A_81 : vector<1x16384xf32>
    %sqrt3A = math.sqrt %add3A_82 : vector<1x16384xf32>
    %max3A = arith.constant 9.99999996E-13 : f32
    %max3A_83 = vector.broadcast %max3A : f32 to vector<1x16384xf32>
    %max3A_84 = arith.maximumf %sqrt3A, %max3A_83 : vector<1x16384xf32>
    %div3A_85 = arith.constant 1.000000e+00 : f32
    %div3A_86 = vector.broadcast %div3A_85 : f32 to vector<1x16384xf32>
    %div3A_87 = arith.divf %div3A_86, %max3A_84 : vector<1x16384xf32>
    %mul3A_88 = arith.mulf %slice3A, %div3A_87 : vector<1x16384xf32>
    %mul3A_89 = arith.mulf %slice3A_76, %div3A_87 : vector<1x16384xf32>
    %mul3A_90 = arith.mulf %slice3A_77, %div3A_87 : vector<1x16384xf32>
    %slice3A_91 = vector.extract_strided_slice %transpose3A {offsets = [1, 0], sizes = [1, 16384], strides = [1, 1]} : vector<2x16384xf32> to vector<1x16384xf32>
    %mul3A_92 = arith.constant 0.63078314 : f32
    %mul3A_93 = vector.broadcast %mul3A_92 : f32 to vector<1x16384xf32>
    %mul3A_94 = arith.mulf %slice3A_91, %mul3A_93 : vector<1x16384xf32>
    %broadcast_in_dim3A_95 = arith.constant 0.000000e+00 : f32
    %broadcast_in_dim3A_96 = vector.broadcast %broadcast_in_dim3A_95 : f32 to vector<1x16384xf32>
    %slice3A_97 = vector.extract_strided_slice %transpose3A {offsets = [0, 0], sizes = [1, 16384], strides = [1, 1]} : vector<2x16384xf32> to vector<1x16384xf32>
    %select_n3A = arith.select %lt3A_75, %slice3A_97, %broadcast_in_dim3A_96 : vector<1x16384xi1>, vector<1x16384xf32>
    %reshape3A = vector.shape_cast %select_n3A : vector<1x16384xf32> to vector<16384xf32>
    %swap3A = arith.constant 0 : index
    %swap3A_98 = vector.load %arg9[%swap3A] : memref<16384xf32, #tpu.memory_space<vmem>>, vector<16384xf32>
    tpu.vector_store %arg9[%swap3A], %reshape3A {strides = array<i32>} : memref<16384xf32, #tpu.memory_space<vmem>>, vector<16384xf32>,
    %mul3A_99 = arith.constant 1.73205078 : f32
    %mul3A_100 = vector.broadcast %mul3A_99 : f32 to vector<1x16384xf32>
    %mul3A_101 = arith.mulf %mul3A_100, %mul3A_88 : vector<1x16384xf32>
    %mul3A_102 = arith.mulf %mul3A_101, %mul3A_90 : vector<1x16384xf32>
    %mul3A_103 = arith.mulf %mul3A_102, %mul3A_94 : vector<1x16384xf32>
    %select_n3A_104 = arith.select %lt3A_75, %mul3A_103, %broadcast_in_dim3A_96 : vector<1x16384xi1>, vector<1x16384xf32>
    %reshape3A_105 = vector.shape_cast %select_n3A_104 : vector<1x16384xf32> to vector<16384xf32>
    %swap3A_106 = arith.constant 0 : index
    %swap3A_107 = vector.load %arg10[%swap3A_106] : memref<16384xf32, #tpu.memory_space<vmem>>, vector<16384xf32>
    tpu.vector_store %arg10[%swap3A_106], %reshape3A_105 {strides = array<i32>} : memref<16384xf32, #tpu.memory_space<vmem>>, vector<16384xf32>,
    %mul3A_108 = arith.constant 1.73205078 : f32
    %mul3A_109 = vector.broadcast %mul3A_108 : f32 to vector<1x16384xf32>
    %mul3A_110 = arith.mulf %mul3A_109, %mul3A_88 : vector<1x16384xf32>
    %mul3A_111 = arith.mulf %mul3A_110, %mul3A_89 : vector<1x16384xf32>
    %mul3A_112 = arith.mulf %mul3A_111, %mul3A_94 : vector<1x16384xf32>
    %select_n3A_113 = arith.select %lt3A_75, %mul3A_112, %broadcast_in_dim3A_96 : vector<1x16384xi1>, vector<1x16384xf32>
    %reshape3A_114 = vector.shape_cast %select_n3A_113 : vector<1x16384xf32> to vector<16384xf32>
    %swap3A_115 = arith.constant 0 : index
    %swap3A_116 = vector.load %arg11[%swap3A_115] : memref<16384xf32, #tpu.memory_space<vmem>>, vector<16384xf32>
    tpu.vector_store %arg11[%swap3A_115], %reshape3A_114 {strides = array<i32>} : memref<16384xf32, #tpu.memory_space<vmem>>, vector<16384xf32>,
    %mul3A_117 = arith.mulf %mul3A_89, %mul3A_89 : vector<1x16384xf32>
    %mul3A_118 = arith.mulf %mul3A_88, %mul3A_88 : vector<1x16384xf32>
    %mul3A_119 = arith.mulf %mul3A_90, %mul3A_90 : vector<1x16384xf32>
    %add3A_120 = arith.addf %mul3A_118, %mul3A_119 : vector<1x16384xf32>
    %mul3A_121 = arith.constant 5.000000e-01 : f32
    %mul3A_122 = vector.broadcast %mul3A_121 : f32 to vector<1x16384xf32>
    %mul3A_123 = arith.mulf %mul3A_122, %add3A_120 : vector<1x16384xf32>
    %sub3A = arith.subf %mul3A_117, %mul3A_123 : vector<1x16384xf32>
    %mul3A_124 = arith.mulf %sub3A, %mul3A_94 : vector<1x16384xf32>
    %select_n3A_125 = arith.select %lt3A_75, %mul3A_124, %broadcast_in_dim3A_96 : vector<1x16384xi1>, vector<1x16384xf32>
    %reshape3A_126 = vector.shape_cast %select_n3A_125 : vector<1x16384xf32> to vector<16384xf32>
    %swap3A_127 = arith.constant 0 : index
    %swap3A_128 = vector.load %arg12[%swap3A_127] : memref<16384xf32, #tpu.memory_space<vmem>>, vector<16384xf32>
    tpu.vector_store %arg12[%swap3A_127], %reshape3A_126 {strides = array<i32>} : memref<16384xf32, #tpu.memory_space<vmem>>, vector<16384xf32>,
    %mul3A_129 = arith.constant 1.73205078 : f32
    %mul3A_130 = vector.broadcast %mul3A_129 : f32 to vector<1x16384xf32>
    %mul3A_131 = arith.mulf %mul3A_130, %mul3A_89 : vector<1x16384xf32>
    %mul3A_132 = arith.mulf %mul3A_131, %mul3A_90 : vector<1x16384xf32>
    %mul3A_133 = arith.mulf %mul3A_132, %mul3A_94 : vector<1x16384xf32>
    %select_n3A_134 = arith.select %lt3A_75, %mul3A_133, %broadcast_in_dim3A_96 : vector<1x16384xi1>, vector<1x16384xf32>
    %reshape3A_135 = vector.shape_cast %select_n3A_134 : vector<1x16384xf32> to vector<16384xf32>
    %swap3A_136 = arith.constant 0 : index
    %swap3A_137 = vector.load %arg13[%swap3A_136] : memref<16384xf32, #tpu.memory_space<vmem>>, vector<16384xf32>
    tpu.vector_store %arg13[%swap3A_136], %reshape3A_135 {strides = array<i32>} : memref<16384xf32, #tpu.memory_space<vmem>>, vector<16384xf32>,
    %mul3A_138 = arith.mulf %mul3A_90, %mul3A_90 : vector<1x16384xf32>
    %mul3A_139 = arith.mulf %mul3A_88, %mul3A_88 : vector<1x16384xf32>
    %sub3A_140 = arith.subf %mul3A_138, %mul3A_139 : vector<1x16384xf32>
    %mul3A_141 = arith.constant 0.866025388 : f32
    %mul3A_142 = vector.broadcast %mul3A_141 : f32 to vector<1x16384xf32>
    %mul3A_143 = arith.mulf %mul3A_142, %sub3A_140 : vector<1x16384xf32>
    %mul3A_144 = arith.mulf %mul3A_143, %mul3A_94 : vector<1x16384xf32>
    %select_n3A_145 = arith.select %lt3A_75, %mul3A_144, %broadcast_in_dim3A_96 : vector<1x16384xi1>, vector<1x16384xf32>
    %reshape3A_146 = vector.shape_cast %select_n3A_145 : vector<1x16384xf32> to vector<16384xf32>
    %swap3A_147 = arith.constant 0 : index
    %swap3A_148 = vector.load %arg14[%swap3A_147] : memref<16384xf32, #tpu.memory_space<vmem>>, vector<16384xf32>
    tpu.vector_store %arg14[%swap3A_147], %reshape3A_146 {strides = array<i32>} : memref<16384xf32, #tpu.memory_space<vmem>>, vector<16384xf32>,
    return
  }
  func.func @transform_0(%arg0: i32) -> (i32, i32) {
    %add3A = arith.constant 18 : i32
    %add3A_0 = arith.addi %arg0, %add3A : i32
    %min3A = arith.constant 19 : i32
    %min3A_1 = arith.minsi %add3A_0, %min3A : i32
    %c0_i32 = arith.constant 0 : i32
    %c0_i32_2 = arith.constant 0 : i32
    return %min3A_1, %c0_i32 : i32, i32
  }
  func.func @transform_1(%arg0: i32) -> (i32, i32) {
    %add3A = arith.constant 18 : i32
    %add3A_0 = arith.addi %arg0, %add3A : i32
    %min3A = arith.constant 19 : i32
    %min3A_1 = arith.minsi %add3A_0, %min3A : i32
    %c0_i32 = arith.constant 0 : i32
    %c0_i32_2 = arith.constant 0 : i32
    return %c0_i32, %min3A_1 : i32, i32
  }
  func.func @transform_2(%arg0: i32) -> (i32, i32) {
    %c0_i32 = arith.constant 0 : i32
    %c0_i32_0 = arith.constant 0 : i32
    %c0_i32_1 = arith.constant 0 : i32
    return %c0_i32, %c0_i32_0 : i32, i32
  }
  func.func @transform_3(%arg0: i32) -> (i32, i32) {
    %c0_i32 = arith.constant 0 : i32
    %c0_i32_0 = arith.constant 0 : i32
    %c0_i32_1 = arith.constant 0 : i32
    return %c0_i32, %c0_i32_0 : i32, i32
  }
  func.func @transform_4(%arg0: i32) -> (i32, i32) {
    %c0_i32 = arith.constant 0 : i32
    %c0_i32_0 = arith.constant 0 : i32
    %c0_i32_1 = arith.constant 0 : i32
    return %c0_i32, %c0_i32_0 : i32, i32
  }
  func.func @transform_5(%arg0: i32) -> (i32, i32) {
    %c0_i32 = arith.constant 0 : i32
    %c0_i32_0 = arith.constant 0 : i32
    %c0_i32_1 = arith.constant 0 : i32
    return %c0_i32, %c0_i32_0 : i32, i32
  }
  func.func @transform_6(%arg0: i32) -> (i32, i32) {
    %c0_i32 = arith.constant 0 : i32
    %c0_i32_0 = arith.constant 0 : i32
    %c0_i32_1 = arith.constant 0 : i32
    return %c0_i32, %c0_i32_0 : i32, i32
  }
  func.func @transform_7(%arg0: i32) -> (i32, i32) {
    %c0_i32 = arith.constant 0 : i32
    %c0_i32_0 = arith.constant 0 : i32
    %c0_i32_1 = arith.constant 0 : i32
    return %c0_i32, %c0_i32_0 : i32, i32
  }
  func.func @transform_8(%arg0: i32) -> i32 {
    %c0_i32 = arith.constant 0 : i32
    return %arg0 : i32
  }
  func.func @transform_9(%arg0: i32) -> i32 {
    %c0_i32 = arith.constant 0 : i32
    return %arg0 : i32
  }
  func.func @transform_10(%arg0: i32) -> i32 {
    %c0_i32 = arith.constant 0 : i32
    return %arg0 : i32
  }
  func.func @transform_11(%arg0: i32) -> i32 {
    %c0_i32 = arith.constant 0 : i32
    return %arg0 : i32
  }
  func.func @transform_12(%arg0: i32) -> i32 {
    %c0_i32 = arith.constant 0 : i32
    return %arg0 : i32
  }
  func.func @transform_13(%arg0: i32) -> i32 {
    %c0_i32 = arith.constant 0 : i32
    return %arg0 : i32
  }
}

module attributes {stable_mosaic.version = 14 : i64} {
  func.func @_finish_body(%arg0: memref<2x34x16xf32, #tpu.memory_space<vmem>>, %arg1: memref<9x9xf32, #tpu.memory_space<vmem>>, %arg2: memref<16x9xf32, #tpu.memory_space<vmem>>) attributes {dimension_semantics = [], scalar_prefetch = 0 : i64, scratch_operands = 0 : i64, tpu.core_type = #tpu.core_type<tc>} {
    %get3A = arith.constant 0 : index
    %get3A_0 = arith.constant 0 : index
    %get3A_1 = arith.constant 0 : index
    %get3A_2 = vector.load %arg0[%get3A, %get3A_0, %get3A_1] : memref<2x34x16xf32, #tpu.memory_space<vmem>>, vector<1x34x16xf32>
    %get3A_3 = vector.shape_cast %get3A_2 : vector<1x34x16xf32> to vector<34x16xf32>
    %get3A_4 = arith.constant 1 : index
    %get3A_5 = arith.constant 0 : index
    %get3A_6 = arith.constant 0 : index
    %get3A_7 = vector.load %arg0[%get3A_4, %get3A_5, %get3A_6] : memref<2x34x16xf32, #tpu.memory_space<vmem>>, vector<1x34x16xf32>
    %get3A_8 = vector.shape_cast %get3A_7 : vector<1x34x16xf32> to vector<34x16xf32>
    %add3A = arith.addf %get3A_3, %get3A_8 : vector<34x16xf32>
    %slice3A = vector.extract_strided_slice %add3A {offsets = [0, 0], sizes = [16, 8], strides = [1, 1]} : vector<34x16xf32> to vector<16x8xf32>
    %slice3A_9 = vector.extract_strided_slice %add3A {offsets = [0, 8], sizes = [16, 8], strides = [1, 1]} : vector<34x16xf32> to vector<16x8xf32>
    %add3A_10 = arith.addf %slice3A, %slice3A_9 : vector<16x8xf32>
    %slice3A_11 = vector.extract_strided_slice %add3A {offsets = [17, 0], sizes = [16, 1], strides = [1, 1]} : vector<34x16xf32> to vector<16x1xf32>
    %slice3A_12 = vector.extract_strided_slice %add3A {offsets = [17, 1], sizes = [16, 1], strides = [1, 1]} : vector<34x16xf32> to vector<16x1xf32>
    %add3A_13 = arith.addf %slice3A_11, %slice3A_12 : vector<16x1xf32>
    %slice3A_14 = vector.extract_strided_slice %add3A_10 {offsets = [0, 0], sizes = [16, 6], strides = [1, 1]} : vector<16x8xf32> to vector<16x6xf32>
    %max3A = arith.constant 1.000000e+00 : f32
    %max3A_15 = vector.broadcast %max3A : f32 to vector<16x1xf32>
    %max3A_16 = arith.maximumf %add3A_13, %max3A_15 : vector<16x1xf32>
    %div3A = vector.broadcast %max3A_16 : vector<16x1xf32> to vector<16x6xf32>
    %div3A_17 = arith.divf %slice3A_14, %div3A : vector<16x6xf32>
    %slice3A_18 = vector.extract_strided_slice %div3A_17 {offsets = [0, 0], sizes = [16, 1], strides = [1, 1]} : vector<16x6xf32> to vector<16x1xf32>
    %broadcast_in_dim3A = arith.constant 0.000000e+00 : f32
    %broadcast_in_dim3A_19 = vector.broadcast %broadcast_in_dim3A : f32 to vector<16x3xf32>
    %slice3A_20 = vector.extract_strided_slice %div3A_17 {offsets = [0, 1], sizes = [16, 5], strides = [1, 1]} : vector<16x6xf32> to vector<16x5xf32>
    %concatenate3A = tpu.concatenate %slice3A_18, %broadcast_in_dim3A_19, %slice3A_20 in 1 : vector<16x1xf32>, vector<16x3xf32>, vector<16x5xf32> -> vector<16x9xf32>
    %get3A_21 = arith.constant 0 : index
    %get3A_22 = arith.constant 0 : index
    %get3A_23 = vector.load %arg1[%get3A_21, %get3A_22] : memref<9x9xf32, #tpu.memory_space<vmem>>, vector<9x9xf32>
    %dot_general3A = arith.constant dense<0.000000e+00> : vector<16x9xf32>
    %dot_general3A_24 = tpu.matmul %concatenate3A, %get3A_23, %dot_general3A {dimension_numbers = #tpu.dot_dimension_numbers<[1], [0], [0], [1], [0, 0, 1, 1], [], []>, transpose_lhs_hint = false} : vector<16x9xf32>, vector<9x9xf32>, vector<16x9xf32> -> vector<16x9xf32>
    %swap3A = arith.constant 0 : index
    %swap3A_25 = arith.constant 0 : index
    %swap3A_26 = vector.load %arg2[%swap3A, %swap3A_25] : memref<16x9xf32, #tpu.memory_space<vmem>>, vector<16x9xf32>
    tpu.vector_store %arg2[%swap3A, %swap3A_25], %dot_general3A_24 {strides = array<i32>} : memref<16x9xf32, #tpu.memory_space<vmem>>, vector<16x9xf32>,
    return
  }
}

</mosaic_0001>

<sc_bundles>
// kernel: kernel.10.cloned.1.call-start
scs
__scs_entry_jumppad:
0x0: {  	(pc) =	sbr.rel $0x88, $3  }
0x1: {  	(tag) =	ssettag $0x0;
	lr =	simm.s32 $0x1  }
0x2: {  	[smem:$0x3F95] =	sst lr;
	_ =	strace $0xD0000000  }
0x3: {  	_ = 	snop  }
0x4: {  	_ = 	snop  }
0x5: {  	_ = 	snop  }
0x6: {  	_ = 	snop  }
0x7: {  	_ = 	snop  }
__scs_overlays_trampoline_lowered:
0x8: {  	[smem:$0x3FA4] =	sst s0  }
0x9: {  	[smem:$0x3FA5] =	sst s1  }
0xa: {  	[smem:$0x3FA6] =	sst s2  }
0xb: {  	[smem:$0x3FA7] =	sst s3  }
0xc: {  	[smem:$0x3FA8] =	sst s4  }
0xd: {  	[smem:$0x3FA9] =	sst s5  }
0xe: {  	[smem:$0x3FAA] =	sst s6  }
0xf: {  	[smem:$0x3FAB] =	sst s7  }
0x10: {  	[smem:$0x3FAC] =	sst s8  }
0x11: {  	[smem:$0x3FAD] =	sst s9;
	s0 =	simm.s32 @!p0 $0x0  }
0x12: {  	s1 =	sld [smem:$0x3F93];
	s0 =	simm.s32 @p0 $0x1  }
0x13: {  	[smem:$0x3FAE] =	sst s0;
	s0 =	simm.s32 @!p1 $0x0  }
0x14: {  	s2 =	sld [smem:$0x3F92];
	s0 =	simm.s32 @p1 $0x1  }
0x15: {  	[smem:$0x3FAF] =	sst s0;
	s0 =	simm.s32 @!p2 $0x0  }
0x16: {  	s3 =	sld [smem:$0x3FDB];
	s0 =	simm.s32 @p2 $0x1  }
0x17: {  	s4 =	simm.s32 $0x1BF5;
	[smem:$0x3FB1] =	sst s0  }
0x18: {  	s0 =	sld [smem:$0x3F94];
	_ =	swait.ge [sflag:s4], $0x0  }
0x19: {  	s7 =	sld [smem:$0x3F95]  }
0x1a: {  	s8 =	sadd.s32 $0xFFFFE003, lr  }
0x1b: {  	s9 =	sadd.s32 $0xFFFFFEF7, lr;
	s5 =	simm.s32 $0xFFFFFFFF;
	p2 =	slt.u32 s8, $0xFFFFF086  }
0x1c: {  	p1 =	slt.u32 s9, $0xF7A;
	s5 =	simm.s32 @!p2 $0x0  }
0x1d: {  	s5 =	simm.s32 @p1 $0x1;
	p0 =	seq.s32 s7, s2  }
0x1e: {  	s7 =	smul.u32 @!p0 $0xF7A, s2;
	p2 =	seq.s32 @!p0 s5, $0x0  }
0x1f: {  	s9 =	smul.u32 $0xF7A, s1;
	s8 =	simm.s32 @!p0 $0x1BF5;
	p2 =	por !p2, p0  }
0x20: {  	[sflag:s8] =	ssyncset.s32 @!p0 $0xFFFFF086;
	s6 =	sadd.s32 @!p0 s3, s7;
	s7 =	simm.s32 @!p0 $0x108  }
0x21: {  	s3 =	sadd.s32 s3, s9;
	s6 =	sadd.s32 @!p0 $0x88, s6;
	s7 =	simm.s32 @p2 $0x1082  }
0x22: {  	[simem:s7], [sflag:s8] =	dma.local @!p0 [hbm:s6], $0xF7A  }
0x23: {  	s9 =	sor.u32 $0xD0000000, s2;
	s6 =	simm.s32 $0x108;
	_ =	swait.ge @!p0 [sflag:s8], $0x0  }
0x24: {  	s3 =	sadd.s32 $0x88, s3;
	s6 =	simm.s32 @!p1 $0x1082;
	[sflag:s4] =	ssyncset.s32 $0xFFFFF086  }
0x25: {  	[simem:s6], [sflag:s4] =	dma.local [hbm:s3], $0xF7A  }
0x26: {  	[smem:$0x3F95] =	sst s1;
	(tag) =	ssettag s2;
	_ =	strace s9  }
0x27: {  	s1 =	sld [smem:$0x3FA5]  }
0x28: {  	s2 =	sld [smem:$0x3FA6]  }
0x29: {  	s4 =	sld [smem:$0x3FA8]  }
0x2a: {  	p0 =	seq.s32 s5, $0x0;
	s5 =	sld [smem:$0x3FA9]  }
0x2b: {  	s6 =	sld [smem:$0x3FAA]  }
0x2c: {  	s7 =	sld [smem:$0x3FAB]  }
0x2d: {  	s3 =	simm.s32 $0x108;
	s8 =	sld [smem:$0x3FAC]  }
0x2e: {  	s3 =	simm.s32 @!p0 $0x1082;
	s9 =	sld [smem:$0x3FAD]  }
0x2f: {  	lr =	sadd.s32 s0, s3;
	s0 =	sld [smem:$0x3FA4]  }
0x30: {  	s3 =	sld [smem:$0x3FA7]  }
0x31: {  	[smem:$0x3FB0] =	sst s10  }
0x32: {  	s10 =	sld [smem:$0x3FAE];
	_ =	sdelay $0x3  }
0x33: {  	p0 =	seq.s32 s10, $0x1;
	s10 =	sld [smem:$0x3FB0];
	_ =	sdelay $0x3  }
0x34: {  	[smem:$0x3FB0] =	sst s10  }
0x35: {  	s10 =	sld [smem:$0x3FAF];
	_ =	sdelay $0x3  }
0x36: {  	p1 =	seq.s32 s10, $0x1;
	s10 =	sld [smem:$0x3FB0];
	_ =	sdelay $0x3  }
0x37: {  	[smem:$0x3FB0] =	sst s10  }
0x38: {  	s10 =	sld [smem:$0x3FB1]  }
0x39: {  	_ = 	snop;
	(pc) =	sbr.ind lr, $3  }
0x3a: {  	_ = 	snop  }
0x3b: {  	_ = 	snop  }
0x3c: {  	p2 =	seq.s32 s10, $0x1;
	s10 =	sld [smem:$0x3FB0]  }
0x3d: {  	_ =	shalt  }
0x3e: {  	_ =	shalt  }
0x3f: {  	_ =	shalt  }
0x40: {  	_ =	shalt  }
0x41: {  	_ =	shalt  }
0x42: {  	_ =	shalt  }
0x43: {  	_ =	shalt  }
0x44: {  	_ =	shalt  }
0x45: {  	_ =	shalt  }
0x46: {  	_ =	shalt  }
0x47: {  	_ =	shalt  }
0x48: {  	_ =	shalt  }
0x49: {  	_ =	shalt  }
0x4a: {  	_ =	shalt  }
0x4b: {  	_ =	shalt  }
0x4c: {  	_ =	shalt  }
0x4d: {  	_ =	shalt  }
0x4e: {  	_ =	shalt  }
0x4f: {  	_ =	shalt  }
0x50: {  	_ =	shalt  }
0x51: {  	_ =	shalt  }
0x52: {  	_ =	shalt  }
0x53: {  	_ =	shalt  }
0x54: {  	_ =	shalt  }
0x55: {  	_ =	shalt  }
0x56: {  	_ =	shalt  }
0x57: {  	_ =	shalt  }
0x58: {  	_ =	shalt  }
0x59: {  	_ =	shalt  }
0x5a: {  	_ =	shalt  }
0x5b: {  	_ =	shalt  }
0x5c: {  	_ =	shalt  }
0x5d: {  	_ =	shalt  }
0x5e: {  	_ =	shalt  }
0x5f: {  	_ =	shalt  }
0x60: {  	_ =	shalt  }
0x61: {  	_ =	shalt  }
0x62: {  	_ =	shalt  }
0x63: {  	_ =	shalt  }
0x64: {  	_ =	shalt  }
0x65: {  	_ =	shalt  }
0x66: {  	_ =	shalt  }
0x67: {  	_ =	shalt  }
0x68: {  	_ =	shalt  }
0x69: {  	_ =	shalt  }
0x6a: {  	_ =	shalt  }
0x6b: {  	_ =	shalt  }
0x6c: {  	_ =	shalt  }
0x6d: {  	_ =	shalt  }
0x6e: {  	_ =	shalt  }
0x6f: {  	_ =	shalt  }
0x70: {  	_ =	shalt  }
0x71: {  	_ =	shalt  }
0x72: {  	_ =	shalt  }
0x73: {  	_ =	shalt  }
0x74: {  	_ =	shalt  }
0x75: {  	_ =	shalt  }
0x76: {  	_ =	shalt  }
0x77: {  	_ =	shalt  }
0x78: {  	_ =	shalt  }
0x79: {  	_ =	shalt  }
0x7a: {  	_ =	shalt  }
0x7b: {  	_ =	shalt  }
0x7c: {  	_ =	shalt  }
0x7d: {  	_ =	shalt  }
0x7e: {  	_ =	shalt  }
0x7f: {  	_ =	shalt  }
0x80: {  	_ =	shalt  }
0x81: {  	_ =	shalt  }
0x82: {  	_ =	shalt  }
0x83: {  	_ =	shalt  }
0x84: {  	_ =	shalt  }
0x85: {  	_ =	shalt  }
0x86: {  	_ =	shalt  }
0x87: {  	_ =	shalt  }
.Lfunc_end0:
.L_simem_size_0:
called_computation_lowered:
.L_overlay_start_0:
0x88: {  	s2 =	sld [smem:$0x3FD9]  }
0x89: {  	s3 =	sld [smem:$0x3FFE];
	_ =	sdelay $0x1  }
0x8a: {  	s1 =	srdreg.scid  }
0x8b: {  	s0 =	sand.u32 $0x1, s1  }
0x8c: {  	s16 =	sshll.u32 s0, $0xA;
	s2 =	sadd.s32 s3, s2  }
0x8d: {  	s2 =	sadd.s32 s2, s16  }
0x8e: {  	[smem:$0x3FBC] =	sst s2  }
0x8f: {  	_ = 	snop  }
0x90: {  	(tm) =	ssettm $0x1  }
0x91: {  	s17 =	sld [smem:$0x3FFB];
	_ =	sdelay $0x3  }
0x92: {  	_ =	strace s17  }
0x93: {  	s2 =	sld [smem:$0x3FFC];
	_ =	sdelay $0x3  }
0x94: {  	_ =	strace s2  }
0x95: {  	s2 =	sld [smem:$0x3FFD];
	_ =	sdelay $0x3  }
0x96: {  	_ =	strace s2  }
0x97: {  	_ =	strace $0x8FFFFFFF  }
0x98: {  	s18 =	sld [smem:$0x3FDB];
	_ =	sdelay $0x1  }
0x99: {  	s19 =	simm.s32 $_scs_section_size  }
0x9a: {  	s4 =	simm.s32 $_size__tile_overlayer_lowered;
	s5 =	simm.s32 $_tile_overlayer_lowered  }
0x9b: {  	s22 =	simm.s32 $0x1BFF;
	s21 =	sshll.u32 s5, $0x1;
	s2 =	sadd.s32 s19, s18  }
0x9c: {  	s6 =	simm.s32 $0x0;
	s20 =	sshll.u32 s4, $0x1;
	s4 =	sadd.s32 s21, s2  }
0x9d: {  	[timem:s6], [sflag:s22] =	dma.local [hbm:s4], s20  }
0x9e: {  	_ =	swait.ge [sflag:s22], s20  }
0x9f: {  	s3 =	ssub.s32 $0x0, s20;
	[sflag:s22] =	ssyncset.done $0x0  }
0xa0: {  	[sflag:s22] =	ssyncadd.s32 s3;
	_ =	sdelay $0x1  }
0xa1: {  	s23 =	simm.s32 $0x1B8B  }
0xa2: {  	_ =	swait.ge [sflag:s23], $0x1  }
0xa3: {  	[sflag:s23] =	ssyncset.done $0x0  }
0xa4: {  	s25 =	simm.s32 $0x1B8E;
	s24 =	sld [smem:$0x3FFE];
	[sflag:s23] =	ssyncadd.s32 $0xFFFFFFFF  }
0xa5: {  	s26 =	simm.s32 $execute0_lowered;
	[smem:$0x3FD2] =	sst s25  }
0xa6: {  	s4 =	sshll.u32 s26, $0x1;
	_ =	strace $0x80000046;
	[dreg:$0x1] =	wrdreg $0xFFFFFFFF  }
0xa7: {  	s28 =	simm.s32 $_size_execute0_lowered;
	s2 =	sadd.s32 s2, s4;
	[dreg:$0x0] =	wrdreg $0x0  }
0xa8: {  	s4 =	sshll.u32 s28, $0x1;
	[dreg:$0x2] =	wrdreg s2  }
0xa9: {  	[dreg:$0x3] =	wrdreg s4  }
0xaa: {  	[dreg:$0x4] =	wrdreg $0xC0  }
0xab: {  	_ =	task [dreg:s6], $0x5FFFF  }
0xac: {  	[dreg:$0x1] =	wrdreg $0xFFFFFFFF  }
0xad: {  	[dreg:$0x0] =	wrdreg $0x60  }
0xae: {  	[dreg:$0x2] =	wrdreg s24  }
0xaf: {  	[dreg:$0x3] =	wrdreg $0x3C000  }
0xb0: {  	[dreg:$0x4] =	wrdreg $0x9  }
0xb1: {  	_ =	task.clear_ibuf [dreg:s6], $0x5FFFF;
	_ =	strace $0x90000046  }
0xb2: {  	s29 =	simm.s32 $0x9;
	_ =	strace $0x80000048  }
0xb3: {  	_ =	swait.ge [sflag:s29], $0x1  }
0xb4: {  	[sflag:s29] =	ssyncadd.s32 $0xFFFFFFFF  }
0xb5: {  	_ =	strace $0x90000048  }
0xb6: {  	_ =	sfence  }
0xb7: {  	s30 =	sld [smem:$0x0];
	_ =	sdelay $0x2  }
0xb8: {  	s31 =	sshll.u32 s1, $0xD;
	s1 =	sshrl.u32 s1, $0x2  }
0xb9: {  	s3 =	sand.u32 $0x4000, s31;
	s1 =	sadd.s32 s1, s30  }
0xba: {  	s0 =	sor.u32 s3, s0;
	s1 =	sshll.u32 s1, $0x11  }
0xbb: {  	s0 =	sor.u32 s1, s0  }
0xbc: {  	s0 =	sadd.s32 $0x8F2B, s0  }
0xbd: {  	[sflag:s0] =	ssyncadd.remote.s32 $0x1  }
0xbe: {  	_ =	sfence.sel $0xFFFF  }
0xbf: {  	[dreg:$0x0] =	wrdreg $0xFFFFFFFF;
	(pc) =	sbr.abs _section_cstart, $3  }
0xc0: {  	[dreg:$0x1] =	wrdreg $0xFFFFFFFF  }
0xc1: {  	_ =	task.clear_ibuf [dreg:s6], $0x2FFFF;
	_ =	strace $0x9FFFFFFF  }
0xc2: {  	(tm) =	ssettm $0x7FFFFFFF  }
0xc3: {  	_ =	shalt  }
tec
execute0_lowered:
.L_overlay_start_1:
0x0: {  	(tag) =	ssettag $0x1  }
0x1: {  	s0 =	rddreg [dreg:$0x0]  }
0x2: {  	s1 =	rddreg [dreg:$0x1];
	s2 =	simm.s32 $0x0;
	s15 =	stileid.u32  }
0x3: {  	s24 =	srdreg.scid;
	s22 =	simm.s32 $0x2;
	s19 =	simm.s32 $0x1C00  }
0x4: {  	s29 =	simm.s32 $0x100;
	s30 =	simm.s32 $0x2400;
	s31 =	simm.s32 $0x180  }
0x5: {  	s16 =	simm.s32 $0x300;
	s17 =	simm.s32 $0x380;
	s18 =	simm.s32 $0x3800  }
0x6: {  	s23 =	simm.s32 $0x0;
	[smem:$0x7FF] =	sst s2;
	s4 =	sadd.s32 $0xA400, s0  }
0x7: {  	s3 =	smul.u32 $0x1400, s15;
	s2 =	sand.u32 $0x1, s24;
	s5 =	sadd.s32 $0xF400, s0  }
0x8: {  	s6 =	sadd.s32 $0x14400, s0;
	s7 =	sadd.s32 $0x19400, s0;
	s8 =	sadd.s32 $0x1E400, s0  }
0x9: {  	s9 =	sadd.s32 $0x23400, s0;
	s10 =	sadd.s32 $0x5400, s0;
	s26 =	sshll.u32 s15, $0x6  }
0xa: {  	_ =	strace $0x80000047;
	s11 =	smul.u32 $0x14000, s2;
	s25 =	ssub.s32 $0x2, s2  }
0xb: {  	s2 =	sshll.u32 s2, $0x4;
	s20 =	sor.u32 $0x1C02, s26;
	s26 =	simm.s32 $0x80  }
0xc: {  	s12 =	sshrl.u32 s3, $0x3;
	s14 =	sshrl.u32 s25, $0x1;
	s2 =	sor.u32 s15, s2  }
0xd: {  	s15 =	simm.s32 $0x3000;
	[dreg:$0x5] =	wrdreg s20;
	s13 =	sadd.s32 s3, s11  }
0xe: {  	s12 =	sadd.s32 s12, s0;
	s11 =	ssub.s32 s25, s14;
	s3 =	sadd.s32 s3, s1  }
0xf: {  	s14 =	smul.u32 $0x1400, s2;
	s25 =	simm.s32 $0x1;
	s2 =	simm.s32 $0x200  }
0x10: {  	[dreg:$0x3] =	wrdreg s13;
	s13 =	sshrl.u32 s13, $0x3;
	s12 =	sadd.s32 $0x28400, s12  }
0x11: {  	s28 =	smax.u32 s11, $0x1;
	s21 =	sshrl.u32 s3, $0x3;
	[dreg:$0x4] =	wrdreg s12  }
0x12: {  	v0 =	vlaneseq.u32;
	s11 =	simm.s32 $0x280;
	s0 =	sadd.s32 s13, s0;
	[dreg:$0x7] =	wrdreg s28  }
0x13: {  	v0 =	vmul.u32 $0x8, v0;
	s12 =	simm.s32 $0x2C00;
	[dreg:$0x8] =	wrdreg s21;
	s0 =	sadd.s32 $0x2AC00, s0  }
0x14: {  	v1 =	vimm.f32 $0.0e+00;
	v2 =	vimm.f32 $1.000000000e+00;
	s13 =	simm.s32 $0x3400;
	[dreg:$0x6] =	wrdreg s0;
	s0 =	simm.s32 $0x2800  }
.LBB2_1:
0x15: {  	[dreg:$0x9] =	wrdreg s23  }
0x16: {  	s3 =	rddreg [dreg:$0x4];
	s28 =	simm.s32 $0x0  }
0x17: {  	[spmem:s21], [sflag:s20] =	dma.local [hbm:s3], $0x280;
	v3 =	vmov s28  }
0x18: {  	_ =	swait.ge [sflag:s22], $0x280;
	v3 =	vshll.u32 v3, $0x3  }
0x19: {  	[sflag:s22] =	ssyncset.done $0x0;
	v3 =	vor.u32 v0, v3  }
0x1a: {  	s3 =	simm.s32 $0x10;
	[sflag:s22] =	ssyncadd.s32 $0xFFFFFD80;
	v3 =	vor.u32 $0x7, v3  }
.LBB2_2:
0x1b: {  	p0 =	sne.s32 s3, $0x3F0  }
.Ltmp0:
0x1c: {  	_ = 	snop;
	(pc) =	sbr.rel @p0 .LBB2_2-.Ltmp0, $4  }
0x1d: {  	v4 =	vmov s3  }
0x1e: {  	v4 =	vshll.u32 v4, $0x3  }
0x1f: {  	v4 =	vor.u32 v0, v4  }
0x20: {  	s3 =	sadd.s32 $0x10, s3;
	[tilespmem:v3+s19+$0x0] =	vst.idx.msk $0xffff, v1;
	v3 =	vor.u32 $0x7, v4  }
0x21: {  	_ =	sdelay $0x3  }
0x22: {  	[tilespmem:v3+s19+$0x0] =	vst.idx.msk $0xffff, v1  }
0x23: {  	[bflag:$0x0] =	sbarrier.arrive $0xFFFF  }
0x24: {  	s3 =	simm.s32 $0x0;
	s21 =	simm.s32 $0x0;
	s20 =	rddreg [dreg:$0x3]  }
.LBB2_4:
0x25: {  	s22 =	sshll.u32 s21, $0xA  }
0x26: {  	s22 =	sadd.s32 s14, s22  }
0x27: {  	s23 =	sshrl.u32 s22, $0x3  }
0x28: {  	s22 =	sadd.s32 s10, s23  }
0x29: {  	[tilespmem:s3], [sflag:$0x1] =	stream.linear.gather [hbm4b:s22+s3], $0x400, $0x38;
	[tilespmem:$0x5000] =	vst v63  }
0x2a: {  	s24 =	simm.s32 $0x400;
	s28 =	sadd.s32 s4, s23  }
0x2b: {  	[tilespmem:s24], [sflag:$0x1] =	stream.linear.gather [hbm4b:s28+s3], $0x400, $0x38;
	[tilespmem:$0x5000] =	vst v63  }
0x2c: {  	s24 =	sadd.s32 s5, s23;
	s28 =	simm.s32 $0x800  }
0x2d: {  	[tilespmem:s28], [sflag:$0x1] =	stream.linear.gather [hbm4b:s24+s3], $0x400, $0x38;
	[tilespmem:$0x5000] =	vst v63  }
0x2e: {  	s24 =	sadd.s32 s6, s23;
	s28 =	simm.s32 $0xC00  }
0x2f: {  	[tilespmem:s28], [sflag:$0x1] =	stream.linear.gather [hbm4b:s24+s3], $0x400, $0x38;
	[tilespmem:$0x5000] =	vst v63  }
0x30: {  	s22 =	simm.s32 $0x1000;
	s28 =	sadd.s32 s7, s23  }
0x31: {  	[tilespmem:s22], [sflag:$0x1] =	stream.linear.gather [hbm4b:s28+s3], $0x400, $0x38;
	[tilespmem:$0x5000] =	vst v63  }
0x32: {  	s24 =	sadd.s32 s8, s23;
	s28 =	simm.s32 $0x1400  }
0x33: {  	[tilespmem:s28], [sflag:$0x1] =	stream.linear.gather [hbm4b:s24+s3], $0x400, $0x38;
	[tilespmem:$0x5000] =	vst v63  }
0x34: {  	s23 =	sadd.s32 s9, s23;
	s28 =	simm.s32 $0x1800  }
0x35: {  	[tilespmem:s28], [sflag:$0x1] =	stream.linear.gather [hbm4b:s23+s3], $0x400, $0x38;
	[tilespmem:$0x5000] =	vst v63  }
0x36: {  	_ =	swait.ge [sflag:s25], $0x400  }
0x37: {  	[sflag:s25] =	ssyncset.done $0x0  }
0x38: {  	[sflag:s25] =	ssyncadd.s32 $0xFFFFFC00  }
0x39: {  	_ =	swait.ge [sflag:s25], $0x400  }
0x3a: {  	[sflag:s25] =	ssyncset.done $0x0  }
0x3b: {  	[sflag:s25] =	ssyncadd.s32 $0xFFFFFC00  }
0x3c: {  	_ =	swait.ge [sflag:s25], $0x400  }
0x3d: {  	[sflag:s25] =	ssyncset.done $0x0  }
0x3e: {  	[sflag:s25] =	ssyncadd.s32 $0xFFFFFC00  }
0x3f: {  	_ =	swait.ge [sflag:s25], $0x400  }
0x40: {  	[sflag:s25] =	ssyncset.done $0x0  }
0x41: {  	[sflag:s25] =	ssyncadd.s32 $0xFFFFFC00  }
0x42: {  	_ =	swait.ge [sflag:s25], $0x400  }
0x43: {  	[sflag:s25] =	ssyncset.done $0x0  }
0x44: {  	[sflag:s25] =	ssyncadd.s32 $0xFFFFFC00  }
0x45: {  	_ =	swait.ge [sflag:s25], $0x400  }
0x46: {  	[sflag:s25] =	ssyncset.done $0x0  }
0x47: {  	[sflag:s25] =	ssyncadd.s32 $0xFFFFFC00  }
0x48: {  	_ =	swait.ge [sflag:s25], $0x400  }
0x49: {  	v3 =	vmov s3;
	[sflag:s25] =	ssyncset.done $0x0  }
0x4a: {  	v3 =	vshll.u32 v3, $0x3;
	s24 =	simm.s32 $0x10;
	s23 =	simm.s32 $0x0;
	[sflag:s25] =	ssyncadd.s32 $0xFFFFFC00  }
.LBB2_5:
0x4b: {  	p0 =	sne.s32 s24, $0x3F0;
	v4 =	vld [tilespmem:s22+$0xFFFFF400];
	v3 =	vor.u32 v0, v3;
	_ =	sdelay $0x4  }
0x4c: {  	[tilespmem:v3+s19+$0x0] =	vst.idx.msk $0xffff, v4  }
0x4d: {  	v5 =	vor.u32 $0x1, v3;
	v4 =	vld [tilespmem:s22+$0xFFFFF800];
	_ =	sdelay $0x4  }
0x4e: {  	[tilespmem:v5+s19+$0x0] =	vst.idx.msk $0xffff, v4  }
0x4f: {  	v5 =	vor.u32 $0x2, v3;
	v4 =	vld [tilespmem:s22+$0xFFFFFC00];
	_ =	sdelay $0x4  }
0x50: {  	[tilespmem:v5+s19+$0x0] =	vst.idx.msk $0xffff, v4  }
0x51: {  	v5 =	vor.u32 $0x3, v3;
	v4 =	vld [tilespmem:s22+$0x0];
	_ =	sdelay $0x4  }
0x52: {  	[tilespmem:v5+s19+$0x0] =	vst.idx.msk $0xffff, v4  }
0x53: {  	v5 =	vor.u32 $0x4, v3;
	v4 =	vld [tilespmem:s22+$0x400];
	_ =	sdelay $0x4  }
0x54: {  	[tilespmem:v5+s19+$0x0] =	vst.idx.msk $0xffff, v4  }
0x55: {  	v5 =	vor.u32 $0x5, v3;
	v4 =	vld [tilespmem:s22+$0x800]  }
0x56: {  	v6 =	vor.u32 $0x6, v3  }
.Ltmp1:
0x57: {  	(pc) =	sbr.rel @p0 .LBB2_5-.Ltmp1, $4  }
0x58: {  	s28 =	sadd.s32 s23, s20;
	s23 =	smov.u32 s24  }
0x59: {  	p1 =	slt.u32 s28, $0x4E200  }
0x5a: {  	v3 =	vmov s24;
	[tilespmem:v5+s19+$0x0] =	vst.idx.msk $0xffff, v4;
	v4 =	vpsel !p1, $0x0, v2  }
0x5b: {  	s24 =	sadd.s32 $0x10, s24;
	v3 =	vshll.u32 v3, $0x3;
	s22 =	sadd.s32 $0x10, s22;
	[tilespmem:v6+s19+$0x0] =	vst.idx.msk $0xffff, v4  }
0x5c: {  	v4 =	vld [tilespmem:s22+$0xFFFFF400];
	v3 =	vor.u32 v0, v3;
	_ =	sdelay $0x4  }
0x5d: {  	[tilespmem:v3+s19+$0x0] =	vst.idx.msk $0xffff, v4  }
0x5e: {  	v5 =	vor.u32 $0x1, v3;
	v4 =	vld [tilespmem:s22+$0xFFFFF800];
	_ =	sdelay $0x4  }
0x5f: {  	[tilespmem:v5+s19+$0x0] =	vst.idx.msk $0xffff, v4  }
0x60: {  	v59 =	vor.u32 $0x2, v3;
	v4 =	vld [tilespmem:s22+$0xFFFFFC00];
	_ =	sdelay $0x4  }
0x61: {  	[tilespmem:v59+s19+$0x0] =	vst.idx.msk $0xffff, v4  }
0x62: {  	v60 =	vor.u32 $0x3, v3;
	v4 =	vld [tilespmem:s22+$0x0];
	_ =	sdelay $0x4  }
0x63: {  	[tilespmem:v60+s19+$0x0] =	vst.idx.msk $0xffff, v4  }
0x64: {  	v61 =	vor.u32 $0x4, v3;
	v4 =	vld [tilespmem:s22+$0x400];
	_ =	sdelay $0x4  }
0x65: {  	[tilespmem:v61+s19+$0x0] =	vst.idx.msk $0xffff, v4  }
0x66: {  	v62 =	vor.u32 $0x5, v3;
	v4 =	vld [tilespmem:s22+$0x800]  }
0x67: {  	v3 =	vor.u32 $0x6, v3;
	_ =	sdelay $0x1  }
0x68: {  	s23 =	sadd.s32 s23, s20  }
0x69: {  	p0 =	slt.u32 s23, $0x4E200  }
0x6a: {  	v63 =	vpsel !p0, $0x0, v2;
	[tilespmem:v62+s19+$0x0] =	vst.idx.msk $0xffff, v4  }
0x6b: {  	s24 =	simm.s32 $0x0;
	[tilespmem:v3+s19+$0x0] =	vst.idx.msk $0xffff, v63  }
0x6c: {  	[spmem:s1] =	stream.indirect.scatter.add.f32 [tilespmem:s19], [sflag:$0x1], $0x8, s24, s26, $0xb8;
	[tilespmem:$0x5000] =	vst v63  }
0x6d: {  	s28 =	simm.s32 $0x2000  }
0x6e: {  	[spmem:s1] =	stream.indirect.scatter.add.f32 [tilespmem:s28], [sflag:$0x1], $0x8, s26, s26, $0xb8;
	[tilespmem:$0x5000] =	vst v63  }
0x6f: {  	_ = 	snop  }
0x70: {  	[spmem:s1] =	stream.indirect.scatter.add.f32 [tilespmem:s30], [sflag:$0x1], $0x8, s29, s26, $0xb8;
	[tilespmem:$0x5000] =	vst v63  }
0x71: {  	_ = 	snop  }
0x72: {  	[spmem:s1] =	stream.indirect.scatter.add.f32 [tilespmem:s0], [sflag:$0x1], $0x8, s31, s26, $0xb8;
	[tilespmem:$0x5000] =	vst v63  }
0x73: {  	_ = 	snop  }
0x74: {  	[spmem:s1] =	stream.indirect.scatter.add.f32 [tilespmem:s12], [sflag:$0x1], $0x8, s2, s26, $0xb8;
	[tilespmem:$0x5000] =	vst v63  }
0x75: {  	_ = 	snop  }
0x76: {  	[spmem:s1] =	stream.indirect.scatter.add.f32 [tilespmem:s15], [sflag:$0x1], $0x8, s11, s26, $0xb8;
	[tilespmem:$0x5000] =	vst v63  }
0x77: {  	_ = 	snop  }
0x78: {  	[spmem:s1] =	stream.indirect.scatter.add.f32 [tilespmem:s13], [sflag:$0x1], $0x8, s16, s26, $0xb8;
	[tilespmem:$0x5000] =	vst v63  }
0x79: {  	_ = 	snop  }
0x7a: {  	[spmem:s1] =	stream.indirect.scatter.add.f32 [tilespmem:s18], [sflag:$0x1], $0x8, s17, s26, $0xb8;
	[tilespmem:$0x5000] =	vst v63  }
0x7b: {  	_ =	swait.ge [sflag:s25], $0x400  }
0x7c: {  	[sflag:s25] =	ssyncset.done $0x0  }
0x7d: {  	[sflag:s25] =	ssyncadd.s32 $0xFFFFFC00  }
0x7e: {  	_ =	swait.ge [sflag:s25], $0x400  }
0x7f: {  	[sflag:s25] =	ssyncset.done $0x0  }
0x80: {  	[sflag:s25] =	ssyncadd.s32 $0xFFFFFC00  }
0x81: {  	_ =	swait.ge [sflag:s25], $0x400  }
0x82: {  	[sflag:s25] =	ssyncset.done $0x0  }
0x83: {  	[sflag:s25] =	ssyncadd.s32 $0xFFFFFC00  }
0x84: {  	_ =	swait.ge [sflag:s25], $0x400  }
0x85: {  	[sflag:s25] =	ssyncset.done $0x0  }
0x86: {  	[sflag:s25] =	ssyncadd.s32 $0xFFFFFC00  }
0x87: {  	_ =	swait.ge [sflag:s25], $0x400  }
0x88: {  	[sflag:s25] =	ssyncset.done $0x0  }
0x89: {  	[sflag:s25] =	ssyncadd.s32 $0xFFFFFC00  }
0x8a: {  	_ =	swait.ge [sflag:s25], $0x400  }
0x8b: {  	[sflag:s25] =	ssyncset.done $0x0  }
0x8c: {  	s21 =	sadd.s32 $0x1, s21;
	[sflag:s25] =	ssyncadd.s32 $0xFFFFFC00  }
0x8d: {  	p0 =	sne.s32 s21, $0x5;
	_ =	swait.ge [sflag:s25], $0x400  }
.Ltmp2:
0x8e: {  	[sflag:s25] =	ssyncset.done $0x0;
	(pc) =	sbr.rel @p0 .LBB2_4-.Ltmp2, $4  }
0x8f: {  	[sflag:s25] =	ssyncadd.s32 $0xFFFFFC00  }
0x90: {  	_ =	swait.ge [sflag:s25], $0x400  }
0x91: {  	[sflag:s25] =	ssyncset.done $0x0  }
0x92: {  	s20 =	sadd.s32 $0x400, s20;
	[sflag:s25] =	ssyncadd.s32 $0xFFFFFC00  }
0x93: {  	[bflag:$0x0] =	sbarrier.arrive $0xFFFF  }
0x94: {  	s20 =	rddreg [dreg:$0x5]  }
0x95: {  	s3 =	rddreg [dreg:$0x6]  }
0x96: {  	s22 =	simm.s32 $0x2;
	s21 =	rddreg [dreg:$0x8]  }
0x97: {  	[hbm:s3], [sflag:s20] =	dma.local [spmem:s21], $0x280  }
0x98: {  	_ =	swait.ge [sflag:s22], $0x280  }
0x99: {  	s23 =	rddreg [dreg:$0x9]  }
0x9a: {  	s28 =	rddreg [dreg:$0x7];
	s23 =	sadd.s32 $0x1, s23  }
0x9b: {  	p0 =	sne.s32 s23, s28  }
.Ltmp3:
0x9c: {  	_ = 	snop;
	(pc) =	sbr.rel @p0 .LBB2_1-.Ltmp3, $3  }
0x9d: {  	_ =	sdelay $0x1  }
0x9e: {  	[sflag:s22] =	ssyncset.done $0x0  }
0x9f: {  	[sflag:s22] =	ssyncadd.s32 $0xFFFFFD80  }
0xa0: {  	_ =	sfence.sel $0x180000  }
0xa1: {  	[bflag:$0x0] =	sbarrier.arrive $0xFFFF  }
0xa2: {  	_ =	strace $0x90000047  }
0xa3: {  	s0 =	stileid.u32;
	[bflag:$0x2] =	sbarrier.arrive $0xFFFF  }
0xa4: {  	p0 =	sne.s32 s0, $0x0;
	s0 =	rddreg [dreg:$0x2]  }
0xa5: {  	s0 =	sadd.s32 @!p0 $0x100000, s0  }
0xa6: {  	[sflag:s0] =	ssyncadd.tile.s32 @!p0 $0x1;
	_ =	shalt  }
.Lfunc_end2:
_tile_overlayer_lowered:
.L_overlay_start_2:
0xa7: {  	(tag) =	ssettag $0x2  }
0xa8: {  	s0 =	rddreg [dreg:$0x0];
	s2 =	stileid.u32  }
0xa9: {  	s1 =	rddreg [dreg:$0x1];
	p0 =	sne.s32 s2, $0x0  }
0xaa: {  	s3 =	rddreg [dreg:$0x2];
	[bflag:$0x3] =	sbarrier.arrive $0xFFFF;
	s2 =	simm.s32 @!p0 $0x1C02  }
0xab: {  	[timem:s3], [sflag:s2] =	dma.local @!p0 [hbm:s0], s1  }
0xac: {  	s0 =	simm.s32 @!p0 $0x2  }
0xad: {  	_ =	swait.ge @!p0 [sflag:s0], s1  }
0xae: {  	s1 =	ssub.s32 @!p0 $0x0, s1;
	[sflag:s0] =	ssyncset.done @!p0 $0x0  }
0xaf: {  	[sflag:s0] =	ssyncadd.s32 @!p0 s1  }
0xb0: {  	[bflag:$0x3] =	sbarrier.arrive $0xFFFF  }
0xb1: {  	_ =	shalt  }

// kernel: kernel.13.cloned.1.call-start
scs
__scs_entry_jumppad:
0x0: {  	(pc) =	sbr.rel $0x88, $3  }
0x1: {  	(tag) =	ssettag $0x0;
	lr =	simm.s32 $0x1  }
0x2: {  	[smem:$0x3F95] =	sst lr;
	_ =	strace $0xD0000000  }
0x3: {  	_ = 	snop  }
0x4: {  	_ = 	snop  }
0x5: {  	_ = 	snop  }
0x6: {  	_ = 	snop  }
0x7: {  	_ = 	snop  }
__scs_overlays_trampoline_lowered:
0x8: {  	[smem:$0x3FA4] =	sst s0  }
0x9: {  	[smem:$0x3FA5] =	sst s1  }
0xa: {  	[smem:$0x3FA6] =	sst s2  }
0xb: {  	[smem:$0x3FA7] =	sst s3  }
0xc: {  	[smem:$0x3FA8] =	sst s4  }
0xd: {  	[smem:$0x3FA9] =	sst s5  }
0xe: {  	[smem:$0x3FAA] =	sst s6  }
0xf: {  	[smem:$0x3FAB] =	sst s7  }
0x10: {  	[smem:$0x3FAC] =	sst s8  }
0x11: {  	[smem:$0x3FAD] =	sst s9;
	s0 =	simm.s32 @!p0 $0x0  }
0x12: {  	s1 =	sld [smem:$0x3F93];
	s0 =	simm.s32 @p0 $0x1  }
0x13: {  	[smem:$0x3FAE] =	sst s0;
	s0 =	simm.s32 @!p1 $0x0  }
0x14: {  	s2 =	sld [smem:$0x3F92];
	s0 =	simm.s32 @p1 $0x1  }
0x15: {  	[smem:$0x3FAF] =	sst s0;
	s0 =	simm.s32 @!p2 $0x0  }
0x16: {  	s3 =	sld [smem:$0x3FDB];
	s0 =	simm.s32 @p2 $0x1  }
0x17: {  	s4 =	simm.s32 $0x1BF5;
	[smem:$0x3FB1] =	sst s0  }
0x18: {  	s0 =	sld [smem:$0x3F94];
	_ =	swait.ge [sflag:s4], $0x0  }
0x19: {  	s7 =	sld [smem:$0x3F95]  }
0x1a: {  	s8 =	sadd.s32 $0xFFFFE003, lr  }
0x1b: {  	s9 =	sadd.s32 $0xFFFFFEF7, lr;
	s5 =	simm.s32 $0xFFFFFFFF;
	p2 =	slt.u32 s8, $0xFFFFF086  }
0x1c: {  	p1 =	slt.u32 s9, $0xF7A;
	s5 =	simm.s32 @!p2 $0x0  }
0x1d: {  	s5 =	simm.s32 @p1 $0x1;
	p0 =	seq.s32 s7, s2  }
0x1e: {  	s7 =	smul.u32 @!p0 $0xF7A, s2;
	p2 =	seq.s32 @!p0 s5, $0x0  }
0x1f: {  	s9 =	smul.u32 $0xF7A, s1;
	s8 =	simm.s32 @!p0 $0x1BF5;
	p2 =	por !p2, p0  }
0x20: {  	[sflag:s8] =	ssyncset.s32 @!p0 $0xFFFFF086;
	s6 =	sadd.s32 @!p0 s3, s7;
	s7 =	simm.s32 @!p0 $0x108  }
0x21: {  	s3 =	sadd.s32 s3, s9;
	s6 =	sadd.s32 @!p0 $0x88, s6;
	s7 =	simm.s32 @p2 $0x1082  }
0x22: {  	[simem:s7], [sflag:s8] =	dma.local @!p0 [hbm:s6], $0xF7A  }
0x23: {  	s9 =	sor.u32 $0xD0000000, s2;
	s6 =	simm.s32 $0x108;
	_ =	swait.ge @!p0 [sflag:s8], $0x0  }
0x24: {  	s3 =	sadd.s32 $0x88, s3;
	s6 =	simm.s32 @!p1 $0x1082;
	[sflag:s4] =	ssyncset.s32 $0xFFFFF086  }
0x25: {  	[simem:s6], [sflag:s4] =	dma.local [hbm:s3], $0xF7A  }
0x26: {  	[smem:$0x3F95] =	sst s1;
	(tag) =	ssettag s2;
	_ =	strace s9  }
0x27: {  	s1 =	sld [smem:$0x3FA5]  }
0x28: {  	s2 =	sld [smem:$0x3FA6]  }
0x29: {  	s4 =	sld [smem:$0x3FA8]  }
0x2a: {  	p0 =	seq.s32 s5, $0x0;
	s5 =	sld [smem:$0x3FA9]  }
0x2b: {  	s6 =	sld [smem:$0x3FAA]  }
0x2c: {  	s7 =	sld [smem:$0x3FAB]  }
0x2d: {  	s3 =	simm.s32 $0x108;
	s8 =	sld [smem:$0x3FAC]  }
0x2e: {  	s3 =	simm.s32 @!p0 $0x1082;
	s9 =	sld [smem:$0x3FAD]  }
0x2f: {  	lr =	sadd.s32 s0, s3;
	s0 =	sld [smem:$0x3FA4]  }
0x30: {  	s3 =	sld [smem:$0x3FA7]  }
0x31: {  	[smem:$0x3FB0] =	sst s10  }
0x32: {  	s10 =	sld [smem:$0x3FAE];
	_ =	sdelay $0x3  }
0x33: {  	p0 =	seq.s32 s10, $0x1;
	s10 =	sld [smem:$0x3FB0];
	_ =	sdelay $0x3  }
0x34: {  	[smem:$0x3FB0] =	sst s10  }
0x35: {  	s10 =	sld [smem:$0x3FAF];
	_ =	sdelay $0x3  }
0x36: {  	p1 =	seq.s32 s10, $0x1;
	s10 =	sld [smem:$0x3FB0];
	_ =	sdelay $0x3  }
0x37: {  	[smem:$0x3FB0] =	sst s10  }
0x38: {  	s10 =	sld [smem:$0x3FB1]  }
0x39: {  	_ = 	snop;
	(pc) =	sbr.ind lr, $3  }
0x3a: {  	_ = 	snop  }
0x3b: {  	_ = 	snop  }
0x3c: {  	p2 =	seq.s32 s10, $0x1;
	s10 =	sld [smem:$0x3FB0]  }
0x3d: {  	_ =	shalt  }
0x3e: {  	_ =	shalt  }
0x3f: {  	_ =	shalt  }
0x40: {  	_ =	shalt  }
0x41: {  	_ =	shalt  }
0x42: {  	_ =	shalt  }
0x43: {  	_ =	shalt  }
0x44: {  	_ =	shalt  }
0x45: {  	_ =	shalt  }
0x46: {  	_ =	shalt  }
0x47: {  	_ =	shalt  }
0x48: {  	_ =	shalt  }
0x49: {  	_ =	shalt  }
0x4a: {  	_ =	shalt  }
0x4b: {  	_ =	shalt  }
0x4c: {  	_ =	shalt  }
0x4d: {  	_ =	shalt  }
0x4e: {  	_ =	shalt  }
0x4f: {  	_ =	shalt  }
0x50: {  	_ =	shalt  }
0x51: {  	_ =	shalt  }
0x52: {  	_ =	shalt  }
0x53: {  	_ =	shalt  }
0x54: {  	_ =	shalt  }
0x55: {  	_ =	shalt  }
0x56: {  	_ =	shalt  }
0x57: {  	_ =	shalt  }
0x58: {  	_ =	shalt  }
0x59: {  	_ =	shalt  }
0x5a: {  	_ =	shalt  }
0x5b: {  	_ =	shalt  }
0x5c: {  	_ =	shalt  }
0x5d: {  	_ =	shalt  }
0x5e: {  	_ =	shalt  }
0x5f: {  	_ =	shalt  }
0x60: {  	_ =	shalt  }
0x61: {  	_ =	shalt  }
0x62: {  	_ =	shalt  }
0x63: {  	_ =	shalt  }
0x64: {  	_ =	shalt  }
0x65: {  	_ =	shalt  }
0x66: {  	_ =	shalt  }
0x67: {  	_ =	shalt  }
0x68: {  	_ =	shalt  }
0x69: {  	_ =	shalt  }
0x6a: {  	_ =	shalt  }
0x6b: {  	_ =	shalt  }
0x6c: {  	_ =	shalt  }
0x6d: {  	_ =	shalt  }
0x6e: {  	_ =	shalt  }
0x6f: {  	_ =	shalt  }
0x70: {  	_ =	shalt  }
0x71: {  	_ =	shalt  }
0x72: {  	_ =	shalt  }
0x73: {  	_ =	shalt  }
0x74: {  	_ =	shalt  }
0x75: {  	_ =	shalt  }
0x76: {  	_ =	shalt  }
0x77: {  	_ =	shalt  }
0x78: {  	_ =	shalt  }
0x79: {  	_ =	shalt  }
0x7a: {  	_ =	shalt  }
0x7b: {  	_ =	shalt  }
0x7c: {  	_ =	shalt  }
0x7d: {  	_ =	shalt  }
0x7e: {  	_ =	shalt  }
0x7f: {  	_ =	shalt  }
0x80: {  	_ =	shalt  }
0x81: {  	_ =	shalt  }
0x82: {  	_ =	shalt  }
0x83: {  	_ =	shalt  }
0x84: {  	_ =	shalt  }
0x85: {  	_ =	shalt  }
0x86: {  	_ =	shalt  }
0x87: {  	_ =	shalt  }
.Lfunc_end0:
.L_simem_size_0:
called_computation.1_lowered:
.L_overlay_start_0:
0x88: {  	s2 =	sld [smem:$0x3FD9]  }
0x89: {  	s3 =	sld [smem:$0x3FFE];
	_ =	sdelay $0x1  }
0x8a: {  	s1 =	srdreg.scid  }
0x8b: {  	s0 =	sand.u32 $0x1, s1  }
0x8c: {  	s17 =	sshll.u32 s0, $0xA;
	s2 =	sadd.s32 s3, s2  }
0x8d: {  	s2 =	sadd.s32 s2, s17  }
0x8e: {  	[smem:$0x3FBC] =	sst s2  }
0x8f: {  	_ = 	snop  }
0x90: {  	(tm) =	ssettm $0x1  }
0x91: {  	s18 =	sld [smem:$0x3FFB];
	_ =	sdelay $0x3  }
0x92: {  	_ =	strace s18  }
0x93: {  	s2 =	sld [smem:$0x3FFC];
	_ =	sdelay $0x3  }
0x94: {  	_ =	strace s2  }
0x95: {  	s2 =	sld [smem:$0x3FFD];
	_ =	sdelay $0x3  }
0x96: {  	_ =	strace s2  }
0x97: {  	_ =	strace $0x8FFFFFFF  }
0x98: {  	s19 =	sld [smem:$0x3FDB];
	_ =	sdelay $0x1  }
0x99: {  	s20 =	simm.s32 $_scs_section_size  }
0x9a: {  	s4 =	simm.s32 $_size__tile_overlayer_lowered;
	s5 =	simm.s32 $_tile_overlayer_lowered  }
0x9b: {  	s6 =	simm.s32 $0x1BFF;
	s21 =	sshll.u32 s5, $0x1;
	s3 =	sadd.s32 s20, s19  }
0x9c: {  	s22 =	simm.s32 $0x0;
	s4 =	sshll.u32 s4, $0x1;
	s5 =	sadd.s32 s21, s3  }
0x9d: {  	[timem:s22], [sflag:s6] =	dma.local [hbm:s5], s4  }
0x9e: {  	_ =	swait.ge [sflag:s6], s4  }
0x9f: {  	s4 =	ssub.s32 $0x0, s4;
	[sflag:s6] =	ssyncset.done $0x0  }
0xa0: {  	[sflag:s6] =	ssyncadd.s32 s4;
	_ =	sdelay $0x1  }
0xa1: {  	s23 =	simm.s32 $0x1B8B  }
0xa2: {  	_ =	swait.ge [sflag:s23], $0x1  }
0xa3: {  	[sflag:s23] =	ssyncset.done $0x0  }
0xa4: {  	[sflag:s23] =	ssyncadd.s32 $0xFFFFFFFF  }
0xa5: {  	s4 =	sld [smem:$0x0]  }
0xa6: {  	s5 =	sand.u32 $0xFFFFFFFE, s1  }
0xa7: {  	p0 =	sne.s32 s1, s5  }
0xa8: {  	s5 =	sshll.u32 @p0 s5, $0xE  }
0xa9: {  	s5 =	sadd.s32 @p0 $0x11B8D, s5;
	s6 =	sshll.u32 @p0 s4, $0x11  }
0xaa: {  	s5 =	sor.u32 @p0 s6, s5  }
0xab: {  	[sflag:s5] =	ssyncadd.remote.s32 @p0 $0x1;
	_ =	sdelay $0x1  }
0xac: {  	s5 =	simm.s32 @p0 $0x1B8D  }
0xad: {  	_ =	swait.eq @p0 [sflag:s5], $0x1  }
0xae: {  	[sflag:s5] =	ssyncadd.s32 @p0 $0xFFFFFFFF  }
0xaf: {  	s6 =	sshll.u32 @!p0 s1, $0xE  }
0xb0: {  	s6 =	sor.u32 @!p0 $0x4000, s6;
	s5 =	simm.s32 @!p0 $0x1B8D  }
0xb1: {  	s4 =	sshll.u32 @!p0 s4, $0x11;
	s6 =	sadd.s32 @!p0 $0x11B8D, s6;
	_ =	swait.eq @!p0 [sflag:s5], $0x1  }
0xb2: {  	s4 =	sor.u32 @!p0 s4, s6;
	[sflag:s5] =	ssyncadd.s32 @!p0 $0xFFFFFFFF  }
0xb3: {  	s25 =	simm.s32 $0x1B8E;
	s24 =	sld [smem:$0x3FFE];
	[sflag:s4] =	ssyncadd.remote.s32 @!p0 $0x1  }
0xb4: {  	s26 =	simm.s32 $execute0_lowered;
	[smem:$0x3FD2] =	sst s25  }
0xb5: {  	s5 =	sshll.u32 s26, $0x1;
	_ =	strace $0x80000049;
	[dreg:$0x1] =	wrdreg $0xFFFFFFFF  }
0xb6: {  	s28 =	simm.s32 $_size_execute0_lowered;
	s3 =	sadd.s32 s3, s5;
	[dreg:$0x0] =	wrdreg $0x0  }
0xb7: {  	s5 =	sshll.u32 s28, $0x1;
	[dreg:$0x2] =	wrdreg s3  }
0xb8: {  	[dreg:$0x3] =	wrdreg s5  }
0xb9: {  	[dreg:$0x4] =	wrdreg $0xC0  }
0xba: {  	_ =	task [dreg:s22], $0x5FFFF  }
0xbb: {  	[dreg:$0x1] =	wrdreg $0xFFFFFFFF  }
0xbc: {  	[dreg:$0x0] =	wrdreg $0x60  }
0xbd: {  	[dreg:$0x2] =	wrdreg s24  }
0xbe: {  	[dreg:$0x3] =	wrdreg $0x3C000  }
0xbf: {  	[dreg:$0x4] =	wrdreg $0xA  }
0xc0: {  	_ =	task.clear_ibuf [dreg:s22], $0x5FFFF;
	_ =	strace $0x90000049  }
0xc1: {  	s29 =	simm.s32 $0xA;
	_ =	strace $0x8000004B  }
0xc2: {  	_ =	swait.ge [sflag:s29], $0x1  }
0xc3: {  	[sflag:s29] =	ssyncadd.s32 $0xFFFFFFFF  }
0xc4: {  	_ =	strace $0x9000004B  }
0xc5: {  	_ =	sfence  }
0xc6: {  	s30 =	sld [smem:$0x0];
	_ =	sdelay $0x2  }
0xc7: {  	s31 =	sshll.u32 s1, $0xD;
	s1 =	sshrl.u32 s1, $0x2  }
0xc8: {  	s4 =	sand.u32 $0x4000, s31;
	s1 =	sadd.s32 s1, s30  }
0xc9: {  	s0 =	sor.u32 s4, s0;
	s1 =	sshll.u32 s1, $0x11  }
0xca: {  	s0 =	sor.u32 s1, s0  }
0xcb: {  	s0 =	sadd.s32 $0x8F2B, s0  }
0xcc: {  	[sflag:s0] =	ssyncadd.remote.s32 $0x1  }
0xcd: {  	_ =	sfence.sel $0xFFFF  }
0xce: {  	[dreg:$0x0] =	wrdreg $0xFFFFFFFF;
	(pc) =	sbr.abs _section_cstart, $3  }
0xcf: {  	[dreg:$0x1] =	wrdreg $0xFFFFFFFF  }
0xd0: {  	_ =	task.clear_ibuf [dreg:s22], $0x2FFFF;
	_ =	strace $0x9FFFFFFF  }
0xd1: {  	(tm) =	ssettm $0x7FFFFFFF  }
tec
execute0_lowered:
.L_overlay_start_1:
0x0: {  	(tag) =	ssettag $0x1  }
0x1: {  	s0 =	rddreg [dreg:$0x0]  }
0x2: {  	s1 =	rddreg [dreg:$0x1]  }
0x3: {  	s2 =	simm.s32 $0x0;
	s15 =	stileid.u32;
	s22 =	srdreg.scid  }
0x4: {  	s19 =	simm.s32 $0x1C00;
	s29 =	simm.s32 $0x100;
	s30 =	simm.s32 $0x2400  }
0x5: {  	s31 =	simm.s32 $0x180;
	s16 =	simm.s32 $0x300;
	s17 =	simm.s32 $0x380  }
0x6: {  	s18 =	simm.s32 $0x3800;
	[smem:$0x7FF] =	sst s2;
	s4 =	sadd.s32 $0x33C00, s0  }
0x7: {  	s5 =	sadd.s32 $0x37C00, s0;
	s3 =	smul.u32 $0x1400, s15;
	s2 =	sand.u32 $0x1, s22  }
0x8: {  	s6 =	sadd.s32 $0x3BC00, s0;
	s7 =	sadd.s32 $0x3FC00, s0;
	s8 =	sadd.s32 $0x43C00, s0  }
0x9: {  	s9 =	sadd.s32 $0x2FC00, s0;
	s10 =	sadd.s32 $0x47C00, s0;
	s24 =	sshll.u32 s15, $0x6  }
0xa: {  	s25 =	sshll.u32 s15, $0xC;
	s22 =	simm.s32 $0x2;
	s15 =	simm.s32 $0x3000  }
0xb: {  	_ =	strace $0x8000004A;
	s11 =	smul.u32 $0x14000, s2;
	s13 =	ssub.s32 $0x2, s2  }
0xc: {  	s2 =	sshll.u32 s2, $0x10;
	s20 =	sor.u32 $0x1C02, s24;
	s12 =	sshrl.u32 s3, $0x3  }
0xd: {  	s14 =	sshrl.u32 s13, $0x1;
	[dreg:$0x4] =	wrdreg s20;
	s11 =	sadd.s32 s3, s11  }
0xe: {  	s12 =	sadd.s32 s12, s0;
	s23 =	ssub.s32 s13, s14;
	s3 =	sadd.s32 s3, s1  }
0xf: {  	s13 =	sor.u32 s25, s2;
	s25 =	simm.s32 $0x1;
	s2 =	simm.s32 $0x200  }
0x10: {  	s14 =	simm.s32 $0x280;
	s11 =	sshrl.u32 s11, $0x3;
	s12 =	sadd.s32 $0x28400, s12  }
0x11: {  	s26 =	smax.u32 s23, $0x1;
	s28 =	sadd.s32 $0x28000, s13;
	[dreg:$0x3] =	wrdreg s12  }
0x12: {  	v0 =	vlaneseq.u32;
	s21 =	sshrl.u32 s3, $0x3;
	s23 =	simm.s32 $0x0;
	[dreg:$0x6] =	wrdreg s26  }
0x13: {  	v2 =	vmul.u32 $0xFFFFFFFF, v0;
	s0 =	sadd.s32 s11, s0;
	[dreg:$0x7] =	wrdreg s28;
	s26 =	simm.s32 $0x80  }
0x14: {  	v0 =	vmul.u32 $0x8, v0;
	s11 =	simm.s32 $0x2C00;
	[dreg:$0x8] =	wrdreg s21;
	s0 =	sadd.s32 $0x4BC00, s0  }
0x15: {  	v1 =	vimm.f32 $0.0e+00;
	v2 =	vadd.s32 $0x4E200, v2;
	s12 =	simm.s32 $0x3400;
	[dreg:$0x5] =	wrdreg s0;
	s0 =	simm.s32 $0x2800  }
.LBB2_1:
0x16: {  	[dreg:$0x9] =	wrdreg s23  }
0x17: {  	s3 =	rddreg [dreg:$0x3];
	s28 =	simm.s32 $0x0  }
0x18: {  	[spmem:s21], [sflag:s20] =	dma.local [hbm:s3], $0x280;
	v3 =	vmov s28  }
0x19: {  	_ =	swait.ge [sflag:s22], $0x280;
	v3 =	vshll.u32 v3, $0x3  }
0x1a: {  	[sflag:s22] =	ssyncset.done $0x0;
	v3 =	vor.u32 v0, v3  }
0x1b: {  	s3 =	simm.s32 $0x10;
	[sflag:s22] =	ssyncadd.s32 $0xFFFFFD80;
	v3 =	vor.u32 $0x7, v3  }
.LBB2_2:
0x1c: {  	p0 =	sne.s32 s3, $0x3F0  }
.Ltmp0:
0x1d: {  	_ = 	snop;
	(pc) =	sbr.rel @p0 .LBB2_2-.Ltmp0, $4  }
0x1e: {  	v4 =	vmov s3  }
0x1f: {  	v4 =	vshll.u32 v4, $0x3  }
0x20: {  	v4 =	vor.u32 v0, v4  }
0x21: {  	s3 =	sadd.s32 $0x10, s3;
	[tilespmem:v3+s19+$0x0] =	vst.idx.msk $0xffff, v1;
	v3 =	vor.u32 $0x7, v4  }
0x22: {  	_ =	sdelay $0x3  }
0x23: {  	[tilespmem:v3+s19+$0x0] =	vst.idx.msk $0xffff, v1  }
0x24: {  	[bflag:$0x0] =	sbarrier.arrive $0xFFFF  }
0x25: {  	s3 =	simm.s32 $0x0;
	s21 =	simm.s32 $0x0;
	s20 =	rddreg [dreg:$0x7]  }
.LBB2_4:
0x26: {  	s22 =	sshll.u32 s21, $0xA  }
0x27: {  	s22 =	sadd.s32 s13, s22  }
0x28: {  	s23 =	sshrl.u32 s22, $0x3  }
0x29: {  	s22 =	sadd.s32 s10, s23  }
0x2a: {  	[tilespmem:s3], [sflag:$0x1] =	stream.linear.gather [hbm4b:s22+s3], $0x400, $0x38;
	[tilespmem:$0x5000] =	vst v63  }
0x2b: {  	s24 =	simm.s32 $0x400;
	s28 =	sadd.s32 s4, s23  }
0x2c: {  	[tilespmem:s24], [sflag:$0x1] =	stream.linear.gather [hbm4b:s28+s3], $0x400, $0x38;
	[tilespmem:$0x5000] =	vst v63  }
0x2d: {  	s24 =	sadd.s32 s5, s23;
	s28 =	simm.s32 $0x800  }
0x2e: {  	[tilespmem:s28], [sflag:$0x1] =	stream.linear.gather [hbm4b:s24+s3], $0x400, $0x38;
	[tilespmem:$0x5000] =	vst v63  }
0x2f: {  	s24 =	sadd.s32 s6, s23;
	s28 =	simm.s32 $0xC00  }
0x30: {  	[tilespmem:s28], [sflag:$0x1] =	stream.linear.gather [hbm4b:s24+s3], $0x400, $0x38;
	[tilespmem:$0x5000] =	vst v63  }
0x31: {  	s22 =	simm.s32 $0x1000;
	s28 =	sadd.s32 s7, s23  }
0x32: {  	[tilespmem:s22], [sflag:$0x1] =	stream.linear.gather [hbm4b:s28+s3], $0x400, $0x38;
	[tilespmem:$0x5000] =	vst v63  }
0x33: {  	s24 =	sadd.s32 s8, s23;
	s28 =	simm.s32 $0x1400  }
0x34: {  	[tilespmem:s28], [sflag:$0x1] =	stream.linear.gather [hbm4b:s24+s3], $0x400, $0x38;
	[tilespmem:$0x5000] =	vst v63  }
0x35: {  	s23 =	sadd.s32 s9, s23;
	s28 =	simm.s32 $0x1800  }
0x36: {  	[tilespmem:s28], [sflag:$0x1] =	stream.linear.gather [hbm4b:s23+s3], $0x400, $0x38;
	[tilespmem:$0x5000] =	vst v63  }
0x37: {  	_ =	swait.ge [sflag:s25], $0x400  }
0x38: {  	[sflag:s25] =	ssyncset.done $0x0  }
0x39: {  	[sflag:s25] =	ssyncadd.s32 $0xFFFFFC00  }
0x3a: {  	_ =	swait.ge [sflag:s25], $0x400  }
0x3b: {  	[sflag:s25] =	ssyncset.done $0x0  }
0x3c: {  	[sflag:s25] =	ssyncadd.s32 $0xFFFFFC00  }
0x3d: {  	_ =	swait.ge [sflag:s25], $0x400  }
0x3e: {  	[sflag:s25] =	ssyncset.done $0x0  }
0x3f: {  	[sflag:s25] =	ssyncadd.s32 $0xFFFFFC00  }
0x40: {  	_ =	swait.ge [sflag:s25], $0x400  }
0x41: {  	[sflag:s25] =	ssyncset.done $0x0  }
0x42: {  	[sflag:s25] =	ssyncadd.s32 $0xFFFFFC00  }
0x43: {  	_ =	swait.ge [sflag:s25], $0x400  }
0x44: {  	[sflag:s25] =	ssyncset.done $0x0  }
0x45: {  	[sflag:s25] =	ssyncadd.s32 $0xFFFFFC00  }
0x46: {  	_ =	swait.ge [sflag:s25], $0x400  }
0x47: {  	[sflag:s25] =	ssyncset.done $0x0  }
0x48: {  	[sflag:s25] =	ssyncadd.s32 $0xFFFFFC00  }
0x49: {  	_ =	swait.ge [sflag:s25], $0x400  }
0x4a: {  	v3 =	vmov s3;
	[sflag:s25] =	ssyncset.done $0x0  }
0x4b: {  	v3 =	vshll.u32 v3, $0x3;
	s24 =	simm.s32 $0x10;
	s23 =	simm.s32 $0x0;
	[sflag:s25] =	ssyncadd.s32 $0xFFFFFC00  }
.LBB2_5:
0x4c: {  	p0 =	sne.s32 s24, $0x3F0;
	v4 =	vld [tilespmem:s22+$0xFFFFF400];
	v3 =	vor.u32 v0, v3;
	_ =	sdelay $0x4  }
0x4d: {  	[tilespmem:v3+s19+$0x0] =	vst.idx.msk $0xffff, v4  }
0x4e: {  	v5 =	vor.u32 $0x1, v3;
	v4 =	vld [tilespmem:s22+$0xFFFFF800];
	_ =	sdelay $0x4  }
0x4f: {  	[tilespmem:v5+s19+$0x0] =	vst.idx.msk $0xffff, v4  }
0x50: {  	v5 =	vor.u32 $0x2, v3;
	v4 =	vld [tilespmem:s22+$0xFFFFFC00];
	_ =	sdelay $0x4  }
0x51: {  	[tilespmem:v5+s19+$0x0] =	vst.idx.msk $0xffff, v4  }
0x52: {  	v5 =	vor.u32 $0x3, v3;
	v4 =	vld [tilespmem:s22+$0x0];
	_ =	sdelay $0x4  }
0x53: {  	[tilespmem:v5+s19+$0x0] =	vst.idx.msk $0xffff, v4  }
0x54: {  	v5 =	vor.u32 $0x4, v3;
	v4 =	vld [tilespmem:s22+$0x400];
	_ =	sdelay $0x4  }
0x55: {  	[tilespmem:v5+s19+$0x0] =	vst.idx.msk $0xffff, v4  }
0x56: {  	v5 =	vor.u32 $0x5, v3;
	v4 =	vld [tilespmem:s22+$0x800]  }
0x57: {  	v6 =	vor.u32 $0x6, v3  }
.Ltmp1:
0x58: {  	s28 =	sadd.s32 s23, s20;
	s23 =	smov.u32 s24;
	(pc) =	sbr.rel @p0 .LBB2_5-.Ltmp1, $4  }
0x59: {  	v3 =	vmov s28  }
0x5a: {  	vm0 =	vlt.u32 v3, v2  }
0x5b: {  	v3 =	vmov s24;
	[tilespmem:v5+s19+$0x0] =	vst.idx.msk $0xffff, v4;
	v4 =	vsel vm0, $0x3F800000, v1  }
0x5c: {  	s24 =	sadd.s32 $0x10, s24;
	s22 =	sadd.s32 $0x10, s22;
	v3 =	vshll.u32 v3, $0x3;
	[tilespmem:v6+s19+$0x0] =	vst.idx.msk $0xffff, v4  }
0x5d: {  	v4 =	vld [tilespmem:s22+$0xFFFFF400];
	v3 =	vor.u32 v0, v3;
	_ =	sdelay $0x4  }
0x5e: {  	[tilespmem:v3+s19+$0x0] =	vst.idx.msk $0xffff, v4  }
0x5f: {  	v5 =	vor.u32 $0x1, v3;
	v4 =	vld [tilespmem:s22+$0xFFFFF800];
	_ =	sdelay $0x4  }
0x60: {  	[tilespmem:v5+s19+$0x0] =	vst.idx.msk $0xffff, v4  }
0x61: {  	v59 =	vor.u32 $0x2, v3;
	v4 =	vld [tilespmem:s22+$0xFFFFFC00];
	_ =	sdelay $0x4  }
0x62: {  	[tilespmem:v59+s19+$0x0] =	vst.idx.msk $0xffff, v4  }
0x63: {  	v60 =	vor.u32 $0x3, v3;
	v4 =	vld [tilespmem:s22+$0x0];
	_ =	sdelay $0x4  }
0x64: {  	[tilespmem:v60+s19+$0x0] =	vst.idx.msk $0xffff, v4  }
0x65: {  	v61 =	vor.u32 $0x4, v3;
	v4 =	vld [tilespmem:s22+$0x400];
	_ =	sdelay $0x4  }
0x66: {  	[tilespmem:v61+s19+$0x0] =	vst.idx.msk $0xffff, v4  }
0x67: {  	v62 =	vor.u32 $0x5, v3;
	v4 =	vld [tilespmem:s22+$0x800]  }
0x68: {  	v3 =	vor.u32 $0x6, v3  }
0x69: {  	s23 =	sadd.s32 s23, s20  }
0x6a: {  	v6 =	vmov s23  }
0x6b: {  	vm0 =	vlt.u32 v6, v2  }
0x6c: {  	v63 =	vsel vm0, $0x3F800000, v1;
	[tilespmem:v62+s19+$0x0] =	vst.idx.msk $0xffff, v4  }
0x6d: {  	s24 =	simm.s32 $0x0;
	[tilespmem:v3+s19+$0x0] =	vst.idx.msk $0xffff, v63  }
0x6e: {  	[spmem:s1] =	stream.indirect.scatter.add.f32 [tilespmem:s19], [sflag:$0x1], $0x8, s24, s26, $0xb8;
	[tilespmem:$0x5000] =	vst v63  }
0x6f: {  	s28 =	simm.s32 $0x2000  }
0x70: {  	[spmem:s1] =	stream.indirect.scatter.add.f32 [tilespmem:s28], [sflag:$0x1], $0x8, s26, s26, $0xb8;
	[tilespmem:$0x5000] =	vst v63  }
0x71: {  	_ = 	snop  }
0x72: {  	[spmem:s1] =	stream.indirect.scatter.add.f32 [tilespmem:s30], [sflag:$0x1], $0x8, s29, s26, $0xb8;
	[tilespmem:$0x5000] =	vst v63  }
0x73: {  	_ = 	snop  }
0x74: {  	[spmem:s1] =	stream.indirect.scatter.add.f32 [tilespmem:s0], [sflag:$0x1], $0x8, s31, s26, $0xb8;
	[tilespmem:$0x5000] =	vst v63  }
0x75: {  	_ = 	snop  }
0x76: {  	[spmem:s1] =	stream.indirect.scatter.add.f32 [tilespmem:s11], [sflag:$0x1], $0x8, s2, s26, $0xb8;
	[tilespmem:$0x5000] =	vst v63  }
0x77: {  	_ = 	snop  }
0x78: {  	[spmem:s1] =	stream.indirect.scatter.add.f32 [tilespmem:s15], [sflag:$0x1], $0x8, s14, s26, $0xb8;
	[tilespmem:$0x5000] =	vst v63  }
0x79: {  	_ = 	snop  }
0x7a: {  	[spmem:s1] =	stream.indirect.scatter.add.f32 [tilespmem:s12], [sflag:$0x1], $0x8, s16, s26, $0xb8;
	[tilespmem:$0x5000] =	vst v63  }
0x7b: {  	_ = 	snop  }
0x7c: {  	[spmem:s1] =	stream.indirect.scatter.add.f32 [tilespmem:s18], [sflag:$0x1], $0x8, s17, s26, $0xb8;
	[tilespmem:$0x5000] =	vst v63  }
0x7d: {  	_ =	swait.ge [sflag:s25], $0x400  }
0x7e: {  	[sflag:s25] =	ssyncset.done $0x0  }
0x7f: {  	[sflag:s25] =	ssyncadd.s32 $0xFFFFFC00  }
0x80: {  	_ =	swait.ge [sflag:s25], $0x400  }
0x81: {  	[sflag:s25] =	ssyncset.done $0x0  }
0x82: {  	[sflag:s25] =	ssyncadd.s32 $0xFFFFFC00  }
0x83: {  	_ =	swait.ge [sflag:s25], $0x400  }
0x84: {  	[sflag:s25] =	ssyncset.done $0x0  }
0x85: {  	[sflag:s25] =	ssyncadd.s32 $0xFFFFFC00  }
0x86: {  	_ =	swait.ge [sflag:s25], $0x400  }
0x87: {  	[sflag:s25] =	ssyncset.done $0x0  }
0x88: {  	[sflag:s25] =	ssyncadd.s32 $0xFFFFFC00  }
0x89: {  	_ =	swait.ge [sflag:s25], $0x400  }
0x8a: {  	[sflag:s25] =	ssyncset.done $0x0  }
0x8b: {  	[sflag:s25] =	ssyncadd.s32 $0xFFFFFC00  }
0x8c: {  	_ =	swait.ge [sflag:s25], $0x400  }
0x8d: {  	[sflag:s25] =	ssyncset.done $0x0  }
0x8e: {  	s21 =	sadd.s32 $0x1, s21;
	[sflag:s25] =	ssyncadd.s32 $0xFFFFFC00  }
0x8f: {  	p0 =	sne.s32 s21, $0x4;
	_ =	swait.ge [sflag:s25], $0x400  }
.Ltmp2:
0x90: {  	[sflag:s25] =	ssyncset.done $0x0;
	(pc) =	sbr.rel @p0 .LBB2_4-.Ltmp2, $4  }
0x91: {  	[sflag:s25] =	ssyncadd.s32 $0xFFFFFC00  }
0x92: {  	_ =	swait.ge [sflag:s25], $0x400  }
0x93: {  	[sflag:s25] =	ssyncset.done $0x0  }
0x94: {  	s20 =	sadd.s32 $0x400, s20;
	[sflag:s25] =	ssyncadd.s32 $0xFFFFFC00  }
0x95: {  	[bflag:$0x0] =	sbarrier.arrive $0xFFFF  }
0x96: {  	s20 =	rddreg [dreg:$0x4]  }
0x97: {  	s3 =	rddreg [dreg:$0x5]  }
0x98: {  	s22 =	simm.s32 $0x2;
	s21 =	rddreg [dreg:$0x8]  }
0x99: {  	[hbm:s3], [sflag:s20] =	dma.local [spmem:s21], $0x280  }
0x9a: {  	_ =	swait.ge [sflag:s22], $0x280  }
0x9b: {  	s23 =	rddreg [dreg:$0x9]  }
0x9c: {  	s28 =	rddreg [dreg:$0x6];
	s23 =	sadd.s32 $0x1, s23  }
0x9d: {  	p0 =	sne.s32 s23, s28  }
.Ltmp3:
0x9e: {  	_ = 	snop;
	(pc) =	sbr.rel @p0 .LBB2_1-.Ltmp3, $3  }
0x9f: {  	_ =	sdelay $0x1  }
0xa0: {  	[sflag:s22] =	ssyncset.done $0x0  }
0xa1: {  	[sflag:s22] =	ssyncadd.s32 $0xFFFFFD80  }
0xa2: {  	_ =	sfence.sel $0x180000  }
0xa3: {  	[bflag:$0x0] =	sbarrier.arrive $0xFFFF  }
0xa4: {  	_ =	strace $0x9000004A  }
0xa5: {  	s0 =	stileid.u32;
	[bflag:$0x2] =	sbarrier.arrive $0xFFFF  }
0xa6: {  	p0 =	sne.s32 s0, $0x0;
	s0 =	rddreg [dreg:$0x2]  }
0xa7: {  	s0 =	sadd.s32 @!p0 $0x100000, s0  }
0xa8: {  	[sflag:s0] =	ssyncadd.tile.s32 @!p0 $0x1;
	_ =	shalt  }
.Lfunc_end2:
_tile_overlayer_lowered:
.L_overlay_start_2:
0xa9: {  	(tag) =	ssettag $0x2  }
0xaa: {  	s0 =	rddreg [dreg:$0x0];
	s2 =	stileid.u32  }
0xab: {  	s1 =	rddreg [dreg:$0x1];
	p0 =	sne.s32 s2, $0x0  }
0xac: {  	s3 =	rddreg [dreg:$0x2];
	[bflag:$0x3] =	sbarrier.arrive $0xFFFF;
	s2 =	simm.s32 @!p0 $0x1C02  }
0xad: {  	[timem:s3], [sflag:s2] =	dma.local @!p0 [hbm:s0], s1  }
0xae: {  	s0 =	simm.s32 @!p0 $0x2  }
0xaf: {  	_ =	swait.ge @!p0 [sflag:s0], s1  }
0xb0: {  	s1 =	ssub.s32 @!p0 $0x0, s1;
	[sflag:s0] =	ssyncset.done @!p0 $0x0  }
0xb1: {  	[sflag:s0] =	ssyncadd.s32 @!p0 s1  }
0xb2: {  	[bflag:$0x3] =	sbarrier.arrive $0xFFFF  }
0xb3: {  	_ =	shalt  }

// kernel: kernel.16.cloned.1.call-start
scs
__scs_entry_jumppad:
0x0: {  	(pc) =	sbr.rel $0x88, $3  }
0x1: {  	(tag) =	ssettag $0x0;
	lr =	simm.s32 $0x1  }
0x2: {  	[smem:$0x3F95] =	sst lr;
	_ =	strace $0xD0000000  }
0x3: {  	_ = 	snop  }
0x4: {  	_ = 	snop  }
0x5: {  	_ = 	snop  }
0x6: {  	_ = 	snop  }
0x7: {  	_ = 	snop  }
__scs_overlays_trampoline_lowered:
0x8: {  	[smem:$0x3FA4] =	sst s0  }
0x9: {  	[smem:$0x3FA5] =	sst s1  }
0xa: {  	[smem:$0x3FA6] =	sst s2  }
0xb: {  	[smem:$0x3FA7] =	sst s3  }
0xc: {  	[smem:$0x3FA8] =	sst s4  }
0xd: {  	[smem:$0x3FA9] =	sst s5  }
0xe: {  	[smem:$0x3FAA] =	sst s6  }
0xf: {  	[smem:$0x3FAB] =	sst s7  }
0x10: {  	[smem:$0x3FAC] =	sst s8  }
0x11: {  	[smem:$0x3FAD] =	sst s9;
	s0 =	simm.s32 @!p0 $0x0  }
0x12: {  	s1 =	sld [smem:$0x3F93];
	s0 =	simm.s32 @p0 $0x1  }
0x13: {  	[smem:$0x3FAE] =	sst s0;
	s0 =	simm.s32 @!p1 $0x0  }
0x14: {  	s2 =	sld [smem:$0x3F92];
	s0 =	simm.s32 @p1 $0x1  }
0x15: {  	[smem:$0x3FAF] =	sst s0;
	s0 =	simm.s32 @!p2 $0x0  }
0x16: {  	s3 =	sld [smem:$0x3FDB];
	s0 =	simm.s32 @p2 $0x1  }
0x17: {  	s4 =	simm.s32 $0x1BF5;
	[smem:$0x3FB1] =	sst s0  }
0x18: {  	s0 =	sld [smem:$0x3F94];
	_ =	swait.ge [sflag:s4], $0x0  }
0x19: {  	s7 =	sld [smem:$0x3F95]  }
0x1a: {  	s8 =	sadd.s32 $0xFFFFE003, lr  }
0x1b: {  	s9 =	sadd.s32 $0xFFFFFEF7, lr;
	s5 =	simm.s32 $0xFFFFFFFF;
	p2 =	slt.u32 s8, $0xFFFFF086  }
0x1c: {  	p1 =	slt.u32 s9, $0xF7A;
	s5 =	simm.s32 @!p2 $0x0  }
0x1d: {  	s5 =	simm.s32 @p1 $0x1;
	p0 =	seq.s32 s7, s2  }
0x1e: {  	s7 =	smul.u32 @!p0 $0xF7A, s2;
	p2 =	seq.s32 @!p0 s5, $0x0  }
0x1f: {  	s9 =	smul.u32 $0xF7A, s1;
	s8 =	simm.s32 @!p0 $0x1BF5;
	p2 =	por !p2, p0  }
0x20: {  	[sflag:s8] =	ssyncset.s32 @!p0 $0xFFFFF086;
	s6 =	sadd.s32 @!p0 s3, s7;
	s7 =	simm.s32 @!p0 $0x108  }
0x21: {  	s3 =	sadd.s32 s3, s9;
	s6 =	sadd.s32 @!p0 $0x88, s6;
	s7 =	simm.s32 @p2 $0x1082  }
0x22: {  	[simem:s7], [sflag:s8] =	dma.local @!p0 [hbm:s6], $0xF7A  }
0x23: {  	s9 =	sor.u32 $0xD0000000, s2;
	s6 =	simm.s32 $0x108;
	_ =	swait.ge @!p0 [sflag:s8], $0x0  }
0x24: {  	s3 =	sadd.s32 $0x88, s3;
	s6 =	simm.s32 @!p1 $0x1082;
	[sflag:s4] =	ssyncset.s32 $0xFFFFF086  }
0x25: {  	[simem:s6], [sflag:s4] =	dma.local [hbm:s3], $0xF7A  }
0x26: {  	[smem:$0x3F95] =	sst s1;
	(tag) =	ssettag s2;
	_ =	strace s9  }
0x27: {  	s1 =	sld [smem:$0x3FA5]  }
0x28: {  	s2 =	sld [smem:$0x3FA6]  }
0x29: {  	s4 =	sld [smem:$0x3FA8]  }
0x2a: {  	p0 =	seq.s32 s5, $0x0;
	s5 =	sld [smem:$0x3FA9]  }
0x2b: {  	s6 =	sld [smem:$0x3FAA]  }
0x2c: {  	s7 =	sld [smem:$0x3FAB]  }
0x2d: {  	s3 =	simm.s32 $0x108;
	s8 =	sld [smem:$0x3FAC]  }
0x2e: {  	s3 =	simm.s32 @!p0 $0x1082;
	s9 =	sld [smem:$0x3FAD]  }
0x2f: {  	lr =	sadd.s32 s0, s3;
	s0 =	sld [smem:$0x3FA4]  }
0x30: {  	s3 =	sld [smem:$0x3FA7]  }
0x31: {  	[smem:$0x3FB0] =	sst s10  }
0x32: {  	s10 =	sld [smem:$0x3FAE];
	_ =	sdelay $0x3  }
0x33: {  	p0 =	seq.s32 s10, $0x1;
	s10 =	sld [smem:$0x3FB0];
	_ =	sdelay $0x3  }
0x34: {  	[smem:$0x3FB0] =	sst s10  }
0x35: {  	s10 =	sld [smem:$0x3FAF];
	_ =	sdelay $0x3  }
0x36: {  	p1 =	seq.s32 s10, $0x1;
	s10 =	sld [smem:$0x3FB0];
	_ =	sdelay $0x3  }
0x37: {  	[smem:$0x3FB0] =	sst s10  }
0x38: {  	s10 =	sld [smem:$0x3FB1]  }
0x39: {  	_ = 	snop;
	(pc) =	sbr.ind lr, $3  }
0x3a: {  	_ = 	snop  }
0x3b: {  	_ = 	snop  }
0x3c: {  	p2 =	seq.s32 s10, $0x1;
	s10 =	sld [smem:$0x3FB0]  }
0x3d: {  	_ =	shalt  }
0x3e: {  	_ =	shalt  }
0x3f: {  	_ =	shalt  }
0x40: {  	_ =	shalt  }
0x41: {  	_ =	shalt  }
0x42: {  	_ =	shalt  }
0x43: {  	_ =	shalt  }
0x44: {  	_ =	shalt  }
0x45: {  	_ =	shalt  }
0x46: {  	_ =	shalt  }
0x47: {  	_ =	shalt  }
0x48: {  	_ =	shalt  }
0x49: {  	_ =	shalt  }
0x4a: {  	_ =	shalt  }
0x4b: {  	_ =	shalt  }
0x4c: {  	_ =	shalt  }
0x4d: {  	_ =	shalt  }
0x4e: {  	_ =	shalt  }
0x4f: {  	_ =	shalt  }
0x50: {  	_ =	shalt  }
0x51: {  	_ =	shalt  }
0x52: {  	_ =	shalt  }
0x53: {  	_ =	shalt  }
0x54: {  	_ =	shalt  }
0x55: {  	_ =	shalt  }
0x56: {  	_ =	shalt  }
0x57: {  	_ =	shalt  }
0x58: {  	_ =	shalt  }
0x59: {  	_ =	shalt  }
0x5a: {  	_ =	shalt  }
0x5b: {  	_ =	shalt  }
0x5c: {  	_ =	shalt  }
0x5d: {  	_ =	shalt  }
0x5e: {  	_ =	shalt  }
0x5f: {  	_ =	shalt  }
0x60: {  	_ =	shalt  }
0x61: {  	_ =	shalt  }
0x62: {  	_ =	shalt  }
0x63: {  	_ =	shalt  }
0x64: {  	_ =	shalt  }
0x65: {  	_ =	shalt  }
0x66: {  	_ =	shalt  }
0x67: {  	_ =	shalt  }
0x68: {  	_ =	shalt  }
0x69: {  	_ =	shalt  }
0x6a: {  	_ =	shalt  }
0x6b: {  	_ =	shalt  }
0x6c: {  	_ =	shalt  }
0x6d: {  	_ =	shalt  }
0x6e: {  	_ =	shalt  }
0x6f: {  	_ =	shalt  }
0x70: {  	_ =	shalt  }
0x71: {  	_ =	shalt  }
0x72: {  	_ =	shalt  }
0x73: {  	_ =	shalt  }
0x74: {  	_ =	shalt  }
0x75: {  	_ =	shalt  }
0x76: {  	_ =	shalt  }
0x77: {  	_ =	shalt  }
0x78: {  	_ =	shalt  }
0x79: {  	_ =	shalt  }
0x7a: {  	_ =	shalt  }
0x7b: {  	_ =	shalt  }
0x7c: {  	_ =	shalt  }
0x7d: {  	_ =	shalt  }
0x7e: {  	_ =	shalt  }
0x7f: {  	_ =	shalt  }
0x80: {  	_ =	shalt  }
0x81: {  	_ =	shalt  }
0x82: {  	_ =	shalt  }
0x83: {  	_ =	shalt  }
0x84: {  	_ =	shalt  }
0x85: {  	_ =	shalt  }
0x86: {  	_ =	shalt  }
0x87: {  	_ =	shalt  }
.Lfunc_end0:
.L_simem_size_0:
called_computation.2_lowered:
.L_overlay_start_0:
0x88: {  	s2 =	sld [smem:$0x3FD9]  }
0x89: {  	s3 =	sld [smem:$0x3FFE];
	_ =	sdelay $0x1  }
0x8a: {  	s1 =	srdreg.scid  }
0x8b: {  	s0 =	sand.u32 $0x1, s1  }
0x8c: {  	s17 =	sshll.u32 s0, $0xA;
	s2 =	sadd.s32 s3, s2  }
0x8d: {  	s2 =	sadd.s32 s2, s17  }
0x8e: {  	[smem:$0x3FBC] =	sst s2  }
0x8f: {  	_ = 	snop  }
0x90: {  	(tm) =	ssettm $0x1  }
0x91: {  	s18 =	sld [smem:$0x3FFB];
	_ =	sdelay $0x3  }
0x92: {  	_ =	strace s18  }
0x93: {  	s2 =	sld [smem:$0x3FFC];
	_ =	sdelay $0x3  }
0x94: {  	_ =	strace s2  }
0x95: {  	s2 =	sld [smem:$0x3FFD];
	_ =	sdelay $0x3  }
0x96: {  	_ =	strace s2  }
0x97: {  	_ =	strace $0x8FFFFFFF  }
0x98: {  	s19 =	sld [smem:$0x3FDB];
	_ =	sdelay $0x1  }
0x99: {  	s20 =	simm.s32 $_scs_section_size  }
0x9a: {  	s4 =	simm.s32 $_size__tile_overlayer_lowered;
	s5 =	simm.s32 $_tile_overlayer_lowered  }
0x9b: {  	s6 =	simm.s32 $0x1BFF;
	s21 =	sshll.u32 s5, $0x1;
	s3 =	sadd.s32 s20, s19  }
0x9c: {  	s22 =	simm.s32 $0x0;
	s4 =	sshll.u32 s4, $0x1;
	s5 =	sadd.s32 s21, s3  }
0x9d: {  	[timem:s22], [sflag:s6] =	dma.local [hbm:s5], s4  }
0x9e: {  	_ =	swait.ge [sflag:s6], s4  }
0x9f: {  	s4 =	ssub.s32 $0x0, s4;
	[sflag:s6] =	ssyncset.done $0x0  }
0xa0: {  	[sflag:s6] =	ssyncadd.s32 s4;
	_ =	sdelay $0x1  }
0xa1: {  	s23 =	simm.s32 $0x1B8B  }
0xa2: {  	_ =	swait.ge [sflag:s23], $0x1  }
0xa3: {  	[sflag:s23] =	ssyncset.done $0x0  }
0xa4: {  	[sflag:s23] =	ssyncadd.s32 $0xFFFFFFFF  }
0xa5: {  	s4 =	sld [smem:$0x0]  }
0xa6: {  	s5 =	sand.u32 $0xFFFFFFFE, s1  }
0xa7: {  	p0 =	sne.s32 s1, s5  }
0xa8: {  	s5 =	sshll.u32 @p0 s5, $0xE  }
0xa9: {  	s5 =	sadd.s32 @p0 $0x11B8D, s5;
	s6 =	sshll.u32 @p0 s4, $0x11  }
0xaa: {  	s5 =	sor.u32 @p0 s6, s5  }
0xab: {  	[sflag:s5] =	ssyncadd.remote.s32 @p0 $0x1;
	_ =	sdelay $0x1  }
0xac: {  	s5 =	simm.s32 @p0 $0x1B8D  }
0xad: {  	_ =	swait.eq @p0 [sflag:s5], $0x1  }
0xae: {  	[sflag:s5] =	ssyncadd.s32 @p0 $0xFFFFFFFF  }
0xaf: {  	s6 =	sshll.u32 @!p0 s1, $0xE  }
0xb0: {  	s6 =	sor.u32 @!p0 $0x4000, s6;
	s5 =	simm.s32 @!p0 $0x1B8D  }
0xb1: {  	s4 =	sshll.u32 @!p0 s4, $0x11;
	s6 =	sadd.s32 @!p0 $0x11B8D, s6;
	_ =	swait.eq @!p0 [sflag:s5], $0x1  }
0xb2: {  	s4 =	sor.u32 @!p0 s4, s6;
	[sflag:s5] =	ssyncadd.s32 @!p0 $0xFFFFFFFF  }
0xb3: {  	s25 =	simm.s32 $0x1B8E;
	s24 =	sld [smem:$0x3FFE];
	[sflag:s4] =	ssyncadd.remote.s32 @!p0 $0x1  }
0xb4: {  	s26 =	simm.s32 $execute0_lowered;
	[smem:$0x3FD2] =	sst s25  }
0xb5: {  	s5 =	sshll.u32 s26, $0x1;
	_ =	strace $0x8000004C;
	[dreg:$0x1] =	wrdreg $0xFFFFFFFF  }
0xb6: {  	s28 =	simm.s32 $_size_execute0_lowered;
	s3 =	sadd.s32 s3, s5;
	[dreg:$0x0] =	wrdreg $0x0  }
0xb7: {  	s5 =	sshll.u32 s28, $0x1;
	[dreg:$0x2] =	wrdreg s3  }
0xb8: {  	[dreg:$0x3] =	wrdreg s5  }
0xb9: {  	[dreg:$0x4] =	wrdreg $0xC0  }
0xba: {  	_ =	task [dreg:s22], $0x5FFFF  }
0xbb: {  	[dreg:$0x1] =	wrdreg $0xFFFFFFFF  }
0xbc: {  	[dreg:$0x0] =	wrdreg $0x60  }
0xbd: {  	[dreg:$0x2] =	wrdreg s24  }
0xbe: {  	[dreg:$0x3] =	wrdreg $0x3C000  }
0xbf: {  	[dreg:$0x4] =	wrdreg $0xB  }
0xc0: {  	_ =	task.clear_ibuf [dreg:s22], $0x5FFFF;
	_ =	strace $0x9000004C  }
0xc1: {  	s29 =	simm.s32 $0xB;
	_ =	strace $0x8000004E  }
0xc2: {  	_ =	swait.ge [sflag:s29], $0x1  }
0xc3: {  	[sflag:s29] =	ssyncadd.s32 $0xFFFFFFFF  }
0xc4: {  	_ =	strace $0x9000004E  }
0xc5: {  	_ =	sfence  }
0xc6: {  	s30 =	sld [smem:$0x0];
	_ =	sdelay $0x2  }
0xc7: {  	s31 =	sshll.u32 s1, $0xD;
	s1 =	sshrl.u32 s1, $0x2  }
0xc8: {  	s4 =	sand.u32 $0x4000, s31;
	s1 =	sadd.s32 s1, s30  }
0xc9: {  	s0 =	sor.u32 s4, s0;
	s1 =	sshll.u32 s1, $0x11  }
0xca: {  	s0 =	sor.u32 s1, s0  }
0xcb: {  	s0 =	sadd.s32 $0x8F2B, s0  }
0xcc: {  	[sflag:s0] =	ssyncadd.remote.s32 $0x1  }
0xcd: {  	_ =	sfence.sel $0xFFFF  }
0xce: {  	[dreg:$0x0] =	wrdreg $0xFFFFFFFF;
	(pc) =	sbr.abs _section_cstart, $3  }
0xcf: {  	[dreg:$0x1] =	wrdreg $0xFFFFFFFF  }
0xd0: {  	_ =	task.clear_ibuf [dreg:s22], $0x2FFFF;
	_ =	strace $0x9FFFFFFF  }
0xd1: {  	(tm) =	ssettm $0x7FFFFFFF  }
tec
execute0_lowered:
.L_overlay_start_1:
0x0: {  	(tag) =	ssettag $0x1  }
0x1: {  	s0 =	rddreg [dreg:$0x0]  }
0x2: {  	s2 =	rddreg [dreg:$0x1]  }
0x3: {  	s1 =	srdreg.scid;
	s11 =	stileid.u32  }
0x4: {  	s3 =	simm.s32 $0x0;
	s17 =	simm.s32 $0x2;
	s18 =	simm.s32 $0x1C00  }
0x5: {  	s24 =	simm.s32 $0x1;
	s19 =	simm.s32 $0x280;
	s20 =	simm.s32 $0x3000  }
0x6: {  	s21 =	simm.s32 $0x300;
	s22 =	simm.s32 $0x3400;
	s23 =	simm.s32 $0x380  }
0x7: {  	s28 =	simm.s32 $0x0;
	s1 =	sand.u32 $0x1, s1;
	s4 =	smul.u32 $0x1400, s11  }
0x8: {  	s5 =	sshll.u32 s11, $0x7;
	[smem:$0x7FF] =	sst s3;
	s31 =	sshll.u32 s11, $0x6  }
0x9: {  	s13 =	sshll.u32 s11, $0xA;
	s6 =	sshll.u32 s1, $0xB;
	s7 =	smul.u32 $0x14000, s1  }
0xa: {  	_ =	strace $0x8000004D;
	s29 =	ssub.s32 $0x2, s1;
	s1 =	sshll.u32 s1, $0xE  }
0xb: {  	s5 =	sor.u32 s5, s6;
	s26 =	sshrl.u32 s4, $0x3;
	s30 =	sshrl.u32 s29, $0x1  }
0xc: {  	s16 =	sadd.s32 s4, s2;
	s1 =	sor.u32 s13, s1;
	s12 =	sadd.s32 s5, s0  }
0xd: {  	s25 =	sadd.s32 s4, s7;
	s6 =	sadd.s32 s26, s0;
	s14 =	ssub.s32 s29, s30  }
0xe: {  	s15 =	sor.u32 $0x48000, s1;
	s16 =	sshrl.u32 s16, $0x3;
	s1 =	simm.s32 $0x2C00  }
0xf: {  	s26 =	simm.s32 $0x3800;
	s5 =	sshrl.u32 s25, $0x3;
	s4 =	sadd.s32 $0x28400, s6  }
0x10: {  	s6 =	sadd.s32 $0x56C00, s12;
	s7 =	sadd.s32 $0x54C00, s12;
	s8 =	sadd.s32 $0x55C00, s12  }
0x11: {  	v0 =	vlaneseq.u32;
	s9 =	sadd.s32 $0x50C00, s12;
	s10 =	sadd.s32 $0x51C00, s12;
	s11 =	sadd.s32 $0x52C00, s12  }
0x12: {  	v0 =	vmul.u32 $0x8, v0;
	s12 =	sadd.s32 $0x53C00, s12;
	s14 =	smax.u32 s14, $0x1;
	s0 =	sadd.s32 s5, s0  }
0x13: {  	v1 =	vimm.f32 $0.0e+00;
	v2 =	vimm.f32 $1.000000000e+00;
	s25 =	simm.s32 $0x80;
	s5 =	sor.u32 $0x1C02, s31;
	s13 =	sadd.s32 $0x57C00, s0  }
.LBB2_1:
0x14: {  	[spmem:s16], [sflag:s5] =	dma.local [hbm:s4], $0x280;
	v3 =	vmov s3  }
0x15: {  	_ =	swait.ge [sflag:s17], $0x280;
	v3 =	vshll.u32 v3, $0x3  }
0x16: {  	[sflag:s17] =	ssyncset.done $0x0;
	v3 =	vor.u32 v0, v3  }
0x17: {  	s29 =	simm.s32 $0x10;
	[sflag:s17] =	ssyncadd.s32 $0xFFFFFD80;
	v3 =	vor.u32 $0x7, v3  }
.LBB2_2:
0x18: {  	p0 =	sne.s32 s29, $0x3F0  }
.Ltmp0:
0x19: {  	_ = 	snop;
	(pc) =	sbr.rel @p0 .LBB2_2-.Ltmp0, $4  }
0x1a: {  	v4 =	vmov s29  }
0x1b: {  	v4 =	vshll.u32 v4, $0x3  }
0x1c: {  	v4 =	vor.u32 v0, v4  }
0x1d: {  	s29 =	sadd.s32 $0x10, s29;
	[tilespmem:v3+s18+$0x0] =	vst.idx.msk $0xffff, v1;
	v3 =	vor.u32 $0x7, v4  }
0x1e: {  	_ =	sdelay $0x3  }
0x1f: {  	[tilespmem:v3+s18+$0x0] =	vst.idx.msk $0xffff, v1  }
0x20: {  	s29 =	simm.s32 $0x0;
	[bflag:$0x0] =	sbarrier.arrive $0xFFFF  }
0x21: {  	[tilespmem:s29], [sflag:$0x1] =	stream.linear.gather [hbm4b:s6+s29], $0x400, $0x38;
	[tilespmem:$0x5000] =	vst v63  }
0x22: {  	s0 =	simm.s32 $0x400  }
0x23: {  	[tilespmem:s0], [sflag:$0x1] =	stream.linear.gather [hbm4b:s7+s29], $0x400, $0x38;
	[tilespmem:$0x5000] =	vst v63  }
0x24: {  	s0 =	simm.s32 $0x800  }
0x25: {  	[tilespmem:s0], [sflag:$0x1] =	stream.linear.gather [hbm4b:s8+s29], $0x400, $0x38;
	[tilespmem:$0x5000] =	vst v63  }
0x26: {  	s0 =	simm.s32 $0xC00  }
0x27: {  	[tilespmem:s0], [sflag:$0x1] =	stream.linear.gather [hbm4b:s9+s29], $0x400, $0x38;
	[tilespmem:$0x5000] =	vst v63  }
0x28: {  	s30 =	simm.s32 $0x1000  }
0x29: {  	[tilespmem:s30], [sflag:$0x1] =	stream.linear.gather [hbm4b:s10+s29], $0x400, $0x38;
	[tilespmem:$0x5000] =	vst v63  }
0x2a: {  	s0 =	simm.s32 $0x1400  }
0x2b: {  	[tilespmem:s0], [sflag:$0x1] =	stream.linear.gather [hbm4b:s11+s29], $0x400, $0x38;
	[tilespmem:$0x5000] =	vst v63  }
0x2c: {  	s0 =	simm.s32 $0x1800  }
0x2d: {  	[tilespmem:s0], [sflag:$0x1] =	stream.linear.gather [hbm4b:s12+s29], $0x400, $0x38;
	[tilespmem:$0x5000] =	vst v63  }
0x2e: {  	_ =	swait.ge [sflag:s24], $0x400  }
0x2f: {  	[sflag:s24] =	ssyncset.done $0x0  }
0x30: {  	[sflag:s24] =	ssyncadd.s32 $0xFFFFFC00  }
0x31: {  	_ =	swait.ge [sflag:s24], $0x400  }
0x32: {  	[sflag:s24] =	ssyncset.done $0x0  }
0x33: {  	[sflag:s24] =	ssyncadd.s32 $0xFFFFFC00  }
0x34: {  	_ =	swait.ge [sflag:s24], $0x400  }
0x35: {  	[sflag:s24] =	ssyncset.done $0x0  }
0x36: {  	[sflag:s24] =	ssyncadd.s32 $0xFFFFFC00  }
0x37: {  	_ =	swait.ge [sflag:s24], $0x400  }
0x38: {  	[sflag:s24] =	ssyncset.done $0x0  }
0x39: {  	[sflag:s24] =	ssyncadd.s32 $0xFFFFFC00  }
0x3a: {  	_ =	swait.ge [sflag:s24], $0x400  }
0x3b: {  	[sflag:s24] =	ssyncset.done $0x0  }
0x3c: {  	[sflag:s24] =	ssyncadd.s32 $0xFFFFFC00  }
0x3d: {  	_ =	swait.ge [sflag:s24], $0x400  }
0x3e: {  	[sflag:s24] =	ssyncset.done $0x0  }
0x3f: {  	[sflag:s24] =	ssyncadd.s32 $0xFFFFFC00  }
0x40: {  	_ =	swait.ge [sflag:s24], $0x400  }
0x41: {  	v3 =	vmov s29;
	[sflag:s24] =	ssyncset.done $0x0  }
0x42: {  	s31 =	simm.s32 $0x10;
	v3 =	vshll.u32 v3, $0x3;
	[sflag:s24] =	ssyncadd.s32 $0xFFFFFC00  }
.LBB2_4:
0x43: {  	p0 =	sne.s32 s31, $0x3F0;
	v4 =	vld [tilespmem:s30+$0xFFFFF400];
	v3 =	vor.u32 v0, v3;
	_ =	sdelay $0x4  }
0x44: {  	[tilespmem:v3+s18+$0x0] =	vst.idx.msk $0xffff, v4  }
0x45: {  	v5 =	vor.u32 $0x1, v3;
	v4 =	vld [tilespmem:s30+$0xFFFFF800];
	_ =	sdelay $0x4  }
0x46: {  	[tilespmem:v5+s18+$0x0] =	vst.idx.msk $0xffff, v4  }
0x47: {  	v5 =	vor.u32 $0x2, v3;
	v4 =	vld [tilespmem:s30+$0xFFFFFC00];
	_ =	sdelay $0x4  }
0x48: {  	[tilespmem:v5+s18+$0x0] =	vst.idx.msk $0xffff, v4  }
0x49: {  	v5 =	vor.u32 $0x3, v3;
	v4 =	vld [tilespmem:s30+$0x0];
	_ =	sdelay $0x4  }
0x4a: {  	[tilespmem:v5+s18+$0x0] =	vst.idx.msk $0xffff, v4  }
0x4b: {  	v5 =	vor.u32 $0x4, v3;
	v4 =	vld [tilespmem:s30+$0x400];
	_ =	sdelay $0x4  }
0x4c: {  	[tilespmem:v5+s18+$0x0] =	vst.idx.msk $0xffff, v4  }
0x4d: {  	v5 =	vor.u32 $0x5, v3;
	v4 =	vld [tilespmem:s30+$0x800]  }
0x4e: {  	v6 =	vor.u32 $0x6, v3  }
.Ltmp1:
0x4f: {  	(pc) =	sbr.rel @p0 .LBB2_4-.Ltmp1, $4  }
0x50: {  	s0 =	sadd.s32 s29, s15;
	s29 =	smov.u32 s31  }
0x51: {  	p1 =	slt.u32 s0, $0x4E200  }
0x52: {  	v3 =	vmov s31;
	[tilespmem:v5+s18+$0x0] =	vst.idx.msk $0xffff, v4;
	v4 =	vpsel !p1, $0x0, v2  }
0x53: {  	s31 =	sadd.s32 $0x10, s31;
	v3 =	vshll.u32 v3, $0x3;
	s30 =	sadd.s32 $0x10, s30;
	[tilespmem:v6+s18+$0x0] =	vst.idx.msk $0xffff, v4  }
0x54: {  	v4 =	vld [tilespmem:s30+$0xFFFFF400];
	v3 =	vor.u32 v0, v3;
	_ =	sdelay $0x4  }
0x55: {  	[tilespmem:v3+s18+$0x0] =	vst.idx.msk $0xffff, v4  }
0x56: {  	v5 =	vor.u32 $0x1, v3;
	v4 =	vld [tilespmem:s30+$0xFFFFF800];
	_ =	sdelay $0x4  }
0x57: {  	[tilespmem:v5+s18+$0x0] =	vst.idx.msk $0xffff, v4  }
0x58: {  	v59 =	vor.u32 $0x2, v3;
	v4 =	vld [tilespmem:s30+$0xFFFFFC00];
	_ =	sdelay $0x4  }
0x59: {  	[tilespmem:v59+s18+$0x0] =	vst.idx.msk $0xffff, v4  }
0x5a: {  	v60 =	vor.u32 $0x3, v3;
	v4 =	vld [tilespmem:s30+$0x0];
	_ =	sdelay $0x4  }
0x5b: {  	[tilespmem:v60+s18+$0x0] =	vst.idx.msk $0xffff, v4  }
0x5c: {  	v61 =	vor.u32 $0x4, v3;
	v4 =	vld [tilespmem:s30+$0x400];
	_ =	sdelay $0x4  }
0x5d: {  	[tilespmem:v61+s18+$0x0] =	vst.idx.msk $0xffff, v4  }
0x5e: {  	v62 =	vor.u32 $0x5, v3;
	v4 =	vld [tilespmem:s30+$0x800]  }
0x5f: {  	v3 =	vor.u32 $0x6, v3;
	_ =	sdelay $0x1  }
0x60: {  	s0 =	sadd.s32 s29, s15  }
0x61: {  	p0 =	slt.u32 s0, $0x4E200  }
0x62: {  	v63 =	vpsel !p0, $0x0, v2;
	[tilespmem:v62+s18+$0x0] =	vst.idx.msk $0xffff, v4  }
0x63: {  	[tilespmem:v3+s18+$0x0] =	vst.idx.msk $0xffff, v63  }
0x64: {  	[spmem:s2] =	stream.indirect.scatter.add.f32 [tilespmem:s18], [sflag:$0x1], $0x8, s3, s25, $0xb8;
	[tilespmem:$0x5000] =	vst v63  }
0x65: {  	s30 =	simm.s32 $0x2000  }
0x66: {  	[spmem:s2] =	stream.indirect.scatter.add.f32 [tilespmem:s30], [sflag:$0x1], $0x8, s25, s25, $0xb8;
	[tilespmem:$0x5000] =	vst v63  }
0x67: {  	s31 =	simm.s32 $0x100;
	s30 =	simm.s32 $0x2400  }
0x68: {  	[spmem:s2] =	stream.indirect.scatter.add.f32 [tilespmem:s30], [sflag:$0x1], $0x8, s31, s25, $0xb8;
	[tilespmem:$0x5000] =	vst v63  }
0x69: {  	s31 =	simm.s32 $0x180;
	s30 =	simm.s32 $0x2800  }
0x6a: {  	[spmem:s2] =	stream.indirect.scatter.add.f32 [tilespmem:s30], [sflag:$0x1], $0x8, s31, s25, $0xb8;
	[tilespmem:$0x5000] =	vst v63  }
0x6b: {  	s31 =	simm.s32 $0x200  }
0x6c: {  	[spmem:s2] =	stream.indirect.scatter.add.f32 [tilespmem:s1], [sflag:$0x1], $0x8, s31, s25, $0xb8;
	[tilespmem:$0x5000] =	vst v63  }
0x6d: {  	_ = 	snop  }
0x6e: {  	[spmem:s2] =	stream.indirect.scatter.add.f32 [tilespmem:s20], [sflag:$0x1], $0x8, s19, s25, $0xb8;
	[tilespmem:$0x5000] =	vst v63  }
0x6f: {  	_ = 	snop  }
0x70: {  	[spmem:s2] =	stream.indirect.scatter.add.f32 [tilespmem:s22], [sflag:$0x1], $0x8, s21, s25, $0xb8;
	[tilespmem:$0x5000] =	vst v63  }
0x71: {  	_ = 	snop  }
0x72: {  	[spmem:s2] =	stream.indirect.scatter.add.f32 [tilespmem:s26], [sflag:$0x1], $0x8, s23, s25, $0xb8;
	[tilespmem:$0x5000] =	vst v63  }
0x73: {  	_ =	swait.ge [sflag:s24], $0x400  }
0x74: {  	[sflag:s24] =	ssyncset.done $0x0  }
0x75: {  	[sflag:s24] =	ssyncadd.s32 $0xFFFFFC00  }
0x76: {  	_ =	swait.ge [sflag:s24], $0x400  }
0x77: {  	[sflag:s24] =	ssyncset.done $0x0  }
0x78: {  	[sflag:s24] =	ssyncadd.s32 $0xFFFFFC00  }
0x79: {  	_ =	swait.ge [sflag:s24], $0x400  }
0x7a: {  	[sflag:s24] =	ssyncset.done $0x0  }
0x7b: {  	[sflag:s24] =	ssyncadd.s32 $0xFFFFFC00  }
0x7c: {  	_ =	swait.ge [sflag:s24], $0x400  }
0x7d: {  	[sflag:s24] =	ssyncset.done $0x0  }
0x7e: {  	[sflag:s24] =	ssyncadd.s32 $0xFFFFFC00  }
0x7f: {  	_ =	swait.ge [sflag:s24], $0x400  }
0x80: {  	[sflag:s24] =	ssyncset.done $0x0  }
0x81: {  	[sflag:s24] =	ssyncadd.s32 $0xFFFFFC00  }
0x82: {  	_ =	swait.ge [sflag:s24], $0x400  }
0x83: {  	[sflag:s24] =	ssyncset.done $0x0  }
0x84: {  	[sflag:s24] =	ssyncadd.s32 $0xFFFFFC00  }
0x85: {  	_ =	swait.ge [sflag:s24], $0x400  }
0x86: {  	[sflag:s24] =	ssyncset.done $0x0  }
0x87: {  	[sflag:s24] =	ssyncadd.s32 $0xFFFFFC00  }
0x88: {  	_ =	swait.ge [sflag:s24], $0x400  }
0x89: {  	s28 =	sadd.s32 $0x1, s28;
	[sflag:s24] =	ssyncset.done $0x0  }
0x8a: {  	p0 =	sne.s32 s28, s14;
	[sflag:s24] =	ssyncadd.s32 $0xFFFFFC00  }
.Ltmp2:
0x8b: {  	[bflag:$0x0] =	sbarrier.arrive $0xFFFF;
	(pc) =	sbr.rel @p0 .LBB2_1-.Ltmp2, $4  }
0x8c: {  	[hbm:s13], [sflag:s5] =	dma.local [spmem:s16], $0x280  }
0x8d: {  	_ =	swait.ge [sflag:s17], $0x280  }
0x8e: {  	[sflag:s17] =	ssyncset.done $0x0  }
0x8f: {  	[sflag:s17] =	ssyncadd.s32 $0xFFFFFD80  }
0x90: {  	_ =	sfence.sel $0x180000  }
0x91: {  	[bflag:$0x0] =	sbarrier.arrive $0xFFFF  }
0x92: {  	_ =	strace $0x9000004D  }
0x93: {  	s0 =	stileid.u32;
	[bflag:$0x2] =	sbarrier.arrive $0xFFFF  }
0x94: {  	p0 =	sne.s32 s0, $0x0;
	s0 =	rddreg [dreg:$0x2]  }
0x95: {  	s0 =	sadd.s32 @!p0 $0x100000, s0  }
0x96: {  	[sflag:s0] =	ssyncadd.tile.s32 @!p0 $0x1;
	_ =	shalt  }
.Lfunc_end2:
_tile_overlayer_lowered:
.L_overlay_start_2:
0x97: {  	(tag) =	ssettag $0x2  }
0x98: {  	s0 =	rddreg [dreg:$0x0];
	s2 =	stileid.u32  }
0x99: {  	s1 =	rddreg [dreg:$0x1];
	p0 =	sne.s32 s2, $0x0  }
0x9a: {  	s3 =	rddreg [dreg:$0x2];
	[bflag:$0x3] =	sbarrier.arrive $0xFFFF;
	s2 =	simm.s32 @!p0 $0x1C02  }
0x9b: {  	[timem:s3], [sflag:s2] =	dma.local @!p0 [hbm:s0], s1  }
0x9c: {  	s0 =	simm.s32 @!p0 $0x2  }
0x9d: {  	_ =	swait.ge @!p0 [sflag:s0], s1  }
0x9e: {  	s1 =	ssub.s32 @!p0 $0x0, s1;
	[sflag:s0] =	ssyncset.done @!p0 $0x0  }
0x9f: {  	[sflag:s0] =	ssyncadd.s32 @!p0 s1  }
0xa0: {  	[bflag:$0x3] =	sbarrier.arrive $0xFFFF  }
0xa1: {  	_ =	shalt  }

// kernel: kernel.19.cloned.1.call-start
scs
__scs_entry_jumppad:
0x0: {  	(pc) =	sbr.rel $0x88, $3  }
0x1: {  	(tag) =	ssettag $0x0;
	lr =	simm.s32 $0x1  }
0x2: {  	[smem:$0x3F95] =	sst lr;
	_ =	strace $0xD0000000  }
0x3: {  	_ = 	snop  }
0x4: {  	_ = 	snop  }
0x5: {  	_ = 	snop  }
0x6: {  	_ = 	snop  }
0x7: {  	_ = 	snop  }
__scs_overlays_trampoline_lowered:
0x8: {  	[smem:$0x3FA4] =	sst s0  }
0x9: {  	[smem:$0x3FA5] =	sst s1  }
0xa: {  	[smem:$0x3FA6] =	sst s2  }
0xb: {  	[smem:$0x3FA7] =	sst s3  }
0xc: {  	[smem:$0x3FA8] =	sst s4  }
0xd: {  	[smem:$0x3FA9] =	sst s5  }
0xe: {  	[smem:$0x3FAA] =	sst s6  }
0xf: {  	[smem:$0x3FAB] =	sst s7  }
0x10: {  	[smem:$0x3FAC] =	sst s8  }
0x11: {  	[smem:$0x3FAD] =	sst s9;
	s0 =	simm.s32 @!p0 $0x0  }
0x12: {  	s1 =	sld [smem:$0x3F93];
	s0 =	simm.s32 @p0 $0x1  }
0x13: {  	[smem:$0x3FAE] =	sst s0;
	s0 =	simm.s32 @!p1 $0x0  }
0x14: {  	s2 =	sld [smem:$0x3F92];
	s0 =	simm.s32 @p1 $0x1  }
0x15: {  	[smem:$0x3FAF] =	sst s0;
	s0 =	simm.s32 @!p2 $0x0  }
0x16: {  	s3 =	sld [smem:$0x3FDB];
	s0 =	simm.s32 @p2 $0x1  }
0x17: {  	s4 =	simm.s32 $0x1BF5;
	[smem:$0x3FB1] =	sst s0  }
0x18: {  	s0 =	sld [smem:$0x3F94];
	_ =	swait.ge [sflag:s4], $0x0  }
0x19: {  	s7 =	sld [smem:$0x3F95]  }
0x1a: {  	s8 =	sadd.s32 $0xFFFFE003, lr  }
0x1b: {  	s9 =	sadd.s32 $0xFFFFFEF7, lr;
	s5 =	simm.s32 $0xFFFFFFFF;
	p2 =	slt.u32 s8, $0xFFFFF086  }
0x1c: {  	p1 =	slt.u32 s9, $0xF7A;
	s5 =	simm.s32 @!p2 $0x0  }
0x1d: {  	s5 =	simm.s32 @p1 $0x1;
	p0 =	seq.s32 s7, s2  }
0x1e: {  	s7 =	smul.u32 @!p0 $0xF7A, s2;
	p2 =	seq.s32 @!p0 s5, $0x0  }
0x1f: {  	s9 =	smul.u32 $0xF7A, s1;
	s8 =	simm.s32 @!p0 $0x1BF5;
	p2 =	por !p2, p0  }
0x20: {  	[sflag:s8] =	ssyncset.s32 @!p0 $0xFFFFF086;
	s6 =	sadd.s32 @!p0 s3, s7;
	s7 =	simm.s32 @!p0 $0x108  }
0x21: {  	s3 =	sadd.s32 s3, s9;
	s6 =	sadd.s32 @!p0 $0x88, s6;
	s7 =	simm.s32 @p2 $0x1082  }
0x22: {  	[simem:s7], [sflag:s8] =	dma.local @!p0 [hbm:s6], $0xF7A  }
0x23: {  	s9 =	sor.u32 $0xD0000000, s2;
	s6 =	simm.s32 $0x108;
	_ =	swait.ge @!p0 [sflag:s8], $0x0  }
0x24: {  	s3 =	sadd.s32 $0x88, s3;
	s6 =	simm.s32 @!p1 $0x1082;
	[sflag:s4] =	ssyncset.s32 $0xFFFFF086  }
0x25: {  	[simem:s6], [sflag:s4] =	dma.local [hbm:s3], $0xF7A  }
0x26: {  	[smem:$0x3F95] =	sst s1;
	(tag) =	ssettag s2;
	_ =	strace s9  }
0x27: {  	s1 =	sld [smem:$0x3FA5]  }
0x28: {  	s2 =	sld [smem:$0x3FA6]  }
0x29: {  	s4 =	sld [smem:$0x3FA8]  }
0x2a: {  	p0 =	seq.s32 s5, $0x0;
	s5 =	sld [smem:$0x3FA9]  }
0x2b: {  	s6 =	sld [smem:$0x3FAA]  }
0x2c: {  	s7 =	sld [smem:$0x3FAB]  }
0x2d: {  	s3 =	simm.s32 $0x108;
	s8 =	sld [smem:$0x3FAC]  }
0x2e: {  	s3 =	simm.s32 @!p0 $0x1082;
	s9 =	sld [smem:$0x3FAD]  }
0x2f: {  	lr =	sadd.s32 s0, s3;
	s0 =	sld [smem:$0x3FA4]  }
0x30: {  	s3 =	sld [smem:$0x3FA7]  }
0x31: {  	[smem:$0x3FB0] =	sst s10  }
0x32: {  	s10 =	sld [smem:$0x3FAE];
	_ =	sdelay $0x3  }
0x33: {  	p0 =	seq.s32 s10, $0x1;
	s10 =	sld [smem:$0x3FB0];
	_ =	sdelay $0x3  }
0x34: {  	[smem:$0x3FB0] =	sst s10  }
0x35: {  	s10 =	sld [smem:$0x3FAF];
	_ =	sdelay $0x3  }
0x36: {  	p1 =	seq.s32 s10, $0x1;
	s10 =	sld [smem:$0x3FB0];
	_ =	sdelay $0x3  }
0x37: {  	[smem:$0x3FB0] =	sst s10  }
0x38: {  	s10 =	sld [smem:$0x3FB1]  }
0x39: {  	_ = 	snop;
	(pc) =	sbr.ind lr, $3  }
0x3a: {  	_ = 	snop  }
0x3b: {  	_ = 	snop  }
0x3c: {  	p2 =	seq.s32 s10, $0x1;
	s10 =	sld [smem:$0x3FB0]  }
0x3d: {  	_ =	shalt  }
0x3e: {  	_ =	shalt  }
0x3f: {  	_ =	shalt  }
0x40: {  	_ =	shalt  }
0x41: {  	_ =	shalt  }
0x42: {  	_ =	shalt  }
0x43: {  	_ =	shalt  }
0x44: {  	_ =	shalt  }
0x45: {  	_ =	shalt  }
0x46: {  	_ =	shalt  }
0x47: {  	_ =	shalt  }
0x48: {  	_ =	shalt  }
0x49: {  	_ =	shalt  }
0x4a: {  	_ =	shalt  }
0x4b: {  	_ =	shalt  }
0x4c: {  	_ =	shalt  }
0x4d: {  	_ =	shalt  }
0x4e: {  	_ =	shalt  }
0x4f: {  	_ =	shalt  }
0x50: {  	_ =	shalt  }
0x51: {  	_ =	shalt  }
0x52: {  	_ =	shalt  }
0x53: {  	_ =	shalt  }
0x54: {  	_ =	shalt  }
0x55: {  	_ =	shalt  }
0x56: {  	_ =	shalt  }
0x57: {  	_ =	shalt  }
0x58: {  	_ =	shalt  }
0x59: {  	_ =	shalt  }
0x5a: {  	_ =	shalt  }
0x5b: {  	_ =	shalt  }
0x5c: {  	_ =	shalt  }
0x5d: {  	_ =	shalt  }
0x5e: {  	_ =	shalt  }
0x5f: {  	_ =	shalt  }
0x60: {  	_ =	shalt  }
0x61: {  	_ =	shalt  }
0x62: {  	_ =	shalt  }
0x63: {  	_ =	shalt  }
0x64: {  	_ =	shalt  }
0x65: {  	_ =	shalt  }
0x66: {  	_ =	shalt  }
0x67: {  	_ =	shalt  }
0x68: {  	_ =	shalt  }
0x69: {  	_ =	shalt  }
0x6a: {  	_ =	shalt  }
0x6b: {  	_ =	shalt  }
0x6c: {  	_ =	shalt  }
0x6d: {  	_ =	shalt  }
0x6e: {  	_ =	shalt  }
0x6f: {  	_ =	shalt  }
0x70: {  	_ =	shalt  }
0x71: {  	_ =	shalt  }
0x72: {  	_ =	shalt  }
0x73: {  	_ =	shalt  }
0x74: {  	_ =	shalt  }
0x75: {  	_ =	shalt  }
0x76: {  	_ =	shalt  }
0x77: {  	_ =	shalt  }
0x78: {  	_ =	shalt  }
0x79: {  	_ =	shalt  }
0x7a: {  	_ =	shalt  }
0x7b: {  	_ =	shalt  }
0x7c: {  	_ =	shalt  }
0x7d: {  	_ =	shalt  }
0x7e: {  	_ =	shalt  }
0x7f: {  	_ =	shalt  }
0x80: {  	_ =	shalt  }
0x81: {  	_ =	shalt  }
0x82: {  	_ =	shalt  }
0x83: {  	_ =	shalt  }
0x84: {  	_ =	shalt  }
0x85: {  	_ =	shalt  }
0x86: {  	_ =	shalt  }
0x87: {  	_ =	shalt  }
.Lfunc_end0:
.L_simem_size_0:
called_computation.3_lowered:
.L_overlay_start_0:
0x88: {  	s2 =	sld [smem:$0x3FD9]  }
0x89: {  	s3 =	sld [smem:$0x3FFE];
	_ =	sdelay $0x1  }
0x8a: {  	s1 =	srdreg.scid  }
0x8b: {  	s0 =	sand.u32 $0x1, s1  }
0x8c: {  	s16 =	sshll.u32 s0, $0xA;
	s2 =	sadd.s32 s3, s2  }
0x8d: {  	s2 =	sadd.s32 s2, s16  }
0x8e: {  	[smem:$0x3FBC] =	sst s2  }
0x8f: {  	_ = 	snop  }
0x90: {  	(tm) =	ssettm $0x1  }
0x91: {  	s17 =	sld [smem:$0x3FFB];
	_ =	sdelay $0x3  }
0x92: {  	_ =	strace s17  }
0x93: {  	s2 =	sld [smem:$0x3FFC];
	_ =	sdelay $0x3  }
0x94: {  	_ =	strace s2  }
0x95: {  	s2 =	sld [smem:$0x3FFD];
	_ =	sdelay $0x3  }
0x96: {  	_ =	strace s2  }
0x97: {  	_ =	strace $0x8FFFFFFF  }
0x98: {  	s18 =	sld [smem:$0x3FDB];
	_ =	sdelay $0x1  }
0x99: {  	s19 =	simm.s32 $_scs_section_size  }
0x9a: {  	s4 =	simm.s32 $_size__tile_overlayer_lowered;
	s5 =	simm.s32 $_tile_overlayer_lowered  }
0x9b: {  	s22 =	simm.s32 $0x1BFF;
	s21 =	sshll.u32 s5, $0x1;
	s2 =	sadd.s32 s19, s18  }
0x9c: {  	s6 =	simm.s32 $0x0;
	s20 =	sshll.u32 s4, $0x1;
	s4 =	sadd.s32 s21, s2  }
0x9d: {  	[timem:s6], [sflag:s22] =	dma.local [hbm:s4], s20  }
0x9e: {  	_ =	swait.ge [sflag:s22], s20  }
0x9f: {  	s3 =	ssub.s32 $0x0, s20;
	[sflag:s22] =	ssyncset.done $0x0  }
0xa0: {  	[sflag:s22] =	ssyncadd.s32 s3;
	_ =	sdelay $0x1  }
0xa1: {  	s23 =	simm.s32 $0x1B8B  }
0xa2: {  	_ =	swait.ge [sflag:s23], $0x1  }
0xa3: {  	[sflag:s23] =	ssyncset.done $0x0  }
0xa4: {  	s25 =	simm.s32 $0x1B8E;
	s24 =	sld [smem:$0x3FFE];
	[sflag:s23] =	ssyncadd.s32 $0xFFFFFFFF  }
0xa5: {  	s26 =	simm.s32 $execute0_lowered;
	[smem:$0x3FD2] =	sst s25  }
0xa6: {  	s4 =	sshll.u32 s26, $0x1;
	_ =	strace $0x8000004F;
	[dreg:$0x1] =	wrdreg $0xFFFFFFFF  }
0xa7: {  	s28 =	simm.s32 $_size_execute0_lowered;
	s2 =	sadd.s32 s2, s4;
	[dreg:$0x0] =	wrdreg $0x0  }
0xa8: {  	s4 =	sshll.u32 s28, $0x1;
	[dreg:$0x2] =	wrdreg s2  }
0xa9: {  	[dreg:$0x3] =	wrdreg s4  }
0xaa: {  	[dreg:$0x4] =	wrdreg $0xC0  }
0xab: {  	_ =	task [dreg:s6], $0x5FFFF  }
0xac: {  	[dreg:$0x1] =	wrdreg $0xFFFFFFFF  }
0xad: {  	[dreg:$0x0] =	wrdreg $0x60  }
0xae: {  	[dreg:$0x2] =	wrdreg s24  }
0xaf: {  	[dreg:$0x3] =	wrdreg $0x61600  }
0xb0: {  	[dreg:$0x4] =	wrdreg $0x9  }
0xb1: {  	_ =	task.clear_ibuf [dreg:s6], $0x5FFFF;
	_ =	strace $0x9000004F  }
0xb2: {  	s29 =	simm.s32 $0x9;
	_ =	strace $0x80000051  }
0xb3: {  	_ =	swait.ge [sflag:s29], $0x1  }
0xb4: {  	[sflag:s29] =	ssyncadd.s32 $0xFFFFFFFF  }
0xb5: {  	_ =	strace $0x90000051  }
0xb6: {  	_ =	sfence  }
0xb7: {  	s30 =	sld [smem:$0x0];
	_ =	sdelay $0x2  }
0xb8: {  	s31 =	sshll.u32 s1, $0xD;
	s1 =	sshrl.u32 s1, $0x2  }
0xb9: {  	s3 =	sand.u32 $0x4000, s31;
	s1 =	sadd.s32 s1, s30  }
0xba: {  	s0 =	sor.u32 s3, s0;
	s1 =	sshll.u32 s1, $0x11  }
0xbb: {  	s0 =	sor.u32 s1, s0  }
0xbc: {  	s0 =	sadd.s32 $0x8F2B, s0  }
0xbd: {  	[sflag:s0] =	ssyncadd.remote.s32 $0x1  }
0xbe: {  	_ =	sfence.sel $0xFFFF  }
0xbf: {  	[dreg:$0x0] =	wrdreg $0xFFFFFFFF;
	(pc) =	sbr.abs _section_cstart, $3  }
0xc0: {  	[dreg:$0x1] =	wrdreg $0xFFFFFFFF  }
0xc1: {  	_ =	task.clear_ibuf [dreg:s6], $0x2FFFF;
	_ =	strace $0x9FFFFFFF  }
0xc2: {  	(tm) =	ssettm $0x7FFFFFFF  }
0xc3: {  	_ =	shalt  }
tec
execute0_lowered:
.L_overlay_start_1:
0x0: {  	(tag) =	ssettag $0x1  }
0x1: {  	s3 =	rddreg [dreg:$0x0]  }
0x2: {  	s1 =	rddreg [dreg:$0x1]  }
0x3: {  	s2 =	srdreg.scid;
	s0 =	rddreg [dreg:$0x2]  }
0x4: {  	s21 =	stileid.u32;
	s16 =	simm.s32 $0x2800;
	s17 =	simm.s32 $0x3200  }
0x5: {  	s18 =	simm.s32 $0x3C00;
	s19 =	simm.s32 $0x1;
	s20 =	simm.s32 $0x3D40  }
0x6: {  	s22 =	simm.s32 $0x3F60;
	s23 =	simm.s32 $0x0;
	s4 =	sand.u32 $0x1, s2  }
0x7: {  	s2 =	simm.s32 $0x0;
	s7 =	sadd.s32 $0x2AC00, s3;
	s8 =	sadd.s32 $0x4BC00, s3  }
0x8: {  	s9 =	sadd.s32 $0x57C00, s3;
	s15 =	smul.u32 $0x880, s21;
	p0 =	sne.s32 s21, $0x0  }
0x9: {  	s5 =	sshll.u32 s4, $0x4;
	[smem:$0x7FF] =	sst s2;
	s10 =	smul.u32 $0x44, s4  }
0xa: {  	s4 =	ssub.s32 $0x2, s4;
	s5 =	sor.u32 s21, s5;
	_ =	strace $0x80000050  }
0xb: {  	s29 =	sshrl.u32 s4, $0x1;
	s31 =	sshrl.u32 s15, $0x2;
	s6 =	smul.u32 $0x28, s5  }
0xc: {  	s15 =	simm.s32 $0x1E00;
	s21 =	simm.s32 $0x2;
	s5 =	smul.u32 $0xA00, s5  }
0xd: {  	s13 =	sadd.s32 s10, s3;
	s14 =	ssub.s32 s4, s29;
	s10 =	sadd.s32 s31, s1  }
.Ltmp0:
0xe: {  	s11 =	sadd.s32 s6, s3;
	s12 =	sshrl.u32 s5, $0x3;
	(pc) =	sbr.rel .LBB2_1-.Ltmp0, $4  }
0xf: {  	s30 =	sadd.s32 $0x2800, s12;
	s3 =	sadd.s32 s7, s12;
	s5 =	sadd.s32 s8, s12  }
0x10: {  	v0 =	vlaneseq.u32;
	vm0 =	vcmask $0x2320;
	vm1 =	vcmask $0x300;
	s4 =	sadd.s32 s7, s30;
	s6 =	sadd.s32 s8, s30;
	s7 =	sadd.s32 s9, s12  }
0x11: {  	v1 =	vimm.f32 $0.0e+00;
	v2 =	vshrl.u32 v0, $0x3;
	vm0 =	vmor vm1, vm0;
	s8 =	sadd.s32 s9, s30;
	s9 =	sadd.s32 $0x5CC00, s11;
	s11 =	sadd.s32 $0x50C00, s13  }
0x12: {  	v4 =	vimm.f32 $1.000000000e+00;
	v3 =	vand.u32 $0x7, v0;
	v5 =	vor.u32 $0x110, v2;
	s12 =	smax.u32 s14, $0x1;
	s13 =	simm.s32 $0xA00;
	s14 =	simm.s32 $0x1400  }
.LBB2_36:
0x13: {  	[tilespmem:s24+$0x3D40] =	vst.add.f32.msk $0xffff, v6  }
0x14: {  	[hbm4b:s11+s2] =	stream.linear.scatter [tilespmem:s20], [sflag:$0x2], $0x220, $0x38;
	[tilespmem:$0x6380] =	vst v63  }
0x15: {  	_ =	swait.ge [sflag:s21], $0x220  }
0x16: {  	[sflag:s21] =	ssyncset.done $0x0  }
0x17: {  	[sflag:s21] =	ssyncadd.s32 $0xFFFFFDE0  }
.LBB2_37:
0x18: {  	s23 =	sadd.s32 $0x1, s23  }
0x19: {  	p1 =	sne.s32 s23, s12  }
.Ltmp1:
0x1a: {  	_ = 	snop;
	(pc) =	sbr.rel @!p1 .LBB2_38-.Ltmp1, $1  }
0x1b: {  	_ =	sdelay $0x3  }
.LBB2_1:
0x1c: {  	[tilespmem:s2], [sflag:$0x1] =	stream.linear.gather [hbm4b:s3+s2], $0xA00, $0x38;
	[tilespmem:$0x6380] =	vst v63  }
0x1d: {  	_ = 	snop  }
0x1e: {  	[tilespmem:s13], [sflag:$0x1] =	stream.linear.gather [hbm4b:s4+s2], $0xA00, $0x38;
	[tilespmem:$0x6380] =	vst v63  }
0x1f: {  	_ = 	snop  }
0x20: {  	[tilespmem:s14], [sflag:$0x1] =	stream.linear.gather [hbm4b:s5+s2], $0xA00, $0x38;
	[tilespmem:$0x6380] =	vst v63  }
0x21: {  	_ = 	snop  }
0x22: {  	[tilespmem:s15], [sflag:$0x1] =	stream.linear.gather [hbm4b:s6+s2], $0xA00, $0x38;
	[tilespmem:$0x6380] =	vst v63  }
0x23: {  	_ = 	snop  }
0x24: {  	[tilespmem:s16], [sflag:$0x1] =	stream.linear.gather [hbm4b:s7+s2], $0xA00, $0x38;
	[tilespmem:$0x6380] =	vst v63  }
0x25: {  	_ = 	snop  }
0x26: {  	[tilespmem:s17], [sflag:$0x1] =	stream.linear.gather [hbm4b:s8+s2], $0xA00, $0x38;
	[tilespmem:$0x6380] =	vst v63  }
0x27: {  	_ = 	snop  }
0x28: {  	[tilespmem:s18], [sflag:$0x1] =	stream.linear.gather [hbm4b:s9+s2], $0x140, $0x38;
	[tilespmem:$0x6380] =	vst v63  }
0x29: {  	_ =	swait.ge [sflag:s19], $0xA00  }
0x2a: {  	[sflag:s19] =	ssyncset.done $0x0  }
0x2b: {  	[sflag:s19] =	ssyncadd.s32 $0xFFFFF600  }
0x2c: {  	_ =	swait.ge [sflag:s19], $0xA00  }
0x2d: {  	[sflag:s19] =	ssyncset.done $0x0  }
0x2e: {  	[sflag:s19] =	ssyncadd.s32 $0xFFFFF600  }
0x2f: {  	_ =	swait.ge [sflag:s19], $0xA00  }
0x30: {  	[sflag:s19] =	ssyncset.done $0x0  }
0x31: {  	[sflag:s19] =	ssyncadd.s32 $0xFFFFF600  }
0x32: {  	_ =	swait.ge [sflag:s19], $0xA00  }
0x33: {  	[sflag:s19] =	ssyncset.done $0x0  }
0x34: {  	[sflag:s19] =	ssyncadd.s32 $0xFFFFF600  }
0x35: {  	_ =	swait.ge [sflag:s19], $0xA00  }
0x36: {  	[sflag:s19] =	ssyncset.done $0x0  }
0x37: {  	[sflag:s19] =	ssyncadd.s32 $0xFFFFF600  }
0x38: {  	_ =	swait.ge [sflag:s19], $0xA00  }
0x39: {  	[sflag:s19] =	ssyncset.done $0x0  }
0x3a: {  	[sflag:s19] =	ssyncadd.s32 $0xFFFFF600  }
0x3b: {  	_ =	swait.ge [sflag:s19], $0x140  }
0x3c: {  	[sflag:s19] =	ssyncset.done $0x0  }
0x3d: {  	s24 =	simm.s32 $0x0;
	[sflag:s19] =	ssyncadd.s32 $0xFFFFFEC0  }
0x3e: {  	v10 =	vld [tilespmem:s24+$0xA00]  }
0x3f: {  	v11 =	vld [tilespmem:s24+$0x1400]  }
0x40: {  	v12 =	vld [tilespmem:s24+$0x1E00]  }
0x41: {  	v13 =	vld [tilespmem:s24+$0x2800]  }
0x42: {  	s25 =	simm.s32 $0x10;
	v9 =	vld [tilespmem:s24+$0x3200]  }
0x43: {  	v6 =	vld [tilespmem:s25+$0xA00]  }
0x44: {  	v7 =	vld [tilespmem:s25+$0x1400]  }
0x45: {  	v8 =	vld [tilespmem:s25+$0x1E00]  }
0x46: {  	v11 =	vadd.f32 v11, v10;
	v12 =	vadd.f32 v13, v12  }
0x47: {  	s26 =	simm.s32 $0x80;
	v10 =	vld [tilespmem:s25+$0x2800]  }
.LBB2_2:
0x48: {  	s28 =	sshra.s32 s26, $0x2;
	v13 =	vld [tilespmem:s25+$0x3200];
	v11 =	vadd.f32 v12, v11;
	v12 =	vmov v6;
	p1 =	sne.s32 s26, $0x27C0  }
.Ltmp2:
0x49: {  	v6 =	vld [tilespmem:s28+$0xA00];
	v14 =	vmov v7;
	(pc) =	sbr.rel @p1 .LBB2_2-.Ltmp2, $4  }
0x4a: {  	v7 =	vld [tilespmem:s28+$0x1400];
	v16 =	vadd.f32 v11, v9;
	v15 =	vmov v8  }
0x4b: {  	v8 =	vld [tilespmem:s28+$0x1E00]  }
0x4c: {  	s26 =	sadd.s32 $0x40, s26;
	v11 =	vadd.f32 v14, v12;
	v12 =	vadd.f32 v10, v15;
	[tilespmem:s24+$0x0] =	vst.add.f32.msk $0xffff, v16;
	s24 =	smov.u32 s25  }
0x4d: {  	s25 =	smov.u32 s28;
	v10 =	vld [tilespmem:s28+$0x2800];
	v9 =	vmov v13  }
0x4e: {  	_ =	sdelay $0x2  }
0x4f: {  	v13 =	vld [tilespmem:s25+$0x3200]  }
0x50: {  	v6 =	vadd.f32 v7, v6;
	v7 =	vadd.f32 v10, v8  }
0x51: {  	v8 =	vadd.f32 v12, v11  }
0x52: {  	v6 =	vadd.f32 v7, v6  }
0x53: {  	v7 =	vadd.f32 v8, v9  }
0x54: {  	v6 =	vadd.f32 v6, v13  }
0x55: {  	[tilespmem:s24+$0x0] =	vst.add.f32.msk $0xffff, v7  }
0x56: {  	[tilespmem:s25+$0x0] =	vst.add.f32.msk $0xffff, v6  }
0x57: {  	[tilespmem:$0x3D40] =	vst v1  }
0x58: {  	[tilespmem:$0x3D50] =	vst v1  }
0x59: {  	[tilespmem:$0x3D60] =	vst v1  }
0x5a: {  	[tilespmem:$0x3D70] =	vst v1  }
0x5b: {  	[tilespmem:$0x3D80] =	vst v1  }
0x5c: {  	[tilespmem:$0x3D90] =	vst v1  }
0x5d: {  	[tilespmem:$0x3DA0] =	vst v1  }
0x5e: {  	[tilespmem:$0x3DB0] =	vst v1  }
0x5f: {  	[tilespmem:$0x3DC0] =	vst v1  }
0x60: {  	[tilespmem:$0x3DD0] =	vst v1  }
0x61: {  	[tilespmem:$0x3DE0] =	vst v1  }
0x62: {  	[tilespmem:$0x3DF0] =	vst v1  }
0x63: {  	[tilespmem:$0x3E00] =	vst v1  }
0x64: {  	[tilespmem:$0x3E10] =	vst v1  }
0x65: {  	[tilespmem:$0x3E20] =	vst v1  }
0x66: {  	[tilespmem:$0x3E30] =	vst v1  }
0x67: {  	[tilespmem:$0x3E40] =	vst v1  }
0x68: {  	[tilespmem:$0x3E50] =	vst v1  }
0x69: {  	[tilespmem:$0x3E60] =	vst v1  }
0x6a: {  	[tilespmem:$0x3E70] =	vst v1  }
0x6b: {  	[tilespmem:$0x3E80] =	vst v1  }
0x6c: {  	[tilespmem:$0x3E90] =	vst v1  }
0x6d: {  	[tilespmem:$0x3EA0] =	vst v1  }
0x6e: {  	[tilespmem:$0x3EB0] =	vst v1  }
0x6f: {  	[tilespmem:$0x3EC0] =	vst v1  }
0x70: {  	[tilespmem:$0x3ED0] =	vst v1  }
0x71: {  	s30 =	simm.s32 $0x0;
	[tilespmem:$0x3EE0] =	vst v1  }
0x72: {  	v6 =	vor.u32 s30, v2;
	[tilespmem:$0x3EF0] =	vst v1  }
0x73: {  	[tilespmem:$0x3F00] =	vst v1;
	v7 =	vshll.u32 v6, $0x3  }
0x74: {  	[tilespmem:$0x3F10] =	vst v1;
	v8 =	vor.u32 $0x6, v7  }
0x75: {  	[tilespmem:$0x3F20] =	vst v1  }
0x76: {  	[tilespmem:$0x3F30] =	vst v1  }
0x77: {  	[tilespmem:$0x3F40] =	vst v1  }
0x78: {  	[tilespmem:$0x3F50] =	vst v1  }
0x79: {  	v8 =	vld.idx.msk [tilespmem:v8+s2+$0x0], $0xffff;
	_ =	sdelay $0x4  }
0x7a: {  	v8 =	vmax.f32 v8, $1.000000000e+00  }
0x7b: {  	v7 =	vor.u32 v3, v7;
	(erf) = vrcp.f32 v8  }
0x7c: {  	v6 =	vld.idx.msk [tilespmem:v6+s18+$0x0], $0xffff;
	_ =	sdelay $0x3  }
0x7d: {  	v8 =	vld.idx.msk [tilespmem:v7+s2+$0x0], $0xffff  }
0x7e: {  	s31 =	simm.s32 $0x2;
	v9 =	vshll.u32 v6, $0x4  }
0x7f: {  	v6 =	vor.u32 s31, v2;
	v10 =	vor.u32 v0, v9  }
0x80: {  	s24 =	simm.s32 $0x4;
	v9 =	vadd.s32 v5, v9;
	v7 =	vshll.u32 v6, $0x3  }
.LBB2_4:
0x81: {  	p1 =	sne.s32 s24, $0x13E;
	v11 =	vor.u32 $0x6, v7;
	v12 =	vpop (erf)  }
0x82: {  	v8 =	vmul.f32 v12, v8;
	_ =	sdelay $0x1  }
0x83: {  	[tilespmem:v10+s20+$0x0] =	vst.idx.add.f32.msk $0xffff, v8  }
0x84: {  	[tilespmem:v9+s20+$0x0] =	vst.idx.add.f32.msk vm0, v4  }
0x85: {  	v8 =	vld.idx.msk [tilespmem:v11+s2+$0x0], $0xffff;
	_ =	sdelay $0x5  }
0x86: {  	v7 =	vor.u32 v3, v7;
	v8 =	vmax.f32 v8, $1.000000000e+00  }
0x87: {  	v6 =	vld.idx.msk [tilespmem:v6+s18+$0x0], $0xffff;
	(erf) = vrcp.f32 v8;
	_ =	sdelay $0x3  }
.Ltmp3:
0x88: {  	v8 =	vld.idx.msk [tilespmem:v7+s2+$0x0], $0xffff;
	(pc) =	sbr.rel @p1 .LBB2_4-.Ltmp3, $4  }
0x89: {  	_ = 	snop  }
0x8a: {  	v7 =	vshll.u32 v6, $0x4  }
0x8b: {  	v6 =	vor.u32 s24, v2;
	v10 =	vor.u32 v0, v7;
	v9 =	vadd.s32 v5, v7  }
0x8c: {  	s24 =	sadd.s32 $0x2, s24;
	v7 =	vshll.u32 v6, $0x3  }
0x8d: {  	_ = 	snop  }
0x8e: {  	v11 =	vor.u32 $0x6, v7;
	v12 =	vpop (erf)  }
0x8f: {  	v8 =	vmul.f32 v12, v8;
	_ =	sdelay $0x1  }
0x90: {  	[tilespmem:v10+s20+$0x0] =	vst.idx.add.f32.msk $0xffff, v8  }
0x91: {  	[tilespmem:v9+s20+$0x0] =	vst.idx.add.f32.msk vm0, v4  }
0x92: {  	v8 =	vld.idx.msk [tilespmem:v11+s2+$0x0], $0xffff;
	_ =	sdelay $0x4  }
0x93: {  	v8 =	vmax.f32 v8, $1.000000000e+00  }
0x94: {  	v7 =	vor.u32 v3, v7;
	(erf) = vrcp.f32 v8  }
0x95: {  	v6 =	vld.idx.msk [tilespmem:v6+s18+$0x0], $0xffff;
	_ =	sdelay $0x3  }
0x96: {  	v7 =	vld.idx.msk [tilespmem:v7+s2+$0x0], $0xffff  }
0x97: {  	v6 =	vshll.u32 v6, $0x4  }
0x98: {  	v62 =	vor.u32 v0, v6  }
0x99: {  	v6 =	vadd.s32 v5, v6  }
0x9a: {  	v63 =	vpop (erf)  }
0x9b: {  	v7 =	vmul.f32 v63, v7;
	_ =	sdelay $0x1  }
0x9c: {  	[tilespmem:v62+s20+$0x0] =	vst.idx.add.f32.msk $0xffff, v7  }
0x9d: {  	[tilespmem:v6+s20+$0x0] =	vst.idx.add.f32.msk vm0, v4  }
0x9e: {  	[spmem:s10] =	stream.linear.scatter [tilespmem:s20], [sflag:$0x2], $0x220, $0x38;
	[tilespmem:$0x6380] =	vst v63  }
.Ltmp4:
0x9f: {  	_ =	swait.ge [sflag:s21], $0x220;
	(pc) =	sbr.rel @p0 .LBB2_37-.Ltmp4, $3  }
0xa0: {  	[sflag:s21] =	ssyncset.done $0x0  }
0xa1: {  	[sflag:s21] =	ssyncadd.s32 $0xFFFFFDE0  }
0xa2: {  	[bflag:$0x0] =	sbarrier.arrive $0xFFFF;
	_ =	sdelay $0x1  }
0xa3: {  	[tilespmem:s22], [sflag:$0x2] =	stream.linear.gather [spmem:s1], $0x2200, $0x38;
	[tilespmem:$0x6380] =	vst v63  }
0xa4: {  	_ =	swait.ge [sflag:s21], $0x2200  }
0xa5: {  	[sflag:s21] =	ssyncset.done $0x0  }
0xa6: {  	s24 =	simm.s32 $0x0;
	[sflag:s21] =	ssyncadd.s32 $0xFFFFDE00  }
0xa7: {  	s25 =	simm.s32 $0x40;
	v6 =	vld [tilespmem:s24+$0x4180]  }
.LBB2_7:
0xa8: {  	p1 =	sne.s32 s25, $0x840  }
.Ltmp5:
0xa9: {  	_ = 	snop;
	(pc) =	sbr.rel @p1 .LBB2_7-.Ltmp5, $3  }
0xaa: {  	_ =	sdelay $0x1  }
0xab: {  	[tilespmem:s24+$0x3D40] =	vst.add.f32.msk $0xffff, v6;
	s24 =	sshra.s32 s25, $0x2;
	s25 =	sadd.s32 $0x40, s25  }
0xac: {  	v6 =	vld [tilespmem:s24+$0x4180]  }
0xad: {  	_ =	sdelay $0x3  }
0xae: {  	[tilespmem:s24+$0x3D40] =	vst.add.f32.msk $0xffff, v6;
	s24 =	simm.s32 $0x0  }
0xaf: {  	v6 =	vld [tilespmem:s24+$0x43A0];
	_ =	sdelay $0x3  }
0xb0: {  	s25 =	simm.s32 $0x40  }
.LBB2_9:
0xb1: {  	p1 =	sne.s32 s25, $0x840;
	[tilespmem:s24+$0x3D40] =	vst.add.f32.msk $0xffff, v6;
	s24 =	sshra.s32 s25, $0x2;
	s25 =	sadd.s32 $0x40, s25  }
.Ltmp6:
0xb2: {  	v6 =	vld [tilespmem:s24+$0x43A0];
	(pc) =	sbr.rel @p1 .LBB2_9-.Ltmp6, $1  }
0xb3: {  	_ =	sdelay $0x3  }
0xb4: {  	[tilespmem:s24+$0x3D40] =	vst.add.f32.msk $0xffff, v6;
	s24 =	simm.s32 $0x0  }
0xb5: {  	s25 =	simm.s32 $0x40;
	v6 =	vld [tilespmem:s24+$0x45C0]  }
.LBB2_11:
0xb6: {  	p1 =	sne.s32 s25, $0x840  }
.Ltmp7:
0xb7: {  	_ = 	snop;
	(pc) =	sbr.rel @p1 .LBB2_11-.Ltmp7, $3  }
0xb8: {  	_ =	sdelay $0x1  }
0xb9: {  	[tilespmem:s24+$0x3D40] =	vst.add.f32.msk $0xffff, v6;
	s24 =	sshra.s32 s25, $0x2;
	s25 =	sadd.s32 $0x40, s25  }
0xba: {  	v6 =	vld [tilespmem:s24+$0x45C0]  }
0xbb: {  	_ =	sdelay $0x3  }
0xbc: {  	[tilespmem:s24+$0x3D40] =	vst.add.f32.msk $0xffff, v6;
	s24 =	simm.s32 $0x0  }
0xbd: {  	v6 =	vld [tilespmem:s24+$0x47E0];
	_ =	sdelay $0x3  }
0xbe: {  	s25 =	simm.s32 $0x40  }
.LBB2_13:
0xbf: {  	p1 =	sne.s32 s25, $0x840;
	[tilespmem:s24+$0x3D40] =	vst.add.f32.msk $0xffff, v6;
	s24 =	sshra.s32 s25, $0x2;
	s25 =	sadd.s32 $0x40, s25  }
.Ltmp8:
0xc0: {  	v6 =	vld [tilespmem:s24+$0x47E0];
	(pc) =	sbr.rel @p1 .LBB2_13-.Ltmp8, $1  }
0xc1: {  	_ =	sdelay $0x3  }
0xc2: {  	[tilespmem:s24+$0x3D40] =	vst.add.f32.msk $0xffff, v6;
	s24 =	simm.s32 $0x0  }
0xc3: {  	s25 =	simm.s32 $0x40;
	v6 =	vld [tilespmem:s24+$0x4A00]  }
.LBB2_15:
0xc4: {  	p1 =	sne.s32 s25, $0x840  }
.Ltmp9:
0xc5: {  	_ = 	snop;
	(pc) =	sbr.rel @p1 .LBB2_15-.Ltmp9, $3  }
0xc6: {  	_ =	sdelay $0x1  }
0xc7: {  	[tilespmem:s24+$0x3D40] =	vst.add.f32.msk $0xffff, v6;
	s24 =	sshra.s32 s25, $0x2;
	s25 =	sadd.s32 $0x40, s25  }
0xc8: {  	v6 =	vld [tilespmem:s24+$0x4A00]  }
0xc9: {  	_ =	sdelay $0x3  }
0xca: {  	[tilespmem:s24+$0x3D40] =	vst.add.f32.msk $0xffff, v6;
	s24 =	simm.s32 $0x0  }
0xcb: {  	v6 =	vld [tilespmem:s24+$0x4C20];
	_ =	sdelay $0x3  }
0xcc: {  	s25 =	simm.s32 $0x40  }
.LBB2_17:
0xcd: {  	p1 =	sne.s32 s25, $0x840;
	[tilespmem:s24+$0x3D40] =	vst.add.f32.msk $0xffff, v6;
	s24 =	sshra.s32 s25, $0x2;
	s25 =	sadd.s32 $0x40, s25  }
.Ltmp10:
0xce: {  	v6 =	vld [tilespmem:s24+$0x4C20];
	(pc) =	sbr.rel @p1 .LBB2_17-.Ltmp10, $1  }
0xcf: {  	_ =	sdelay $0x3  }
0xd0: {  	[tilespmem:s24+$0x3D40] =	vst.add.f32.msk $0xffff, v6;
	s24 =	simm.s32 $0x0  }
0xd1: {  	s25 =	simm.s32 $0x40;
	v6 =	vld [tilespmem:s24+$0x4E40]  }
.LBB2_19:
0xd2: {  	p1 =	sne.s32 s25, $0x840  }
.Ltmp11:
0xd3: {  	_ = 	snop;
	(pc) =	sbr.rel @p1 .LBB2_19-.Ltmp11, $3  }
0xd4: {  	_ =	sdelay $0x1  }
0xd5: {  	[tilespmem:s24+$0x3D40] =	vst.add.f32.msk $0xffff, v6;
	s24 =	sshra.s32 s25, $0x2;
	s25 =	sadd.s32 $0x40, s25  }
0xd6: {  	v6 =	vld [tilespmem:s24+$0x4E40]  }
0xd7: {  	_ =	sdelay $0x3  }
0xd8: {  	[tilespmem:s24+$0x3D40] =	vst.add.f32.msk $0xffff, v6;
	s24 =	simm.s32 $0x0  }
0xd9: {  	v6 =	vld [tilespmem:s24+$0x5060];
	_ =	sdelay $0x3  }
0xda: {  	s25 =	simm.s32 $0x40  }
.LBB2_21:
0xdb: {  	p1 =	sne.s32 s25, $0x840;
	[tilespmem:s24+$0x3D40] =	vst.add.f32.msk $0xffff, v6;
	s24 =	sshra.s32 s25, $0x2;
	s25 =	sadd.s32 $0x40, s25  }
.Ltmp12:
0xdc: {  	v6 =	vld [tilespmem:s24+$0x5060];
	(pc) =	sbr.rel @p1 .LBB2_21-.Ltmp12, $1  }
0xdd: {  	_ =	sdelay $0x3  }
0xde: {  	[tilespmem:s24+$0x3D40] =	vst.add.f32.msk $0xffff, v6;
	s24 =	simm.s32 $0x0  }
0xdf: {  	s25 =	simm.s32 $0x40;
	v6 =	vld [tilespmem:s24+$0x5280]  }
.LBB2_23:
0xe0: {  	p1 =	sne.s32 s25, $0x840  }
.Ltmp13:
0xe1: {  	_ = 	snop;
	(pc) =	sbr.rel @p1 .LBB2_23-.Ltmp13, $3  }
0xe2: {  	_ =	sdelay $0x1  }
0xe3: {  	[tilespmem:s24+$0x3D40] =	vst.add.f32.msk $0xffff, v6;
	s24 =	sshra.s32 s25, $0x2;
	s25 =	sadd.s32 $0x40, s25  }
0xe4: {  	v6 =	vld [tilespmem:s24+$0x5280]  }
0xe5: {  	_ =	sdelay $0x3  }
0xe6: {  	[tilespmem:s24+$0x3D40] =	vst.add.f32.msk $0xffff, v6;
	s24 =	simm.s32 $0x0  }
0xe7: {  	v6 =	vld [tilespmem:s24+$0x54A0];
	_ =	sdelay $0x3  }
0xe8: {  	s25 =	simm.s32 $0x40  }
.LBB2_25:
0xe9: {  	p1 =	sne.s32 s25, $0x840;
	[tilespmem:s24+$0x3D40] =	vst.add.f32.msk $0xffff, v6;
	s24 =	sshra.s32 s25, $0x2;
	s25 =	sadd.s32 $0x40, s25  }
.Ltmp14:
0xea: {  	v6 =	vld [tilespmem:s24+$0x54A0];
	(pc) =	sbr.rel @p1 .LBB2_25-.Ltmp14, $1  }
0xeb: {  	_ =	sdelay $0x3  }
0xec: {  	[tilespmem:s24+$0x3D40] =	vst.add.f32.msk $0xffff, v6;
	s24 =	simm.s32 $0x0  }
0xed: {  	s25 =	simm.s32 $0x40;
	v6 =	vld [tilespmem:s24+$0x56C0]  }
.LBB2_27:
0xee: {  	p1 =	sne.s32 s25, $0x840  }
.Ltmp15:
0xef: {  	_ = 	snop;
	(pc) =	sbr.rel @p1 .LBB2_27-.Ltmp15, $3  }
0xf0: {  	_ =	sdelay $0x1  }
0xf1: {  	[tilespmem:s24+$0x3D40] =	vst.add.f32.msk $0xffff, v6;
	s24 =	sshra.s32 s25, $0x2;
	s25 =	sadd.s32 $0x40, s25  }
0xf2: {  	v6 =	vld [tilespmem:s24+$0x56C0]  }
0xf3: {  	_ =	sdelay $0x3  }
0xf4: {  	[tilespmem:s24+$0x3D40] =	vst.add.f32.msk $0xffff, v6;
	s24 =	simm.s32 $0x0  }
0xf5: {  	v6 =	vld [tilespmem:s24+$0x58E0];
	_ =	sdelay $0x3  }
0xf6: {  	s25 =	simm.s32 $0x40  }
.LBB2_29:
0xf7: {  	p1 =	sne.s32 s25, $0x840;
	[tilespmem:s24+$0x3D40] =	vst.add.f32.msk $0xffff, v6;
	s24 =	sshra.s32 s25, $0x2;
	s25 =	sadd.s32 $0x40, s25  }
.Ltmp16:
0xf8: {  	v6 =	vld [tilespmem:s24+$0x58E0];
	(pc) =	sbr.rel @p1 .LBB2_29-.Ltmp16, $1  }
0xf9: {  	_ =	sdelay $0x3  }
0xfa: {  	[tilespmem:s24+$0x3D40] =	vst.add.f32.msk $0xffff, v6;
	s24 =	simm.s32 $0x0  }
0xfb: {  	s25 =	simm.s32 $0x40;
	v6 =	vld [tilespmem:s24+$0x5B00]  }
.LBB2_31:
0xfc: {  	p1 =	sne.s32 s25, $0x840  }
.Ltmp17:
0xfd: {  	_ = 	snop;
	(pc) =	sbr.rel @p1 .LBB2_31-.Ltmp17, $3  }
0xfe: {  	_ =	sdelay $0x1  }
0xff: {  	[tilespmem:s24+$0x3D40] =	vst.add.f32.msk $0xffff, v6;
	s24 =	sshra.s32 s25, $0x2;
	s25 =	sadd.s32 $0x40, s25  }
0x100: {  	v6 =	vld [tilespmem:s24+$0x5B00]  }
0x101: {  	_ =	sdelay $0x3  }
0x102: {  	[tilespmem:s24+$0x3D40] =	vst.add.f32.msk $0xffff, v6;
	s24 =	simm.s32 $0x0  }
0x103: {  	s25 =	simm.s32 $0x40;
	v6 =	vld [tilespmem:s24+$0x5D20]  }
.LBB2_33:
0x104: {  	p1 =	sne.s32 s25, $0x840  }
.Ltmp18:
0x105: {  	_ = 	snop;
	(pc) =	sbr.rel @p1 .LBB2_33-.Ltmp18, $3  }
0x106: {  	_ =	sdelay $0x1  }
0x107: {  	[tilespmem:s24+$0x3D40] =	vst.add.f32.msk $0xffff, v6;
	s24 =	sshra.s32 s25, $0x2;
	s25 =	sadd.s32 $0x40, s25  }
0x108: {  	v6 =	vld [tilespmem:s24+$0x5D20]  }
0x109: {  	_ =	sdelay $0x3  }
0x10a: {  	[tilespmem:s24+$0x3D40] =	vst.add.f32.msk $0xffff, v6;
	s24 =	simm.s32 $0x0  }
0x10b: {  	s25 =	simm.s32 $0x40;
	v6 =	vld [tilespmem:s24+$0x5F40]  }
.LBB2_35:
0x10c: {  	p1 =	sne.s32 s25, $0x840  }
.Ltmp19:
0x10d: {  	_ = 	snop;
	(pc) =	sbr.rel @p1 .LBB2_35-.Ltmp19, $3  }
0x10e: {  	_ =	sdelay $0x1  }
0x10f: {  	[tilespmem:s24+$0x3D40] =	vst.add.f32.msk $0xffff, v6;
	s24 =	sshra.s32 s25, $0x2;
	s25 =	sadd.s32 $0x40, s25  }
0x110: {  	v6 =	vld [tilespmem:s24+$0x5F40]  }
.Ltmp20:
0x111: {  	_ = 	snop;
	(pc) =	sbr.rel .LBB2_36-.Ltmp20, $1  }
0x112: {  	_ =	sdelay $0x3  }
.LBB2_38:
0x113: {  	_ =	sfence.sel $0x180000  }
0x114: {  	[bflag:$0x0] =	sbarrier.arrive $0xFFFF  }
0x115: {  	_ =	strace $0x90000050  }
0x116: {  	s0 =	sadd.s32 @!p0 $0x100000, s0;
	[bflag:$0x2] =	sbarrier.arrive $0xFFFF  }
0x117: {  	[sflag:s0] =	ssyncadd.tile.s32 @!p0 $0x1;
	_ =	shalt  }
.Lfunc_end2:
_tile_overlayer_lowered:
.L_overlay_start_2:
0x118: {  	(tag) =	ssettag $0x2  }
0x119: {  	s0 =	rddreg [dreg:$0x0];
	s2 =	stileid.u32  }
0x11a: {  	s1 =	rddreg [dreg:$0x1];
	p0 =	sne.s32 s2, $0x0  }
0x11b: {  	s3 =	rddreg [dreg:$0x2];
	[bflag:$0x3] =	sbarrier.arrive $0xFFFF;
	s2 =	simm.s32 @!p0 $0x1C02  }
0x11c: {  	[timem:s3], [sflag:s2] =	dma.local @!p0 [hbm:s0], s1  }
0x11d: {  	s0 =	simm.s32 @!p0 $0x2  }
0x11e: {  	_ =	swait.ge @!p0 [sflag:s0], s1  }
0x11f: {  	s1 =	ssub.s32 @!p0 $0x0, s1;
	[sflag:s0] =	ssyncset.done @!p0 $0x0  }
0x120: {  	[sflag:s0] =	ssyncadd.s32 @!p0 s1  }
0x121: {  	[bflag:$0x3] =	sbarrier.arrive $0xFFFF  }
0x122: {  	_ =	shalt  }

</sc_bundles>
